<compile_context>
chip_gen: v7x
topology: tpu7x:2x2x1
jax: 0.10.2.dev20260603
libtpu: 0.0.44.dev20260713+nightly
codegen_flags: <defaults>
</compile_context>

<pallas_src>
import jax
import jax.numpy as jnp
from jax import lax
from jax.experimental import pallas as pl
from jax.experimental.pallas import tpu as pltpu
from jax.experimental.pallas import tpu_sc as plsc

_N = 10000
_E = 320000
_F = 128
_NH = 8
_NC = 16
_ALPHA = 0.5

_NSUB = 16
_LANES = 16
_B = 80
_EPTB = 250
_XBLK = 0
_EPT = _EPTB * _B
_ZR = 624
_ZTAIL = _N - _NSUB * _ZR
_RB = 2000


def _pre_body(x_ref, w_ref, as_ref, ad_ref, h_ref, s_ref, d_ref, m_ref):
    xv = x_ref[...]
    h = lax.dot_general(xv, w_ref[0], (((1,), (1,)), ((), ())),
                        preferred_element_type=jnp.float32)
    s = jnp.dot(h, as_ref[0], preferred_element_type=jnp.float32)
    d = jnp.dot(h, ad_ref[0], preferred_element_type=jnp.float32)
    h_ref[...] = h
    s_ref[...] = s
    d_ref[...] = d
    b = jnp.max(s, axis=0, keepdims=True) + jnp.max(d, axis=0, keepdims=True)
    m = jnp.maximum(b, 0.2 * b)
    m_ref[0] = jnp.concatenate([m, m], axis=1)


def _sc_body(srcg_hbm, dstg_hbm, dsts_hbm, s_hbm, d_hbm, h_hbm, m_hbm,
             z128_hbm, z16_hbm, out_hbm, den_hbm,
             srcg_v0, srcg_v1, dstg_v0, dstg_v1, dsts_v0, dsts_v1,
             sg0, sg1, dg0, dg1, w2w0, w2w1, hrows0, hrows1, mvec_v,
             outacc, denacc,
             sem_i0, sem_i1, sem_g0, sem_g1, sem_h0, sem_h1,
             sem_s0, sem_s1):
    srcg_v = (srcg_v0, srcg_v1)
    dstg_v = (dstg_v0, dstg_v1)
    dsts_v = (dsts_v0, dsts_v1)
    sg = (sg0, sg1)
    dg = (dg0, dg1)
    w2w = (w2w0, w2w1)
    hrows = (hrows0, hrows1)
    sem_i = (sem_i0, sem_i1)
    sem_g = (sem_g0, sem_g1)
    sem_h = (sem_h0, sem_h1)
    sem_s = (sem_s0, sem_s1)

    c = lax.axis_index("c")
    t = lax.axis_index("s")
    rbase = t * _ZR

    pltpu.sync_copy(z128_hbm, outacc.at[pl.ds(rbase, _ZR)])
    pltpu.sync_copy(z16_hbm, denacc.at[pl.ds(rbase, _ZR)])

    @pl.when(t == _NSUB - 1)
    def _zero_tail():
        pltpu.sync_copy(z128_hbm.at[pl.ds(0, _ZTAIL)],
                        outacc.at[pl.ds(_NSUB * _ZR, _ZTAIL)])
        pltpu.sync_copy(z16_hbm.at[pl.ds(0, _ZTAIL)],
                        denacc.at[pl.ds(_NSUB * _ZR, _ZTAIL)])

    pltpu.sync_copy(m_hbm.at[pl.ds(c * 16, 16)], mvec_v)
    plsc.subcore_barrier()

    ebase0 = c * _E + t * _EPT
    nit = _EPTB + _XBLK * jnp.where(t == _NSUB - 1, 1, 0)

    def fire_idx(blk, b):
        eb = ebase0 + blk * _B
        pltpu.async_copy(srcg_hbm.at[pl.ds(eb, _B)], srcg_v[b], sem_i[b])
        pltpu.async_copy(dstg_hbm.at[pl.ds(eb, _B)], dstg_v[b], sem_i[b])
        pltpu.async_copy(dsts_hbm.at[pl.ds(eb, _B)], dsts_v[b], sem_i[b])

    def wait_idx(b):
        pltpu.make_async_copy(srcg_hbm.at[pl.ds(0, _B)], srcg_v[b], sem_i[b]).wait()
        pltpu.make_async_copy(dstg_hbm.at[pl.ds(0, _B)], dstg_v[b], sem_i[b]).wait()
        pltpu.make_async_copy(dsts_hbm.at[pl.ds(0, _B)], dsts_v[b], sem_i[b]).wait()

    def fire_gathers(b):
        pltpu.async_copy(s_hbm.at[srcg_v[b]], sg[b], sem_g[b])
        pltpu.async_copy(d_hbm.at[dstg_v[b]], dg[b], sem_g[b])
        pltpu.async_copy(h_hbm.at[srcg_v[b]], hrows[b], sem_h[b])

    def wait_gathers_sd(b):
        pltpu.make_async_copy(s_hbm.at[srcg_v[b]], sg[b], sem_g[b]).wait()
        pltpu.make_async_copy(d_hbm.at[dstg_v[b]], dg[b], sem_g[b]).wait()

    def wait_gather_h(b):
        pltpu.make_async_copy(h_hbm.at[srcg_v[b]], hrows[b], sem_h[b]).wait()

    def fire_scatter(b):
        pltpu.async_copy(hrows[b], outacc.at[dsts_v[b]], sem_s[b], add=True)
        pltpu.async_copy(w2w[b], denacc.at[dsts_v[b]], sem_s[b], add=True)

    def wait_scatter(b):
        pltpu.make_async_copy(hrows[b], outacc.at[dsts_v[b]], sem_s[b]).wait()
        pltpu.make_async_copy(w2w[b], denacc.at[dsts_v[b]], sem_s[b]).wait()

    def compute_w(b):
        @plsc.parallel_loop(0, _B // 2, unroll=8)
        def wbody(k):
            lanes = lax.iota(jnp.int32, 16)
            l8 = lanes // 8
            cols = lanes - 8 * l8
            mv = mvec_v[...]
            rows = 2 * k + l8
            g = (plsc.load_gather(sg[b], [rows, cols])
                 + plsc.load_gather(dg[b], [rows, cols]))
            wv = jnp.exp(jnp.maximum(g, 0.2 * g) - mv)
            plsc.store_scatter(w2w[b], [rows, cols], wv)

    def compute_m(b):
        @plsc.parallel_loop(0, _B // 2, unroll=4)
        def mbody(k):
            lanes = lax.iota(jnp.int32, 16)
            l8 = lanes // 8
            cols = lanes - 8 * l8
            rows = 2 * k + l8
            wpair = plsc.load_gather(w2w[b], [rows, cols])
            for ee in range(2):
                e = 2 * k + ee
                for hh in range(_NH):
                    hv = jnp.full((_LANES,), 8 * ee + hh, dtype=jnp.int32)
                    wb = wpair.at[hv].get(mode="promise_in_bounds")
                    hrows[b][e, pl.ds(hh * 16, 16)] = (
                        hrows[b][e, pl.ds(hh * 16, 16)] * wb)

    pltpu.sync_copy(srcg_hbm.at[pl.ds(ebase0, _B)], srcg_v[0])
    pltpu.sync_copy(dstg_hbm.at[pl.ds(ebase0, _B)], dstg_v[0])
    pltpu.sync_copy(dsts_hbm.at[pl.ds(ebase0, _B)], dsts_v[0])
    fire_gathers(0)
    fire_idx(1, 1)

    def phase(blk, b):
        nb = 1 - b

        @pl.when(blk + 1 < nit)
        def _prefetch():
            wait_idx(nb)

            @pl.when(blk >= 1)
            def _protect():
                wait_scatter(nb)

            fire_gathers(nb)

        wait_gathers_sd(b)
        compute_w(b)
        wait_gather_h(b)
        compute_m(b)
        fire_scatter(b)

        @pl.when(blk + 2 < nit)
        def _next_idx():
            fire_idx(blk + 2, b)

    def outer(g, carry):
        phase(2 * g, 0)
        phase(2 * g + 1, 1)
        return carry

    lax.fori_loop(0, nit // 2, outer, 0)

    wait_scatter(0)
    wait_scatter(1)
    plsc.subcore_barrier()
    pltpu.sync_copy(outacc.at[pl.ds(rbase, _ZR)],
                    out_hbm.at[pl.ds(c * _N + rbase, _ZR)])
    pltpu.sync_copy(denacc.at[pl.ds(rbase, _ZR)],
                    den_hbm.at[pl.ds(c * _N + rbase, _ZR)])

    @pl.when(t == _NSUB - 1)
    def _write_tail():
        pltpu.sync_copy(outacc.at[pl.ds(_NSUB * _ZR, _ZTAIL)],
                        out_hbm.at[pl.ds(c * _N + _NSUB * _ZR, _ZTAIL)])
        pltpu.sync_copy(denacc.at[pl.ds(_NSUB * _ZR, _ZTAIL)],
                        den_hbm.at[pl.ds(c * _N + _NSUB * _ZR, _ZTAIL)])


def _post_body(u0_ref, u1_ref, n0_ref, n1_ref, h0_ref, h1_ref,
               s0_ref, s1_ref, d0_ref, d1_ref, m_ref, b_ref, e_ref,
               out_ref):
    acc = None
    refs = ((u0_ref, n0_ref, h0_ref, s0_ref, d0_ref),
            (u1_ref, n1_ref, h1_ref, s1_ref, d1_ref))
    for dd, (u_ref, n_ref, h_ref, s_ref, d_ref) in enumerate(refs):
        g = s_ref[...] + d_ref[...]
        m8 = m_ref[dd, 0:1, 0:8]
        ws = jnp.exp(jnp.maximum(g, 0.2 * g) - m8)
        wfull = jnp.dot(ws, e_ref[...], preferred_element_type=jnp.float32)
        dfull = jnp.dot(n_ref[...] + ws, e_ref[...],
                        preferred_element_type=jnp.float32)
        od = ((u_ref[...] + wfull * h_ref[...]) / (dfull + 1e-16)
              + b_ref[dd:dd + 1, :])
        w = (1.0 - _ALPHA) if dd == 0 else _ALPHA
        acc = w * od if acc is None else acc + w * od
    out_ref[...] = acc


def kernel(x, edge_index, W1, att_src1, att_dst1, b1, W2, att_src2,
           att_dst2, b2):
    src = edge_index[0]
    dst = edge_index[1]
    srcg = jnp.concatenate([src, dst + _N])
    dstg = jnp.concatenate([dst, src + _N])
    dsts = jnp.concatenate([dst, src])

    def blockdiag(att):
        a = att.reshape(_NH, _NC)
        return (jnp.eye(_NH, dtype=a.dtype)[:, None, :]
                * a[:, :, None]).reshape(_NH * _NC, _NH)

    Wstk = jnp.stack([W1, W2])
    AS = jnp.stack([blockdiag(att_src1), blockdiag(att_src2)])
    AD = jnp.stack([blockdiag(att_dst1), blockdiag(att_dst2)])
    Emat = jnp.repeat(jnp.eye(_NH, dtype=jnp.float32), _NC, axis=1)

    Hc, Sc, Dc, Mc = pl.pallas_call(
        _pre_body,
        grid=(2,),
        in_specs=[
            pl.BlockSpec((_N, _F), lambda d: (0, 0)),
            pl.BlockSpec((1, _F, _F), lambda d: (d, 0, 0)),
            pl.BlockSpec((1, _F, _NH), lambda d: (d, 0, 0)),
            pl.BlockSpec((1, _F, _NH), lambda d: (d, 0, 0)),
        ],
        out_specs=[
            pl.BlockSpec((_N, _F), lambda d: (d, 0)),
            pl.BlockSpec((_N, _NH), lambda d: (d, 0)),
            pl.BlockSpec((_N, _NH), lambda d: (d, 0)),
            pl.BlockSpec((1, 1, 16), lambda d: (d, 0, 0)),
        ],
        out_shape=[
            jax.ShapeDtypeStruct((2 * _N, _F), jnp.float32),
            jax.ShapeDtypeStruct((2 * _N, _NH), jnp.float32),
            jax.ShapeDtypeStruct((2 * _N, _NH), jnp.float32),
            jax.ShapeDtypeStruct((2, 1, 16), jnp.float32),
        ],
    )(x, Wstk, AS, AD)

    mesh = plsc.VectorSubcoreMesh(core_axis_name="c", subcore_axis_name="s")
    outu, den = pl.kernel(
        _sc_body,
        out_type=[
            jax.ShapeDtypeStruct((2 * _N, _F), jnp.float32),
            jax.ShapeDtypeStruct((2 * _N, _NH), jnp.float32),
        ],
        mesh=mesh,
        compiler_params=pltpu.CompilerParams(use_tc_tiling_on_sc=False,
                                             needs_layout_passes=False),
        scratch_types=(
            [pltpu.VMEM((_B,), jnp.int32)] * 6
            + [pltpu.VMEM((_B, _NH), jnp.float32)] * 4
            + [pltpu.VMEM((_B, _NH), jnp.float32)] * 2
            + [pltpu.VMEM((_B, _F), jnp.float32)] * 2
            + [pltpu.VMEM((16,), jnp.float32)]
            + [pltpu.VMEM_SHARED((_N, _F), jnp.float32),
               pltpu.VMEM_SHARED((_N, _NH), jnp.float32)]
            + [pltpu.SemaphoreType.DMA] * 8
        ),
    )(srcg, dstg, dsts, Sc, Dc, Hc, Mc.reshape(32),
      jnp.zeros((_ZR, _F), jnp.float32), jnp.zeros((_ZR, _NH), jnp.float32))

    out = pl.pallas_call(
        _post_body,
        grid=(_N // _RB,),
        in_specs=[
            pl.BlockSpec((_RB, _F), lambda i: (i, 0)),
            pl.BlockSpec((_RB, _F), lambda i: (i + _N // _RB, 0)),
            pl.BlockSpec((_RB, _NH), lambda i: (i, 0)),
            pl.BlockSpec((_RB, _NH), lambda i: (i + _N // _RB, 0)),
            pl.BlockSpec((_RB, _F), lambda i: (i, 0)),
            pl.BlockSpec((_RB, _F), lambda i: (i + _N // _RB, 0)),
            pl.BlockSpec((_RB, _NH), lambda i: (i, 0)),
            pl.BlockSpec((_RB, _NH), lambda i: (i + _N // _RB, 0)),
            pl.BlockSpec((_RB, _NH), lambda i: (i, 0)),
            pl.BlockSpec((_RB, _NH), lambda i: (i + _N // _RB, 0)),
            pl.BlockSpec((2, 1, 16), lambda i: (0, 0, 0)),
            pl.BlockSpec((2, _F), lambda i: (0, 0)),
            pl.BlockSpec((_NH, _F), lambda i: (0, 0)),
        ],
        out_specs=pl.BlockSpec((_RB, _F), lambda i: (i, 0)),
        out_shape=jax.ShapeDtypeStruct((_N, _F), jnp.float32),
    )(outu, outu, den, den, Hc, Hc, Sc, Sc, Dc, Dc, Mc,
      jnp.stack([b1, b2]), Emat)
    return out

# --- scband reference (transcript-rebuilt; emitter-appended) ---
"""Pipeline reference for scband-dir-gatconv-85822036509289 (READ-ONLY COPY).

The authoritative reference and input builder live on the scoring server;
editing this copy changes nothing except your own understanding.
"""

import jax, jax.numpy as jnp
import numpy as np

N = 10000
E = 320000
F_IN = 128
H = 8
C = 16
ALPHA = 0.5


def gat_conv(x, edge_index, W, att_src, att_dst, bias):
    n = x.shape[0]
    loops = jnp.arange(n, dtype=edge_index.dtype)
    src = jnp.concatenate([edge_index[0], loops])
    dst = jnp.concatenate([edge_index[1], loops])
    h = (x @ W.T).reshape(n, H, C)
    a_src = (h * att_src).sum(-1)
    a_dst = (h * att_dst).sum(-1)
    e = a_src[src] + a_dst[dst]
    e = jax.nn.leaky_relu(e, negative_slope=0.2)
    m = jax.ops.segment_max(e, dst, num_segments=n)
    e = jnp.exp(e - m[dst])
    denom = jax.ops.segment_sum(e, dst, num_segments=n)
    alpha = e / (denom[dst] + 1e-16)
    out = jax.ops.segment_sum(alpha[:, :, None] * h[src], dst, num_segments=n)
    return out.reshape(n, H * C) + bias


def setup_inputs(seed: int = 0) -> dict:
    key = jax.random.key(seed)
    ks = jax.random.split(key, 12)
    x = jax.random.normal(ks[0], (N, F_IN), dtype=jnp.float32)
    edge_index = jax.random.randint(ks[1], (2, E), 0, N, dtype=jnp.int32)
    s = 0.1
    W1 = jax.random.normal(ks[2], (H * C, F_IN), dtype=jnp.float32) * s
    att_src1 = jax.random.normal(ks[3], (1, H, C), dtype=jnp.float32) * s
    att_dst1 = jax.random.normal(ks[4], (1, H, C), dtype=jnp.float32) * s
    b1 = jnp.zeros((H * C,), dtype=jnp.float32)
    W2 = jax.random.normal(ks[5], (H * C, F_IN), dtype=jnp.float32) * s
    att_src2 = jax.random.normal(ks[6], (1, H, C), dtype=jnp.float32) * s
    att_dst2 = jax.random.normal(ks[7], (1, H, C), dtype=jnp.float32) * s
    b2 = jnp.zeros((H * C,), dtype=jnp.float32)
    return {"x": x, "edge_index": edge_index, "W1": W1, "att_src1": att_src1,
            "att_dst1": att_dst1, "b1": b1, "W2": W2, "att_src2": att_src2,
            "att_dst2": att_dst2, "b2": b2}


def reference(x, edge_index, W1, att_src1, att_dst1, b1, W2, att_src2, att_dst2, b2):
    out_s2d = gat_conv(x, edge_index, W1, att_src1, att_dst1, b1)
    edge_index_t = jnp.stack([edge_index[1], edge_index[0]], axis=0)
    out_d2s = gat_conv(x, edge_index_t, W2, att_src2, att_dst2, b2)
    return (1.0 - ALPHA) * out_s2d + ALPHA * out_d2s

if __name__ == "__main__":
    import jax
    _d = setup_inputs()
    print(jax.jit(kernel)(*tuple(_d.values())))

</pallas_src>

<mosaic_0001>
#map = affine_map<(d0, d1) -> (0)>
#map1 = affine_map<(d0, d1) -> (0, 0)>
module attributes {stable_mosaic.version = 14 : i64} {
  func.func @_sc_body(%arg0: i32, %arg1: i32, %arg2: memref<640000xi32, #tpu.memory_space<hbm>>, %arg3: memref<640000xi32, #tpu.memory_space<hbm>>, %arg4: memref<640000xi32, #tpu.memory_space<hbm>>, %arg5: memref<20000x8xf32, #tpu.memory_space<hbm>>, %arg6: memref<20000x8xf32, #tpu.memory_space<hbm>>, %arg7: memref<20000x128xf32, #tpu.memory_space<hbm>>, %arg8: memref<32xf32, #tpu.memory_space<hbm>>, %arg9: memref<624x128xf32, #tpu.memory_space<hbm>>, %arg10: memref<624x8xf32, #tpu.memory_space<hbm>>, %arg11: memref<20000x128xf32, #tpu.memory_space<hbm>>, %arg12: memref<20000x8xf32, #tpu.memory_space<hbm>>, %arg13: memref<80xi32, #tpu.memory_space<vmem>>, %arg14: memref<80xi32, #tpu.memory_space<vmem>>, %arg15: memref<80xi32, #tpu.memory_space<vmem>>, %arg16: memref<80xi32, #tpu.memory_space<vmem>>, %arg17: memref<80xi32, #tpu.memory_space<vmem>>, %arg18: memref<80xi32, #tpu.memory_space<vmem>>, %arg19: memref<80x8xf32, #tpu.memory_space<vmem>>, %arg20: memref<80x8xf32, #tpu.memory_space<vmem>>, %arg21: memref<80x8xf32, #tpu.memory_space<vmem>>, %arg22: memref<80x8xf32, #tpu.memory_space<vmem>>, %arg23: memref<80x8xf32, #tpu.memory_space<vmem>>, %arg24: memref<80x8xf32, #tpu.memory_space<vmem>>, %arg25: memref<80x128xf32, #tpu.memory_space<vmem>>, %arg26: memref<80x128xf32, #tpu.memory_space<vmem>>, %arg27: memref<16xf32, #tpu.memory_space<vmem>>, %arg28: memref<10000x128xf32, #tpu.memory_space<vmem_shared>>, %arg29: memref<10000x8xf32, #tpu.memory_space<vmem_shared>>, %arg30: memref<!tpu.dma_semaphore, #tpu.memory_space<semaphore_mem>>, %arg31: memref<!tpu.dma_semaphore, #tpu.memory_space<semaphore_mem>>, %arg32: memref<!tpu.dma_semaphore, #tpu.memory_space<semaphore_mem>>, %arg33: memref<!tpu.dma_semaphore, #tpu.memory_space<semaphore_mem>>, %arg34: memref<!tpu.dma_semaphore, #tpu.memory_space<semaphore_mem>>, %arg35: memref<!tpu.dma_semaphore, #tpu.memory_space<semaphore_mem>>, %arg36: memref<!tpu.dma_semaphore, #tpu.memory_space<semaphore_mem>>, %arg37: memref<!tpu.dma_semaphore, #tpu.memory_space<semaphore_mem>>) attributes {dimension_semantics = [#tpu.dimension_semantics<core_parallel>, #tpu.dimension_semantics<subcore_parallel>], iteration_bounds = array<i64: 2, 16>, scalar_prefetch = 0 : i64, scratch_operands = 25 : i64, tpu.core_type = #tpu.core_type<sc_vector_subcore>, window_params = [{transform_indices = #map}, {transform_indices = #map}, {transform_indices = #map}, {transform_indices = #map1}, {transform_indices = #map1}, {transform_indices = #map1}, {transform_indices = #map}, {transform_indices = #map1}, {transform_indices = #map1}, {transform_indices = #map1}, {transform_indices = #map1}]} {
    %mul3A = arith.constant 624 : i32
    %mul3A_0 = arith.muli %arg1, %mul3A : i32
    "tpu.region"() ({
      %run_scoped3A = tpu.sem_alloc : memref<!tpu.dma_semaphore, #tpu.memory_space<semaphore_mem>>
      %dma_start3A_82 = arith.constant 0 : i32
      %dma_start3A_83 = tpu.memref_slice %arg28[%mul3A_0, %dma_start3A_82] : memref<10000x128xf32, #tpu.memory_space<vmem_shared>> -> memref<624x128xf32, #tpu.memory_space<vmem_shared>>
      tpu.enqueue_dma source(%arg9 : memref<624x128xf32, #tpu.memory_space<hbm>>) target(%dma_start3A_83 : memref<624x128xf32, #tpu.memory_space<vmem_shared>>) target_semaphore(%run_scoped3A : memref<!tpu.dma_semaphore, #tpu.memory_space<semaphore_mem>>)
      %dma_wait3A_84 = arith.constant 0 : i32
      %dma_wait3A_85 = tpu.memref_slice %arg28[%mul3A_0, %dma_wait3A_84] : memref<10000x128xf32, #tpu.memory_space<vmem_shared>> -> memref<624x128xf32, #tpu.memory_space<vmem_shared>>
      tpu.wait_dma2 semaphore(%run_scoped3A : memref<!tpu.dma_semaphore, #tpu.memory_space<semaphore_mem>>) src(%arg9 : memref<624x128xf32, #tpu.memory_space<hbm>>) dst(%dma_wait3A_85 : memref<624x128xf32, #tpu.memory_space<vmem_shared>>)
      tpu.yield
    }) : () -> ()
    "tpu.region"() ({
      %run_scoped3A = tpu.sem_alloc : memref<!tpu.dma_semaphore, #tpu.memory_space<semaphore_mem>>
      %dma_start3A_82 = arith.constant 0 : i32
      %dma_start3A_83 = tpu.memref_slice %arg29[%mul3A_0, %dma_start3A_82] : memref<10000x8xf32, #tpu.memory_space<vmem_shared>> -> memref<624x8xf32, #tpu.memory_space<vmem_shared>>
      tpu.enqueue_dma source(%arg10 : memref<624x8xf32, #tpu.memory_space<hbm>>) target(%dma_start3A_83 : memref<624x8xf32, #tpu.memory_space<vmem_shared>>) target_semaphore(%run_scoped3A : memref<!tpu.dma_semaphore, #tpu.memory_space<semaphore_mem>>)
      %dma_wait3A_84 = arith.constant 0 : i32
      %dma_wait3A_85 = tpu.memref_slice %arg29[%mul3A_0, %dma_wait3A_84] : memref<10000x8xf32, #tpu.memory_space<vmem_shared>> -> memref<624x8xf32, #tpu.memory_space<vmem_shared>>
      tpu.wait_dma2 semaphore(%run_scoped3A : memref<!tpu.dma_semaphore, #tpu.memory_space<semaphore_mem>>) src(%arg10 : memref<624x8xf32, #tpu.memory_space<hbm>>) dst(%dma_wait3A_85 : memref<624x8xf32, #tpu.memory_space<vmem_shared>>)
      tpu.yield
    }) : () -> ()
    %eq3A = arith.constant 15 : i32
    %eq3A_1 = arith.cmpi eq, %arg1, %eq3A : i32
    %convert_element_type3A = arith.extui %eq3A_1 : i1 to i32
    %cond3A = arith.constant 0 : i32
    %cond3A_2 = arith.cmpi ne, %convert_element_type3A, %cond3A : i32
    scf.if %cond3A_2 {
      "tpu.region"() ({
        %run_scoped3A = tpu.sem_alloc : memref<!tpu.dma_semaphore, #tpu.memory_space<semaphore_mem>>
        %dma_start3A_82 = arith.constant 9984 : i32
        %dma_start3A_83 = arith.constant 0 : i32
        %dma_start3A_84 = tpu.memref_slice %arg28[%dma_start3A_82, %dma_start3A_83] : memref<10000x128xf32, #tpu.memory_space<vmem_shared>> -> memref<16x128xf32, #tpu.memory_space<vmem_shared>>
        %dma_start3A_85 = arith.constant 0 : i32
        %dma_start3A_86 = arith.constant 0 : i32
        %dma_start3A_87 = tpu.memref_slice %arg9[%dma_start3A_85, %dma_start3A_86] : memref<624x128xf32, #tpu.memory_space<hbm>> -> memref<16x128xf32, #tpu.memory_space<hbm>>
        tpu.enqueue_dma source(%dma_start3A_87 : memref<16x128xf32, #tpu.memory_space<hbm>>) target(%dma_start3A_84 : memref<16x128xf32, #tpu.memory_space<vmem_shared>>) target_semaphore(%run_scoped3A : memref<!tpu.dma_semaphore, #tpu.memory_space<semaphore_mem>>)
        %dma_wait3A_88 = arith.constant 9984 : i32
        %dma_wait3A_89 = arith.constant 0 : i32
        %dma_wait3A_90 = tpu.memref_slice %arg28[%dma_wait3A_88, %dma_wait3A_89] : memref<10000x128xf32, #tpu.memory_space<vmem_shared>> -> memref<16x128xf32, #tpu.memory_space<vmem_shared>>
        %dma_wait3A_91 = arith.constant 0 : i32
        %dma_wait3A_92 = arith.constant 0 : i32
        %dma_wait3A_93 = tpu.memref_slice %arg9[%dma_wait3A_91, %dma_wait3A_92] : memref<624x128xf32, #tpu.memory_space<hbm>> -> memref<16x128xf32, #tpu.memory_space<hbm>>
        tpu.wait_dma2 semaphore(%run_scoped3A : memref<!tpu.dma_semaphore, #tpu.memory_space<semaphore_mem>>) src(%dma_wait3A_93 : memref<16x128xf32, #tpu.memory_space<hbm>>) dst(%dma_wait3A_90 : memref<16x128xf32, #tpu.memory_space<vmem_shared>>)
        tpu.yield
      }) : () -> ()
      "tpu.region"() ({
        %run_scoped3A = tpu.sem_alloc : memref<!tpu.dma_semaphore, #tpu.memory_space<semaphore_mem>>
        %dma_start3A_82 = arith.constant 9984 : i32
        %dma_start3A_83 = arith.constant 0 : i32
        %dma_start3A_84 = tpu.memref_slice %arg29[%dma_start3A_82, %dma_start3A_83] : memref<10000x8xf32, #tpu.memory_space<vmem_shared>> -> memref<16x8xf32, #tpu.memory_space<vmem_shared>>
        %dma_start3A_85 = arith.constant 0 : i32
        %dma_start3A_86 = arith.constant 0 : i32
        %dma_start3A_87 = tpu.memref_slice %arg10[%dma_start3A_85, %dma_start3A_86] : memref<624x8xf32, #tpu.memory_space<hbm>> -> memref<16x8xf32, #tpu.memory_space<hbm>>
        tpu.enqueue_dma source(%dma_start3A_87 : memref<16x8xf32, #tpu.memory_space<hbm>>) target(%dma_start3A_84 : memref<16x8xf32, #tpu.memory_space<vmem_shared>>) target_semaphore(%run_scoped3A : memref<!tpu.dma_semaphore, #tpu.memory_space<semaphore_mem>>)
        %dma_wait3A_88 = arith.constant 9984 : i32
        %dma_wait3A_89 = arith.constant 0 : i32
        %dma_wait3A_90 = tpu.memref_slice %arg29[%dma_wait3A_88, %dma_wait3A_89] : memref<10000x8xf32, #tpu.memory_space<vmem_shared>> -> memref<16x8xf32, #tpu.memory_space<vmem_shared>>
        %dma_wait3A_91 = arith.constant 0 : i32
        %dma_wait3A_92 = arith.constant 0 : i32
        %dma_wait3A_93 = tpu.memref_slice %arg10[%dma_wait3A_91, %dma_wait3A_92] : memref<624x8xf32, #tpu.memory_space<hbm>> -> memref<16x8xf32, #tpu.memory_space<hbm>>
        tpu.wait_dma2 semaphore(%run_scoped3A : memref<!tpu.dma_semaphore, #tpu.memory_space<semaphore_mem>>) src(%dma_wait3A_93 : memref<16x8xf32, #tpu.memory_space<hbm>>) dst(%dma_wait3A_90 : memref<16x8xf32, #tpu.memory_space<vmem_shared>>)
        tpu.yield
      }) : () -> ()
    } else {
    }
    %mul3A_3 = arith.constant 16 : i32
    %mul3A_4 = arith.muli %arg0, %mul3A_3 : i32
    "tpu.region"() ({
      %run_scoped3A = tpu.sem_alloc : memref<!tpu.dma_semaphore, #tpu.memory_space<semaphore_mem>>
      %dma_start3A_82 = tpu.memref_slice %arg8[%mul3A_4] : memref<32xf32, #tpu.memory_space<hbm>> -> memref<16xf32, #tpu.memory_space<hbm>>
      %dma_start3A_83 = tpu.memref_slice %arg8[%mul3A_4] : memref<32xf32, #tpu.memory_space<hbm>> -> memref<16xf32, #tpu.memory_space<hbm>>
      tpu.enqueue_dma source(%dma_start3A_83 : memref<16xf32, #tpu.memory_space<hbm>>) target(%arg27 : memref<16xf32, #tpu.memory_space<vmem>>) target_semaphore(%run_scoped3A : memref<!tpu.dma_semaphore, #tpu.memory_space<semaphore_mem>>)
      %dma_wait3A_84 = tpu.memref_slice %arg8[%mul3A_4] : memref<32xf32, #tpu.memory_space<hbm>> -> memref<16xf32, #tpu.memory_space<hbm>>
      %dma_wait3A_85 = tpu.memref_slice %arg8[%mul3A_4] : memref<32xf32, #tpu.memory_space<hbm>> -> memref<16xf32, #tpu.memory_space<hbm>>
      tpu.wait_dma2 semaphore(%run_scoped3A : memref<!tpu.dma_semaphore, #tpu.memory_space<semaphore_mem>>) src(%dma_wait3A_85 : memref<16xf32, #tpu.memory_space<hbm>>) dst(%arg27 : memref<16xf32, #tpu.memory_space<vmem>>)
      tpu.yield
    }) : () -> ()
    %barrier3A = arith.constant 0 : index
    tpu.barrier barrier_id(%barrier3A)
    %mul3A_5 = arith.constant 320000 : i32
    %mul3A_6 = arith.muli %arg0, %mul3A_5 : i32
    %mul3A_7 = arith.constant 20000 : i32
    %mul3A_8 = arith.muli %arg1, %mul3A_7 : i32
    %add3A = arith.addi %mul3A_6, %mul3A_8 : i32
    %eq3A_9 = arith.constant 15 : i32
    %eq3A_10 = arith.cmpi eq, %arg1, %eq3A_9 : i32
    %jit3A = arith.constant 1 : i32
    %jit3A_11 = arith.constant 0 : i32
    %select_n3A = arith.select %eq3A_10, %jit3A, %jit3A_11 : i32
    %mul3A_12 = arith.constant 0 : i32
    %mul3A_13 = arith.muli %mul3A_12, %select_n3A : i32
    %add3A_14 = arith.constant 250 : i32
    %add3A_15 = arith.addi %add3A_14, %mul3A_13 : i32
    "tpu.region"() ({
      %run_scoped3A = tpu.sem_alloc : memref<!tpu.dma_semaphore, #tpu.memory_space<semaphore_mem>>
      %dma_start3A_82 = tpu.memref_slice %arg2[%add3A] : memref<640000xi32, #tpu.memory_space<hbm>> -> memref<80xi32, #tpu.memory_space<hbm>>
      %dma_start3A_83 = tpu.memref_slice %arg2[%add3A] : memref<640000xi32, #tpu.memory_space<hbm>> -> memref<80xi32, #tpu.memory_space<hbm>>
      tpu.enqueue_dma source(%dma_start3A_83 : memref<80xi32, #tpu.memory_space<hbm>>) target(%arg13 : memref<80xi32, #tpu.memory_space<vmem>>) target_semaphore(%run_scoped3A : memref<!tpu.dma_semaphore, #tpu.memory_space<semaphore_mem>>)
      %dma_wait3A_84 = tpu.memref_slice %arg2[%add3A] : memref<640000xi32, #tpu.memory_space<hbm>> -> memref<80xi32, #tpu.memory_space<hbm>>
      %dma_wait3A_85 = tpu.memref_slice %arg2[%add3A] : memref<640000xi32, #tpu.memory_space<hbm>> -> memref<80xi32, #tpu.memory_space<hbm>>
      tpu.wait_dma2 semaphore(%run_scoped3A : memref<!tpu.dma_semaphore, #tpu.memory_space<semaphore_mem>>) src(%dma_wait3A_85 : memref<80xi32, #tpu.memory_space<hbm>>) dst(%arg13 : memref<80xi32, #tpu.memory_space<vmem>>)
      tpu.yield
    }) : () -> ()
    "tpu.region"() ({
      %run_scoped3A = tpu.sem_alloc : memref<!tpu.dma_semaphore, #tpu.memory_space<semaphore_mem>>
      %dma_start3A_82 = tpu.memref_slice %arg3[%add3A] : memref<640000xi32, #tpu.memory_space<hbm>> -> memref<80xi32, #tpu.memory_space<hbm>>
      %dma_start3A_83 = tpu.memref_slice %arg3[%add3A] : memref<640000xi32, #tpu.memory_space<hbm>> -> memref<80xi32, #tpu.memory_space<hbm>>
      tpu.enqueue_dma source(%dma_start3A_83 : memref<80xi32, #tpu.memory_space<hbm>>) target(%arg15 : memref<80xi32, #tpu.memory_space<vmem>>) target_semaphore(%run_scoped3A : memref<!tpu.dma_semaphore, #tpu.memory_space<semaphore_mem>>)
      %dma_wait3A_84 = tpu.memref_slice %arg3[%add3A] : memref<640000xi32, #tpu.memory_space<hbm>> -> memref<80xi32, #tpu.memory_space<hbm>>
      %dma_wait3A_85 = tpu.memref_slice %arg3[%add3A] : memref<640000xi32, #tpu.memory_space<hbm>> -> memref<80xi32, #tpu.memory_space<hbm>>
      tpu.wait_dma2 semaphore(%run_scoped3A : memref<!tpu.dma_semaphore, #tpu.memory_space<semaphore_mem>>) src(%dma_wait3A_85 : memref<80xi32, #tpu.memory_space<hbm>>) dst(%arg15 : memref<80xi32, #tpu.memory_space<vmem>>)
      tpu.yield
    }) : () -> ()
    "tpu.region"() ({
      %run_scoped3A = tpu.sem_alloc : memref<!tpu.dma_semaphore, #tpu.memory_space<semaphore_mem>>
      %dma_start3A_82 = tpu.memref_slice %arg4[%add3A] : memref<640000xi32, #tpu.memory_space<hbm>> -> memref<80xi32, #tpu.memory_space<hbm>>
      %dma_start3A_83 = tpu.memref_slice %arg4[%add3A] : memref<640000xi32, #tpu.memory_space<hbm>> -> memref<80xi32, #tpu.memory_space<hbm>>
      tpu.enqueue_dma source(%dma_start3A_83 : memref<80xi32, #tpu.memory_space<hbm>>) target(%arg17 : memref<80xi32, #tpu.memory_space<vmem>>) target_semaphore(%run_scoped3A : memref<!tpu.dma_semaphore, #tpu.memory_space<semaphore_mem>>)
      %dma_wait3A_84 = tpu.memref_slice %arg4[%add3A] : memref<640000xi32, #tpu.memory_space<hbm>> -> memref<80xi32, #tpu.memory_space<hbm>>
      %dma_wait3A_85 = tpu.memref_slice %arg4[%add3A] : memref<640000xi32, #tpu.memory_space<hbm>> -> memref<80xi32, #tpu.memory_space<hbm>>
      tpu.wait_dma2 semaphore(%run_scoped3A : memref<!tpu.dma_semaphore, #tpu.memory_space<semaphore_mem>>) src(%dma_wait3A_85 : memref<80xi32, #tpu.memory_space<hbm>>) dst(%arg17 : memref<80xi32, #tpu.memory_space<vmem>>)
      tpu.yield
    }) : () -> ()
    %dma_start3A = arith.constant 0 : i32
    %dma_start3A_16 = arith.constant 0 : i32
    %dma_start3A_17 = tpu.memref_slice %arg5[%dma_start3A, %dma_start3A_16] : memref<20000x8xf32, #tpu.memory_space<hbm>> -> memref<20000x8xf32, #tpu.memory_space<hbm>>
    tpu.enqueue_indirect_dma source(%dma_start3A_17 : memref<20000x8xf32, #tpu.memory_space<hbm>>) target(%arg19 : memref<80x8xf32, #tpu.memory_space<vmem>>) offsets(%arg13 : memref<80xi32, #tpu.memory_space<vmem>>) semaphore(%arg32 : memref<!tpu.dma_semaphore, #tpu.memory_space<semaphore_mem>>)
    %dma_start3A_18 = arith.constant 0 : i32
    %dma_start3A_19 = arith.constant 0 : i32
    %dma_start3A_20 = tpu.memref_slice %arg6[%dma_start3A_18, %dma_start3A_19] : memref<20000x8xf32, #tpu.memory_space<hbm>> -> memref<20000x8xf32, #tpu.memory_space<hbm>>
    tpu.enqueue_indirect_dma source(%dma_start3A_20 : memref<20000x8xf32, #tpu.memory_space<hbm>>) target(%arg21 : memref<80x8xf32, #tpu.memory_space<vmem>>) offsets(%arg15 : memref<80xi32, #tpu.memory_space<vmem>>) semaphore(%arg32 : memref<!tpu.dma_semaphore, #tpu.memory_space<semaphore_mem>>)
    %dma_start3A_21 = arith.constant 0 : i32
    %dma_start3A_22 = arith.constant 0 : i32
    %dma_start3A_23 = tpu.memref_slice %arg7[%dma_start3A_21, %dma_start3A_22] : memref<20000x128xf32, #tpu.memory_space<hbm>> -> memref<20000x128xf32, #tpu.memory_space<hbm>>
    tpu.enqueue_indirect_dma source(%dma_start3A_23 : memref<20000x128xf32, #tpu.memory_space<hbm>>) target(%arg25 : memref<80x128xf32, #tpu.memory_space<vmem>>) offsets(%arg13 : memref<80xi32, #tpu.memory_space<vmem>>) semaphore(%arg34 : memref<!tpu.dma_semaphore, #tpu.memory_space<semaphore_mem>>)
    %add3A_24 = arith.constant 80 : i32
    %add3A_25 = arith.addi %add3A, %add3A_24 : i32
    %dma_start3A_26 = tpu.memref_slice %arg2[%add3A_25] : memref<640000xi32, #tpu.memory_space<hbm>> -> memref<80xi32, #tpu.memory_space<hbm>>
    %dma_start3A_27 = tpu.memref_slice %arg2[%add3A_25] : memref<640000xi32, #tpu.memory_space<hbm>> -> memref<80xi32, #tpu.memory_space<hbm>>
    tpu.enqueue_dma source(%dma_start3A_27 : memref<80xi32, #tpu.memory_space<hbm>>) target(%arg14 : memref<80xi32, #tpu.memory_space<vmem>>) target_semaphore(%arg31 : memref<!tpu.dma_semaphore, #tpu.memory_space<semaphore_mem>>)
    %dma_start3A_28 = tpu.memref_slice %arg3[%add3A_25] : memref<640000xi32, #tpu.memory_space<hbm>> -> memref<80xi32, #tpu.memory_space<hbm>>
    %dma_start3A_29 = tpu.memref_slice %arg3[%add3A_25] : memref<640000xi32, #tpu.memory_space<hbm>> -> memref<80xi32, #tpu.memory_space<hbm>>
    tpu.enqueue_dma source(%dma_start3A_29 : memref<80xi32, #tpu.memory_space<hbm>>) target(%arg16 : memref<80xi32, #tpu.memory_space<vmem>>) target_semaphore(%arg31 : memref<!tpu.dma_semaphore, #tpu.memory_space<semaphore_mem>>)
    %dma_start3A_30 = tpu.memref_slice %arg4[%add3A_25] : memref<640000xi32, #tpu.memory_space<hbm>> -> memref<80xi32, #tpu.memory_space<hbm>>
    %dma_start3A_31 = tpu.memref_slice %arg4[%add3A_25] : memref<640000xi32, #tpu.memory_space<hbm>> -> memref<80xi32, #tpu.memory_space<hbm>>
    tpu.enqueue_dma source(%dma_start3A_31 : memref<80xi32, #tpu.memory_space<hbm>>) target(%arg18 : memref<80xi32, #tpu.memory_space<vmem>>) target_semaphore(%arg31 : memref<!tpu.dma_semaphore, #tpu.memory_space<semaphore_mem>>)
    %jit3A_32 = arith.constant 2 : i32
    %div3A = arith.divsi %add3A_15, %jit3A_32 : i32
    %sign3A = arith.constant 0 : i32
    %sign3A_33 = arith.cmpi sgt, %add3A_15, %sign3A : i32
    %sign3A_34 = arith.extui %sign3A_33 : i1 to i32
    %sign3A_35 = arith.constant 0 : i32
    %sign3A_36 = arith.cmpi slt, %add3A_15, %sign3A_35 : i32
    %sign3A_37 = arith.extui %sign3A_36 : i1 to i32
    %sign3A_38 = arith.subi %sign3A_34, %sign3A_37 : i32
    %sign3A_39 = arith.constant 0 : i32
    %sign3A_40 = arith.cmpi sgt, %jit3A_32, %sign3A_39 : i32
    %sign3A_41 = arith.extui %sign3A_40 : i1 to i32
    %sign3A_42 = arith.constant 0 : i32
    %sign3A_43 = arith.cmpi slt, %jit3A_32, %sign3A_42 : i32
    %sign3A_44 = arith.extui %sign3A_43 : i1 to i32
    %sign3A_45 = arith.subi %sign3A_41, %sign3A_44 : i32
    %ne3A = arith.cmpi ne, %sign3A_38, %sign3A_45 : i32
    %rem3A = arith.remsi %add3A_15, %jit3A_32 : i32
    %ne3A_46 = arith.constant 0 : i32
    %ne3A_47 = arith.cmpi ne, %rem3A, %ne3A_46 : i32
    %and3A = arith.andi %ne3A, %ne3A_47 : i1
    %sub3A = arith.constant 1 : i32
    %sub3A_48 = arith.subi %div3A, %sub3A : i32
    %select_n3A_49 = arith.select %and3A, %sub3A_48, %div3A : i32
    %while3A = arith.constant 0 : i32
    %while3A_50 = arith.constant 0 : i32
    %while3A_51 = arith.subi %select_n3A_49, %while3A_50 : i32
    %while3A_52 = arith.addi %while3A_50, %while3A_51 : i32
    %while3A_53 = arith.constant 1 : i32
    %while3A_54 = arith.divsi %while3A_51, %while3A_53 : i32
    %while3A_55 = arith.muli %while3A_54, %while3A_53 : i32
    %while3A_56 = arith.addi %while3A_50, %while3A_55 : i32
    %while3A_57 = arith.constant 1 : i32
    scf.for %while3A_82 = %while3A_50 to %while3A_56 step %while3A_57  : i32 {
      %mul3A_83 = arith.constant 2 : i32
      %mul3A_84 = arith.muli %mul3A_83, %while3A_82 : i32
      %add3A_85 = arith.constant 1 : i32
      %add3A_86 = arith.addi %mul3A_84, %add3A_85 : i32
      %lt3A = arith.cmpi slt, %add3A_86, %add3A_15 : i32
      %convert_element_type3A_87 = arith.extui %lt3A : i1 to i32
      %cond3A_88 = arith.constant 0 : i32
      %cond3A_89 = arith.cmpi ne, %convert_element_type3A_87, %cond3A_88 : i32
      scf.if %cond3A_89 {
        %dma_wait3A_153 = arith.constant 0 : i32
        %dma_wait3A_154 = tpu.memref_slice %arg2[%dma_wait3A_153] : memref<640000xi32, #tpu.memory_space<hbm>> -> memref<80xi32, #tpu.memory_space<hbm>>
        %dma_wait3A_155 = arith.constant 0 : i32
        %dma_wait3A_156 = tpu.memref_slice %arg2[%dma_wait3A_155] : memref<640000xi32, #tpu.memory_space<hbm>> -> memref<80xi32, #tpu.memory_space<hbm>>
        tpu.wait_dma2 semaphore(%arg31 : memref<!tpu.dma_semaphore, #tpu.memory_space<semaphore_mem>>) src(%dma_wait3A_156 : memref<80xi32, #tpu.memory_space<hbm>>) dst(%arg14 : memref<80xi32, #tpu.memory_space<vmem>>)
        %dma_wait3A_157 = arith.constant 0 : i32
        %dma_wait3A_158 = tpu.memref_slice %arg3[%dma_wait3A_157] : memref<640000xi32, #tpu.memory_space<hbm>> -> memref<80xi32, #tpu.memory_space<hbm>>
        %dma_wait3A_159 = arith.constant 0 : i32
        %dma_wait3A_160 = tpu.memref_slice %arg3[%dma_wait3A_159] : memref<640000xi32, #tpu.memory_space<hbm>> -> memref<80xi32, #tpu.memory_space<hbm>>
        tpu.wait_dma2 semaphore(%arg31 : memref<!tpu.dma_semaphore, #tpu.memory_space<semaphore_mem>>) src(%dma_wait3A_160 : memref<80xi32, #tpu.memory_space<hbm>>) dst(%arg16 : memref<80xi32, #tpu.memory_space<vmem>>)
        %dma_wait3A_161 = arith.constant 0 : i32
        %dma_wait3A_162 = tpu.memref_slice %arg4[%dma_wait3A_161] : memref<640000xi32, #tpu.memory_space<hbm>> -> memref<80xi32, #tpu.memory_space<hbm>>
        %dma_wait3A_163 = arith.constant 0 : i32
        %dma_wait3A_164 = tpu.memref_slice %arg4[%dma_wait3A_163] : memref<640000xi32, #tpu.memory_space<hbm>> -> memref<80xi32, #tpu.memory_space<hbm>>
        tpu.wait_dma2 semaphore(%arg31 : memref<!tpu.dma_semaphore, #tpu.memory_space<semaphore_mem>>) src(%dma_wait3A_164 : memref<80xi32, #tpu.memory_space<hbm>>) dst(%arg18 : memref<80xi32, #tpu.memory_space<vmem>>)
        %ge3A = arith.constant 1 : i32
        %ge3A_165 = arith.cmpi sge, %mul3A_84, %ge3A : i32
        %convert_element_type3A_166 = arith.extui %ge3A_165 : i1 to i32
        %cond3A_167 = arith.constant 0 : i32
        %cond3A_168 = arith.cmpi ne, %convert_element_type3A_166, %cond3A_167 : i32
        scf.if %cond3A_168 {
          %dma_wait3A_178 = arith.constant 0 : i32
          %dma_wait3A_179 = arith.constant 0 : i32
          %dma_wait3A_180 = tpu.memref_slice %arg28[%dma_wait3A_178, %dma_wait3A_179] : memref<10000x128xf32, #tpu.memory_space<vmem_shared>> -> memref<10000x128xf32, #tpu.memory_space<vmem_shared>>
          tpu.wait_indirect_dma semaphore(%arg37 : memref<!tpu.dma_semaphore, #tpu.memory_space<semaphore_mem>>) src(%arg26 : memref<80x128xf32, #tpu.memory_space<vmem>>) dst(%dma_wait3A_180 : memref<10000x128xf32, #tpu.memory_space<vmem_shared>>)
          %dma_wait3A_181 = arith.constant 0 : i32
          %dma_wait3A_182 = arith.constant 0 : i32
          %dma_wait3A_183 = tpu.memref_slice %arg29[%dma_wait3A_181, %dma_wait3A_182] : memref<10000x8xf32, #tpu.memory_space<vmem_shared>> -> memref<10000x8xf32, #tpu.memory_space<vmem_shared>>
          tpu.wait_indirect_dma semaphore(%arg37 : memref<!tpu.dma_semaphore, #tpu.memory_space<semaphore_mem>>) src(%arg24 : memref<80x8xf32, #tpu.memory_space<vmem>>) dst(%dma_wait3A_183 : memref<10000x8xf32, #tpu.memory_space<vmem_shared>>)
        } else {
        }
        %dma_start3A_169 = arith.constant 0 : i32
        %dma_start3A_170 = arith.constant 0 : i32
        %dma_start3A_171 = tpu.memref_slice %arg5[%dma_start3A_169, %dma_start3A_170] : memref<20000x8xf32, #tpu.memory_space<hbm>> -> memref<20000x8xf32, #tpu.memory_space<hbm>>
        tpu.enqueue_indirect_dma source(%dma_start3A_171 : memref<20000x8xf32, #tpu.memory_space<hbm>>) target(%arg20 : memref<80x8xf32, #tpu.memory_space<vmem>>) offsets(%arg14 : memref<80xi32, #tpu.memory_space<vmem>>) semaphore(%arg33 : memref<!tpu.dma_semaphore, #tpu.memory_space<semaphore_mem>>)
        %dma_start3A_172 = arith.constant 0 : i32
        %dma_start3A_173 = arith.constant 0 : i32
        %dma_start3A_174 = tpu.memref_slice %arg6[%dma_start3A_172, %dma_start3A_173] : memref<20000x8xf32, #tpu.memory_space<hbm>> -> memref<20000x8xf32, #tpu.memory_space<hbm>>
        tpu.enqueue_indirect_dma source(%dma_start3A_174 : memref<20000x8xf32, #tpu.memory_space<hbm>>) target(%arg22 : memref<80x8xf32, #tpu.memory_space<vmem>>) offsets(%arg16 : memref<80xi32, #tpu.memory_space<vmem>>) semaphore(%arg33 : memref<!tpu.dma_semaphore, #tpu.memory_space<semaphore_mem>>)
        %dma_start3A_175 = arith.constant 0 : i32
        %dma_start3A_176 = arith.constant 0 : i32
        %dma_start3A_177 = tpu.memref_slice %arg7[%dma_start3A_175, %dma_start3A_176] : memref<20000x128xf32, #tpu.memory_space<hbm>> -> memref<20000x128xf32, #tpu.memory_space<hbm>>
        tpu.enqueue_indirect_dma source(%dma_start3A_177 : memref<20000x128xf32, #tpu.memory_space<hbm>>) target(%arg26 : memref<80x128xf32, #tpu.memory_space<vmem>>) offsets(%arg14 : memref<80xi32, #tpu.memory_space<vmem>>) semaphore(%arg35 : memref<!tpu.dma_semaphore, #tpu.memory_space<semaphore_mem>>)
      } else {
      }
      %dma_wait3A_90 = arith.constant 0 : i32
      %dma_wait3A_91 = arith.constant 0 : i32
      %dma_wait3A_92 = tpu.memref_slice %arg5[%dma_wait3A_90, %dma_wait3A_91] : memref<20000x8xf32, #tpu.memory_space<hbm>> -> memref<20000x8xf32, #tpu.memory_space<hbm>>
      tpu.wait_indirect_dma semaphore(%arg32 : memref<!tpu.dma_semaphore, #tpu.memory_space<semaphore_mem>>) src(%dma_wait3A_92 : memref<20000x8xf32, #tpu.memory_space<hbm>>) dst(%arg19 : memref<80x8xf32, #tpu.memory_space<vmem>>)
      %dma_wait3A_93 = arith.constant 0 : i32
      %dma_wait3A_94 = arith.constant 0 : i32
      %dma_wait3A_95 = tpu.memref_slice %arg6[%dma_wait3A_93, %dma_wait3A_94] : memref<20000x8xf32, #tpu.memory_space<hbm>> -> memref<20000x8xf32, #tpu.memory_space<hbm>>
      tpu.wait_indirect_dma semaphore(%arg32 : memref<!tpu.dma_semaphore, #tpu.memory_space<semaphore_mem>>) src(%dma_wait3A_95 : memref<20000x8xf32, #tpu.memory_space<hbm>>) dst(%arg21 : memref<80x8xf32, #tpu.memory_space<vmem>>)
      %parallel_loop3A = arith.constant 0 : i32
      %parallel_loop3A_96 = arith.constant 40 : i32
      %parallel_loop3A_97 = arith.constant 1 : i32
      scf.for %parallel_loop3A_153 = %parallel_loop3A to %parallel_loop3A_96 step %parallel_loop3A_97  : i32 {
        %parallel_loop3A_154 = tpu.iota {dimensions = array<i32: 0>} : vector<16xi32>
        %parallel_loop3A_155 = arith.constant 8 : i32
        %parallel_loop3A_156 = vector.broadcast %parallel_loop3A_155 : i32 to vector<16xi32>
        %parallel_loop3A_157 = arith.divsi %parallel_loop3A_154, %parallel_loop3A_156 : vector<16xi32>
        %parallel_loop3A_158 = arith.constant 0 : i32
        %parallel_loop3A_159 = vector.broadcast %parallel_loop3A_158 : i32 to vector<16xi32>
        %parallel_loop3A_160 = arith.cmpi sgt, %parallel_loop3A_154, %parallel_loop3A_159 : vector<16xi32>
        %parallel_loop3A_161 = arith.extui %parallel_loop3A_160 : vector<16xi1> to vector<16xi32>
        %parallel_loop3A_162 = arith.constant 0 : i32
        %parallel_loop3A_163 = vector.broadcast %parallel_loop3A_162 : i32 to vector<16xi32>
        %parallel_loop3A_164 = arith.cmpi slt, %parallel_loop3A_154, %parallel_loop3A_163 : vector<16xi32>
        %parallel_loop3A_165 = arith.extui %parallel_loop3A_164 : vector<16xi1> to vector<16xi32>
        %parallel_loop3A_166 = arith.subi %parallel_loop3A_161, %parallel_loop3A_165 : vector<16xi32>
        %parallel_loop3A_167 = arith.constant 0 : i32
        %parallel_loop3A_168 = arith.cmpi sgt, %parallel_loop3A_155, %parallel_loop3A_167 : i32
        %parallel_loop3A_169 = arith.extui %parallel_loop3A_168 : i1 to i32
        %parallel_loop3A_170 = arith.constant 0 : i32
        %parallel_loop3A_171 = arith.cmpi slt, %parallel_loop3A_155, %parallel_loop3A_170 : i32
        %parallel_loop3A_172 = arith.extui %parallel_loop3A_171 : i1 to i32
        %parallel_loop3A_173 = arith.subi %parallel_loop3A_169, %parallel_loop3A_172 : i32
        %parallel_loop3A_174 = vector.broadcast %parallel_loop3A_173 : i32 to vector<16xi32>
        %parallel_loop3A_175 = arith.cmpi ne, %parallel_loop3A_166, %parallel_loop3A_174 : vector<16xi32>
        %parallel_loop3A_176 = vector.broadcast %parallel_loop3A_155 : i32 to vector<16xi32>
        %parallel_loop3A_177 = arith.remsi %parallel_loop3A_154, %parallel_loop3A_176 : vector<16xi32>
        %parallel_loop3A_178 = arith.constant 0 : i32
        %parallel_loop3A_179 = vector.broadcast %parallel_loop3A_178 : i32 to vector<16xi32>
        %parallel_loop3A_180 = arith.cmpi ne, %parallel_loop3A_177, %parallel_loop3A_179 : vector<16xi32>
        %parallel_loop3A_181 = arith.andi %parallel_loop3A_175, %parallel_loop3A_180 : vector<16xi1>
        %parallel_loop3A_182 = arith.constant 1 : i32
        %parallel_loop3A_183 = vector.broadcast %parallel_loop3A_182 : i32 to vector<16xi32>
        %parallel_loop3A_184 = arith.subi %parallel_loop3A_157, %parallel_loop3A_183 : vector<16xi32>
        %parallel_loop3A_185 = arith.select %parallel_loop3A_181, %parallel_loop3A_184, %parallel_loop3A_157 : vector<16xi1>, vector<16xi32>
        %parallel_loop3A_186 = arith.constant 8 : i32
        %parallel_loop3A_187 = vector.broadcast %parallel_loop3A_186 : i32 to vector<16xi32>
        %parallel_loop3A_188 = arith.muli %parallel_loop3A_187, %parallel_loop3A_185 : vector<16xi32>
        %parallel_loop3A_189 = arith.subi %parallel_loop3A_154, %parallel_loop3A_188 : vector<16xi32>
        %parallel_loop3A_190 = arith.constant 0 : index
        %parallel_loop3A_191 = tpu.vector_load %arg27[%parallel_loop3A_190] {strides = array<i32>} : memref<16xf32, #tpu.memory_space<vmem>>, vector<16xf32>,
        %parallel_loop3A_192 = arith.constant 2 : i32
        %parallel_loop3A_193 = arith.muli %parallel_loop3A_192, %parallel_loop3A_153 : i32
        %parallel_loop3A_194 = vector.broadcast %parallel_loop3A_193 : i32 to vector<16xi32>
        %parallel_loop3A_195 = arith.addi %parallel_loop3A_194, %parallel_loop3A_185 : vector<16xi32>
        %parallel_loop3A_196 = tpu.vector_load_idx %arg19[%parallel_loop3A_195, %parallel_loop3A_189] : memref<80x8xf32, #tpu.memory_space<vmem>>[vector<16xi32>, vector<16xi32>], vector<16xf32>,
        %parallel_loop3A_197 = tpu.vector_load_idx %arg21[%parallel_loop3A_195, %parallel_loop3A_189] : memref<80x8xf32, #tpu.memory_space<vmem>>[vector<16xi32>, vector<16xi32>], vector<16xf32>,
        %parallel_loop3A_198 = arith.addf %parallel_loop3A_196, %parallel_loop3A_197 : vector<16xf32>
        %parallel_loop3A_199 = arith.constant 2.000000e-01 : f32
        %parallel_loop3A_200 = vector.broadcast %parallel_loop3A_199 : f32 to vector<16xf32>
        %parallel_loop3A_201 = arith.mulf %parallel_loop3A_200, %parallel_loop3A_198 : vector<16xf32>
        %parallel_loop3A_202 = arith.maximumf %parallel_loop3A_198, %parallel_loop3A_201 : vector<16xf32>
        %parallel_loop3A_203 = arith.subf %parallel_loop3A_202, %parallel_loop3A_191 : vector<16xf32>
        %parallel_loop3A_204 = math.exp %parallel_loop3A_203 : vector<16xf32>
        tpu.vector_store_idx %arg23[%parallel_loop3A_195, %parallel_loop3A_189], %parallel_loop3A_204 : memref<80x8xf32, #tpu.memory_space<vmem>>[vector<16xi32>, vector<16xi32>], vector<16xf32>,
      } {sc.loop_unroll_factor = 8 : i64, sc.parallel_access}
      %dma_wait3A_98 = arith.constant 0 : i32
      %dma_wait3A_99 = arith.constant 0 : i32
      %dma_wait3A_100 = tpu.memref_slice %arg7[%dma_wait3A_98, %dma_wait3A_99] : memref<20000x128xf32, #tpu.memory_space<hbm>> -> memref<20000x128xf32, #tpu.memory_space<hbm>>
      tpu.wait_indirect_dma semaphore(%arg34 : memref<!tpu.dma_semaphore, #tpu.memory_space<semaphore_mem>>) src(%dma_wait3A_100 : memref<20000x128xf32, #tpu.memory_space<hbm>>) dst(%arg25 : memref<80x128xf32, #tpu.memory_space<vmem>>)
      %parallel_loop3A_101 = arith.constant 0 : i32
      %parallel_loop3A_102 = arith.constant 40 : i32
      %parallel_loop3A_103 = arith.constant 1 : i32
      scf.for %parallel_loop3A_153 = %parallel_loop3A_101 to %parallel_loop3A_102 step %parallel_loop3A_103  : i32 {
        %parallel_loop3A_154 = tpu.iota {dimensions = array<i32: 0>} : vector<16xi32>
        %parallel_loop3A_155 = arith.constant 8 : i32
        %parallel_loop3A_156 = vector.broadcast %parallel_loop3A_155 : i32 to vector<16xi32>
        %parallel_loop3A_157 = arith.divsi %parallel_loop3A_154, %parallel_loop3A_156 : vector<16xi32>
        %parallel_loop3A_158 = arith.constant 0 : i32
        %parallel_loop3A_159 = vector.broadcast %parallel_loop3A_158 : i32 to vector<16xi32>
        %parallel_loop3A_160 = arith.cmpi sgt, %parallel_loop3A_154, %parallel_loop3A_159 : vector<16xi32>
        %parallel_loop3A_161 = arith.extui %parallel_loop3A_160 : vector<16xi1> to vector<16xi32>
        %parallel_loop3A_162 = arith.constant 0 : i32
        %parallel_loop3A_163 = vector.broadcast %parallel_loop3A_162 : i32 to vector<16xi32>
        %parallel_loop3A_164 = arith.cmpi slt, %parallel_loop3A_154, %parallel_loop3A_163 : vector<16xi32>
        %parallel_loop3A_165 = arith.extui %parallel_loop3A_164 : vector<16xi1> to vector<16xi32>
        %parallel_loop3A_166 = arith.subi %parallel_loop3A_161, %parallel_loop3A_165 : vector<16xi32>
        %parallel_loop3A_167 = arith.constant 0 : i32
        %parallel_loop3A_168 = arith.cmpi sgt, %parallel_loop3A_155, %parallel_loop3A_167 : i32
        %parallel_loop3A_169 = arith.extui %parallel_loop3A_168 : i1 to i32
        %parallel_loop3A_170 = arith.constant 0 : i32
        %parallel_loop3A_171 = arith.cmpi slt, %parallel_loop3A_155, %parallel_loop3A_170 : i32
        %parallel_loop3A_172 = arith.extui %parallel_loop3A_171 : i1 to i32
        %parallel_loop3A_173 = arith.subi %parallel_loop3A_169, %parallel_loop3A_172 : i32
        %parallel_loop3A_174 = vector.broadcast %parallel_loop3A_173 : i32 to vector<16xi32>
        %parallel_loop3A_175 = arith.cmpi ne, %parallel_loop3A_166, %parallel_loop3A_174 : vector<16xi32>
        %parallel_loop3A_176 = vector.broadcast %parallel_loop3A_155 : i32 to vector<16xi32>
        %parallel_loop3A_177 = arith.remsi %parallel_loop3A_154, %parallel_loop3A_176 : vector<16xi32>
        %parallel_loop3A_178 = arith.constant 0 : i32
        %parallel_loop3A_179 = vector.broadcast %parallel_loop3A_178 : i32 to vector<16xi32>
        %parallel_loop3A_180 = arith.cmpi ne, %parallel_loop3A_177, %parallel_loop3A_179 : vector<16xi32>
        %parallel_loop3A_181 = arith.andi %parallel_loop3A_175, %parallel_loop3A_180 : vector<16xi1>
        %parallel_loop3A_182 = arith.constant 1 : i32
        %parallel_loop3A_183 = vector.broadcast %parallel_loop3A_182 : i32 to vector<16xi32>
        %parallel_loop3A_184 = arith.subi %parallel_loop3A_157, %parallel_loop3A_183 : vector<16xi32>
        %parallel_loop3A_185 = arith.select %parallel_loop3A_181, %parallel_loop3A_184, %parallel_loop3A_157 : vector<16xi1>, vector<16xi32>
        %parallel_loop3A_186 = arith.constant 8 : i32
        %parallel_loop3A_187 = vector.broadcast %parallel_loop3A_186 : i32 to vector<16xi32>
        %parallel_loop3A_188 = arith.muli %parallel_loop3A_187, %parallel_loop3A_185 : vector<16xi32>
        %parallel_loop3A_189 = arith.subi %parallel_loop3A_154, %parallel_loop3A_188 : vector<16xi32>
        %parallel_loop3A_190 = arith.constant 2 : i32
        %parallel_loop3A_191 = arith.muli %parallel_loop3A_190, %parallel_loop3A_153 : i32
        %parallel_loop3A_192 = vector.broadcast %parallel_loop3A_191 : i32 to vector<16xi32>
        %parallel_loop3A_193 = arith.addi %parallel_loop3A_192, %parallel_loop3A_185 : vector<16xi32>
        %parallel_loop3A_194 = tpu.vector_load_idx %arg23[%parallel_loop3A_193, %parallel_loop3A_189] : memref<80x8xf32, #tpu.memory_space<vmem>>[vector<16xi32>, vector<16xi32>], vector<16xf32>,
        %parallel_loop3A_195 = arith.constant 2 : i32
        %parallel_loop3A_196 = arith.muli %parallel_loop3A_195, %parallel_loop3A_153 : i32
        %parallel_loop3A_197 = arith.constant 0 : i32
        %parallel_loop3A_198 = arith.addi %parallel_loop3A_196, %parallel_loop3A_197 : i32
        %parallel_loop3A_199 = arith.constant 0 : i32
        %parallel_loop3A_200 = vector.broadcast %parallel_loop3A_199 : i32 to vector<16xi32>
        %parallel_loop3A_201 = arith.constant 0 : i32
        %parallel_loop3A_202 = vector.broadcast %parallel_loop3A_201 : i32 to vector<16xi32>
        %parallel_loop3A_203 = arith.cmpi slt, %parallel_loop3A_200, %parallel_loop3A_202 : vector<16xi32>
        %parallel_loop3A_204 = arith.constant 16 : i32
        %parallel_loop3A_205 = vector.broadcast %parallel_loop3A_204 : i32 to vector<16xi32>
        %parallel_loop3A_206 = arith.addi %parallel_loop3A_200, %parallel_loop3A_205 : vector<16xi32>
        %parallel_loop3A_207 = arith.select %parallel_loop3A_203, %parallel_loop3A_206, %parallel_loop3A_200 : vector<16xi1>, vector<16xi32>
        %parallel_loop3A_208 = vector.shape_cast %parallel_loop3A_207 : vector<16xi32> to vector<16x1xi32>
        %parallel_loop3A_209 = vector.shape_cast %parallel_loop3A_208 : vector<16x1xi32> to vector<16xi32>
        %parallel_loop3A_210 = tpu.dynamic_gather %parallel_loop3A_194[%parallel_loop3A_209] in [0] : vector<16xf32>, vector<16xi32> -> vector<16xf32>
        %parallel_loop3A_211 = arith.index_cast %parallel_loop3A_198 : i32 to index
        %parallel_loop3A_212 = arith.constant 0 : index
        %parallel_loop3A_213 = tpu.vector_load %arg25[%parallel_loop3A_211, %parallel_loop3A_212] {strides = array<i32>} : memref<80x128xf32, #tpu.memory_space<vmem>>, vector<16xf32>,
        %parallel_loop3A_214 = arith.mulf %parallel_loop3A_213, %parallel_loop3A_210 : vector<16xf32>
        %parallel_loop3A_215 = arith.index_cast %parallel_loop3A_198 : i32 to index
        %parallel_loop3A_216 = arith.constant 0 : index
        %parallel_loop3A_217 = tpu.vector_load %arg25[%parallel_loop3A_215, %parallel_loop3A_216] {strides = array<i32>} : memref<80x128xf32, #tpu.memory_space<vmem>>, vector<16xf32>,
        tpu.vector_store %arg25[%parallel_loop3A_215, %parallel_loop3A_216], %parallel_loop3A_214 {strides = array<i32>} : memref<80x128xf32, #tpu.memory_space<vmem>>, vector<16xf32>,
        %parallel_loop3A_218 = arith.constant 1 : i32
        %parallel_loop3A_219 = vector.broadcast %parallel_loop3A_218 : i32 to vector<16xi32>
        %parallel_loop3A_220 = arith.constant 0 : i32
        %parallel_loop3A_221 = vector.broadcast %parallel_loop3A_220 : i32 to vector<16xi32>
        %parallel_loop3A_222 = arith.cmpi slt, %parallel_loop3A_219, %parallel_loop3A_221 : vector<16xi32>
        %parallel_loop3A_223 = arith.constant 16 : i32
        %parallel_loop3A_224 = vector.broadcast %parallel_loop3A_223 : i32 to vector<16xi32>
        %parallel_loop3A_225 = arith.addi %parallel_loop3A_219, %parallel_loop3A_224 : vector<16xi32>
        %parallel_loop3A_226 = arith.select %parallel_loop3A_222, %parallel_loop3A_225, %parallel_loop3A_219 : vector<16xi1>, vector<16xi32>
        %parallel_loop3A_227 = vector.shape_cast %parallel_loop3A_226 : vector<16xi32> to vector<16x1xi32>
        %parallel_loop3A_228 = vector.shape_cast %parallel_loop3A_227 : vector<16x1xi32> to vector<16xi32>
        %parallel_loop3A_229 = tpu.dynamic_gather %parallel_loop3A_194[%parallel_loop3A_228] in [0] : vector<16xf32>, vector<16xi32> -> vector<16xf32>
        %parallel_loop3A_230 = arith.index_cast %parallel_loop3A_198 : i32 to index
        %parallel_loop3A_231 = arith.constant 16 : index
        %parallel_loop3A_232 = tpu.vector_load %arg25[%parallel_loop3A_230, %parallel_loop3A_231] {strides = array<i32>} : memref<80x128xf32, #tpu.memory_space<vmem>>, vector<16xf32>,
        %parallel_loop3A_233 = arith.mulf %parallel_loop3A_232, %parallel_loop3A_229 : vector<16xf32>
        %parallel_loop3A_234 = arith.index_cast %parallel_loop3A_198 : i32 to index
        %parallel_loop3A_235 = arith.constant 16 : index
        %parallel_loop3A_236 = tpu.vector_load %arg25[%parallel_loop3A_234, %parallel_loop3A_235] {strides = array<i32>} : memref<80x128xf32, #tpu.memory_space<vmem>>, vector<16xf32>,
        tpu.vector_store %arg25[%parallel_loop3A_234, %parallel_loop3A_235], %parallel_loop3A_233 {strides = array<i32>} : memref<80x128xf32, #tpu.memory_space<vmem>>, vector<16xf32>,
        %parallel_loop3A_237 = arith.constant 2 : i32
        %parallel_loop3A_238 = vector.broadcast %parallel_loop3A_237 : i32 to vector<16xi32>
        %parallel_loop3A_239 = arith.constant 0 : i32
        %parallel_loop3A_240 = vector.broadcast %parallel_loop3A_239 : i32 to vector<16xi32>
        %parallel_loop3A_241 = arith.cmpi slt, %parallel_loop3A_238, %parallel_loop3A_240 : vector<16xi32>
        %parallel_loop3A_242 = arith.constant 16 : i32
        %parallel_loop3A_243 = vector.broadcast %parallel_loop3A_242 : i32 to vector<16xi32>
        %parallel_loop3A_244 = arith.addi %parallel_loop3A_238, %parallel_loop3A_243 : vector<16xi32>
        %parallel_loop3A_245 = arith.select %parallel_loop3A_241, %parallel_loop3A_244, %parallel_loop3A_238 : vector<16xi1>, vector<16xi32>
        %parallel_loop3A_246 = vector.shape_cast %parallel_loop3A_245 : vector<16xi32> to vector<16x1xi32>
        %parallel_loop3A_247 = vector.shape_cast %parallel_loop3A_246 : vector<16x1xi32> to vector<16xi32>
        %parallel_loop3A_248 = tpu.dynamic_gather %parallel_loop3A_194[%parallel_loop3A_247] in [0] : vector<16xf32>, vector<16xi32> -> vector<16xf32>
        %parallel_loop3A_249 = arith.index_cast %parallel_loop3A_198 : i32 to index
        %parallel_loop3A_250 = arith.constant 32 : index
        %parallel_loop3A_251 = tpu.vector_load %arg25[%parallel_loop3A_249, %parallel_loop3A_250] {strides = array<i32>} : memref<80x128xf32, #tpu.memory_space<vmem>>, vector<16xf32>,
        %parallel_loop3A_252 = arith.mulf %parallel_loop3A_251, %parallel_loop3A_248 : vector<16xf32>
        %parallel_loop3A_253 = arith.index_cast %parallel_loop3A_198 : i32 to index
        %parallel_loop3A_254 = arith.constant 32 : index
        %parallel_loop3A_255 = tpu.vector_load %arg25[%parallel_loop3A_253, %parallel_loop3A_254] {strides = array<i32>} : memref<80x128xf32, #tpu.memory_space<vmem>>, vector<16xf32>,
        tpu.vector_store %arg25[%parallel_loop3A_253, %parallel_loop3A_254], %parallel_loop3A_252 {strides = array<i32>} : memref<80x128xf32, #tpu.memory_space<vmem>>, vector<16xf32>,
        %parallel_loop3A_256 = arith.constant 3 : i32
        %parallel_loop3A_257 = vector.broadcast %parallel_loop3A_256 : i32 to vector<16xi32>
        %parallel_loop3A_258 = arith.constant 0 : i32
        %parallel_loop3A_259 = vector.broadcast %parallel_loop3A_258 : i32 to vector<16xi32>
        %parallel_loop3A_260 = arith.cmpi slt, %parallel_loop3A_257, %parallel_loop3A_259 : vector<16xi32>
        %parallel_loop3A_261 = arith.constant 16 : i32
        %parallel_loop3A_262 = vector.broadcast %parallel_loop3A_261 : i32 to vector<16xi32>
        %parallel_loop3A_263 = arith.addi %parallel_loop3A_257, %parallel_loop3A_262 : vector<16xi32>
        %parallel_loop3A_264 = arith.select %parallel_loop3A_260, %parallel_loop3A_263, %parallel_loop3A_257 : vector<16xi1>, vector<16xi32>
        %parallel_loop3A_265 = vector.shape_cast %parallel_loop3A_264 : vector<16xi32> to vector<16x1xi32>
        %parallel_loop3A_266 = vector.shape_cast %parallel_loop3A_265 : vector<16x1xi32> to vector<16xi32>
        %parallel_loop3A_267 = tpu.dynamic_gather %parallel_loop3A_194[%parallel_loop3A_266] in [0] : vector<16xf32>, vector<16xi32> -> vector<16xf32>
        %parallel_loop3A_268 = arith.index_cast %parallel_loop3A_198 : i32 to index
        %parallel_loop3A_269 = arith.constant 48 : index
        %parallel_loop3A_270 = tpu.vector_load %arg25[%parallel_loop3A_268, %parallel_loop3A_269] {strides = array<i32>} : memref<80x128xf32, #tpu.memory_space<vmem>>, vector<16xf32>,
        %parallel_loop3A_271 = arith.mulf %parallel_loop3A_270, %parallel_loop3A_267 : vector<16xf32>
        %parallel_loop3A_272 = arith.index_cast %parallel_loop3A_198 : i32 to index
        %parallel_loop3A_273 = arith.constant 48 : index
        %parallel_loop3A_274 = tpu.vector_load %arg25[%parallel_loop3A_272, %parallel_loop3A_273] {strides = array<i32>} : memref<80x128xf32, #tpu.memory_space<vmem>>, vector<16xf32>,
        tpu.vector_store %arg25[%parallel_loop3A_272, %parallel_loop3A_273], %parallel_loop3A_271 {strides = array<i32>} : memref<80x128xf32, #tpu.memory_space<vmem>>, vector<16xf32>,
        %parallel_loop3A_275 = arith.constant 4 : i32
        %parallel_loop3A_276 = vector.broadcast %parallel_loop3A_275 : i32 to vector<16xi32>
        %parallel_loop3A_277 = arith.constant 0 : i32
        %parallel_loop3A_278 = vector.broadcast %parallel_loop3A_277 : i32 to vector<16xi32>
        %parallel_loop3A_279 = arith.cmpi slt, %parallel_loop3A_276, %parallel_loop3A_278 : vector<16xi32>
        %parallel_loop3A_280 = arith.constant 16 : i32
        %parallel_loop3A_281 = vector.broadcast %parallel_loop3A_280 : i32 to vector<16xi32>
        %parallel_loop3A_282 = arith.addi %parallel_loop3A_276, %parallel_loop3A_281 : vector<16xi32>
        %parallel_loop3A_283 = arith.select %parallel_loop3A_279, %parallel_loop3A_282, %parallel_loop3A_276 : vector<16xi1>, vector<16xi32>
        %parallel_loop3A_284 = vector.shape_cast %parallel_loop3A_283 : vector<16xi32> to vector<16x1xi32>
        %parallel_loop3A_285 = vector.shape_cast %parallel_loop3A_284 : vector<16x1xi32> to vector<16xi32>
        %parallel_loop3A_286 = tpu.dynamic_gather %parallel_loop3A_194[%parallel_loop3A_285] in [0] : vector<16xf32>, vector<16xi32> -> vector<16xf32>
        %parallel_loop3A_287 = arith.index_cast %parallel_loop3A_198 : i32 to index
        %parallel_loop3A_288 = arith.constant 64 : index
        %parallel_loop3A_289 = tpu.vector_load %arg25[%parallel_loop3A_287, %parallel_loop3A_288] {strides = array<i32>} : memref<80x128xf32, #tpu.memory_space<vmem>>, vector<16xf32>,
        %parallel_loop3A_290 = arith.mulf %parallel_loop3A_289, %parallel_loop3A_286 : vector<16xf32>
        %parallel_loop3A_291 = arith.index_cast %parallel_loop3A_198 : i32 to index
        %parallel_loop3A_292 = arith.constant 64 : index
        %parallel_loop3A_293 = tpu.vector_load %arg25[%parallel_loop3A_291, %parallel_loop3A_292] {strides = array<i32>} : memref<80x128xf32, #tpu.memory_space<vmem>>, vector<16xf32>,
        tpu.vector_store %arg25[%parallel_loop3A_291, %parallel_loop3A_292], %parallel_loop3A_290 {strides = array<i32>} : memref<80x128xf32, #tpu.memory_space<vmem>>, vector<16xf32>,
        %parallel_loop3A_294 = arith.constant 5 : i32
        %parallel_loop3A_295 = vector.broadcast %parallel_loop3A_294 : i32 to vector<16xi32>
        %parallel_loop3A_296 = arith.constant 0 : i32
        %parallel_loop3A_297 = vector.broadcast %parallel_loop3A_296 : i32 to vector<16xi32>
        %parallel_loop3A_298 = arith.cmpi slt, %parallel_loop3A_295, %parallel_loop3A_297 : vector<16xi32>
        %parallel_loop3A_299 = arith.constant 16 : i32
        %parallel_loop3A_300 = vector.broadcast %parallel_loop3A_299 : i32 to vector<16xi32>
        %parallel_loop3A_301 = arith.addi %parallel_loop3A_295, %parallel_loop3A_300 : vector<16xi32>
        %parallel_loop3A_302 = arith.select %parallel_loop3A_298, %parallel_loop3A_301, %parallel_loop3A_295 : vector<16xi1>, vector<16xi32>
        %parallel_loop3A_303 = vector.shape_cast %parallel_loop3A_302 : vector<16xi32> to vector<16x1xi32>
        %parallel_loop3A_304 = vector.shape_cast %parallel_loop3A_303 : vector<16x1xi32> to vector<16xi32>
        %parallel_loop3A_305 = tpu.dynamic_gather %parallel_loop3A_194[%parallel_loop3A_304] in [0] : vector<16xf32>, vector<16xi32> -> vector<16xf32>
        %parallel_loop3A_306 = arith.index_cast %parallel_loop3A_198 : i32 to index
        %parallel_loop3A_307 = arith.constant 80 : index
        %parallel_loop3A_308 = tpu.vector_load %arg25[%parallel_loop3A_306, %parallel_loop3A_307] {strides = array<i32>} : memref<80x128xf32, #tpu.memory_space<vmem>>, vector<16xf32>,
        %parallel_loop3A_309 = arith.mulf %parallel_loop3A_308, %parallel_loop3A_305 : vector<16xf32>
        %parallel_loop3A_310 = arith.index_cast %parallel_loop3A_198 : i32 to index
        %parallel_loop3A_311 = arith.constant 80 : index
        %parallel_loop3A_312 = tpu.vector_load %arg25[%parallel_loop3A_310, %parallel_loop3A_311] {strides = array<i32>} : memref<80x128xf32, #tpu.memory_space<vmem>>, vector<16xf32>,
        tpu.vector_store %arg25[%parallel_loop3A_310, %parallel_loop3A_311], %parallel_loop3A_309 {strides = array<i32>} : memref<80x128xf32, #tpu.memory_space<vmem>>, vector<16xf32>,
        %parallel_loop3A_313 = arith.constant 6 : i32
        %parallel_loop3A_314 = vector.broadcast %parallel_loop3A_313 : i32 to vector<16xi32>
        %parallel_loop3A_315 = arith.constant 0 : i32
        %parallel_loop3A_316 = vector.broadcast %parallel_loop3A_315 : i32 to vector<16xi32>
        %parallel_loop3A_317 = arith.cmpi slt, %parallel_loop3A_314, %parallel_loop3A_316 : vector<16xi32>
        %parallel_loop3A_318 = arith.constant 16 : i32
        %parallel_loop3A_319 = vector.broadcast %parallel_loop3A_318 : i32 to vector<16xi32>
        %parallel_loop3A_320 = arith.addi %parallel_loop3A_314, %parallel_loop3A_319 : vector<16xi32>
        %parallel_loop3A_321 = arith.select %parallel_loop3A_317, %parallel_loop3A_320, %parallel_loop3A_314 : vector<16xi1>, vector<16xi32>
        %parallel_loop3A_322 = vector.shape_cast %parallel_loop3A_321 : vector<16xi32> to vector<16x1xi32>
        %parallel_loop3A_323 = vector.shape_cast %parallel_loop3A_322 : vector<16x1xi32> to vector<16xi32>
        %parallel_loop3A_324 = tpu.dynamic_gather %parallel_loop3A_194[%parallel_loop3A_323] in [0] : vector<16xf32>, vector<16xi32> -> vector<16xf32>
        %parallel_loop3A_325 = arith.index_cast %parallel_loop3A_198 : i32 to index
        %parallel_loop3A_326 = arith.constant 96 : index
        %parallel_loop3A_327 = tpu.vector_load %arg25[%parallel_loop3A_325, %parallel_loop3A_326] {strides = array<i32>} : memref<80x128xf32, #tpu.memory_space<vmem>>, vector<16xf32>,
        %parallel_loop3A_328 = arith.mulf %parallel_loop3A_327, %parallel_loop3A_324 : vector<16xf32>
        %parallel_loop3A_329 = arith.index_cast %parallel_loop3A_198 : i32 to index
        %parallel_loop3A_330 = arith.constant 96 : index
        %parallel_loop3A_331 = tpu.vector_load %arg25[%parallel_loop3A_329, %parallel_loop3A_330] {strides = array<i32>} : memref<80x128xf32, #tpu.memory_space<vmem>>, vector<16xf32>,
        tpu.vector_store %arg25[%parallel_loop3A_329, %parallel_loop3A_330], %parallel_loop3A_328 {strides = array<i32>} : memref<80x128xf32, #tpu.memory_space<vmem>>, vector<16xf32>,
        %parallel_loop3A_332 = arith.constant 7 : i32
        %parallel_loop3A_333 = vector.broadcast %parallel_loop3A_332 : i32 to vector<16xi32>
        %parallel_loop3A_334 = arith.constant 0 : i32
        %parallel_loop3A_335 = vector.broadcast %parallel_loop3A_334 : i32 to vector<16xi32>
        %parallel_loop3A_336 = arith.cmpi slt, %parallel_loop3A_333, %parallel_loop3A_335 : vector<16xi32>
        %parallel_loop3A_337 = arith.constant 16 : i32
        %parallel_loop3A_338 = vector.broadcast %parallel_loop3A_337 : i32 to vector<16xi32>
        %parallel_loop3A_339 = arith.addi %parallel_loop3A_333, %parallel_loop3A_338 : vector<16xi32>
        %parallel_loop3A_340 = arith.select %parallel_loop3A_336, %parallel_loop3A_339, %parallel_loop3A_333 : vector<16xi1>, vector<16xi32>
        %parallel_loop3A_341 = vector.shape_cast %parallel_loop3A_340 : vector<16xi32> to vector<16x1xi32>
        %parallel_loop3A_342 = vector.shape_cast %parallel_loop3A_341 : vector<16x1xi32> to vector<16xi32>
        %parallel_loop3A_343 = tpu.dynamic_gather %parallel_loop3A_194[%parallel_loop3A_342] in [0] : vector<16xf32>, vector<16xi32> -> vector<16xf32>
        %parallel_loop3A_344 = arith.index_cast %parallel_loop3A_198 : i32 to index
        %parallel_loop3A_345 = arith.constant 112 : index
        %parallel_loop3A_346 = tpu.vector_load %arg25[%parallel_loop3A_344, %parallel_loop3A_345] {strides = array<i32>} : memref<80x128xf32, #tpu.memory_space<vmem>>, vector<16xf32>,
        %parallel_loop3A_347 = arith.mulf %parallel_loop3A_346, %parallel_loop3A_343 : vector<16xf32>
        %parallel_loop3A_348 = arith.index_cast %parallel_loop3A_198 : i32 to index
        %parallel_loop3A_349 = arith.constant 112 : index
        %parallel_loop3A_350 = tpu.vector_load %arg25[%parallel_loop3A_348, %parallel_loop3A_349] {strides = array<i32>} : memref<80x128xf32, #tpu.memory_space<vmem>>, vector<16xf32>,
        tpu.vector_store %arg25[%parallel_loop3A_348, %parallel_loop3A_349], %parallel_loop3A_347 {strides = array<i32>} : memref<80x128xf32, #tpu.memory_space<vmem>>, vector<16xf32>,
        %parallel_loop3A_351 = arith.constant 2 : i32
        %parallel_loop3A_352 = arith.muli %parallel_loop3A_351, %parallel_loop3A_153 : i32
        %parallel_loop3A_353 = arith.constant 1 : i32
        %parallel_loop3A_354 = arith.addi %parallel_loop3A_352, %parallel_loop3A_353 : i32
        %parallel_loop3A_355 = arith.constant 8 : i32
        %parallel_loop3A_356 = vector.broadcast %parallel_loop3A_355 : i32 to vector<16xi32>
        %parallel_loop3A_357 = arith.constant 0 : i32
        %parallel_loop3A_358 = vector.broadcast %parallel_loop3A_357 : i32 to vector<16xi32>
        %parallel_loop3A_359 = arith.cmpi slt, %parallel_loop3A_356, %parallel_loop3A_358 : vector<16xi32>
        %parallel_loop3A_360 = arith.constant 16 : i32
        %parallel_loop3A_361 = vector.broadcast %parallel_loop3A_360 : i32 to vector<16xi32>
        %parallel_loop3A_362 = arith.addi %parallel_loop3A_356, %parallel_loop3A_361 : vector<16xi32>
        %parallel_loop3A_363 = arith.select %parallel_loop3A_359, %parallel_loop3A_362, %parallel_loop3A_356 : vector<16xi1>, vector<16xi32>
        %parallel_loop3A_364 = vector.shape_cast %parallel_loop3A_363 : vector<16xi32> to vector<16x1xi32>
        %parallel_loop3A_365 = vector.shape_cast %parallel_loop3A_364 : vector<16x1xi32> to vector<16xi32>
        %parallel_loop3A_366 = tpu.dynamic_gather %parallel_loop3A_194[%parallel_loop3A_365] in [0] : vector<16xf32>, vector<16xi32> -> vector<16xf32>
        %parallel_loop3A_367 = arith.index_cast %parallel_loop3A_354 : i32 to index
        %parallel_loop3A_368 = arith.constant 0 : index
        %parallel_loop3A_369 = tpu.vector_load %arg25[%parallel_loop3A_367, %parallel_loop3A_368] {strides = array<i32>} : memref<80x128xf32, #tpu.memory_space<vmem>>, vector<16xf32>,
        %parallel_loop3A_370 = arith.mulf %parallel_loop3A_369, %parallel_loop3A_366 : vector<16xf32>
        %parallel_loop3A_371 = arith.index_cast %parallel_loop3A_354 : i32 to index
        %parallel_loop3A_372 = arith.constant 0 : index
        %parallel_loop3A_373 = tpu.vector_load %arg25[%parallel_loop3A_371, %parallel_loop3A_372] {strides = array<i32>} : memref<80x128xf32, #tpu.memory_space<vmem>>, vector<16xf32>,
        tpu.vector_store %arg25[%parallel_loop3A_371, %parallel_loop3A_372], %parallel_loop3A_370 {strides = array<i32>} : memref<80x128xf32, #tpu.memory_space<vmem>>, vector<16xf32>,
        %parallel_loop3A_374 = arith.constant 9 : i32
        %parallel_loop3A_375 = vector.broadcast %parallel_loop3A_374 : i32 to vector<16xi32>
        %parallel_loop3A_376 = arith.constant 0 : i32
        %parallel_loop3A_377 = vector.broadcast %parallel_loop3A_376 : i32 to vector<16xi32>
        %parallel_loop3A_378 = arith.cmpi slt, %parallel_loop3A_375, %parallel_loop3A_377 : vector<16xi32>
        %parallel_loop3A_379 = arith.constant 16 : i32
        %parallel_loop3A_380 = vector.broadcast %parallel_loop3A_379 : i32 to vector<16xi32>
        %parallel_loop3A_381 = arith.addi %parallel_loop3A_375, %parallel_loop3A_380 : vector<16xi32>
        %parallel_loop3A_382 = arith.select %parallel_loop3A_378, %parallel_loop3A_381, %parallel_loop3A_375 : vector<16xi1>, vector<16xi32>
        %parallel_loop3A_383 = vector.shape_cast %parallel_loop3A_382 : vector<16xi32> to vector<16x1xi32>
        %parallel_loop3A_384 = vector.shape_cast %parallel_loop3A_383 : vector<16x1xi32> to vector<16xi32>
        %parallel_loop3A_385 = tpu.dynamic_gather %parallel_loop3A_194[%parallel_loop3A_384] in [0] : vector<16xf32>, vector<16xi32> -> vector<16xf32>
        %parallel_loop3A_386 = arith.index_cast %parallel_loop3A_354 : i32 to index
        %parallel_loop3A_387 = arith.constant 16 : index
        %parallel_loop3A_388 = tpu.vector_load %arg25[%parallel_loop3A_386, %parallel_loop3A_387] {strides = array<i32>} : memref<80x128xf32, #tpu.memory_space<vmem>>, vector<16xf32>,
        %parallel_loop3A_389 = arith.mulf %parallel_loop3A_388, %parallel_loop3A_385 : vector<16xf32>
        %parallel_loop3A_390 = arith.index_cast %parallel_loop3A_354 : i32 to index
        %parallel_loop3A_391 = arith.constant 16 : index
        %parallel_loop3A_392 = tpu.vector_load %arg25[%parallel_loop3A_390, %parallel_loop3A_391] {strides = array<i32>} : memref<80x128xf32, #tpu.memory_space<vmem>>, vector<16xf32>,
        tpu.vector_store %arg25[%parallel_loop3A_390, %parallel_loop3A_391], %parallel_loop3A_389 {strides = array<i32>} : memref<80x128xf32, #tpu.memory_space<vmem>>, vector<16xf32>,
        %parallel_loop3A_393 = arith.constant 10 : i32
        %parallel_loop3A_394 = vector.broadcast %parallel_loop3A_393 : i32 to vector<16xi32>
        %parallel_loop3A_395 = arith.constant 0 : i32
        %parallel_loop3A_396 = vector.broadcast %parallel_loop3A_395 : i32 to vector<16xi32>
        %parallel_loop3A_397 = arith.cmpi slt, %parallel_loop3A_394, %parallel_loop3A_396 : vector<16xi32>
        %parallel_loop3A_398 = arith.constant 16 : i32
        %parallel_loop3A_399 = vector.broadcast %parallel_loop3A_398 : i32 to vector<16xi32>
        %parallel_loop3A_400 = arith.addi %parallel_loop3A_394, %parallel_loop3A_399 : vector<16xi32>
        %parallel_loop3A_401 = arith.select %parallel_loop3A_397, %parallel_loop3A_400, %parallel_loop3A_394 : vector<16xi1>, vector<16xi32>
        %parallel_loop3A_402 = vector.shape_cast %parallel_loop3A_401 : vector<16xi32> to vector<16x1xi32>
        %parallel_loop3A_403 = vector.shape_cast %parallel_loop3A_402 : vector<16x1xi32> to vector<16xi32>
        %parallel_loop3A_404 = tpu.dynamic_gather %parallel_loop3A_194[%parallel_loop3A_403] in [0] : vector<16xf32>, vector<16xi32> -> vector<16xf32>
        %parallel_loop3A_405 = arith.index_cast %parallel_loop3A_354 : i32 to index
        %parallel_loop3A_406 = arith.constant 32 : index
        %parallel_loop3A_407 = tpu.vector_load %arg25[%parallel_loop3A_405, %parallel_loop3A_406] {strides = array<i32>} : memref<80x128xf32, #tpu.memory_space<vmem>>, vector<16xf32>,
        %parallel_loop3A_408 = arith.mulf %parallel_loop3A_407, %parallel_loop3A_404 : vector<16xf32>
        %parallel_loop3A_409 = arith.index_cast %parallel_loop3A_354 : i32 to index
        %parallel_loop3A_410 = arith.constant 32 : index
        %parallel_loop3A_411 = tpu.vector_load %arg25[%parallel_loop3A_409, %parallel_loop3A_410] {strides = array<i32>} : memref<80x128xf32, #tpu.memory_space<vmem>>, vector<16xf32>,
        tpu.vector_store %arg25[%parallel_loop3A_409, %parallel_loop3A_410], %parallel_loop3A_408 {strides = array<i32>} : memref<80x128xf32, #tpu.memory_space<vmem>>, vector<16xf32>,
        %parallel_loop3A_412 = arith.constant 11 : i32
        %parallel_loop3A_413 = vector.broadcast %parallel_loop3A_412 : i32 to vector<16xi32>
        %parallel_loop3A_414 = arith.constant 0 : i32
        %parallel_loop3A_415 = vector.broadcast %parallel_loop3A_414 : i32 to vector<16xi32>
        %parallel_loop3A_416 = arith.cmpi slt, %parallel_loop3A_413, %parallel_loop3A_415 : vector<16xi32>
        %parallel_loop3A_417 = arith.constant 16 : i32
        %parallel_loop3A_418 = vector.broadcast %parallel_loop3A_417 : i32 to vector<16xi32>
        %parallel_loop3A_419 = arith.addi %parallel_loop3A_413, %parallel_loop3A_418 : vector<16xi32>
        %parallel_loop3A_420 = arith.select %parallel_loop3A_416, %parallel_loop3A_419, %parallel_loop3A_413 : vector<16xi1>, vector<16xi32>
        %parallel_loop3A_421 = vector.shape_cast %parallel_loop3A_420 : vector<16xi32> to vector<16x1xi32>
        %parallel_loop3A_422 = vector.shape_cast %parallel_loop3A_421 : vector<16x1xi32> to vector<16xi32>
        %parallel_loop3A_423 = tpu.dynamic_gather %parallel_loop3A_194[%parallel_loop3A_422] in [0] : vector<16xf32>, vector<16xi32> -> vector<16xf32>
        %parallel_loop3A_424 = arith.index_cast %parallel_loop3A_354 : i32 to index
        %parallel_loop3A_425 = arith.constant 48 : index
        %parallel_loop3A_426 = tpu.vector_load %arg25[%parallel_loop3A_424, %parallel_loop3A_425] {strides = array<i32>} : memref<80x128xf32, #tpu.memory_space<vmem>>, vector<16xf32>,
        %parallel_loop3A_427 = arith.mulf %parallel_loop3A_426, %parallel_loop3A_423 : vector<16xf32>
        %parallel_loop3A_428 = arith.index_cast %parallel_loop3A_354 : i32 to index
        %parallel_loop3A_429 = arith.constant 48 : index
        %parallel_loop3A_430 = tpu.vector_load %arg25[%parallel_loop3A_428, %parallel_loop3A_429] {strides = array<i32>} : memref<80x128xf32, #tpu.memory_space<vmem>>, vector<16xf32>,
        tpu.vector_store %arg25[%parallel_loop3A_428, %parallel_loop3A_429], %parallel_loop3A_427 {strides = array<i32>} : memref<80x128xf32, #tpu.memory_space<vmem>>, vector<16xf32>,
        %parallel_loop3A_431 = arith.constant 12 : i32
        %parallel_loop3A_432 = vector.broadcast %parallel_loop3A_431 : i32 to vector<16xi32>
        %parallel_loop3A_433 = arith.constant 0 : i32
        %parallel_loop3A_434 = vector.broadcast %parallel_loop3A_433 : i32 to vector<16xi32>
        %parallel_loop3A_435 = arith.cmpi slt, %parallel_loop3A_432, %parallel_loop3A_434 : vector<16xi32>
        %parallel_loop3A_436 = arith.constant 16 : i32
        %parallel_loop3A_437 = vector.broadcast %parallel_loop3A_436 : i32 to vector<16xi32>
        %parallel_loop3A_438 = arith.addi %parallel_loop3A_432, %parallel_loop3A_437 : vector<16xi32>
        %parallel_loop3A_439 = arith.select %parallel_loop3A_435, %parallel_loop3A_438, %parallel_loop3A_432 : vector<16xi1>, vector<16xi32>
        %parallel_loop3A_440 = vector.shape_cast %parallel_loop3A_439 : vector<16xi32> to vector<16x1xi32>
        %parallel_loop3A_441 = vector.shape_cast %parallel_loop3A_440 : vector<16x1xi32> to vector<16xi32>
        %parallel_loop3A_442 = tpu.dynamic_gather %parallel_loop3A_194[%parallel_loop3A_441] in [0] : vector<16xf32>, vector<16xi32> -> vector<16xf32>
        %parallel_loop3A_443 = arith.index_cast %parallel_loop3A_354 : i32 to index
        %parallel_loop3A_444 = arith.constant 64 : index
        %parallel_loop3A_445 = tpu.vector_load %arg25[%parallel_loop3A_443, %parallel_loop3A_444] {strides = array<i32>} : memref<80x128xf32, #tpu.memory_space<vmem>>, vector<16xf32>,
        %parallel_loop3A_446 = arith.mulf %parallel_loop3A_445, %parallel_loop3A_442 : vector<16xf32>
        %parallel_loop3A_447 = arith.index_cast %parallel_loop3A_354 : i32 to index
        %parallel_loop3A_448 = arith.constant 64 : index
        %parallel_loop3A_449 = tpu.vector_load %arg25[%parallel_loop3A_447, %parallel_loop3A_448] {strides = array<i32>} : memref<80x128xf32, #tpu.memory_space<vmem>>, vector<16xf32>,
        tpu.vector_store %arg25[%parallel_loop3A_447, %parallel_loop3A_448], %parallel_loop3A_446 {strides = array<i32>} : memref<80x128xf32, #tpu.memory_space<vmem>>, vector<16xf32>,
        %parallel_loop3A_450 = arith.constant 13 : i32
        %parallel_loop3A_451 = vector.broadcast %parallel_loop3A_450 : i32 to vector<16xi32>
        %parallel_loop3A_452 = arith.constant 0 : i32
        %parallel_loop3A_453 = vector.broadcast %parallel_loop3A_452 : i32 to vector<16xi32>
        %parallel_loop3A_454 = arith.cmpi slt, %parallel_loop3A_451, %parallel_loop3A_453 : vector<16xi32>
        %parallel_loop3A_455 = arith.constant 16 : i32
        %parallel_loop3A_456 = vector.broadcast %parallel_loop3A_455 : i32 to vector<16xi32>
        %parallel_loop3A_457 = arith.addi %parallel_loop3A_451, %parallel_loop3A_456 : vector<16xi32>
        %parallel_loop3A_458 = arith.select %parallel_loop3A_454, %parallel_loop3A_457, %parallel_loop3A_451 : vector<16xi1>, vector<16xi32>
        %parallel_loop3A_459 = vector.shape_cast %parallel_loop3A_458 : vector<16xi32> to vector<16x1xi32>
        %parallel_loop3A_460 = vector.shape_cast %parallel_loop3A_459 : vector<16x1xi32> to vector<16xi32>
        %parallel_loop3A_461 = tpu.dynamic_gather %parallel_loop3A_194[%parallel_loop3A_460] in [0] : vector<16xf32>, vector<16xi32> -> vector<16xf32>
        %parallel_loop3A_462 = arith.index_cast %parallel_loop3A_354 : i32 to index
        %parallel_loop3A_463 = arith.constant 80 : index
        %parallel_loop3A_464 = tpu.vector_load %arg25[%parallel_loop3A_462, %parallel_loop3A_463] {strides = array<i32>} : memref<80x128xf32, #tpu.memory_space<vmem>>, vector<16xf32>,
        %parallel_loop3A_465 = arith.mulf %parallel_loop3A_464, %parallel_loop3A_461 : vector<16xf32>
        %parallel_loop3A_466 = arith.index_cast %parallel_loop3A_354 : i32 to index
        %parallel_loop3A_467 = arith.constant 80 : index
        %parallel_loop3A_468 = tpu.vector_load %arg25[%parallel_loop3A_466, %parallel_loop3A_467] {strides = array<i32>} : memref<80x128xf32, #tpu.memory_space<vmem>>, vector<16xf32>,
        tpu.vector_store %arg25[%parallel_loop3A_466, %parallel_loop3A_467], %parallel_loop3A_465 {strides = array<i32>} : memref<80x128xf32, #tpu.memory_space<vmem>>, vector<16xf32>,
        %parallel_loop3A_469 = arith.constant 14 : i32
        %parallel_loop3A_470 = vector.broadcast %parallel_loop3A_469 : i32 to vector<16xi32>
        %parallel_loop3A_471 = arith.constant 0 : i32
        %parallel_loop3A_472 = vector.broadcast %parallel_loop3A_471 : i32 to vector<16xi32>
        %parallel_loop3A_473 = arith.cmpi slt, %parallel_loop3A_470, %parallel_loop3A_472 : vector<16xi32>
        %parallel_loop3A_474 = arith.constant 16 : i32
        %parallel_loop3A_475 = vector.broadcast %parallel_loop3A_474 : i32 to vector<16xi32>
        %parallel_loop3A_476 = arith.addi %parallel_loop3A_470, %parallel_loop3A_475 : vector<16xi32>
        %parallel_loop3A_477 = arith.select %parallel_loop3A_473, %parallel_loop3A_476, %parallel_loop3A_470 : vector<16xi1>, vector<16xi32>
        %parallel_loop3A_478 = vector.shape_cast %parallel_loop3A_477 : vector<16xi32> to vector<16x1xi32>
        %parallel_loop3A_479 = vector.shape_cast %parallel_loop3A_478 : vector<16x1xi32> to vector<16xi32>
        %parallel_loop3A_480 = tpu.dynamic_gather %parallel_loop3A_194[%parallel_loop3A_479] in [0] : vector<16xf32>, vector<16xi32> -> vector<16xf32>
        %parallel_loop3A_481 = arith.index_cast %parallel_loop3A_354 : i32 to index
        %parallel_loop3A_482 = arith.constant 96 : index
        %parallel_loop3A_483 = tpu.vector_load %arg25[%parallel_loop3A_481, %parallel_loop3A_482] {strides = array<i32>} : memref<80x128xf32, #tpu.memory_space<vmem>>, vector<16xf32>,
        %parallel_loop3A_484 = arith.mulf %parallel_loop3A_483, %parallel_loop3A_480 : vector<16xf32>
        %parallel_loop3A_485 = arith.index_cast %parallel_loop3A_354 : i32 to index
        %parallel_loop3A_486 = arith.constant 96 : index
        %parallel_loop3A_487 = tpu.vector_load %arg25[%parallel_loop3A_485, %parallel_loop3A_486] {strides = array<i32>} : memref<80x128xf32, #tpu.memory_space<vmem>>, vector<16xf32>,
        tpu.vector_store %arg25[%parallel_loop3A_485, %parallel_loop3A_486], %parallel_loop3A_484 {strides = array<i32>} : memref<80x128xf32, #tpu.memory_space<vmem>>, vector<16xf32>,
        %parallel_loop3A_488 = arith.constant 15 : i32
        %parallel_loop3A_489 = vector.broadcast %parallel_loop3A_488 : i32 to vector<16xi32>
        %parallel_loop3A_490 = arith.constant 0 : i32
        %parallel_loop3A_491 = vector.broadcast %parallel_loop3A_490 : i32 to vector<16xi32>
        %parallel_loop3A_492 = arith.cmpi slt, %parallel_loop3A_489, %parallel_loop3A_491 : vector<16xi32>
        %parallel_loop3A_493 = arith.constant 16 : i32
        %parallel_loop3A_494 = vector.broadcast %parallel_loop3A_493 : i32 to vector<16xi32>
        %parallel_loop3A_495 = arith.addi %parallel_loop3A_489, %parallel_loop3A_494 : vector<16xi32>
        %parallel_loop3A_496 = arith.select %parallel_loop3A_492, %parallel_loop3A_495, %parallel_loop3A_489 : vector<16xi1>, vector<16xi32>
        %parallel_loop3A_497 = vector.shape_cast %parallel_loop3A_496 : vector<16xi32> to vector<16x1xi32>
        %parallel_loop3A_498 = vector.shape_cast %parallel_loop3A_497 : vector<16x1xi32> to vector<16xi32>
        %parallel_loop3A_499 = tpu.dynamic_gather %parallel_loop3A_194[%parallel_loop3A_498] in [0] : vector<16xf32>, vector<16xi32> -> vector<16xf32>
        %parallel_loop3A_500 = arith.index_cast %parallel_loop3A_354 : i32 to index
        %parallel_loop3A_501 = arith.constant 112 : index
        %parallel_loop3A_502 = tpu.vector_load %arg25[%parallel_loop3A_500, %parallel_loop3A_501] {strides = array<i32>} : memref<80x128xf32, #tpu.memory_space<vmem>>, vector<16xf32>,
        %parallel_loop3A_503 = arith.mulf %parallel_loop3A_502, %parallel_loop3A_499 : vector<16xf32>
        %parallel_loop3A_504 = arith.index_cast %parallel_loop3A_354 : i32 to index
        %parallel_loop3A_505 = arith.constant 112 : index
        %parallel_loop3A_506 = tpu.vector_load %arg25[%parallel_loop3A_504, %parallel_loop3A_505] {strides = array<i32>} : memref<80x128xf32, #tpu.memory_space<vmem>>, vector<16xf32>,
        tpu.vector_store %arg25[%parallel_loop3A_504, %parallel_loop3A_505], %parallel_loop3A_503 {strides = array<i32>} : memref<80x128xf32, #tpu.memory_space<vmem>>, vector<16xf32>,
      } {sc.loop_unroll_factor = 4 : i64, sc.parallel_access}
      %dma_start3A_104 = arith.constant 0 : i32
      %dma_start3A_105 = arith.constant 0 : i32
      %dma_start3A_106 = tpu.memref_slice %arg28[%dma_start3A_104, %dma_start3A_105] : memref<10000x128xf32, #tpu.memory_space<vmem_shared>> -> memref<10000x128xf32, #tpu.memory_space<vmem_shared>>
      tpu.enqueue_indirect_dma source(%arg25 : memref<80x128xf32, #tpu.memory_space<vmem>>) target(%dma_start3A_106 : memref<10000x128xf32, #tpu.memory_space<vmem_shared>>) offsets(%arg17 : memref<80xi32, #tpu.memory_space<vmem>>) semaphore(%arg36 : memref<!tpu.dma_semaphore, #tpu.memory_space<semaphore_mem>>) {add = true}
      %dma_start3A_107 = arith.constant 0 : i32
      %dma_start3A_108 = arith.constant 0 : i32
      %dma_start3A_109 = tpu.memref_slice %arg29[%dma_start3A_107, %dma_start3A_108] : memref<10000x8xf32, #tpu.memory_space<vmem_shared>> -> memref<10000x8xf32, #tpu.memory_space<vmem_shared>>
      tpu.enqueue_indirect_dma source(%arg23 : memref<80x8xf32, #tpu.memory_space<vmem>>) target(%dma_start3A_109 : memref<10000x8xf32, #tpu.memory_space<vmem_shared>>) offsets(%arg17 : memref<80xi32, #tpu.memory_space<vmem>>) semaphore(%arg36 : memref<!tpu.dma_semaphore, #tpu.memory_space<semaphore_mem>>) {add = true}
      %add3A_110 = arith.constant 2 : i32
      %add3A_111 = arith.addi %mul3A_84, %add3A_110 : i32
      %lt3A_112 = arith.cmpi slt, %add3A_111, %add3A_15 : i32
      %convert_element_type3A_113 = arith.extui %lt3A_112 : i1 to i32
      %cond3A_114 = arith.constant 0 : i32
      %cond3A_115 = arith.cmpi ne, %convert_element_type3A_113, %cond3A_114 : i32
      scf.if %cond3A_115 {
        %add3A_153 = arith.constant 2 : i32
        %add3A_154 = arith.addi %mul3A_84, %add3A_153 : i32
        %mul3A_155 = arith.constant 80 : i32
        %mul3A_156 = arith.muli %add3A_154, %mul3A_155 : i32
        %add3A_157 = arith.addi %add3A, %mul3A_156 : i32
        %dma_start3A_158 = tpu.memref_slice %arg2[%add3A_157] : memref<640000xi32, #tpu.memory_space<hbm>> -> memref<80xi32, #tpu.memory_space<hbm>>
        %dma_start3A_159 = tpu.memref_slice %arg2[%add3A_157] : memref<640000xi32, #tpu.memory_space<hbm>> -> memref<80xi32, #tpu.memory_space<hbm>>
        tpu.enqueue_dma source(%dma_start3A_159 : memref<80xi32, #tpu.memory_space<hbm>>) target(%arg13 : memref<80xi32, #tpu.memory_space<vmem>>) target_semaphore(%arg30 : memref<!tpu.dma_semaphore, #tpu.memory_space<semaphore_mem>>)
        %dma_start3A_160 = tpu.memref_slice %arg3[%add3A_157] : memref<640000xi32, #tpu.memory_space<hbm>> -> memref<80xi32, #tpu.memory_space<hbm>>
        %dma_start3A_161 = tpu.memref_slice %arg3[%add3A_157] : memref<640000xi32, #tpu.memory_space<hbm>> -> memref<80xi32, #tpu.memory_space<hbm>>
        tpu.enqueue_dma source(%dma_start3A_161 : memref<80xi32, #tpu.memory_space<hbm>>) target(%arg15 : memref<80xi32, #tpu.memory_space<vmem>>) target_semaphore(%arg30 : memref<!tpu.dma_semaphore, #tpu.memory_space<semaphore_mem>>)
        %dma_start3A_162 = tpu.memref_slice %arg4[%add3A_157] : memref<640000xi32, #tpu.memory_space<hbm>> -> memref<80xi32, #tpu.memory_space<hbm>>
        %dma_start3A_163 = tpu.memref_slice %arg4[%add3A_157] : memref<640000xi32, #tpu.memory_space<hbm>> -> memref<80xi32, #tpu.memory_space<hbm>>
        tpu.enqueue_dma source(%dma_start3A_163 : memref<80xi32, #tpu.memory_space<hbm>>) target(%arg17 : memref<80xi32, #tpu.memory_space<vmem>>) target_semaphore(%arg30 : memref<!tpu.dma_semaphore, #tpu.memory_space<semaphore_mem>>)
      } else {
      }
      %mul3A_116 = arith.constant 2 : i32
      %mul3A_117 = arith.muli %mul3A_116, %while3A_82 : i32
      %add3A_118 = arith.constant 1 : i32
      %add3A_119 = arith.addi %mul3A_117, %add3A_118 : i32
      %add3A_120 = arith.constant 1 : i32
      %add3A_121 = arith.addi %add3A_119, %add3A_120 : i32
      %lt3A_122 = arith.cmpi slt, %add3A_121, %add3A_15 : i32
      %convert_element_type3A_123 = arith.extui %lt3A_122 : i1 to i32
      %cond3A_124 = arith.constant 0 : i32
      %cond3A_125 = arith.cmpi ne, %convert_element_type3A_123, %cond3A_124 : i32
      scf.if %cond3A_125 {
        %dma_wait3A_153 = arith.constant 0 : i32
        %dma_wait3A_154 = tpu.memref_slice %arg2[%dma_wait3A_153] : memref<640000xi32, #tpu.memory_space<hbm>> -> memref<80xi32, #tpu.memory_space<hbm>>
        %dma_wait3A_155 = arith.constant 0 : i32
        %dma_wait3A_156 = tpu.memref_slice %arg2[%dma_wait3A_155] : memref<640000xi32, #tpu.memory_space<hbm>> -> memref<80xi32, #tpu.memory_space<hbm>>
        tpu.wait_dma2 semaphore(%arg30 : memref<!tpu.dma_semaphore, #tpu.memory_space<semaphore_mem>>) src(%dma_wait3A_156 : memref<80xi32, #tpu.memory_space<hbm>>) dst(%arg13 : memref<80xi32, #tpu.memory_space<vmem>>)
        %dma_wait3A_157 = arith.constant 0 : i32
        %dma_wait3A_158 = tpu.memref_slice %arg3[%dma_wait3A_157] : memref<640000xi32, #tpu.memory_space<hbm>> -> memref<80xi32, #tpu.memory_space<hbm>>
        %dma_wait3A_159 = arith.constant 0 : i32
        %dma_wait3A_160 = tpu.memref_slice %arg3[%dma_wait3A_159] : memref<640000xi32, #tpu.memory_space<hbm>> -> memref<80xi32, #tpu.memory_space<hbm>>
        tpu.wait_dma2 semaphore(%arg30 : memref<!tpu.dma_semaphore, #tpu.memory_space<semaphore_mem>>) src(%dma_wait3A_160 : memref<80xi32, #tpu.memory_space<hbm>>) dst(%arg15 : memref<80xi32, #tpu.memory_space<vmem>>)
        %dma_wait3A_161 = arith.constant 0 : i32
        %dma_wait3A_162 = tpu.memref_slice %arg4[%dma_wait3A_161] : memref<640000xi32, #tpu.memory_space<hbm>> -> memref<80xi32, #tpu.memory_space<hbm>>
        %dma_wait3A_163 = arith.constant 0 : i32
        %dma_wait3A_164 = tpu.memref_slice %arg4[%dma_wait3A_163] : memref<640000xi32, #tpu.memory_space<hbm>> -> memref<80xi32, #tpu.memory_space<hbm>>
        tpu.wait_dma2 semaphore(%arg30 : memref<!tpu.dma_semaphore, #tpu.memory_space<semaphore_mem>>) src(%dma_wait3A_164 : memref<80xi32, #tpu.memory_space<hbm>>) dst(%arg17 : memref<80xi32, #tpu.memory_space<vmem>>)
        %ge3A = arith.constant 1 : i32
        %ge3A_165 = arith.cmpi sge, %add3A_119, %ge3A : i32
        %convert_element_type3A_166 = arith.extui %ge3A_165 : i1 to i32
        %cond3A_167 = arith.constant 0 : i32
        %cond3A_168 = arith.cmpi ne, %convert_element_type3A_166, %cond3A_167 : i32
        scf.if %cond3A_168 {
          %dma_wait3A_178 = arith.constant 0 : i32
          %dma_wait3A_179 = arith.constant 0 : i32
          %dma_wait3A_180 = tpu.memref_slice %arg28[%dma_wait3A_178, %dma_wait3A_179] : memref<10000x128xf32, #tpu.memory_space<vmem_shared>> -> memref<10000x128xf32, #tpu.memory_space<vmem_shared>>
          tpu.wait_indirect_dma semaphore(%arg36 : memref<!tpu.dma_semaphore, #tpu.memory_space<semaphore_mem>>) src(%arg25 : memref<80x128xf32, #tpu.memory_space<vmem>>) dst(%dma_wait3A_180 : memref<10000x128xf32, #tpu.memory_space<vmem_shared>>)
          %dma_wait3A_181 = arith.constant 0 : i32
          %dma_wait3A_182 = arith.constant 0 : i32
          %dma_wait3A_183 = tpu.memref_slice %arg29[%dma_wait3A_181, %dma_wait3A_182] : memref<10000x8xf32, #tpu.memory_space<vmem_shared>> -> memref<10000x8xf32, #tpu.memory_space<vmem_shared>>
          tpu.wait_indirect_dma semaphore(%arg36 : memref<!tpu.dma_semaphore, #tpu.memory_space<semaphore_mem>>) src(%arg23 : memref<80x8xf32, #tpu.memory_space<vmem>>) dst(%dma_wait3A_183 : memref<10000x8xf32, #tpu.memory_space<vmem_shared>>)
        } else {
        }
        %dma_start3A_169 = arith.constant 0 : i32
        %dma_start3A_170 = arith.constant 0 : i32
        %dma_start3A_171 = tpu.memref_slice %arg5[%dma_start3A_169, %dma_start3A_170] : memref<20000x8xf32, #tpu.memory_space<hbm>> -> memref<20000x8xf32, #tpu.memory_space<hbm>>
        tpu.enqueue_indirect_dma source(%dma_start3A_171 : memref<20000x8xf32, #tpu.memory_space<hbm>>) target(%arg19 : memref<80x8xf32, #tpu.memory_space<vmem>>) offsets(%arg13 : memref<80xi32, #tpu.memory_space<vmem>>) semaphore(%arg32 : memref<!tpu.dma_semaphore, #tpu.memory_space<semaphore_mem>>)
        %dma_start3A_172 = arith.constant 0 : i32
        %dma_start3A_173 = arith.constant 0 : i32
        %dma_start3A_174 = tpu.memref_slice %arg6[%dma_start3A_172, %dma_start3A_173] : memref<20000x8xf32, #tpu.memory_space<hbm>> -> memref<20000x8xf32, #tpu.memory_space<hbm>>
        tpu.enqueue_indirect_dma source(%dma_start3A_174 : memref<20000x8xf32, #tpu.memory_space<hbm>>) target(%arg21 : memref<80x8xf32, #tpu.memory_space<vmem>>) offsets(%arg15 : memref<80xi32, #tpu.memory_space<vmem>>) semaphore(%arg32 : memref<!tpu.dma_semaphore, #tpu.memory_space<semaphore_mem>>)
        %dma_start3A_175 = arith.constant 0 : i32
        %dma_start3A_176 = arith.constant 0 : i32
        %dma_start3A_177 = tpu.memref_slice %arg7[%dma_start3A_175, %dma_start3A_176] : memref<20000x128xf32, #tpu.memory_space<hbm>> -> memref<20000x128xf32, #tpu.memory_space<hbm>>
        tpu.enqueue_indirect_dma source(%dma_start3A_177 : memref<20000x128xf32, #tpu.memory_space<hbm>>) target(%arg25 : memref<80x128xf32, #tpu.memory_space<vmem>>) offsets(%arg13 : memref<80xi32, #tpu.memory_space<vmem>>) semaphore(%arg34 : memref<!tpu.dma_semaphore, #tpu.memory_space<semaphore_mem>>)
      } else {
      }
      %dma_wait3A_126 = arith.constant 0 : i32
      %dma_wait3A_127 = arith.constant 0 : i32
      %dma_wait3A_128 = tpu.memref_slice %arg5[%dma_wait3A_126, %dma_wait3A_127] : memref<20000x8xf32, #tpu.memory_space<hbm>> -> memref<20000x8xf32, #tpu.memory_space<hbm>>
      tpu.wait_indirect_dma semaphore(%arg33 : memref<!tpu.dma_semaphore, #tpu.memory_space<semaphore_mem>>) src(%dma_wait3A_128 : memref<20000x8xf32, #tpu.memory_space<hbm>>) dst(%arg20 : memref<80x8xf32, #tpu.memory_space<vmem>>)
      %dma_wait3A_129 = arith.constant 0 : i32
      %dma_wait3A_130 = arith.constant 0 : i32
      %dma_wait3A_131 = tpu.memref_slice %arg6[%dma_wait3A_129, %dma_wait3A_130] : memref<20000x8xf32, #tpu.memory_space<hbm>> -> memref<20000x8xf32, #tpu.memory_space<hbm>>
      tpu.wait_indirect_dma semaphore(%arg33 : memref<!tpu.dma_semaphore, #tpu.memory_space<semaphore_mem>>) src(%dma_wait3A_131 : memref<20000x8xf32, #tpu.memory_space<hbm>>) dst(%arg22 : memref<80x8xf32, #tpu.memory_space<vmem>>)
      %parallel_loop3A_132 = arith.constant 0 : i32
      %parallel_loop3A_133 = arith.constant 40 : i32
      %parallel_loop3A_134 = arith.constant 1 : i32
      scf.for %parallel_loop3A_153 = %parallel_loop3A_132 to %parallel_loop3A_133 step %parallel_loop3A_134  : i32 {
        %parallel_loop3A_154 = tpu.iota {dimensions = array<i32: 0>} : vector<16xi32>
        %parallel_loop3A_155 = arith.constant 8 : i32
        %parallel_loop3A_156 = vector.broadcast %parallel_loop3A_155 : i32 to vector<16xi32>
        %parallel_loop3A_157 = arith.divsi %parallel_loop3A_154, %parallel_loop3A_156 : vector<16xi32>
        %parallel_loop3A_158 = arith.constant 0 : i32
        %parallel_loop3A_159 = vector.broadcast %parallel_loop3A_158 : i32 to vector<16xi32>
        %parallel_loop3A_160 = arith.cmpi sgt, %parallel_loop3A_154, %parallel_loop3A_159 : vector<16xi32>
        %parallel_loop3A_161 = arith.extui %parallel_loop3A_160 : vector<16xi1> to vector<16xi32>
        %parallel_loop3A_162 = arith.constant 0 : i32
        %parallel_loop3A_163 = vector.broadcast %parallel_loop3A_162 : i32 to vector<16xi32>
        %parallel_loop3A_164 = arith.cmpi slt, %parallel_loop3A_154, %parallel_loop3A_163 : vector<16xi32>
        %parallel_loop3A_165 = arith.extui %parallel_loop3A_164 : vector<16xi1> to vector<16xi32>
        %parallel_loop3A_166 = arith.subi %parallel_loop3A_161, %parallel_loop3A_165 : vector<16xi32>
        %parallel_loop3A_167 = arith.constant 0 : i32
        %parallel_loop3A_168 = arith.cmpi sgt, %parallel_loop3A_155, %parallel_loop3A_167 : i32
        %parallel_loop3A_169 = arith.extui %parallel_loop3A_168 : i1 to i32
        %parallel_loop3A_170 = arith.constant 0 : i32
        %parallel_loop3A_171 = arith.cmpi slt, %parallel_loop3A_155, %parallel_loop3A_170 : i32
        %parallel_loop3A_172 = arith.extui %parallel_loop3A_171 : i1 to i32
        %parallel_loop3A_173 = arith.subi %parallel_loop3A_169, %parallel_loop3A_172 : i32
        %parallel_loop3A_174 = vector.broadcast %parallel_loop3A_173 : i32 to vector<16xi32>
        %parallel_loop3A_175 = arith.cmpi ne, %parallel_loop3A_166, %parallel_loop3A_174 : vector<16xi32>
        %parallel_loop3A_176 = vector.broadcast %parallel_loop3A_155 : i32 to vector<16xi32>
        %parallel_loop3A_177 = arith.remsi %parallel_loop3A_154, %parallel_loop3A_176 : vector<16xi32>
        %parallel_loop3A_178 = arith.constant 0 : i32
        %parallel_loop3A_179 = vector.broadcast %parallel_loop3A_178 : i32 to vector<16xi32>
        %parallel_loop3A_180 = arith.cmpi ne, %parallel_loop3A_177, %parallel_loop3A_179 : vector<16xi32>
        %parallel_loop3A_181 = arith.andi %parallel_loop3A_175, %parallel_loop3A_180 : vector<16xi1>
        %parallel_loop3A_182 = arith.constant 1 : i32
        %parallel_loop3A_183 = vector.broadcast %parallel_loop3A_182 : i32 to vector<16xi32>
        %parallel_loop3A_184 = arith.subi %parallel_loop3A_157, %parallel_loop3A_183 : vector<16xi32>
        %parallel_loop3A_185 = arith.select %parallel_loop3A_181, %parallel_loop3A_184, %parallel_loop3A_157 : vector<16xi1>, vector<16xi32>
        %parallel_loop3A_186 = arith.constant 8 : i32
        %parallel_loop3A_187 = vector.broadcast %parallel_loop3A_186 : i32 to vector<16xi32>
        %parallel_loop3A_188 = arith.muli %parallel_loop3A_187, %parallel_loop3A_185 : vector<16xi32>
        %parallel_loop3A_189 = arith.subi %parallel_loop3A_154, %parallel_loop3A_188 : vector<16xi32>
        %parallel_loop3A_190 = arith.constant 0 : index
        %parallel_loop3A_191 = tpu.vector_load %arg27[%parallel_loop3A_190] {strides = array<i32>} : memref<16xf32, #tpu.memory_space<vmem>>, vector<16xf32>,
        %parallel_loop3A_192 = arith.constant 2 : i32
        %parallel_loop3A_193 = arith.muli %parallel_loop3A_192, %parallel_loop3A_153 : i32
        %parallel_loop3A_194 = vector.broadcast %parallel_loop3A_193 : i32 to vector<16xi32>
        %parallel_loop3A_195 = arith.addi %parallel_loop3A_194, %parallel_loop3A_185 : vector<16xi32>
        %parallel_loop3A_196 = tpu.vector_load_idx %arg20[%parallel_loop3A_195, %parallel_loop3A_189] : memref<80x8xf32, #tpu.memory_space<vmem>>[vector<16xi32>, vector<16xi32>], vector<16xf32>,
        %parallel_loop3A_197 = tpu.vector_load_idx %arg22[%parallel_loop3A_195, %parallel_loop3A_189] : memref<80x8xf32, #tpu.memory_space<vmem>>[vector<16xi32>, vector<16xi32>], vector<16xf32>,
        %parallel_loop3A_198 = arith.addf %parallel_loop3A_196, %parallel_loop3A_197 : vector<16xf32>
        %parallel_loop3A_199 = arith.constant 2.000000e-01 : f32
        %parallel_loop3A_200 = vector.broadcast %parallel_loop3A_199 : f32 to vector<16xf32>
        %parallel_loop3A_201 = arith.mulf %parallel_loop3A_200, %parallel_loop3A_198 : vector<16xf32>
        %parallel_loop3A_202 = arith.maximumf %parallel_loop3A_198, %parallel_loop3A_201 : vector<16xf32>
        %parallel_loop3A_203 = arith.subf %parallel_loop3A_202, %parallel_loop3A_191 : vector<16xf32>
        %parallel_loop3A_204 = math.exp %parallel_loop3A_203 : vector<16xf32>
        tpu.vector_store_idx %arg24[%parallel_loop3A_195, %parallel_loop3A_189], %parallel_loop3A_204 : memref<80x8xf32, #tpu.memory_space<vmem>>[vector<16xi32>, vector<16xi32>], vector<16xf32>,
      } {sc.loop_unroll_factor = 8 : i64, sc.parallel_access}
      %dma_wait3A_135 = arith.constant 0 : i32
      %dma_wait3A_136 = arith.constant 0 : i32
      %dma_wait3A_137 = tpu.memref_slice %arg7[%dma_wait3A_135, %dma_wait3A_136] : memref<20000x128xf32, #tpu.memory_space<hbm>> -> memref<20000x128xf32, #tpu.memory_space<hbm>>
      tpu.wait_indirect_dma semaphore(%arg35 : memref<!tpu.dma_semaphore, #tpu.memory_space<semaphore_mem>>) src(%dma_wait3A_137 : memref<20000x128xf32, #tpu.memory_space<hbm>>) dst(%arg26 : memref<80x128xf32, #tpu.memory_space<vmem>>)
      %parallel_loop3A_138 = arith.constant 0 : i32
      %parallel_loop3A_139 = arith.constant 40 : i32
      %parallel_loop3A_140 = arith.constant 1 : i32
      scf.for %parallel_loop3A_153 = %parallel_loop3A_138 to %parallel_loop3A_139 step %parallel_loop3A_140  : i32 {
        %parallel_loop3A_154 = tpu.iota {dimensions = array<i32: 0>} : vector<16xi32>
        %parallel_loop3A_155 = arith.constant 8 : i32
        %parallel_loop3A_156 = vector.broadcast %parallel_loop3A_155 : i32 to vector<16xi32>
        %parallel_loop3A_157 = arith.divsi %parallel_loop3A_154, %parallel_loop3A_156 : vector<16xi32>
        %parallel_loop3A_158 = arith.constant 0 : i32
        %parallel_loop3A_159 = vector.broadcast %parallel_loop3A_158 : i32 to vector<16xi32>
        %parallel_loop3A_160 = arith.cmpi sgt, %parallel_loop3A_154, %parallel_loop3A_159 : vector<16xi32>
        %parallel_loop3A_161 = arith.extui %parallel_loop3A_160 : vector<16xi1> to vector<16xi32>
        %parallel_loop3A_162 = arith.constant 0 : i32
        %parallel_loop3A_163 = vector.broadcast %parallel_loop3A_162 : i32 to vector<16xi32>
        %parallel_loop3A_164 = arith.cmpi slt, %parallel_loop3A_154, %parallel_loop3A_163 : vector<16xi32>
        %parallel_loop3A_165 = arith.extui %parallel_loop3A_164 : vector<16xi1> to vector<16xi32>
        %parallel_loop3A_166 = arith.subi %parallel_loop3A_161, %parallel_loop3A_165 : vector<16xi32>
        %parallel_loop3A_167 = arith.constant 0 : i32
        %parallel_loop3A_168 = arith.cmpi sgt, %parallel_loop3A_155, %parallel_loop3A_167 : i32
        %parallel_loop3A_169 = arith.extui %parallel_loop3A_168 : i1 to i32
        %parallel_loop3A_170 = arith.constant 0 : i32
        %parallel_loop3A_171 = arith.cmpi slt, %parallel_loop3A_155, %parallel_loop3A_170 : i32
        %parallel_loop3A_172 = arith.extui %parallel_loop3A_171 : i1 to i32
        %parallel_loop3A_173 = arith.subi %parallel_loop3A_169, %parallel_loop3A_172 : i32
        %parallel_loop3A_174 = vector.broadcast %parallel_loop3A_173 : i32 to vector<16xi32>
        %parallel_loop3A_175 = arith.cmpi ne, %parallel_loop3A_166, %parallel_loop3A_174 : vector<16xi32>
        %parallel_loop3A_176 = vector.broadcast %parallel_loop3A_155 : i32 to vector<16xi32>
        %parallel_loop3A_177 = arith.remsi %parallel_loop3A_154, %parallel_loop3A_176 : vector<16xi32>
        %parallel_loop3A_178 = arith.constant 0 : i32
        %parallel_loop3A_179 = vector.broadcast %parallel_loop3A_178 : i32 to vector<16xi32>
        %parallel_loop3A_180 = arith.cmpi ne, %parallel_loop3A_177, %parallel_loop3A_179 : vector<16xi32>
        %parallel_loop3A_181 = arith.andi %parallel_loop3A_175, %parallel_loop3A_180 : vector<16xi1>
        %parallel_loop3A_182 = arith.constant 1 : i32
        %parallel_loop3A_183 = vector.broadcast %parallel_loop3A_182 : i32 to vector<16xi32>
        %parallel_loop3A_184 = arith.subi %parallel_loop3A_157, %parallel_loop3A_183 : vector<16xi32>
        %parallel_loop3A_185 = arith.select %parallel_loop3A_181, %parallel_loop3A_184, %parallel_loop3A_157 : vector<16xi1>, vector<16xi32>
        %parallel_loop3A_186 = arith.constant 8 : i32
        %parallel_loop3A_187 = vector.broadcast %parallel_loop3A_186 : i32 to vector<16xi32>
        %parallel_loop3A_188 = arith.muli %parallel_loop3A_187, %parallel_loop3A_185 : vector<16xi32>
        %parallel_loop3A_189 = arith.subi %parallel_loop3A_154, %parallel_loop3A_188 : vector<16xi32>
        %parallel_loop3A_190 = arith.constant 2 : i32
        %parallel_loop3A_191 = arith.muli %parallel_loop3A_190, %parallel_loop3A_153 : i32
        %parallel_loop3A_192 = vector.broadcast %parallel_loop3A_191 : i32 to vector<16xi32>
        %parallel_loop3A_193 = arith.addi %parallel_loop3A_192, %parallel_loop3A_185 : vector<16xi32>
        %parallel_loop3A_194 = tpu.vector_load_idx %arg24[%parallel_loop3A_193, %parallel_loop3A_189] : memref<80x8xf32, #tpu.memory_space<vmem>>[vector<16xi32>, vector<16xi32>], vector<16xf32>,
        %parallel_loop3A_195 = arith.constant 2 : i32
        %parallel_loop3A_196 = arith.muli %parallel_loop3A_195, %parallel_loop3A_153 : i32
        %parallel_loop3A_197 = arith.constant 0 : i32
        %parallel_loop3A_198 = arith.addi %parallel_loop3A_196, %parallel_loop3A_197 : i32
        %parallel_loop3A_199 = arith.constant 0 : i32
        %parallel_loop3A_200 = vector.broadcast %parallel_loop3A_199 : i32 to vector<16xi32>
        %parallel_loop3A_201 = arith.constant 0 : i32
        %parallel_loop3A_202 = vector.broadcast %parallel_loop3A_201 : i32 to vector<16xi32>
        %parallel_loop3A_203 = arith.cmpi slt, %parallel_loop3A_200, %parallel_loop3A_202 : vector<16xi32>
        %parallel_loop3A_204 = arith.constant 16 : i32
        %parallel_loop3A_205 = vector.broadcast %parallel_loop3A_204 : i32 to vector<16xi32>
        %parallel_loop3A_206 = arith.addi %parallel_loop3A_200, %parallel_loop3A_205 : vector<16xi32>
        %parallel_loop3A_207 = arith.select %parallel_loop3A_203, %parallel_loop3A_206, %parallel_loop3A_200 : vector<16xi1>, vector<16xi32>
        %parallel_loop3A_208 = vector.shape_cast %parallel_loop3A_207 : vector<16xi32> to vector<16x1xi32>
        %parallel_loop3A_209 = vector.shape_cast %parallel_loop3A_208 : vector<16x1xi32> to vector<16xi32>
        %parallel_loop3A_210 = tpu.dynamic_gather %parallel_loop3A_194[%parallel_loop3A_209] in [0] : vector<16xf32>, vector<16xi32> -> vector<16xf32>
        %parallel_loop3A_211 = arith.index_cast %parallel_loop3A_198 : i32 to index
        %parallel_loop3A_212 = arith.constant 0 : index
        %parallel_loop3A_213 = tpu.vector_load %arg26[%parallel_loop3A_211, %parallel_loop3A_212] {strides = array<i32>} : memref<80x128xf32, #tpu.memory_space<vmem>>, vector<16xf32>,
        %parallel_loop3A_214 = arith.mulf %parallel_loop3A_213, %parallel_loop3A_210 : vector<16xf32>
        %parallel_loop3A_215 = arith.index_cast %parallel_loop3A_198 : i32 to index
        %parallel_loop3A_216 = arith.constant 0 : index
        %parallel_loop3A_217 = tpu.vector_load %arg26[%parallel_loop3A_215, %parallel_loop3A_216] {strides = array<i32>} : memref<80x128xf32, #tpu.memory_space<vmem>>, vector<16xf32>,
        tpu.vector_store %arg26[%parallel_loop3A_215, %parallel_loop3A_216], %parallel_loop3A_214 {strides = array<i32>} : memref<80x128xf32, #tpu.memory_space<vmem>>, vector<16xf32>,
        %parallel_loop3A_218 = arith.constant 1 : i32
        %parallel_loop3A_219 = vector.broadcast %parallel_loop3A_218 : i32 to vector<16xi32>
        %parallel_loop3A_220 = arith.constant 0 : i32
        %parallel_loop3A_221 = vector.broadcast %parallel_loop3A_220 : i32 to vector<16xi32>
        %parallel_loop3A_222 = arith.cmpi slt, %parallel_loop3A_219, %parallel_loop3A_221 : vector<16xi32>
        %parallel_loop3A_223 = arith.constant 16 : i32
        %parallel_loop3A_224 = vector.broadcast %parallel_loop3A_223 : i32 to vector<16xi32>
        %parallel_loop3A_225 = arith.addi %parallel_loop3A_219, %parallel_loop3A_224 : vector<16xi32>
        %parallel_loop3A_226 = arith.select %parallel_loop3A_222, %parallel_loop3A_225, %parallel_loop3A_219 : vector<16xi1>, vector<16xi32>
        %parallel_loop3A_227 = vector.shape_cast %parallel_loop3A_226 : vector<16xi32> to vector<16x1xi32>
        %parallel_loop3A_228 = vector.shape_cast %parallel_loop3A_227 : vector<16x1xi32> to vector<16xi32>
        %parallel_loop3A_229 = tpu.dynamic_gather %parallel_loop3A_194[%parallel_loop3A_228] in [0] : vector<16xf32>, vector<16xi32> -> vector<16xf32>
        %parallel_loop3A_230 = arith.index_cast %parallel_loop3A_198 : i32 to index
        %parallel_loop3A_231 = arith.constant 16 : index
        %parallel_loop3A_232 = tpu.vector_load %arg26[%parallel_loop3A_230, %parallel_loop3A_231] {strides = array<i32>} : memref<80x128xf32, #tpu.memory_space<vmem>>, vector<16xf32>,
        %parallel_loop3A_233 = arith.mulf %parallel_loop3A_232, %parallel_loop3A_229 : vector<16xf32>
        %parallel_loop3A_234 = arith.index_cast %parallel_loop3A_198 : i32 to index
        %parallel_loop3A_235 = arith.constant 16 : index
        %parallel_loop3A_236 = tpu.vector_load %arg26[%parallel_loop3A_234, %parallel_loop3A_235] {strides = array<i32>} : memref<80x128xf32, #tpu.memory_space<vmem>>, vector<16xf32>,
        tpu.vector_store %arg26[%parallel_loop3A_234, %parallel_loop3A_235], %parallel_loop3A_233 {strides = array<i32>} : memref<80x128xf32, #tpu.memory_space<vmem>>, vector<16xf32>,
        %parallel_loop3A_237 = arith.constant 2 : i32
        %parallel_loop3A_238 = vector.broadcast %parallel_loop3A_237 : i32 to vector<16xi32>
        %parallel_loop3A_239 = arith.constant 0 : i32
        %parallel_loop3A_240 = vector.broadcast %parallel_loop3A_239 : i32 to vector<16xi32>
        %parallel_loop3A_241 = arith.cmpi slt, %parallel_loop3A_238, %parallel_loop3A_240 : vector<16xi32>
        %parallel_loop3A_242 = arith.constant 16 : i32
        %parallel_loop3A_243 = vector.broadcast %parallel_loop3A_242 : i32 to vector<16xi32>
        %parallel_loop3A_244 = arith.addi %parallel_loop3A_238, %parallel_loop3A_243 : vector<16xi32>
        %parallel_loop3A_245 = arith.select %parallel_loop3A_241, %parallel_loop3A_244, %parallel_loop3A_238 : vector<16xi1>, vector<16xi32>
        %parallel_loop3A_246 = vector.shape_cast %parallel_loop3A_245 : vector<16xi32> to vector<16x1xi32>
        %parallel_loop3A_247 = vector.shape_cast %parallel_loop3A_246 : vector<16x1xi32> to vector<16xi32>
        %parallel_loop3A_248 = tpu.dynamic_gather %parallel_loop3A_194[%parallel_loop3A_247] in [0] : vector<16xf32>, vector<16xi32> -> vector<16xf32>
        %parallel_loop3A_249 = arith.index_cast %parallel_loop3A_198 : i32 to index
        %parallel_loop3A_250 = arith.constant 32 : index
        %parallel_loop3A_251 = tpu.vector_load %arg26[%parallel_loop3A_249, %parallel_loop3A_250] {strides = array<i32>} : memref<80x128xf32, #tpu.memory_space<vmem>>, vector<16xf32>,
        %parallel_loop3A_252 = arith.mulf %parallel_loop3A_251, %parallel_loop3A_248 : vector<16xf32>
        %parallel_loop3A_253 = arith.index_cast %parallel_loop3A_198 : i32 to index
        %parallel_loop3A_254 = arith.constant 32 : index
        %parallel_loop3A_255 = tpu.vector_load %arg26[%parallel_loop3A_253, %parallel_loop3A_254] {strides = array<i32>} : memref<80x128xf32, #tpu.memory_space<vmem>>, vector<16xf32>,
        tpu.vector_store %arg26[%parallel_loop3A_253, %parallel_loop3A_254], %parallel_loop3A_252 {strides = array<i32>} : memref<80x128xf32, #tpu.memory_space<vmem>>, vector<16xf32>,
        %parallel_loop3A_256 = arith.constant 3 : i32
        %parallel_loop3A_257 = vector.broadcast %parallel_loop3A_256 : i32 to vector<16xi32>
        %parallel_loop3A_258 = arith.constant 0 : i32
        %parallel_loop3A_259 = vector.broadcast %parallel_loop3A_258 : i32 to vector<16xi32>
        %parallel_loop3A_260 = arith.cmpi slt, %parallel_loop3A_257, %parallel_loop3A_259 : vector<16xi32>
        %parallel_loop3A_261 = arith.constant 16 : i32
        %parallel_loop3A_262 = vector.broadcast %parallel_loop3A_261 : i32 to vector<16xi32>
        %parallel_loop3A_263 = arith.addi %parallel_loop3A_257, %parallel_loop3A_262 : vector<16xi32>
        %parallel_loop3A_264 = arith.select %parallel_loop3A_260, %parallel_loop3A_263, %parallel_loop3A_257 : vector<16xi1>, vector<16xi32>
        %parallel_loop3A_265 = vector.shape_cast %parallel_loop3A_264 : vector<16xi32> to vector<16x1xi32>
        %parallel_loop3A_266 = vector.shape_cast %parallel_loop3A_265 : vector<16x1xi32> to vector<16xi32>
        %parallel_loop3A_267 = tpu.dynamic_gather %parallel_loop3A_194[%parallel_loop3A_266] in [0] : vector<16xf32>, vector<16xi32> -> vector<16xf32>
        %parallel_loop3A_268 = arith.index_cast %parallel_loop3A_198 : i32 to index
        %parallel_loop3A_269 = arith.constant 48 : index
        %parallel_loop3A_270 = tpu.vector_load %arg26[%parallel_loop3A_268, %parallel_loop3A_269] {strides = array<i32>} : memref<80x128xf32, #tpu.memory_space<vmem>>, vector<16xf32>,
        %parallel_loop3A_271 = arith.mulf %parallel_loop3A_270, %parallel_loop3A_267 : vector<16xf32>
        %parallel_loop3A_272 = arith.index_cast %parallel_loop3A_198 : i32 to index
        %parallel_loop3A_273 = arith.constant 48 : index
        %parallel_loop3A_274 = tpu.vector_load %arg26[%parallel_loop3A_272, %parallel_loop3A_273] {strides = array<i32>} : memref<80x128xf32, #tpu.memory_space<vmem>>, vector<16xf32>,
        tpu.vector_store %arg26[%parallel_loop3A_272, %parallel_loop3A_273], %parallel_loop3A_271 {strides = array<i32>} : memref<80x128xf32, #tpu.memory_space<vmem>>, vector<16xf32>,
        %parallel_loop3A_275 = arith.constant 4 : i32
        %parallel_loop3A_276 = vector.broadcast %parallel_loop3A_275 : i32 to vector<16xi32>
        %parallel_loop3A_277 = arith.constant 0 : i32
        %parallel_loop3A_278 = vector.broadcast %parallel_loop3A_277 : i32 to vector<16xi32>
        %parallel_loop3A_279 = arith.cmpi slt, %parallel_loop3A_276, %parallel_loop3A_278 : vector<16xi32>
        %parallel_loop3A_280 = arith.constant 16 : i32
        %parallel_loop3A_281 = vector.broadcast %parallel_loop3A_280 : i32 to vector<16xi32>
        %parallel_loop3A_282 = arith.addi %parallel_loop3A_276, %parallel_loop3A_281 : vector<16xi32>
        %parallel_loop3A_283 = arith.select %parallel_loop3A_279, %parallel_loop3A_282, %parallel_loop3A_276 : vector<16xi1>, vector<16xi32>
        %parallel_loop3A_284 = vector.shape_cast %parallel_loop3A_283 : vector<16xi32> to vector<16x1xi32>
        %parallel_loop3A_285 = vector.shape_cast %parallel_loop3A_284 : vector<16x1xi32> to vector<16xi32>
        %parallel_loop3A_286 = tpu.dynamic_gather %parallel_loop3A_194[%parallel_loop3A_285] in [0] : vector<16xf32>, vector<16xi32> -> vector<16xf32>
        %parallel_loop3A_287 = arith.index_cast %parallel_loop3A_198 : i32 to index
        %parallel_loop3A_288 = arith.constant 64 : index
        %parallel_loop3A_289 = tpu.vector_load %arg26[%parallel_loop3A_287, %parallel_loop3A_288] {strides = array<i32>} : memref<80x128xf32, #tpu.memory_space<vmem>>, vector<16xf32>,
        %parallel_loop3A_290 = arith.mulf %parallel_loop3A_289, %parallel_loop3A_286 : vector<16xf32>
        %parallel_loop3A_291 = arith.index_cast %parallel_loop3A_198 : i32 to index
        %parallel_loop3A_292 = arith.constant 64 : index
        %parallel_loop3A_293 = tpu.vector_load %arg26[%parallel_loop3A_291, %parallel_loop3A_292] {strides = array<i32>} : memref<80x128xf32, #tpu.memory_space<vmem>>, vector<16xf32>,
        tpu.vector_store %arg26[%parallel_loop3A_291, %parallel_loop3A_292], %parallel_loop3A_290 {strides = array<i32>} : memref<80x128xf32, #tpu.memory_space<vmem>>, vector<16xf32>,
        %parallel_loop3A_294 = arith.constant 5 : i32
        %parallel_loop3A_295 = vector.broadcast %parallel_loop3A_294 : i32 to vector<16xi32>
        %parallel_loop3A_296 = arith.constant 0 : i32
        %parallel_loop3A_297 = vector.broadcast %parallel_loop3A_296 : i32 to vector<16xi32>
        %parallel_loop3A_298 = arith.cmpi slt, %parallel_loop3A_295, %parallel_loop3A_297 : vector<16xi32>
        %parallel_loop3A_299 = arith.constant 16 : i32
        %parallel_loop3A_300 = vector.broadcast %parallel_loop3A_299 : i32 to vector<16xi32>
        %parallel_loop3A_301 = arith.addi %parallel_loop3A_295, %parallel_loop3A_300 : vector<16xi32>
        %parallel_loop3A_302 = arith.select %parallel_loop3A_298, %parallel_loop3A_301, %parallel_loop3A_295 : vector<16xi1>, vector<16xi32>
        %parallel_loop3A_303 = vector.shape_cast %parallel_loop3A_302 : vector<16xi32> to vector<16x1xi32>
        %parallel_loop3A_304 = vector.shape_cast %parallel_loop3A_303 : vector<16x1xi32> to vector<16xi32>
        %parallel_loop3A_305 = tpu.dynamic_gather %parallel_loop3A_194[%parallel_loop3A_304] in [0] : vector<16xf32>, vector<16xi32> -> vector<16xf32>
        %parallel_loop3A_306 = arith.index_cast %parallel_loop3A_198 : i32 to index
        %parallel_loop3A_307 = arith.constant 80 : index
        %parallel_loop3A_308 = tpu.vector_load %arg26[%parallel_loop3A_306, %parallel_loop3A_307] {strides = array<i32>} : memref<80x128xf32, #tpu.memory_space<vmem>>, vector<16xf32>,
        %parallel_loop3A_309 = arith.mulf %parallel_loop3A_308, %parallel_loop3A_305 : vector<16xf32>
        %parallel_loop3A_310 = arith.index_cast %parallel_loop3A_198 : i32 to index
        %parallel_loop3A_311 = arith.constant 80 : index
        %parallel_loop3A_312 = tpu.vector_load %arg26[%parallel_loop3A_310, %parallel_loop3A_311] {strides = array<i32>} : memref<80x128xf32, #tpu.memory_space<vmem>>, vector<16xf32>,
        tpu.vector_store %arg26[%parallel_loop3A_310, %parallel_loop3A_311], %parallel_loop3A_309 {strides = array<i32>} : memref<80x128xf32, #tpu.memory_space<vmem>>, vector<16xf32>,
        %parallel_loop3A_313 = arith.constant 6 : i32
        %parallel_loop3A_314 = vector.broadcast %parallel_loop3A_313 : i32 to vector<16xi32>
        %parallel_loop3A_315 = arith.constant 0 : i32
        %parallel_loop3A_316 = vector.broadcast %parallel_loop3A_315 : i32 to vector<16xi32>
        %parallel_loop3A_317 = arith.cmpi slt, %parallel_loop3A_314, %parallel_loop3A_316 : vector<16xi32>
        %parallel_loop3A_318 = arith.constant 16 : i32
        %parallel_loop3A_319 = vector.broadcast %parallel_loop3A_318 : i32 to vector<16xi32>
        %parallel_loop3A_320 = arith.addi %parallel_loop3A_314, %parallel_loop3A_319 : vector<16xi32>
        %parallel_loop3A_321 = arith.select %parallel_loop3A_317, %parallel_loop3A_320, %parallel_loop3A_314 : vector<16xi1>, vector<16xi32>
        %parallel_loop3A_322 = vector.shape_cast %parallel_loop3A_321 : vector<16xi32> to vector<16x1xi32>
        %parallel_loop3A_323 = vector.shape_cast %parallel_loop3A_322 : vector<16x1xi32> to vector<16xi32>
        %parallel_loop3A_324 = tpu.dynamic_gather %parallel_loop3A_194[%parallel_loop3A_323] in [0] : vector<16xf32>, vector<16xi32> -> vector<16xf32>
        %parallel_loop3A_325 = arith.index_cast %parallel_loop3A_198 : i32 to index
        %parallel_loop3A_326 = arith.constant 96 : index
        %parallel_loop3A_327 = tpu.vector_load %arg26[%parallel_loop3A_325, %parallel_loop3A_326] {strides = array<i32>} : memref<80x128xf32, #tpu.memory_space<vmem>>, vector<16xf32>,
        %parallel_loop3A_328 = arith.mulf %parallel_loop3A_327, %parallel_loop3A_324 : vector<16xf32>
        %parallel_loop3A_329 = arith.index_cast %parallel_loop3A_198 : i32 to index
        %parallel_loop3A_330 = arith.constant 96 : index
        %parallel_loop3A_331 = tpu.vector_load %arg26[%parallel_loop3A_329, %parallel_loop3A_330] {strides = array<i32>} : memref<80x128xf32, #tpu.memory_space<vmem>>, vector<16xf32>,
        tpu.vector_store %arg26[%parallel_loop3A_329, %parallel_loop3A_330], %parallel_loop3A_328 {strides = array<i32>} : memref<80x128xf32, #tpu.memory_space<vmem>>, vector<16xf32>,
        %parallel_loop3A_332 = arith.constant 7 : i32
        %parallel_loop3A_333 = vector.broadcast %parallel_loop3A_332 : i32 to vector<16xi32>
        %parallel_loop3A_334 = arith.constant 0 : i32
        %parallel_loop3A_335 = vector.broadcast %parallel_loop3A_334 : i32 to vector<16xi32>
        %parallel_loop3A_336 = arith.cmpi slt, %parallel_loop3A_333, %parallel_loop3A_335 : vector<16xi32>
        %parallel_loop3A_337 = arith.constant 16 : i32
        %parallel_loop3A_338 = vector.broadcast %parallel_loop3A_337 : i32 to vector<16xi32>
        %parallel_loop3A_339 = arith.addi %parallel_loop3A_333, %parallel_loop3A_338 : vector<16xi32>
        %parallel_loop3A_340 = arith.select %parallel_loop3A_336, %parallel_loop3A_339, %parallel_loop3A_333 : vector<16xi1>, vector<16xi32>
        %parallel_loop3A_341 = vector.shape_cast %parallel_loop3A_340 : vector<16xi32> to vector<16x1xi32>
        %parallel_loop3A_342 = vector.shape_cast %parallel_loop3A_341 : vector<16x1xi32> to vector<16xi32>
        %parallel_loop3A_343 = tpu.dynamic_gather %parallel_loop3A_194[%parallel_loop3A_342] in [0] : vector<16xf32>, vector<16xi32> -> vector<16xf32>
        %parallel_loop3A_344 = arith.index_cast %parallel_loop3A_198 : i32 to index
        %parallel_loop3A_345 = arith.constant 112 : index
        %parallel_loop3A_346 = tpu.vector_load %arg26[%parallel_loop3A_344, %parallel_loop3A_345] {strides = array<i32>} : memref<80x128xf32, #tpu.memory_space<vmem>>, vector<16xf32>,
        %parallel_loop3A_347 = arith.mulf %parallel_loop3A_346, %parallel_loop3A_343 : vector<16xf32>
        %parallel_loop3A_348 = arith.index_cast %parallel_loop3A_198 : i32 to index
        %parallel_loop3A_349 = arith.constant 112 : index
        %parallel_loop3A_350 = tpu.vector_load %arg26[%parallel_loop3A_348, %parallel_loop3A_349] {strides = array<i32>} : memref<80x128xf32, #tpu.memory_space<vmem>>, vector<16xf32>,
        tpu.vector_store %arg26[%parallel_loop3A_348, %parallel_loop3A_349], %parallel_loop3A_347 {strides = array<i32>} : memref<80x128xf32, #tpu.memory_space<vmem>>, vector<16xf32>,
        %parallel_loop3A_351 = arith.constant 2 : i32
        %parallel_loop3A_352 = arith.muli %parallel_loop3A_351, %parallel_loop3A_153 : i32
        %parallel_loop3A_353 = arith.constant 1 : i32
        %parallel_loop3A_354 = arith.addi %parallel_loop3A_352, %parallel_loop3A_353 : i32
        %parallel_loop3A_355 = arith.constant 8 : i32
        %parallel_loop3A_356 = vector.broadcast %parallel_loop3A_355 : i32 to vector<16xi32>
        %parallel_loop3A_357 = arith.constant 0 : i32
        %parallel_loop3A_358 = vector.broadcast %parallel_loop3A_357 : i32 to vector<16xi32>
        %parallel_loop3A_359 = arith.cmpi slt, %parallel_loop3A_356, %parallel_loop3A_358 : vector<16xi32>
        %parallel_loop3A_360 = arith.constant 16 : i32
        %parallel_loop3A_361 = vector.broadcast %parallel_loop3A_360 : i32 to vector<16xi32>
        %parallel_loop3A_362 = arith.addi %parallel_loop3A_356, %parallel_loop3A_361 : vector<16xi32>
        %parallel_loop3A_363 = arith.select %parallel_loop3A_359, %parallel_loop3A_362, %parallel_loop3A_356 : vector<16xi1>, vector<16xi32>
        %parallel_loop3A_364 = vector.shape_cast %parallel_loop3A_363 : vector<16xi32> to vector<16x1xi32>
        %parallel_loop3A_365 = vector.shape_cast %parallel_loop3A_364 : vector<16x1xi32> to vector<16xi32>
        %parallel_loop3A_366 = tpu.dynamic_gather %parallel_loop3A_194[%parallel_loop3A_365] in [0] : vector<16xf32>, vector<16xi32> -> vector<16xf32>
        %parallel_loop3A_367 = arith.index_cast %parallel_loop3A_354 : i32 to index
        %parallel_loop3A_368 = arith.constant 0 : index
        %parallel_loop3A_369 = tpu.vector_load %arg26[%parallel_loop3A_367, %parallel_loop3A_368] {strides = array<i32>} : memref<80x128xf32, #tpu.memory_space<vmem>>, vector<16xf32>,
        %parallel_loop3A_370 = arith.mulf %parallel_loop3A_369, %parallel_loop3A_366 : vector<16xf32>
        %parallel_loop3A_371 = arith.index_cast %parallel_loop3A_354 : i32 to index
        %parallel_loop3A_372 = arith.constant 0 : index
        %parallel_loop3A_373 = tpu.vector_load %arg26[%parallel_loop3A_371, %parallel_loop3A_372] {strides = array<i32>} : memref<80x128xf32, #tpu.memory_space<vmem>>, vector<16xf32>,
        tpu.vector_store %arg26[%parallel_loop3A_371, %parallel_loop3A_372], %parallel_loop3A_370 {strides = array<i32>} : memref<80x128xf32, #tpu.memory_space<vmem>>, vector<16xf32>,
        %parallel_loop3A_374 = arith.constant 9 : i32
        %parallel_loop3A_375 = vector.broadcast %parallel_loop3A_374 : i32 to vector<16xi32>
        %parallel_loop3A_376 = arith.constant 0 : i32
        %parallel_loop3A_377 = vector.broadcast %parallel_loop3A_376 : i32 to vector<16xi32>
        %parallel_loop3A_378 = arith.cmpi slt, %parallel_loop3A_375, %parallel_loop3A_377 : vector<16xi32>
        %parallel_loop3A_379 = arith.constant 16 : i32
        %parallel_loop3A_380 = vector.broadcast %parallel_loop3A_379 : i32 to vector<16xi32>
        %parallel_loop3A_381 = arith.addi %parallel_loop3A_375, %parallel_loop3A_380 : vector<16xi32>
        %parallel_loop3A_382 = arith.select %parallel_loop3A_378, %parallel_loop3A_381, %parallel_loop3A_375 : vector<16xi1>, vector<16xi32>
        %parallel_loop3A_383 = vector.shape_cast %parallel_loop3A_382 : vector<16xi32> to vector<16x1xi32>
        %parallel_loop3A_384 = vector.shape_cast %parallel_loop3A_383 : vector<16x1xi32> to vector<16xi32>
        %parallel_loop3A_385 = tpu.dynamic_gather %parallel_loop3A_194[%parallel_loop3A_384] in [0] : vector<16xf32>, vector<16xi32> -> vector<16xf32>
        %parallel_loop3A_386 = arith.index_cast %parallel_loop3A_354 : i32 to index
        %parallel_loop3A_387 = arith.constant 16 : index
        %parallel_loop3A_388 = tpu.vector_load %arg26[%parallel_loop3A_386, %parallel_loop3A_387] {strides = array<i32>} : memref<80x128xf32, #tpu.memory_space<vmem>>, vector<16xf32>,
        %parallel_loop3A_389 = arith.mulf %parallel_loop3A_388, %parallel_loop3A_385 : vector<16xf32>
        %parallel_loop3A_390 = arith.index_cast %parallel_loop3A_354 : i32 to index
        %parallel_loop3A_391 = arith.constant 16 : index
        %parallel_loop3A_392 = tpu.vector_load %arg26[%parallel_loop3A_390, %parallel_loop3A_391] {strides = array<i32>} : memref<80x128xf32, #tpu.memory_space<vmem>>, vector<16xf32>,
        tpu.vector_store %arg26[%parallel_loop3A_390, %parallel_loop3A_391], %parallel_loop3A_389 {strides = array<i32>} : memref<80x128xf32, #tpu.memory_space<vmem>>, vector<16xf32>,
        %parallel_loop3A_393 = arith.constant 10 : i32
        %parallel_loop3A_394 = vector.broadcast %parallel_loop3A_393 : i32 to vector<16xi32>
        %parallel_loop3A_395 = arith.constant 0 : i32
        %parallel_loop3A_396 = vector.broadcast %parallel_loop3A_395 : i32 to vector<16xi32>
        %parallel_loop3A_397 = arith.cmpi slt, %parallel_loop3A_394, %parallel_loop3A_396 : vector<16xi32>
        %parallel_loop3A_398 = arith.constant 16 : i32
        %parallel_loop3A_399 = vector.broadcast %parallel_loop3A_398 : i32 to vector<16xi32>
        %parallel_loop3A_400 = arith.addi %parallel_loop3A_394, %parallel_loop3A_399 : vector<16xi32>
        %parallel_loop3A_401 = arith.select %parallel_loop3A_397, %parallel_loop3A_400, %parallel_loop3A_394 : vector<16xi1>, vector<16xi32>
        %parallel_loop3A_402 = vector.shape_cast %parallel_loop3A_401 : vector<16xi32> to vector<16x1xi32>
        %parallel_loop3A_403 = vector.shape_cast %parallel_loop3A_402 : vector<16x1xi32> to vector<16xi32>
        %parallel_loop3A_404 = tpu.dynamic_gather %parallel_loop3A_194[%parallel_loop3A_403] in [0] : vector<16xf32>, vector<16xi32> -> vector<16xf32>
        %parallel_loop3A_405 = arith.index_cast %parallel_loop3A_354 : i32 to index
        %parallel_loop3A_406 = arith.constant 32 : index
        %parallel_loop3A_407 = tpu.vector_load %arg26[%parallel_loop3A_405, %parallel_loop3A_406] {strides = array<i32>} : memref<80x128xf32, #tpu.memory_space<vmem>>, vector<16xf32>,
        %parallel_loop3A_408 = arith.mulf %parallel_loop3A_407, %parallel_loop3A_404 : vector<16xf32>
        %parallel_loop3A_409 = arith.index_cast %parallel_loop3A_354 : i32 to index
        %parallel_loop3A_410 = arith.constant 32 : index
        %parallel_loop3A_411 = tpu.vector_load %arg26[%parallel_loop3A_409, %parallel_loop3A_410] {strides = array<i32>} : memref<80x128xf32, #tpu.memory_space<vmem>>, vector<16xf32>,
        tpu.vector_store %arg26[%parallel_loop3A_409, %parallel_loop3A_410], %parallel_loop3A_408 {strides = array<i32>} : memref<80x128xf32, #tpu.memory_space<vmem>>, vector<16xf32>,
        %parallel_loop3A_412 = arith.constant 11 : i32
        %parallel_loop3A_413 = vector.broadcast %parallel_loop3A_412 : i32 to vector<16xi32>
        %parallel_loop3A_414 = arith.constant 0 : i32
        %parallel_loop3A_415 = vector.broadcast %parallel_loop3A_414 : i32 to vector<16xi32>
        %parallel_loop3A_416 = arith.cmpi slt, %parallel_loop3A_413, %parallel_loop3A_415 : vector<16xi32>
        %parallel_loop3A_417 = arith.constant 16 : i32
        %parallel_loop3A_418 = vector.broadcast %parallel_loop3A_417 : i32 to vector<16xi32>
        %parallel_loop3A_419 = arith.addi %parallel_loop3A_413, %parallel_loop3A_418 : vector<16xi32>
        %parallel_loop3A_420 = arith.select %parallel_loop3A_416, %parallel_loop3A_419, %parallel_loop3A_413 : vector<16xi1>, vector<16xi32>
        %parallel_loop3A_421 = vector.shape_cast %parallel_loop3A_420 : vector<16xi32> to vector<16x1xi32>
        %parallel_loop3A_422 = vector.shape_cast %parallel_loop3A_421 : vector<16x1xi32> to vector<16xi32>
        %parallel_loop3A_423 = tpu.dynamic_gather %parallel_loop3A_194[%parallel_loop3A_422] in [0] : vector<16xf32>, vector<16xi32> -> vector<16xf32>
        %parallel_loop3A_424 = arith.index_cast %parallel_loop3A_354 : i32 to index
        %parallel_loop3A_425 = arith.constant 48 : index
        %parallel_loop3A_426 = tpu.vector_load %arg26[%parallel_loop3A_424, %parallel_loop3A_425] {strides = array<i32>} : memref<80x128xf32, #tpu.memory_space<vmem>>, vector<16xf32>,
        %parallel_loop3A_427 = arith.mulf %parallel_loop3A_426, %parallel_loop3A_423 : vector<16xf32>
        %parallel_loop3A_428 = arith.index_cast %parallel_loop3A_354 : i32 to index
        %parallel_loop3A_429 = arith.constant 48 : index
        %parallel_loop3A_430 = tpu.vector_load %arg26[%parallel_loop3A_428, %parallel_loop3A_429] {strides = array<i32>} : memref<80x128xf32, #tpu.memory_space<vmem>>, vector<16xf32>,
        tpu.vector_store %arg26[%parallel_loop3A_428, %parallel_loop3A_429], %parallel_loop3A_427 {strides = array<i32>} : memref<80x128xf32, #tpu.memory_space<vmem>>, vector<16xf32>,
        %parallel_loop3A_431 = arith.constant 12 : i32
        %parallel_loop3A_432 = vector.broadcast %parallel_loop3A_431 : i32 to vector<16xi32>
        %parallel_loop3A_433 = arith.constant 0 : i32
        %parallel_loop3A_434 = vector.broadcast %parallel_loop3A_433 : i32 to vector<16xi32>
        %parallel_loop3A_435 = arith.cmpi slt, %parallel_loop3A_432, %parallel_loop3A_434 : vector<16xi32>
        %parallel_loop3A_436 = arith.constant 16 : i32
        %parallel_loop3A_437 = vector.broadcast %parallel_loop3A_436 : i32 to vector<16xi32>
        %parallel_loop3A_438 = arith.addi %parallel_loop3A_432, %parallel_loop3A_437 : vector<16xi32>
        %parallel_loop3A_439 = arith.select %parallel_loop3A_435, %parallel_loop3A_438, %parallel_loop3A_432 : vector<16xi1>, vector<16xi32>
        %parallel_loop3A_440 = vector.shape_cast %parallel_loop3A_439 : vector<16xi32> to vector<16x1xi32>
        %parallel_loop3A_441 = vector.shape_cast %parallel_loop3A_440 : vector<16x1xi32> to vector<16xi32>
        %parallel_loop3A_442 = tpu.dynamic_gather %parallel_loop3A_194[%parallel_loop3A_441] in [0] : vector<16xf32>, vector<16xi32> -> vector<16xf32>
        %parallel_loop3A_443 = arith.index_cast %parallel_loop3A_354 : i32 to index
        %parallel_loop3A_444 = arith.constant 64 : index
        %parallel_loop3A_445 = tpu.vector_load %arg26[%parallel_loop3A_443, %parallel_loop3A_444] {strides = array<i32>} : memref<80x128xf32, #tpu.memory_space<vmem>>, vector<16xf32>,
        %parallel_loop3A_446 = arith.mulf %parallel_loop3A_445, %parallel_loop3A_442 : vector<16xf32>
        %parallel_loop3A_447 = arith.index_cast %parallel_loop3A_354 : i32 to index
        %parallel_loop3A_448 = arith.constant 64 : index
        %parallel_loop3A_449 = tpu.vector_load %arg26[%parallel_loop3A_447, %parallel_loop3A_448] {strides = array<i32>} : memref<80x128xf32, #tpu.memory_space<vmem>>, vector<16xf32>,
        tpu.vector_store %arg26[%parallel_loop3A_447, %parallel_loop3A_448], %parallel_loop3A_446 {strides = array<i32>} : memref<80x128xf32, #tpu.memory_space<vmem>>, vector<16xf32>,
        %parallel_loop3A_450 = arith.constant 13 : i32
        %parallel_loop3A_451 = vector.broadcast %parallel_loop3A_450 : i32 to vector<16xi32>
        %parallel_loop3A_452 = arith.constant 0 : i32
        %parallel_loop3A_453 = vector.broadcast %parallel_loop3A_452 : i32 to vector<16xi32>
        %parallel_loop3A_454 = arith.cmpi slt, %parallel_loop3A_451, %parallel_loop3A_453 : vector<16xi32>
        %parallel_loop3A_455 = arith.constant 16 : i32
        %parallel_loop3A_456 = vector.broadcast %parallel_loop3A_455 : i32 to vector<16xi32>
        %parallel_loop3A_457 = arith.addi %parallel_loop3A_451, %parallel_loop3A_456 : vector<16xi32>
        %parallel_loop3A_458 = arith.select %parallel_loop3A_454, %parallel_loop3A_457, %parallel_loop3A_451 : vector<16xi1>, vector<16xi32>
        %parallel_loop3A_459 = vector.shape_cast %parallel_loop3A_458 : vector<16xi32> to vector<16x1xi32>
        %parallel_loop3A_460 = vector.shape_cast %parallel_loop3A_459 : vector<16x1xi32> to vector<16xi32>
        %parallel_loop3A_461 = tpu.dynamic_gather %parallel_loop3A_194[%parallel_loop3A_460] in [0] : vector<16xf32>, vector<16xi32> -> vector<16xf32>
        %parallel_loop3A_462 = arith.index_cast %parallel_loop3A_354 : i32 to index
        %parallel_loop3A_463 = arith.constant 80 : index
        %parallel_loop3A_464 = tpu.vector_load %arg26[%parallel_loop3A_462, %parallel_loop3A_463] {strides = array<i32>} : memref<80x128xf32, #tpu.memory_space<vmem>>, vector<16xf32>,
        %parallel_loop3A_465 = arith.mulf %parallel_loop3A_464, %parallel_loop3A_461 : vector<16xf32>
        %parallel_loop3A_466 = arith.index_cast %parallel_loop3A_354 : i32 to index
        %parallel_loop3A_467 = arith.constant 80 : index
        %parallel_loop3A_468 = tpu.vector_load %arg26[%parallel_loop3A_466, %parallel_loop3A_467] {strides = array<i32>} : memref<80x128xf32, #tpu.memory_space<vmem>>, vector<16xf32>,
        tpu.vector_store %arg26[%parallel_loop3A_466, %parallel_loop3A_467], %parallel_loop3A_465 {strides = array<i32>} : memref<80x128xf32, #tpu.memory_space<vmem>>, vector<16xf32>,
        %parallel_loop3A_469 = arith.constant 14 : i32
        %parallel_loop3A_470 = vector.broadcast %parallel_loop3A_469 : i32 to vector<16xi32>
        %parallel_loop3A_471 = arith.constant 0 : i32
        %parallel_loop3A_472 = vector.broadcast %parallel_loop3A_471 : i32 to vector<16xi32>
        %parallel_loop3A_473 = arith.cmpi slt, %parallel_loop3A_470, %parallel_loop3A_472 : vector<16xi32>
        %parallel_loop3A_474 = arith.constant 16 : i32
        %parallel_loop3A_475 = vector.broadcast %parallel_loop3A_474 : i32 to vector<16xi32>
        %parallel_loop3A_476 = arith.addi %parallel_loop3A_470, %parallel_loop3A_475 : vector<16xi32>
        %parallel_loop3A_477 = arith.select %parallel_loop3A_473, %parallel_loop3A_476, %parallel_loop3A_470 : vector<16xi1>, vector<16xi32>
        %parallel_loop3A_478 = vector.shape_cast %parallel_loop3A_477 : vector<16xi32> to vector<16x1xi32>
        %parallel_loop3A_479 = vector.shape_cast %parallel_loop3A_478 : vector<16x1xi32> to vector<16xi32>
        %parallel_loop3A_480 = tpu.dynamic_gather %parallel_loop3A_194[%parallel_loop3A_479] in [0] : vector<16xf32>, vector<16xi32> -> vector<16xf32>
        %parallel_loop3A_481 = arith.index_cast %parallel_loop3A_354 : i32 to index
        %parallel_loop3A_482 = arith.constant 96 : index
        %parallel_loop3A_483 = tpu.vector_load %arg26[%parallel_loop3A_481, %parallel_loop3A_482] {strides = array<i32>} : memref<80x128xf32, #tpu.memory_space<vmem>>, vector<16xf32>,
        %parallel_loop3A_484 = arith.mulf %parallel_loop3A_483, %parallel_loop3A_480 : vector<16xf32>
        %parallel_loop3A_485 = arith.index_cast %parallel_loop3A_354 : i32 to index
        %parallel_loop3A_486 = arith.constant 96 : index
        %parallel_loop3A_487 = tpu.vector_load %arg26[%parallel_loop3A_485, %parallel_loop3A_486] {strides = array<i32>} : memref<80x128xf32, #tpu.memory_space<vmem>>, vector<16xf32>,
        tpu.vector_store %arg26[%parallel_loop3A_485, %parallel_loop3A_486], %parallel_loop3A_484 {strides = array<i32>} : memref<80x128xf32, #tpu.memory_space<vmem>>, vector<16xf32>,
        %parallel_loop3A_488 = arith.constant 15 : i32
        %parallel_loop3A_489 = vector.broadcast %parallel_loop3A_488 : i32 to vector<16xi32>
        %parallel_loop3A_490 = arith.constant 0 : i32
        %parallel_loop3A_491 = vector.broadcast %parallel_loop3A_490 : i32 to vector<16xi32>
        %parallel_loop3A_492 = arith.cmpi slt, %parallel_loop3A_489, %parallel_loop3A_491 : vector<16xi32>
        %parallel_loop3A_493 = arith.constant 16 : i32
        %parallel_loop3A_494 = vector.broadcast %parallel_loop3A_493 : i32 to vector<16xi32>
        %parallel_loop3A_495 = arith.addi %parallel_loop3A_489, %parallel_loop3A_494 : vector<16xi32>
        %parallel_loop3A_496 = arith.select %parallel_loop3A_492, %parallel_loop3A_495, %parallel_loop3A_489 : vector<16xi1>, vector<16xi32>
        %parallel_loop3A_497 = vector.shape_cast %parallel_loop3A_496 : vector<16xi32> to vector<16x1xi32>
        %parallel_loop3A_498 = vector.shape_cast %parallel_loop3A_497 : vector<16x1xi32> to vector<16xi32>
        %parallel_loop3A_499 = tpu.dynamic_gather %parallel_loop3A_194[%parallel_loop3A_498] in [0] : vector<16xf32>, vector<16xi32> -> vector<16xf32>
        %parallel_loop3A_500 = arith.index_cast %parallel_loop3A_354 : i32 to index
        %parallel_loop3A_501 = arith.constant 112 : index
        %parallel_loop3A_502 = tpu.vector_load %arg26[%parallel_loop3A_500, %parallel_loop3A_501] {strides = array<i32>} : memref<80x128xf32, #tpu.memory_space<vmem>>, vector<16xf32>,
        %parallel_loop3A_503 = arith.mulf %parallel_loop3A_502, %parallel_loop3A_499 : vector<16xf32>
        %parallel_loop3A_504 = arith.index_cast %parallel_loop3A_354 : i32 to index
        %parallel_loop3A_505 = arith.constant 112 : index
        %parallel_loop3A_506 = tpu.vector_load %arg26[%parallel_loop3A_504, %parallel_loop3A_505] {strides = array<i32>} : memref<80x128xf32, #tpu.memory_space<vmem>>, vector<16xf32>,
        tpu.vector_store %arg26[%parallel_loop3A_504, %parallel_loop3A_505], %parallel_loop3A_503 {strides = array<i32>} : memref<80x128xf32, #tpu.memory_space<vmem>>, vector<16xf32>,
      } {sc.loop_unroll_factor = 4 : i64, sc.parallel_access}
      %dma_start3A_141 = arith.constant 0 : i32
      %dma_start3A_142 = arith.constant 0 : i32
      %dma_start3A_143 = tpu.memref_slice %arg28[%dma_start3A_141, %dma_start3A_142] : memref<10000x128xf32, #tpu.memory_space<vmem_shared>> -> memref<10000x128xf32, #tpu.memory_space<vmem_shared>>
      tpu.enqueue_indirect_dma source(%arg26 : memref<80x128xf32, #tpu.memory_space<vmem>>) target(%dma_start3A_143 : memref<10000x128xf32, #tpu.memory_space<vmem_shared>>) offsets(%arg18 : memref<80xi32, #tpu.memory_space<vmem>>) semaphore(%arg37 : memref<!tpu.dma_semaphore, #tpu.memory_space<semaphore_mem>>) {add = true}
      %dma_start3A_144 = arith.constant 0 : i32
      %dma_start3A_145 = arith.constant 0 : i32
      %dma_start3A_146 = tpu.memref_slice %arg29[%dma_start3A_144, %dma_start3A_145] : memref<10000x8xf32, #tpu.memory_space<vmem_shared>> -> memref<10000x8xf32, #tpu.memory_space<vmem_shared>>
      tpu.enqueue_indirect_dma source(%arg24 : memref<80x8xf32, #tpu.memory_space<vmem>>) target(%dma_start3A_146 : memref<10000x8xf32, #tpu.memory_space<vmem_shared>>) offsets(%arg18 : memref<80xi32, #tpu.memory_space<vmem>>) semaphore(%arg37 : memref<!tpu.dma_semaphore, #tpu.memory_space<semaphore_mem>>) {add = true}
      %add3A_147 = arith.constant 2 : i32
      %add3A_148 = arith.addi %add3A_119, %add3A_147 : i32
      %lt3A_149 = arith.cmpi slt, %add3A_148, %add3A_15 : i32
      %convert_element_type3A_150 = arith.extui %lt3A_149 : i1 to i32
      %cond3A_151 = arith.constant 0 : i32
      %cond3A_152 = arith.cmpi ne, %convert_element_type3A_150, %cond3A_151 : i32
      scf.if %cond3A_152 {
        %add3A_153 = arith.constant 2 : i32
        %add3A_154 = arith.addi %add3A_119, %add3A_153 : i32
        %mul3A_155 = arith.constant 80 : i32
        %mul3A_156 = arith.muli %add3A_154, %mul3A_155 : i32
        %add3A_157 = arith.addi %add3A, %mul3A_156 : i32
        %dma_start3A_158 = tpu.memref_slice %arg2[%add3A_157] : memref<640000xi32, #tpu.memory_space<hbm>> -> memref<80xi32, #tpu.memory_space<hbm>>
        %dma_start3A_159 = tpu.memref_slice %arg2[%add3A_157] : memref<640000xi32, #tpu.memory_space<hbm>> -> memref<80xi32, #tpu.memory_space<hbm>>
        tpu.enqueue_dma source(%dma_start3A_159 : memref<80xi32, #tpu.memory_space<hbm>>) target(%arg14 : memref<80xi32, #tpu.memory_space<vmem>>) target_semaphore(%arg31 : memref<!tpu.dma_semaphore, #tpu.memory_space<semaphore_mem>>)
        %dma_start3A_160 = tpu.memref_slice %arg3[%add3A_157] : memref<640000xi32, #tpu.memory_space<hbm>> -> memref<80xi32, #tpu.memory_space<hbm>>
        %dma_start3A_161 = tpu.memref_slice %arg3[%add3A_157] : memref<640000xi32, #tpu.memory_space<hbm>> -> memref<80xi32, #tpu.memory_space<hbm>>
        tpu.enqueue_dma source(%dma_start3A_161 : memref<80xi32, #tpu.memory_space<hbm>>) target(%arg16 : memref<80xi32, #tpu.memory_space<vmem>>) target_semaphore(%arg31 : memref<!tpu.dma_semaphore, #tpu.memory_space<semaphore_mem>>)
        %dma_start3A_162 = tpu.memref_slice %arg4[%add3A_157] : memref<640000xi32, #tpu.memory_space<hbm>> -> memref<80xi32, #tpu.memory_space<hbm>>
        %dma_start3A_163 = tpu.memref_slice %arg4[%add3A_157] : memref<640000xi32, #tpu.memory_space<hbm>> -> memref<80xi32, #tpu.memory_space<hbm>>
        tpu.enqueue_dma source(%dma_start3A_163 : memref<80xi32, #tpu.memory_space<hbm>>) target(%arg18 : memref<80xi32, #tpu.memory_space<vmem>>) target_semaphore(%arg31 : memref<!tpu.dma_semaphore, #tpu.memory_space<semaphore_mem>>)
      } else {
      }
    }
    %while3A_58 = arith.constant 1 : i32
    scf.for %while3A_82 = %while3A_56 to %while3A_52 step %while3A_58  : i32 {
      %mul3A_83 = arith.constant 2 : i32
      %mul3A_84 = arith.muli %mul3A_83, %while3A_82 : i32
      %add3A_85 = arith.constant 1 : i32
      %add3A_86 = arith.addi %mul3A_84, %add3A_85 : i32
      %lt3A = arith.cmpi slt, %add3A_86, %add3A_15 : i32
      %convert_element_type3A_87 = arith.extui %lt3A : i1 to i32
      %cond3A_88 = arith.constant 0 : i32
      %cond3A_89 = arith.cmpi ne, %convert_element_type3A_87, %cond3A_88 : i32
      scf.if %cond3A_89 {
        %dma_wait3A_153 = arith.constant 0 : i32
        %dma_wait3A_154 = tpu.memref_slice %arg2[%dma_wait3A_153] : memref<640000xi32, #tpu.memory_space<hbm>> -> memref<80xi32, #tpu.memory_space<hbm>>
        %dma_wait3A_155 = arith.constant 0 : i32
        %dma_wait3A_156 = tpu.memref_slice %arg2[%dma_wait3A_155] : memref<640000xi32, #tpu.memory_space<hbm>> -> memref<80xi32, #tpu.memory_space<hbm>>
        tpu.wait_dma2 semaphore(%arg31 : memref<!tpu.dma_semaphore, #tpu.memory_space<semaphore_mem>>) src(%dma_wait3A_156 : memref<80xi32, #tpu.memory_space<hbm>>) dst(%arg14 : memref<80xi32, #tpu.memory_space<vmem>>)
        %dma_wait3A_157 = arith.constant 0 : i32
        %dma_wait3A_158 = tpu.memref_slice %arg3[%dma_wait3A_157] : memref<640000xi32, #tpu.memory_space<hbm>> -> memref<80xi32, #tpu.memory_space<hbm>>
        %dma_wait3A_159 = arith.constant 0 : i32
        %dma_wait3A_160 = tpu.memref_slice %arg3[%dma_wait3A_159] : memref<640000xi32, #tpu.memory_space<hbm>> -> memref<80xi32, #tpu.memory_space<hbm>>
        tpu.wait_dma2 semaphore(%arg31 : memref<!tpu.dma_semaphore, #tpu.memory_space<semaphore_mem>>) src(%dma_wait3A_160 : memref<80xi32, #tpu.memory_space<hbm>>) dst(%arg16 : memref<80xi32, #tpu.memory_space<vmem>>)
        %dma_wait3A_161 = arith.constant 0 : i32
        %dma_wait3A_162 = tpu.memref_slice %arg4[%dma_wait3A_161] : memref<640000xi32, #tpu.memory_space<hbm>> -> memref<80xi32, #tpu.memory_space<hbm>>
        %dma_wait3A_163 = arith.constant 0 : i32
        %dma_wait3A_164 = tpu.memref_slice %arg4[%dma_wait3A_163] : memref<640000xi32, #tpu.memory_space<hbm>> -> memref<80xi32, #tpu.memory_space<hbm>>
        tpu.wait_dma2 semaphore(%arg31 : memref<!tpu.dma_semaphore, #tpu.memory_space<semaphore_mem>>) src(%dma_wait3A_164 : memref<80xi32, #tpu.memory_space<hbm>>) dst(%arg18 : memref<80xi32, #tpu.memory_space<vmem>>)
        %ge3A = arith.constant 1 : i32
        %ge3A_165 = arith.cmpi sge, %mul3A_84, %ge3A : i32
        %convert_element_type3A_166 = arith.extui %ge3A_165 : i1 to i32
        %cond3A_167 = arith.constant 0 : i32
        %cond3A_168 = arith.cmpi ne, %convert_element_type3A_166, %cond3A_167 : i32
        scf.if %cond3A_168 {
          %dma_wait3A_178 = arith.constant 0 : i32
          %dma_wait3A_179 = arith.constant 0 : i32
          %dma_wait3A_180 = tpu.memref_slice %arg28[%dma_wait3A_178, %dma_wait3A_179] : memref<10000x128xf32, #tpu.memory_space<vmem_shared>> -> memref<10000x128xf32, #tpu.memory_space<vmem_shared>>
          tpu.wait_indirect_dma semaphore(%arg37 : memref<!tpu.dma_semaphore, #tpu.memory_space<semaphore_mem>>) src(%arg26 : memref<80x128xf32, #tpu.memory_space<vmem>>) dst(%dma_wait3A_180 : memref<10000x128xf32, #tpu.memory_space<vmem_shared>>)
          %dma_wait3A_181 = arith.constant 0 : i32
          %dma_wait3A_182 = arith.constant 0 : i32
          %dma_wait3A_183 = tpu.memref_slice %arg29[%dma_wait3A_181, %dma_wait3A_182] : memref<10000x8xf32, #tpu.memory_space<vmem_shared>> -> memref<10000x8xf32, #tpu.memory_space<vmem_shared>>
          tpu.wait_indirect_dma semaphore(%arg37 : memref<!tpu.dma_semaphore, #tpu.memory_space<semaphore_mem>>) src(%arg24 : memref<80x8xf32, #tpu.memory_space<vmem>>) dst(%dma_wait3A_183 : memref<10000x8xf32, #tpu.memory_space<vmem_shared>>)
        } else {
        }
        %dma_start3A_169 = arith.constant 0 : i32
        %dma_start3A_170 = arith.constant 0 : i32
        %dma_start3A_171 = tpu.memref_slice %arg5[%dma_start3A_169, %dma_start3A_170] : memref<20000x8xf32, #tpu.memory_space<hbm>> -> memref<20000x8xf32, #tpu.memory_space<hbm>>
        tpu.enqueue_indirect_dma source(%dma_start3A_171 : memref<20000x8xf32, #tpu.memory_space<hbm>>) target(%arg20 : memref<80x8xf32, #tpu.memory_space<vmem>>) offsets(%arg14 : memref<80xi32, #tpu.memory_space<vmem>>) semaphore(%arg33 : memref<!tpu.dma_semaphore, #tpu.memory_space<semaphore_mem>>)
        %dma_start3A_172 = arith.constant 0 : i32
        %dma_start3A_173 = arith.constant 0 : i32
        %dma_start3A_174 = tpu.memref_slice %arg6[%dma_start3A_172, %dma_start3A_173] : memref<20000x8xf32, #tpu.memory_space<hbm>> -> memref<20000x8xf32, #tpu.memory_space<hbm>>
        tpu.enqueue_indirect_dma source(%dma_start3A_174 : memref<20000x8xf32, #tpu.memory_space<hbm>>) target(%arg22 : memref<80x8xf32, #tpu.memory_space<vmem>>) offsets(%arg16 : memref<80xi32, #tpu.memory_space<vmem>>) semaphore(%arg33 : memref<!tpu.dma_semaphore, #tpu.memory_space<semaphore_mem>>)
        %dma_start3A_175 = arith.constant 0 : i32
        %dma_start3A_176 = arith.constant 0 : i32
        %dma_start3A_177 = tpu.memref_slice %arg7[%dma_start3A_175, %dma_start3A_176] : memref<20000x128xf32, #tpu.memory_space<hbm>> -> memref<20000x128xf32, #tpu.memory_space<hbm>>
        tpu.enqueue_indirect_dma source(%dma_start3A_177 : memref<20000x128xf32, #tpu.memory_space<hbm>>) target(%arg26 : memref<80x128xf32, #tpu.memory_space<vmem>>) offsets(%arg14 : memref<80xi32, #tpu.memory_space<vmem>>) semaphore(%arg35 : memref<!tpu.dma_semaphore, #tpu.memory_space<semaphore_mem>>)
      } else {
      }
      %dma_wait3A_90 = arith.constant 0 : i32
      %dma_wait3A_91 = arith.constant 0 : i32
      %dma_wait3A_92 = tpu.memref_slice %arg5[%dma_wait3A_90, %dma_wait3A_91] : memref<20000x8xf32, #tpu.memory_space<hbm>> -> memref<20000x8xf32, #tpu.memory_space<hbm>>
      tpu.wait_indirect_dma semaphore(%arg32 : memref<!tpu.dma_semaphore, #tpu.memory_space<semaphore_mem>>) src(%dma_wait3A_92 : memref<20000x8xf32, #tpu.memory_space<hbm>>) dst(%arg19 : memref<80x8xf32, #tpu.memory_space<vmem>>)
      %dma_wait3A_93 = arith.constant 0 : i32
      %dma_wait3A_94 = arith.constant 0 : i32
      %dma_wait3A_95 = tpu.memref_slice %arg6[%dma_wait3A_93, %dma_wait3A_94] : memref<20000x8xf32, #tpu.memory_space<hbm>> -> memref<20000x8xf32, #tpu.memory_space<hbm>>
      tpu.wait_indirect_dma semaphore(%arg32 : memref<!tpu.dma_semaphore, #tpu.memory_space<semaphore_mem>>) src(%dma_wait3A_95 : memref<20000x8xf32, #tpu.memory_space<hbm>>) dst(%arg21 : memref<80x8xf32, #tpu.memory_space<vmem>>)
      %parallel_loop3A = arith.constant 0 : i32
      %parallel_loop3A_96 = arith.constant 40 : i32
      %parallel_loop3A_97 = arith.constant 1 : i32
      scf.for %parallel_loop3A_153 = %parallel_loop3A to %parallel_loop3A_96 step %parallel_loop3A_97  : i32 {
        %parallel_loop3A_154 = tpu.iota {dimensions = array<i32: 0>} : vector<16xi32>
        %parallel_loop3A_155 = arith.constant 8 : i32
        %parallel_loop3A_156 = vector.broadcast %parallel_loop3A_155 : i32 to vector<16xi32>
        %parallel_loop3A_157 = arith.divsi %parallel_loop3A_154, %parallel_loop3A_156 : vector<16xi32>
        %parallel_loop3A_158 = arith.constant 0 : i32
        %parallel_loop3A_159 = vector.broadcast %parallel_loop3A_158 : i32 to vector<16xi32>
        %parallel_loop3A_160 = arith.cmpi sgt, %parallel_loop3A_154, %parallel_loop3A_159 : vector<16xi32>
        %parallel_loop3A_161 = arith.extui %parallel_loop3A_160 : vector<16xi1> to vector<16xi32>
        %parallel_loop3A_162 = arith.constant 0 : i32
        %parallel_loop3A_163 = vector.broadcast %parallel_loop3A_162 : i32 to vector<16xi32>
        %parallel_loop3A_164 = arith.cmpi slt, %parallel_loop3A_154, %parallel_loop3A_163 : vector<16xi32>
        %parallel_loop3A_165 = arith.extui %parallel_loop3A_164 : vector<16xi1> to vector<16xi32>
        %parallel_loop3A_166 = arith.subi %parallel_loop3A_161, %parallel_loop3A_165 : vector<16xi32>
        %parallel_loop3A_167 = arith.constant 0 : i32
        %parallel_loop3A_168 = arith.cmpi sgt, %parallel_loop3A_155, %parallel_loop3A_167 : i32
        %parallel_loop3A_169 = arith.extui %parallel_loop3A_168 : i1 to i32
        %parallel_loop3A_170 = arith.constant 0 : i32
        %parallel_loop3A_171 = arith.cmpi slt, %parallel_loop3A_155, %parallel_loop3A_170 : i32
        %parallel_loop3A_172 = arith.extui %parallel_loop3A_171 : i1 to i32
        %parallel_loop3A_173 = arith.subi %parallel_loop3A_169, %parallel_loop3A_172 : i32
        %parallel_loop3A_174 = vector.broadcast %parallel_loop3A_173 : i32 to vector<16xi32>
        %parallel_loop3A_175 = arith.cmpi ne, %parallel_loop3A_166, %parallel_loop3A_174 : vector<16xi32>
        %parallel_loop3A_176 = vector.broadcast %parallel_loop3A_155 : i32 to vector<16xi32>
        %parallel_loop3A_177 = arith.remsi %parallel_loop3A_154, %parallel_loop3A_176 : vector<16xi32>
        %parallel_loop3A_178 = arith.constant 0 : i32
        %parallel_loop3A_179 = vector.broadcast %parallel_loop3A_178 : i32 to vector<16xi32>
        %parallel_loop3A_180 = arith.cmpi ne, %parallel_loop3A_177, %parallel_loop3A_179 : vector<16xi32>
        %parallel_loop3A_181 = arith.andi %parallel_loop3A_175, %parallel_loop3A_180 : vector<16xi1>
        %parallel_loop3A_182 = arith.constant 1 : i32
        %parallel_loop3A_183 = vector.broadcast %parallel_loop3A_182 : i32 to vector<16xi32>
        %parallel_loop3A_184 = arith.subi %parallel_loop3A_157, %parallel_loop3A_183 : vector<16xi32>
        %parallel_loop3A_185 = arith.select %parallel_loop3A_181, %parallel_loop3A_184, %parallel_loop3A_157 : vector<16xi1>, vector<16xi32>
        %parallel_loop3A_186 = arith.constant 8 : i32
        %parallel_loop3A_187 = vector.broadcast %parallel_loop3A_186 : i32 to vector<16xi32>
        %parallel_loop3A_188 = arith.muli %parallel_loop3A_187, %parallel_loop3A_185 : vector<16xi32>
        %parallel_loop3A_189 = arith.subi %parallel_loop3A_154, %parallel_loop3A_188 : vector<16xi32>
        %parallel_loop3A_190 = arith.constant 0 : index
        %parallel_loop3A_191 = tpu.vector_load %arg27[%parallel_loop3A_190] {strides = array<i32>} : memref<16xf32, #tpu.memory_space<vmem>>, vector<16xf32>,
        %parallel_loop3A_192 = arith.constant 2 : i32
        %parallel_loop3A_193 = arith.muli %parallel_loop3A_192, %parallel_loop3A_153 : i32
        %parallel_loop3A_194 = vector.broadcast %parallel_loop3A_193 : i32 to vector<16xi32>
        %parallel_loop3A_195 = arith.addi %parallel_loop3A_194, %parallel_loop3A_185 : vector<16xi32>
        %parallel_loop3A_196 = tpu.vector_load_idx %arg19[%parallel_loop3A_195, %parallel_loop3A_189] : memref<80x8xf32, #tpu.memory_space<vmem>>[vector<16xi32>, vector<16xi32>], vector<16xf32>,
        %parallel_loop3A_197 = tpu.vector_load_idx %arg21[%parallel_loop3A_195, %parallel_loop3A_189] : memref<80x8xf32, #tpu.memory_space<vmem>>[vector<16xi32>, vector<16xi32>], vector<16xf32>,
        %parallel_loop3A_198 = arith.addf %parallel_loop3A_196, %parallel_loop3A_197 : vector<16xf32>
        %parallel_loop3A_199 = arith.constant 2.000000e-01 : f32
        %parallel_loop3A_200 = vector.broadcast %parallel_loop3A_199 : f32 to vector<16xf32>
        %parallel_loop3A_201 = arith.mulf %parallel_loop3A_200, %parallel_loop3A_198 : vector<16xf32>
        %parallel_loop3A_202 = arith.maximumf %parallel_loop3A_198, %parallel_loop3A_201 : vector<16xf32>
        %parallel_loop3A_203 = arith.subf %parallel_loop3A_202, %parallel_loop3A_191 : vector<16xf32>
        %parallel_loop3A_204 = math.exp %parallel_loop3A_203 : vector<16xf32>
        tpu.vector_store_idx %arg23[%parallel_loop3A_195, %parallel_loop3A_189], %parallel_loop3A_204 : memref<80x8xf32, #tpu.memory_space<vmem>>[vector<16xi32>, vector<16xi32>], vector<16xf32>,
      } {sc.loop_unroll_factor = 8 : i64, sc.parallel_access}
      %dma_wait3A_98 = arith.constant 0 : i32
      %dma_wait3A_99 = arith.constant 0 : i32
      %dma_wait3A_100 = tpu.memref_slice %arg7[%dma_wait3A_98, %dma_wait3A_99] : memref<20000x128xf32, #tpu.memory_space<hbm>> -> memref<20000x128xf32, #tpu.memory_space<hbm>>
      tpu.wait_indirect_dma semaphore(%arg34 : memref<!tpu.dma_semaphore, #tpu.memory_space<semaphore_mem>>) src(%dma_wait3A_100 : memref<20000x128xf32, #tpu.memory_space<hbm>>) dst(%arg25 : memref<80x128xf32, #tpu.memory_space<vmem>>)
      %parallel_loop3A_101 = arith.constant 0 : i32
      %parallel_loop3A_102 = arith.constant 40 : i32
      %parallel_loop3A_103 = arith.constant 1 : i32
      scf.for %parallel_loop3A_153 = %parallel_loop3A_101 to %parallel_loop3A_102 step %parallel_loop3A_103  : i32 {
        %parallel_loop3A_154 = tpu.iota {dimensions = array<i32: 0>} : vector<16xi32>
        %parallel_loop3A_155 = arith.constant 8 : i32
        %parallel_loop3A_156 = vector.broadcast %parallel_loop3A_155 : i32 to vector<16xi32>
        %parallel_loop3A_157 = arith.divsi %parallel_loop3A_154, %parallel_loop3A_156 : vector<16xi32>
        %parallel_loop3A_158 = arith.constant 0 : i32
        %parallel_loop3A_159 = vector.broadcast %parallel_loop3A_158 : i32 to vector<16xi32>
        %parallel_loop3A_160 = arith.cmpi sgt, %parallel_loop3A_154, %parallel_loop3A_159 : vector<16xi32>
        %parallel_loop3A_161 = arith.extui %parallel_loop3A_160 : vector<16xi1> to vector<16xi32>
        %parallel_loop3A_162 = arith.constant 0 : i32
        %parallel_loop3A_163 = vector.broadcast %parallel_loop3A_162 : i32 to vector<16xi32>
        %parallel_loop3A_164 = arith.cmpi slt, %parallel_loop3A_154, %parallel_loop3A_163 : vector<16xi32>
        %parallel_loop3A_165 = arith.extui %parallel_loop3A_164 : vector<16xi1> to vector<16xi32>
        %parallel_loop3A_166 = arith.subi %parallel_loop3A_161, %parallel_loop3A_165 : vector<16xi32>
        %parallel_loop3A_167 = arith.constant 0 : i32
        %parallel_loop3A_168 = arith.cmpi sgt, %parallel_loop3A_155, %parallel_loop3A_167 : i32
        %parallel_loop3A_169 = arith.extui %parallel_loop3A_168 : i1 to i32
        %parallel_loop3A_170 = arith.constant 0 : i32
        %parallel_loop3A_171 = arith.cmpi slt, %parallel_loop3A_155, %parallel_loop3A_170 : i32
        %parallel_loop3A_172 = arith.extui %parallel_loop3A_171 : i1 to i32
        %parallel_loop3A_173 = arith.subi %parallel_loop3A_169, %parallel_loop3A_172 : i32
        %parallel_loop3A_174 = vector.broadcast %parallel_loop3A_173 : i32 to vector<16xi32>
        %parallel_loop3A_175 = arith.cmpi ne, %parallel_loop3A_166, %parallel_loop3A_174 : vector<16xi32>
        %parallel_loop3A_176 = vector.broadcast %parallel_loop3A_155 : i32 to vector<16xi32>
        %parallel_loop3A_177 = arith.remsi %parallel_loop3A_154, %parallel_loop3A_176 : vector<16xi32>
        %parallel_loop3A_178 = arith.constant 0 : i32
        %parallel_loop3A_179 = vector.broadcast %parallel_loop3A_178 : i32 to vector<16xi32>
        %parallel_loop3A_180 = arith.cmpi ne, %parallel_loop3A_177, %parallel_loop3A_179 : vector<16xi32>
        %parallel_loop3A_181 = arith.andi %parallel_loop3A_175, %parallel_loop3A_180 : vector<16xi1>
        %parallel_loop3A_182 = arith.constant 1 : i32
        %parallel_loop3A_183 = vector.broadcast %parallel_loop3A_182 : i32 to vector<16xi32>
        %parallel_loop3A_184 = arith.subi %parallel_loop3A_157, %parallel_loop3A_183 : vector<16xi32>
        %parallel_loop3A_185 = arith.select %parallel_loop3A_181, %parallel_loop3A_184, %parallel_loop3A_157 : vector<16xi1>, vector<16xi32>
        %parallel_loop3A_186 = arith.constant 8 : i32
        %parallel_loop3A_187 = vector.broadcast %parallel_loop3A_186 : i32 to vector<16xi32>
        %parallel_loop3A_188 = arith.muli %parallel_loop3A_187, %parallel_loop3A_185 : vector<16xi32>
        %parallel_loop3A_189 = arith.subi %parallel_loop3A_154, %parallel_loop3A_188 : vector<16xi32>
        %parallel_loop3A_190 = arith.constant 2 : i32
        %parallel_loop3A_191 = arith.muli %parallel_loop3A_190, %parallel_loop3A_153 : i32
        %parallel_loop3A_192 = vector.broadcast %parallel_loop3A_191 : i32 to vector<16xi32>
        %parallel_loop3A_193 = arith.addi %parallel_loop3A_192, %parallel_loop3A_185 : vector<16xi32>
        %parallel_loop3A_194 = tpu.vector_load_idx %arg23[%parallel_loop3A_193, %parallel_loop3A_189] : memref<80x8xf32, #tpu.memory_space<vmem>>[vector<16xi32>, vector<16xi32>], vector<16xf32>,
        %parallel_loop3A_195 = arith.constant 2 : i32
        %parallel_loop3A_196 = arith.muli %parallel_loop3A_195, %parallel_loop3A_153 : i32
        %parallel_loop3A_197 = arith.constant 0 : i32
        %parallel_loop3A_198 = arith.addi %parallel_loop3A_196, %parallel_loop3A_197 : i32
        %parallel_loop3A_199 = arith.constant 0 : i32
        %parallel_loop3A_200 = vector.broadcast %parallel_loop3A_199 : i32 to vector<16xi32>
        %parallel_loop3A_201 = arith.constant 0 : i32
        %parallel_loop3A_202 = vector.broadcast %parallel_loop3A_201 : i32 to vector<16xi32>
        %parallel_loop3A_203 = arith.cmpi slt, %parallel_loop3A_200, %parallel_loop3A_202 : vector<16xi32>
        %parallel_loop3A_204 = arith.constant 16 : i32
        %parallel_loop3A_205 = vector.broadcast %parallel_loop3A_204 : i32 to vector<16xi32>
        %parallel_loop3A_206 = arith.addi %parallel_loop3A_200, %parallel_loop3A_205 : vector<16xi32>
        %parallel_loop3A_207 = arith.select %parallel_loop3A_203, %parallel_loop3A_206, %parallel_loop3A_200 : vector<16xi1>, vector<16xi32>
        %parallel_loop3A_208 = vector.shape_cast %parallel_loop3A_207 : vector<16xi32> to vector<16x1xi32>
        %parallel_loop3A_209 = vector.shape_cast %parallel_loop3A_208 : vector<16x1xi32> to vector<16xi32>
        %parallel_loop3A_210 = tpu.dynamic_gather %parallel_loop3A_194[%parallel_loop3A_209] in [0] : vector<16xf32>, vector<16xi32> -> vector<16xf32>
        %parallel_loop3A_211 = arith.index_cast %parallel_loop3A_198 : i32 to index
        %parallel_loop3A_212 = arith.constant 0 : index
        %parallel_loop3A_213 = tpu.vector_load %arg25[%parallel_loop3A_211, %parallel_loop3A_212] {strides = array<i32>} : memref<80x128xf32, #tpu.memory_space<vmem>>, vector<16xf32>,
        %parallel_loop3A_214 = arith.mulf %parallel_loop3A_213, %parallel_loop3A_210 : vector<16xf32>
        %parallel_loop3A_215 = arith.index_cast %parallel_loop3A_198 : i32 to index
        %parallel_loop3A_216 = arith.constant 0 : index
        %parallel_loop3A_217 = tpu.vector_load %arg25[%parallel_loop3A_215, %parallel_loop3A_216] {strides = array<i32>} : memref<80x128xf32, #tpu.memory_space<vmem>>, vector<16xf32>,
        tpu.vector_store %arg25[%parallel_loop3A_215, %parallel_loop3A_216], %parallel_loop3A_214 {strides = array<i32>} : memref<80x128xf32, #tpu.memory_space<vmem>>, vector<16xf32>,
        %parallel_loop3A_218 = arith.constant 1 : i32
        %parallel_loop3A_219 = vector.broadcast %parallel_loop3A_218 : i32 to vector<16xi32>
        %parallel_loop3A_220 = arith.constant 0 : i32
        %parallel_loop3A_221 = vector.broadcast %parallel_loop3A_220 : i32 to vector<16xi32>
        %parallel_loop3A_222 = arith.cmpi slt, %parallel_loop3A_219, %parallel_loop3A_221 : vector<16xi32>
        %parallel_loop3A_223 = arith.constant 16 : i32
        %parallel_loop3A_224 = vector.broadcast %parallel_loop3A_223 : i32 to vector<16xi32>
        %parallel_loop3A_225 = arith.addi %parallel_loop3A_219, %parallel_loop3A_224 : vector<16xi32>
        %parallel_loop3A_226 = arith.select %parallel_loop3A_222, %parallel_loop3A_225, %parallel_loop3A_219 : vector<16xi1>, vector<16xi32>
        %parallel_loop3A_227 = vector.shape_cast %parallel_loop3A_226 : vector<16xi32> to vector<16x1xi32>
        %parallel_loop3A_228 = vector.shape_cast %parallel_loop3A_227 : vector<16x1xi32> to vector<16xi32>
        %parallel_loop3A_229 = tpu.dynamic_gather %parallel_loop3A_194[%parallel_loop3A_228] in [0] : vector<16xf32>, vector<16xi32> -> vector<16xf32>
        %parallel_loop3A_230 = arith.index_cast %parallel_loop3A_198 : i32 to index
        %parallel_loop3A_231 = arith.constant 16 : index
        %parallel_loop3A_232 = tpu.vector_load %arg25[%parallel_loop3A_230, %parallel_loop3A_231] {strides = array<i32>} : memref<80x128xf32, #tpu.memory_space<vmem>>, vector<16xf32>,
        %parallel_loop3A_233 = arith.mulf %parallel_loop3A_232, %parallel_loop3A_229 : vector<16xf32>
        %parallel_loop3A_234 = arith.index_cast %parallel_loop3A_198 : i32 to index
        %parallel_loop3A_235 = arith.constant 16 : index
        %parallel_loop3A_236 = tpu.vector_load %arg25[%parallel_loop3A_234, %parallel_loop3A_235] {strides = array<i32>} : memref<80x128xf32, #tpu.memory_space<vmem>>, vector<16xf32>,
        tpu.vector_store %arg25[%parallel_loop3A_234, %parallel_loop3A_235], %parallel_loop3A_233 {strides = array<i32>} : memref<80x128xf32, #tpu.memory_space<vmem>>, vector<16xf32>,
        %parallel_loop3A_237 = arith.constant 2 : i32
        %parallel_loop3A_238 = vector.broadcast %parallel_loop3A_237 : i32 to vector<16xi32>
        %parallel_loop3A_239 = arith.constant 0 : i32
        %parallel_loop3A_240 = vector.broadcast %parallel_loop3A_239 : i32 to vector<16xi32>
        %parallel_loop3A_241 = arith.cmpi slt, %parallel_loop3A_238, %parallel_loop3A_240 : vector<16xi32>
        %parallel_loop3A_242 = arith.constant 16 : i32
        %parallel_loop3A_243 = vector.broadcast %parallel_loop3A_242 : i32 to vector<16xi32>
        %parallel_loop3A_244 = arith.addi %parallel_loop3A_238, %parallel_loop3A_243 : vector<16xi32>
        %parallel_loop3A_245 = arith.select %parallel_loop3A_241, %parallel_loop3A_244, %parallel_loop3A_238 : vector<16xi1>, vector<16xi32>
        %parallel_loop3A_246 = vector.shape_cast %parallel_loop3A_245 : vector<16xi32> to vector<16x1xi32>
        %parallel_loop3A_247 = vector.shape_cast %parallel_loop3A_246 : vector<16x1xi32> to vector<16xi32>
        %parallel_loop3A_248 = tpu.dynamic_gather %parallel_loop3A_194[%parallel_loop3A_247] in [0] : vector<16xf32>, vector<16xi32> -> vector<16xf32>
        %parallel_loop3A_249 = arith.index_cast %parallel_loop3A_198 : i32 to index
        %parallel_loop3A_250 = arith.constant 32 : index
        %parallel_loop3A_251 = tpu.vector_load %arg25[%parallel_loop3A_249, %parallel_loop3A_250] {strides = array<i32>} : memref<80x128xf32, #tpu.memory_space<vmem>>, vector<16xf32>,
        %parallel_loop3A_252 = arith.mulf %parallel_loop3A_251, %parallel_loop3A_248 : vector<16xf32>
        %parallel_loop3A_253 = arith.index_cast %parallel_loop3A_198 : i32 to index
        %parallel_loop3A_254 = arith.constant 32 : index
        %parallel_loop3A_255 = tpu.vector_load %arg25[%parallel_loop3A_253, %parallel_loop3A_254] {strides = array<i32>} : memref<80x128xf32, #tpu.memory_space<vmem>>, vector<16xf32>,
        tpu.vector_store %arg25[%parallel_loop3A_253, %parallel_loop3A_254], %parallel_loop3A_252 {strides = array<i32>} : memref<80x128xf32, #tpu.memory_space<vmem>>, vector<16xf32>,
        %parallel_loop3A_256 = arith.constant 3 : i32
        %parallel_loop3A_257 = vector.broadcast %parallel_loop3A_256 : i32 to vector<16xi32>
        %parallel_loop3A_258 = arith.constant 0 : i32
        %parallel_loop3A_259 = vector.broadcast %parallel_loop3A_258 : i32 to vector<16xi32>
        %parallel_loop3A_260 = arith.cmpi slt, %parallel_loop3A_257, %parallel_loop3A_259 : vector<16xi32>
        %parallel_loop3A_261 = arith.constant 16 : i32
        %parallel_loop3A_262 = vector.broadcast %parallel_loop3A_261 : i32 to vector<16xi32>
        %parallel_loop3A_263 = arith.addi %parallel_loop3A_257, %parallel_loop3A_262 : vector<16xi32>
        %parallel_loop3A_264 = arith.select %parallel_loop3A_260, %parallel_loop3A_263, %parallel_loop3A_257 : vector<16xi1>, vector<16xi32>
        %parallel_loop3A_265 = vector.shape_cast %parallel_loop3A_264 : vector<16xi32> to vector<16x1xi32>
        %parallel_loop3A_266 = vector.shape_cast %parallel_loop3A_265 : vector<16x1xi32> to vector<16xi32>
        %parallel_loop3A_267 = tpu.dynamic_gather %parallel_loop3A_194[%parallel_loop3A_266] in [0] : vector<16xf32>, vector<16xi32> -> vector<16xf32>
        %parallel_loop3A_268 = arith.index_cast %parallel_loop3A_198 : i32 to index
        %parallel_loop3A_269 = arith.constant 48 : index
        %parallel_loop3A_270 = tpu.vector_load %arg25[%parallel_loop3A_268, %parallel_loop3A_269] {strides = array<i32>} : memref<80x128xf32, #tpu.memory_space<vmem>>, vector<16xf32>,
        %parallel_loop3A_271 = arith.mulf %parallel_loop3A_270, %parallel_loop3A_267 : vector<16xf32>
        %parallel_loop3A_272 = arith.index_cast %parallel_loop3A_198 : i32 to index
        %parallel_loop3A_273 = arith.constant 48 : index
        %parallel_loop3A_274 = tpu.vector_load %arg25[%parallel_loop3A_272, %parallel_loop3A_273] {strides = array<i32>} : memref<80x128xf32, #tpu.memory_space<vmem>>, vector<16xf32>,
        tpu.vector_store %arg25[%parallel_loop3A_272, %parallel_loop3A_273], %parallel_loop3A_271 {strides = array<i32>} : memref<80x128xf32, #tpu.memory_space<vmem>>, vector<16xf32>,
        %parallel_loop3A_275 = arith.constant 4 : i32
        %parallel_loop3A_276 = vector.broadcast %parallel_loop3A_275 : i32 to vector<16xi32>
        %parallel_loop3A_277 = arith.constant 0 : i32
        %parallel_loop3A_278 = vector.broadcast %parallel_loop3A_277 : i32 to vector<16xi32>
        %parallel_loop3A_279 = arith.cmpi slt, %parallel_loop3A_276, %parallel_loop3A_278 : vector<16xi32>
        %parallel_loop3A_280 = arith.constant 16 : i32
        %parallel_loop3A_281 = vector.broadcast %parallel_loop3A_280 : i32 to vector<16xi32>
        %parallel_loop3A_282 = arith.addi %parallel_loop3A_276, %parallel_loop3A_281 : vector<16xi32>
        %parallel_loop3A_283 = arith.select %parallel_loop3A_279, %parallel_loop3A_282, %parallel_loop3A_276 : vector<16xi1>, vector<16xi32>
        %parallel_loop3A_284 = vector.shape_cast %parallel_loop3A_283 : vector<16xi32> to vector<16x1xi32>
        %parallel_loop3A_285 = vector.shape_cast %parallel_loop3A_284 : vector<16x1xi32> to vector<16xi32>
        %parallel_loop3A_286 = tpu.dynamic_gather %parallel_loop3A_194[%parallel_loop3A_285] in [0] : vector<16xf32>, vector<16xi32> -> vector<16xf32>
        %parallel_loop3A_287 = arith.index_cast %parallel_loop3A_198 : i32 to index
        %parallel_loop3A_288 = arith.constant 64 : index
        %parallel_loop3A_289 = tpu.vector_load %arg25[%parallel_loop3A_287, %parallel_loop3A_288] {strides = array<i32>} : memref<80x128xf32, #tpu.memory_space<vmem>>, vector<16xf32>,
        %parallel_loop3A_290 = arith.mulf %parallel_loop3A_289, %parallel_loop3A_286 : vector<16xf32>
        %parallel_loop3A_291 = arith.index_cast %parallel_loop3A_198 : i32 to index
        %parallel_loop3A_292 = arith.constant 64 : index
        %parallel_loop3A_293 = tpu.vector_load %arg25[%parallel_loop3A_291, %parallel_loop3A_292] {strides = array<i32>} : memref<80x128xf32, #tpu.memory_space<vmem>>, vector<16xf32>,
        tpu.vector_store %arg25[%parallel_loop3A_291, %parallel_loop3A_292], %parallel_loop3A_290 {strides = array<i32>} : memref<80x128xf32, #tpu.memory_space<vmem>>, vector<16xf32>,
        %parallel_loop3A_294 = arith.constant 5 : i32
        %parallel_loop3A_295 = vector.broadcast %parallel_loop3A_294 : i32 to vector<16xi32>
        %parallel_loop3A_296 = arith.constant 0 : i32
        %parallel_loop3A_297 = vector.broadcast %parallel_loop3A_296 : i32 to vector<16xi32>
        %parallel_loop3A_298 = arith.cmpi slt, %parallel_loop3A_295, %parallel_loop3A_297 : vector<16xi32>
        %parallel_loop3A_299 = arith.constant 16 : i32
        %parallel_loop3A_300 = vector.broadcast %parallel_loop3A_299 : i32 to vector<16xi32>
        %parallel_loop3A_301 = arith.addi %parallel_loop3A_295, %parallel_loop3A_300 : vector<16xi32>
        %parallel_loop3A_302 = arith.select %parallel_loop3A_298, %parallel_loop3A_301, %parallel_loop3A_295 : vector<16xi1>, vector<16xi32>
        %parallel_loop3A_303 = vector.shape_cast %parallel_loop3A_302 : vector<16xi32> to vector<16x1xi32>
        %parallel_loop3A_304 = vector.shape_cast %parallel_loop3A_303 : vector<16x1xi32> to vector<16xi32>
        %parallel_loop3A_305 = tpu.dynamic_gather %parallel_loop3A_194[%parallel_loop3A_304] in [0] : vector<16xf32>, vector<16xi32> -> vector<16xf32>
        %parallel_loop3A_306 = arith.index_cast %parallel_loop3A_198 : i32 to index
        %parallel_loop3A_307 = arith.constant 80 : index
        %parallel_loop3A_308 = tpu.vector_load %arg25[%parallel_loop3A_306, %parallel_loop3A_307] {strides = array<i32>} : memref<80x128xf32, #tpu.memory_space<vmem>>, vector<16xf32>,
        %parallel_loop3A_309 = arith.mulf %parallel_loop3A_308, %parallel_loop3A_305 : vector<16xf32>
        %parallel_loop3A_310 = arith.index_cast %parallel_loop3A_198 : i32 to index
        %parallel_loop3A_311 = arith.constant 80 : index
        %parallel_loop3A_312 = tpu.vector_load %arg25[%parallel_loop3A_310, %parallel_loop3A_311] {strides = array<i32>} : memref<80x128xf32, #tpu.memory_space<vmem>>, vector<16xf32>,
        tpu.vector_store %arg25[%parallel_loop3A_310, %parallel_loop3A_311], %parallel_loop3A_309 {strides = array<i32>} : memref<80x128xf32, #tpu.memory_space<vmem>>, vector<16xf32>,
        %parallel_loop3A_313 = arith.constant 6 : i32
        %parallel_loop3A_314 = vector.broadcast %parallel_loop3A_313 : i32 to vector<16xi32>
        %parallel_loop3A_315 = arith.constant 0 : i32
        %parallel_loop3A_316 = vector.broadcast %parallel_loop3A_315 : i32 to vector<16xi32>
        %parallel_loop3A_317 = arith.cmpi slt, %parallel_loop3A_314, %parallel_loop3A_316 : vector<16xi32>
        %parallel_loop3A_318 = arith.constant 16 : i32
        %parallel_loop3A_319 = vector.broadcast %parallel_loop3A_318 : i32 to vector<16xi32>
        %parallel_loop3A_320 = arith.addi %parallel_loop3A_314, %parallel_loop3A_319 : vector<16xi32>
        %parallel_loop3A_321 = arith.select %parallel_loop3A_317, %parallel_loop3A_320, %parallel_loop3A_314 : vector<16xi1>, vector<16xi32>
        %parallel_loop3A_322 = vector.shape_cast %parallel_loop3A_321 : vector<16xi32> to vector<16x1xi32>
        %parallel_loop3A_323 = vector.shape_cast %parallel_loop3A_322 : vector<16x1xi32> to vector<16xi32>
        %parallel_loop3A_324 = tpu.dynamic_gather %parallel_loop3A_194[%parallel_loop3A_323] in [0] : vector<16xf32>, vector<16xi32> -> vector<16xf32>
        %parallel_loop3A_325 = arith.index_cast %parallel_loop3A_198 : i32 to index
        %parallel_loop3A_326 = arith.constant 96 : index
        %parallel_loop3A_327 = tpu.vector_load %arg25[%parallel_loop3A_325, %parallel_loop3A_326] {strides = array<i32>} : memref<80x128xf32, #tpu.memory_space<vmem>>, vector<16xf32>,
        %parallel_loop3A_328 = arith.mulf %parallel_loop3A_327, %parallel_loop3A_324 : vector<16xf32>
        %parallel_loop3A_329 = arith.index_cast %parallel_loop3A_198 : i32 to index
        %parallel_loop3A_330 = arith.constant 96 : index
        %parallel_loop3A_331 = tpu.vector_load %arg25[%parallel_loop3A_329, %parallel_loop3A_330] {strides = array<i32>} : memref<80x128xf32, #tpu.memory_space<vmem>>, vector<16xf32>,
        tpu.vector_store %arg25[%parallel_loop3A_329, %parallel_loop3A_330], %parallel_loop3A_328 {strides = array<i32>} : memref<80x128xf32, #tpu.memory_space<vmem>>, vector<16xf32>,
        %parallel_loop3A_332 = arith.constant 7 : i32
        %parallel_loop3A_333 = vector.broadcast %parallel_loop3A_332 : i32 to vector<16xi32>
        %parallel_loop3A_334 = arith.constant 0 : i32
        %parallel_loop3A_335 = vector.broadcast %parallel_loop3A_334 : i32 to vector<16xi32>
        %parallel_loop3A_336 = arith.cmpi slt, %parallel_loop3A_333, %parallel_loop3A_335 : vector<16xi32>
        %parallel_loop3A_337 = arith.constant 16 : i32
        %parallel_loop3A_338 = vector.broadcast %parallel_loop3A_337 : i32 to vector<16xi32>
        %parallel_loop3A_339 = arith.addi %parallel_loop3A_333, %parallel_loop3A_338 : vector<16xi32>
        %parallel_loop3A_340 = arith.select %parallel_loop3A_336, %parallel_loop3A_339, %parallel_loop3A_333 : vector<16xi1>, vector<16xi32>
        %parallel_loop3A_341 = vector.shape_cast %parallel_loop3A_340 : vector<16xi32> to vector<16x1xi32>
        %parallel_loop3A_342 = vector.shape_cast %parallel_loop3A_341 : vector<16x1xi32> to vector<16xi32>
        %parallel_loop3A_343 = tpu.dynamic_gather %parallel_loop3A_194[%parallel_loop3A_342] in [0] : vector<16xf32>, vector<16xi32> -> vector<16xf32>
        %parallel_loop3A_344 = arith.index_cast %parallel_loop3A_198 : i32 to index
        %parallel_loop3A_345 = arith.constant 112 : index
        %parallel_loop3A_346 = tpu.vector_load %arg25[%parallel_loop3A_344, %parallel_loop3A_345] {strides = array<i32>} : memref<80x128xf32, #tpu.memory_space<vmem>>, vector<16xf32>,
        %parallel_loop3A_347 = arith.mulf %parallel_loop3A_346, %parallel_loop3A_343 : vector<16xf32>
        %parallel_loop3A_348 = arith.index_cast %parallel_loop3A_198 : i32 to index
        %parallel_loop3A_349 = arith.constant 112 : index
        %parallel_loop3A_350 = tpu.vector_load %arg25[%parallel_loop3A_348, %parallel_loop3A_349] {strides = array<i32>} : memref<80x128xf32, #tpu.memory_space<vmem>>, vector<16xf32>,
        tpu.vector_store %arg25[%parallel_loop3A_348, %parallel_loop3A_349], %parallel_loop3A_347 {strides = array<i32>} : memref<80x128xf32, #tpu.memory_space<vmem>>, vector<16xf32>,
        %parallel_loop3A_351 = arith.constant 2 : i32
        %parallel_loop3A_352 = arith.muli %parallel_loop3A_351, %parallel_loop3A_153 : i32
        %parallel_loop3A_353 = arith.constant 1 : i32
        %parallel_loop3A_354 = arith.addi %parallel_loop3A_352, %parallel_loop3A_353 : i32
        %parallel_loop3A_355 = arith.constant 8 : i32
        %parallel_loop3A_356 = vector.broadcast %parallel_loop3A_355 : i32 to vector<16xi32>
        %parallel_loop3A_357 = arith.constant 0 : i32
        %parallel_loop3A_358 = vector.broadcast %parallel_loop3A_357 : i32 to vector<16xi32>
        %parallel_loop3A_359 = arith.cmpi slt, %parallel_loop3A_356, %parallel_loop3A_358 : vector<16xi32>
        %parallel_loop3A_360 = arith.constant 16 : i32
        %parallel_loop3A_361 = vector.broadcast %parallel_loop3A_360 : i32 to vector<16xi32>
        %parallel_loop3A_362 = arith.addi %parallel_loop3A_356, %parallel_loop3A_361 : vector<16xi32>
        %parallel_loop3A_363 = arith.select %parallel_loop3A_359, %parallel_loop3A_362, %parallel_loop3A_356 : vector<16xi1>, vector<16xi32>
        %parallel_loop3A_364 = vector.shape_cast %parallel_loop3A_363 : vector<16xi32> to vector<16x1xi32>
        %parallel_loop3A_365 = vector.shape_cast %parallel_loop3A_364 : vector<16x1xi32> to vector<16xi32>
        %parallel_loop3A_366 = tpu.dynamic_gather %parallel_loop3A_194[%parallel_loop3A_365] in [0] : vector<16xf32>, vector<16xi32> -> vector<16xf32>
        %parallel_loop3A_367 = arith.index_cast %parallel_loop3A_354 : i32 to index
        %parallel_loop3A_368 = arith.constant 0 : index
        %parallel_loop3A_369 = tpu.vector_load %arg25[%parallel_loop3A_367, %parallel_loop3A_368] {strides = array<i32>} : memref<80x128xf32, #tpu.memory_space<vmem>>, vector<16xf32>,
        %parallel_loop3A_370 = arith.mulf %parallel_loop3A_369, %parallel_loop3A_366 : vector<16xf32>
        %parallel_loop3A_371 = arith.index_cast %parallel_loop3A_354 : i32 to index
        %parallel_loop3A_372 = arith.constant 0 : index
        %parallel_loop3A_373 = tpu.vector_load %arg25[%parallel_loop3A_371, %parallel_loop3A_372] {strides = array<i32>} : memref<80x128xf32, #tpu.memory_space<vmem>>, vector<16xf32>,
        tpu.vector_store %arg25[%parallel_loop3A_371, %parallel_loop3A_372], %parallel_loop3A_370 {strides = array<i32>} : memref<80x128xf32, #tpu.memory_space<vmem>>, vector<16xf32>,
        %parallel_loop3A_374 = arith.constant 9 : i32
        %parallel_loop3A_375 = vector.broadcast %parallel_loop3A_374 : i32 to vector<16xi32>
        %parallel_loop3A_376 = arith.constant 0 : i32
        %parallel_loop3A_377 = vector.broadcast %parallel_loop3A_376 : i32 to vector<16xi32>
        %parallel_loop3A_378 = arith.cmpi slt, %parallel_loop3A_375, %parallel_loop3A_377 : vector<16xi32>
        %parallel_loop3A_379 = arith.constant 16 : i32
        %parallel_loop3A_380 = vector.broadcast %parallel_loop3A_379 : i32 to vector<16xi32>
        %parallel_loop3A_381 = arith.addi %parallel_loop3A_375, %parallel_loop3A_380 : vector<16xi32>
        %parallel_loop3A_382 = arith.select %parallel_loop3A_378, %parallel_loop3A_381, %parallel_loop3A_375 : vector<16xi1>, vector<16xi32>
        %parallel_loop3A_383 = vector.shape_cast %parallel_loop3A_382 : vector<16xi32> to vector<16x1xi32>
        %parallel_loop3A_384 = vector.shape_cast %parallel_loop3A_383 : vector<16x1xi32> to vector<16xi32>
        %parallel_loop3A_385 = tpu.dynamic_gather %parallel_loop3A_194[%parallel_loop3A_384] in [0] : vector<16xf32>, vector<16xi32> -> vector<16xf32>
        %parallel_loop3A_386 = arith.index_cast %parallel_loop3A_354 : i32 to index
        %parallel_loop3A_387 = arith.constant 16 : index
        %parallel_loop3A_388 = tpu.vector_load %arg25[%parallel_loop3A_386, %parallel_loop3A_387] {strides = array<i32>} : memref<80x128xf32, #tpu.memory_space<vmem>>, vector<16xf32>,
        %parallel_loop3A_389 = arith.mulf %parallel_loop3A_388, %parallel_loop3A_385 : vector<16xf32>
        %parallel_loop3A_390 = arith.index_cast %parallel_loop3A_354 : i32 to index
        %parallel_loop3A_391 = arith.constant 16 : index
        %parallel_loop3A_392 = tpu.vector_load %arg25[%parallel_loop3A_390, %parallel_loop3A_391] {strides = array<i32>} : memref<80x128xf32, #tpu.memory_space<vmem>>, vector<16xf32>,
        tpu.vector_store %arg25[%parallel_loop3A_390, %parallel_loop3A_391], %parallel_loop3A_389 {strides = array<i32>} : memref<80x128xf32, #tpu.memory_space<vmem>>, vector<16xf32>,
        %parallel_loop3A_393 = arith.constant 10 : i32
        %parallel_loop3A_394 = vector.broadcast %parallel_loop3A_393 : i32 to vector<16xi32>
        %parallel_loop3A_395 = arith.constant 0 : i32
        %parallel_loop3A_396 = vector.broadcast %parallel_loop3A_395 : i32 to vector<16xi32>
        %parallel_loop3A_397 = arith.cmpi slt, %parallel_loop3A_394, %parallel_loop3A_396 : vector<16xi32>
        %parallel_loop3A_398 = arith.constant 16 : i32
        %parallel_loop3A_399 = vector.broadcast %parallel_loop3A_398 : i32 to vector<16xi32>
        %parallel_loop3A_400 = arith.addi %parallel_loop3A_394, %parallel_loop3A_399 : vector<16xi32>
        %parallel_loop3A_401 = arith.select %parallel_loop3A_397, %parallel_loop3A_400, %parallel_loop3A_394 : vector<16xi1>, vector<16xi32>
        %parallel_loop3A_402 = vector.shape_cast %parallel_loop3A_401 : vector<16xi32> to vector<16x1xi32>
        %parallel_loop3A_403 = vector.shape_cast %parallel_loop3A_402 : vector<16x1xi32> to vector<16xi32>
        %parallel_loop3A_404 = tpu.dynamic_gather %parallel_loop3A_194[%parallel_loop3A_403] in [0] : vector<16xf32>, vector<16xi32> -> vector<16xf32>
        %parallel_loop3A_405 = arith.index_cast %parallel_loop3A_354 : i32 to index
        %parallel_loop3A_406 = arith.constant 32 : index
        %parallel_loop3A_407 = tpu.vector_load %arg25[%parallel_loop3A_405, %parallel_loop3A_406] {strides = array<i32>} : memref<80x128xf32, #tpu.memory_space<vmem>>, vector<16xf32>,
        %parallel_loop3A_408 = arith.mulf %parallel_loop3A_407, %parallel_loop3A_404 : vector<16xf32>
        %parallel_loop3A_409 = arith.index_cast %parallel_loop3A_354 : i32 to index
        %parallel_loop3A_410 = arith.constant 32 : index
        %parallel_loop3A_411 = tpu.vector_load %arg25[%parallel_loop3A_409, %parallel_loop3A_410] {strides = array<i32>} : memref<80x128xf32, #tpu.memory_space<vmem>>, vector<16xf32>,
        tpu.vector_store %arg25[%parallel_loop3A_409, %parallel_loop3A_410], %parallel_loop3A_408 {strides = array<i32>} : memref<80x128xf32, #tpu.memory_space<vmem>>, vector<16xf32>,
        %parallel_loop3A_412 = arith.constant 11 : i32
        %parallel_loop3A_413 = vector.broadcast %parallel_loop3A_412 : i32 to vector<16xi32>
        %parallel_loop3A_414 = arith.constant 0 : i32
        %parallel_loop3A_415 = vector.broadcast %parallel_loop3A_414 : i32 to vector<16xi32>
        %parallel_loop3A_416 = arith.cmpi slt, %parallel_loop3A_413, %parallel_loop3A_415 : vector<16xi32>
        %parallel_loop3A_417 = arith.constant 16 : i32
        %parallel_loop3A_418 = vector.broadcast %parallel_loop3A_417 : i32 to vector<16xi32>
        %parallel_loop3A_419 = arith.addi %parallel_loop3A_413, %parallel_loop3A_418 : vector<16xi32>
        %parallel_loop3A_420 = arith.select %parallel_loop3A_416, %parallel_loop3A_419, %parallel_loop3A_413 : vector<16xi1>, vector<16xi32>
        %parallel_loop3A_421 = vector.shape_cast %parallel_loop3A_420 : vector<16xi32> to vector<16x1xi32>
        %parallel_loop3A_422 = vector.shape_cast %parallel_loop3A_421 : vector<16x1xi32> to vector<16xi32>
        %parallel_loop3A_423 = tpu.dynamic_gather %parallel_loop3A_194[%parallel_loop3A_422] in [0] : vector<16xf32>, vector<16xi32> -> vector<16xf32>
        %parallel_loop3A_424 = arith.index_cast %parallel_loop3A_354 : i32 to index
        %parallel_loop3A_425 = arith.constant 48 : index
        %parallel_loop3A_426 = tpu.vector_load %arg25[%parallel_loop3A_424, %parallel_loop3A_425] {strides = array<i32>} : memref<80x128xf32, #tpu.memory_space<vmem>>, vector<16xf32>,
        %parallel_loop3A_427 = arith.mulf %parallel_loop3A_426, %parallel_loop3A_423 : vector<16xf32>
        %parallel_loop3A_428 = arith.index_cast %parallel_loop3A_354 : i32 to index
        %parallel_loop3A_429 = arith.constant 48 : index
        %parallel_loop3A_430 = tpu.vector_load %arg25[%parallel_loop3A_428, %parallel_loop3A_429] {strides = array<i32>} : memref<80x128xf32, #tpu.memory_space<vmem>>, vector<16xf32>,
        tpu.vector_store %arg25[%parallel_loop3A_428, %parallel_loop3A_429], %parallel_loop3A_427 {strides = array<i32>} : memref<80x128xf32, #tpu.memory_space<vmem>>, vector<16xf32>,
        %parallel_loop3A_431 = arith.constant 12 : i32
        %parallel_loop3A_432 = vector.broadcast %parallel_loop3A_431 : i32 to vector<16xi32>
        %parallel_loop3A_433 = arith.constant 0 : i32
        %parallel_loop3A_434 = vector.broadcast %parallel_loop3A_433 : i32 to vector<16xi32>
        %parallel_loop3A_435 = arith.cmpi slt, %parallel_loop3A_432, %parallel_loop3A_434 : vector<16xi32>
        %parallel_loop3A_436 = arith.constant 16 : i32
        %parallel_loop3A_437 = vector.broadcast %parallel_loop3A_436 : i32 to vector<16xi32>
        %parallel_loop3A_438 = arith.addi %parallel_loop3A_432, %parallel_loop3A_437 : vector<16xi32>
        %parallel_loop3A_439 = arith.select %parallel_loop3A_435, %parallel_loop3A_438, %parallel_loop3A_432 : vector<16xi1>, vector<16xi32>
        %parallel_loop3A_440 = vector.shape_cast %parallel_loop3A_439 : vector<16xi32> to vector<16x1xi32>
        %parallel_loop3A_441 = vector.shape_cast %parallel_loop3A_440 : vector<16x1xi32> to vector<16xi32>
        %parallel_loop3A_442 = tpu.dynamic_gather %parallel_loop3A_194[%parallel_loop3A_441] in [0] : vector<16xf32>, vector<16xi32> -> vector<16xf32>
        %parallel_loop3A_443 = arith.index_cast %parallel_loop3A_354 : i32 to index
        %parallel_loop3A_444 = arith.constant 64 : index
        %parallel_loop3A_445 = tpu.vector_load %arg25[%parallel_loop3A_443, %parallel_loop3A_444] {strides = array<i32>} : memref<80x128xf32, #tpu.memory_space<vmem>>, vector<16xf32>,
        %parallel_loop3A_446 = arith.mulf %parallel_loop3A_445, %parallel_loop3A_442 : vector<16xf32>
        %parallel_loop3A_447 = arith.index_cast %parallel_loop3A_354 : i32 to index
        %parallel_loop3A_448 = arith.constant 64 : index
        %parallel_loop3A_449 = tpu.vector_load %arg25[%parallel_loop3A_447, %parallel_loop3A_448] {strides = array<i32>} : memref<80x128xf32, #tpu.memory_space<vmem>>, vector<16xf32>,
        tpu.vector_store %arg25[%parallel_loop3A_447, %parallel_loop3A_448], %parallel_loop3A_446 {strides = array<i32>} : memref<80x128xf32, #tpu.memory_space<vmem>>, vector<16xf32>,
        %parallel_loop3A_450 = arith.constant 13 : i32
        %parallel_loop3A_451 = vector.broadcast %parallel_loop3A_450 : i32 to vector<16xi32>
        %parallel_loop3A_452 = arith.constant 0 : i32
        %parallel_loop3A_453 = vector.broadcast %parallel_loop3A_452 : i32 to vector<16xi32>
        %parallel_loop3A_454 = arith.cmpi slt, %parallel_loop3A_451, %parallel_loop3A_453 : vector<16xi32>
        %parallel_loop3A_455 = arith.constant 16 : i32
        %parallel_loop3A_456 = vector.broadcast %parallel_loop3A_455 : i32 to vector<16xi32>
        %parallel_loop3A_457 = arith.addi %parallel_loop3A_451, %parallel_loop3A_456 : vector<16xi32>
        %parallel_loop3A_458 = arith.select %parallel_loop3A_454, %parallel_loop3A_457, %parallel_loop3A_451 : vector<16xi1>, vector<16xi32>
        %parallel_loop3A_459 = vector.shape_cast %parallel_loop3A_458 : vector<16xi32> to vector<16x1xi32>
        %parallel_loop3A_460 = vector.shape_cast %parallel_loop3A_459 : vector<16x1xi32> to vector<16xi32>
        %parallel_loop3A_461 = tpu.dynamic_gather %parallel_loop3A_194[%parallel_loop3A_460] in [0] : vector<16xf32>, vector<16xi32> -> vector<16xf32>
        %parallel_loop3A_462 = arith.index_cast %parallel_loop3A_354 : i32 to index
        %parallel_loop3A_463 = arith.constant 80 : index
        %parallel_loop3A_464 = tpu.vector_load %arg25[%parallel_loop3A_462, %parallel_loop3A_463] {strides = array<i32>} : memref<80x128xf32, #tpu.memory_space<vmem>>, vector<16xf32>,
        %parallel_loop3A_465 = arith.mulf %parallel_loop3A_464, %parallel_loop3A_461 : vector<16xf32>
        %parallel_loop3A_466 = arith.index_cast %parallel_loop3A_354 : i32 to index
        %parallel_loop3A_467 = arith.constant 80 : index
        %parallel_loop3A_468 = tpu.vector_load %arg25[%parallel_loop3A_466, %parallel_loop3A_467] {strides = array<i32>} : memref<80x128xf32, #tpu.memory_space<vmem>>, vector<16xf32>,
        tpu.vector_store %arg25[%parallel_loop3A_466, %parallel_loop3A_467], %parallel_loop3A_465 {strides = array<i32>} : memref<80x128xf32, #tpu.memory_space<vmem>>, vector<16xf32>,
        %parallel_loop3A_469 = arith.constant 14 : i32
        %parallel_loop3A_470 = vector.broadcast %parallel_loop3A_469 : i32 to vector<16xi32>
        %parallel_loop3A_471 = arith.constant 0 : i32
        %parallel_loop3A_472 = vector.broadcast %parallel_loop3A_471 : i32 to vector<16xi32>
        %parallel_loop3A_473 = arith.cmpi slt, %parallel_loop3A_470, %parallel_loop3A_472 : vector<16xi32>
        %parallel_loop3A_474 = arith.constant 16 : i32
        %parallel_loop3A_475 = vector.broadcast %parallel_loop3A_474 : i32 to vector<16xi32>
        %parallel_loop3A_476 = arith.addi %parallel_loop3A_470, %parallel_loop3A_475 : vector<16xi32>
        %parallel_loop3A_477 = arith.select %parallel_loop3A_473, %parallel_loop3A_476, %parallel_loop3A_470 : vector<16xi1>, vector<16xi32>
        %parallel_loop3A_478 = vector.shape_cast %parallel_loop3A_477 : vector<16xi32> to vector<16x1xi32>
        %parallel_loop3A_479 = vector.shape_cast %parallel_loop3A_478 : vector<16x1xi32> to vector<16xi32>
        %parallel_loop3A_480 = tpu.dynamic_gather %parallel_loop3A_194[%parallel_loop3A_479] in [0] : vector<16xf32>, vector<16xi32> -> vector<16xf32>
        %parallel_loop3A_481 = arith.index_cast %parallel_loop3A_354 : i32 to index
        %parallel_loop3A_482 = arith.constant 96 : index
        %parallel_loop3A_483 = tpu.vector_load %arg25[%parallel_loop3A_481, %parallel_loop3A_482] {strides = array<i32>} : memref<80x128xf32, #tpu.memory_space<vmem>>, vector<16xf32>,
        %parallel_loop3A_484 = arith.mulf %parallel_loop3A_483, %parallel_loop3A_480 : vector<16xf32>
        %parallel_loop3A_485 = arith.index_cast %parallel_loop3A_354 : i32 to index
        %parallel_loop3A_486 = arith.constant 96 : index
        %parallel_loop3A_487 = tpu.vector_load %arg25[%parallel_loop3A_485, %parallel_loop3A_486] {strides = array<i32>} : memref<80x128xf32, #tpu.memory_space<vmem>>, vector<16xf32>,
        tpu.vector_store %arg25[%parallel_loop3A_485, %parallel_loop3A_486], %parallel_loop3A_484 {strides = array<i32>} : memref<80x128xf32, #tpu.memory_space<vmem>>, vector<16xf32>,
        %parallel_loop3A_488 = arith.constant 15 : i32
        %parallel_loop3A_489 = vector.broadcast %parallel_loop3A_488 : i32 to vector<16xi32>
        %parallel_loop3A_490 = arith.constant 0 : i32
        %parallel_loop3A_491 = vector.broadcast %parallel_loop3A_490 : i32 to vector<16xi32>
        %parallel_loop3A_492 = arith.cmpi slt, %parallel_loop3A_489, %parallel_loop3A_491 : vector<16xi32>
        %parallel_loop3A_493 = arith.constant 16 : i32
        %parallel_loop3A_494 = vector.broadcast %parallel_loop3A_493 : i32 to vector<16xi32>
        %parallel_loop3A_495 = arith.addi %parallel_loop3A_489, %parallel_loop3A_494 : vector<16xi32>
        %parallel_loop3A_496 = arith.select %parallel_loop3A_492, %parallel_loop3A_495, %parallel_loop3A_489 : vector<16xi1>, vector<16xi32>
        %parallel_loop3A_497 = vector.shape_cast %parallel_loop3A_496 : vector<16xi32> to vector<16x1xi32>
        %parallel_loop3A_498 = vector.shape_cast %parallel_loop3A_497 : vector<16x1xi32> to vector<16xi32>
        %parallel_loop3A_499 = tpu.dynamic_gather %parallel_loop3A_194[%parallel_loop3A_498] in [0] : vector<16xf32>, vector<16xi32> -> vector<16xf32>
        %parallel_loop3A_500 = arith.index_cast %parallel_loop3A_354 : i32 to index
        %parallel_loop3A_501 = arith.constant 112 : index
        %parallel_loop3A_502 = tpu.vector_load %arg25[%parallel_loop3A_500, %parallel_loop3A_501] {strides = array<i32>} : memref<80x128xf32, #tpu.memory_space<vmem>>, vector<16xf32>,
        %parallel_loop3A_503 = arith.mulf %parallel_loop3A_502, %parallel_loop3A_499 : vector<16xf32>
        %parallel_loop3A_504 = arith.index_cast %parallel_loop3A_354 : i32 to index
        %parallel_loop3A_505 = arith.constant 112 : index
        %parallel_loop3A_506 = tpu.vector_load %arg25[%parallel_loop3A_504, %parallel_loop3A_505] {strides = array<i32>} : memref<80x128xf32, #tpu.memory_space<vmem>>, vector<16xf32>,
        tpu.vector_store %arg25[%parallel_loop3A_504, %parallel_loop3A_505], %parallel_loop3A_503 {strides = array<i32>} : memref<80x128xf32, #tpu.memory_space<vmem>>, vector<16xf32>,
      } {sc.loop_unroll_factor = 4 : i64, sc.parallel_access}
      %dma_start3A_104 = arith.constant 0 : i32
      %dma_start3A_105 = arith.constant 0 : i32
      %dma_start3A_106 = tpu.memref_slice %arg28[%dma_start3A_104, %dma_start3A_105] : memref<10000x128xf32, #tpu.memory_space<vmem_shared>> -> memref<10000x128xf32, #tpu.memory_space<vmem_shared>>
      tpu.enqueue_indirect_dma source(%arg25 : memref<80x128xf32, #tpu.memory_space<vmem>>) target(%dma_start3A_106 : memref<10000x128xf32, #tpu.memory_space<vmem_shared>>) offsets(%arg17 : memref<80xi32, #tpu.memory_space<vmem>>) semaphore(%arg36 : memref<!tpu.dma_semaphore, #tpu.memory_space<semaphore_mem>>) {add = true}
      %dma_start3A_107 = arith.constant 0 : i32
      %dma_start3A_108 = arith.constant 0 : i32
      %dma_start3A_109 = tpu.memref_slice %arg29[%dma_start3A_107, %dma_start3A_108] : memref<10000x8xf32, #tpu.memory_space<vmem_shared>> -> memref<10000x8xf32, #tpu.memory_space<vmem_shared>>
      tpu.enqueue_indirect_dma source(%arg23 : memref<80x8xf32, #tpu.memory_space<vmem>>) target(%dma_start3A_109 : memref<10000x8xf32, #tpu.memory_space<vmem_shared>>) offsets(%arg17 : memref<80xi32, #tpu.memory_space<vmem>>) semaphore(%arg36 : memref<!tpu.dma_semaphore, #tpu.memory_space<semaphore_mem>>) {add = true}
      %add3A_110 = arith.constant 2 : i32
      %add3A_111 = arith.addi %mul3A_84, %add3A_110 : i32
      %lt3A_112 = arith.cmpi slt, %add3A_111, %add3A_15 : i32
      %convert_element_type3A_113 = arith.extui %lt3A_112 : i1 to i32
      %cond3A_114 = arith.constant 0 : i32
      %cond3A_115 = arith.cmpi ne, %convert_element_type3A_113, %cond3A_114 : i32
      scf.if %cond3A_115 {
        %add3A_153 = arith.constant 2 : i32
        %add3A_154 = arith.addi %mul3A_84, %add3A_153 : i32
        %mul3A_155 = arith.constant 80 : i32
        %mul3A_156 = arith.muli %add3A_154, %mul3A_155 : i32
        %add3A_157 = arith.addi %add3A, %mul3A_156 : i32
        %dma_start3A_158 = tpu.memref_slice %arg2[%add3A_157] : memref<640000xi32, #tpu.memory_space<hbm>> -> memref<80xi32, #tpu.memory_space<hbm>>
        %dma_start3A_159 = tpu.memref_slice %arg2[%add3A_157] : memref<640000xi32, #tpu.memory_space<hbm>> -> memref<80xi32, #tpu.memory_space<hbm>>
        tpu.enqueue_dma source(%dma_start3A_159 : memref<80xi32, #tpu.memory_space<hbm>>) target(%arg13 : memref<80xi32, #tpu.memory_space<vmem>>) target_semaphore(%arg30 : memref<!tpu.dma_semaphore, #tpu.memory_space<semaphore_mem>>)
        %dma_start3A_160 = tpu.memref_slice %arg3[%add3A_157] : memref<640000xi32, #tpu.memory_space<hbm>> -> memref<80xi32, #tpu.memory_space<hbm>>
        %dma_start3A_161 = tpu.memref_slice %arg3[%add3A_157] : memref<640000xi32, #tpu.memory_space<hbm>> -> memref<80xi32, #tpu.memory_space<hbm>>
        tpu.enqueue_dma source(%dma_start3A_161 : memref<80xi32, #tpu.memory_space<hbm>>) target(%arg15 : memref<80xi32, #tpu.memory_space<vmem>>) target_semaphore(%arg30 : memref<!tpu.dma_semaphore, #tpu.memory_space<semaphore_mem>>)
        %dma_start3A_162 = tpu.memref_slice %arg4[%add3A_157] : memref<640000xi32, #tpu.memory_space<hbm>> -> memref<80xi32, #tpu.memory_space<hbm>>
        %dma_start3A_163 = tpu.memref_slice %arg4[%add3A_157] : memref<640000xi32, #tpu.memory_space<hbm>> -> memref<80xi32, #tpu.memory_space<hbm>>
        tpu.enqueue_dma source(%dma_start3A_163 : memref<80xi32, #tpu.memory_space<hbm>>) target(%arg17 : memref<80xi32, #tpu.memory_space<vmem>>) target_semaphore(%arg30 : memref<!tpu.dma_semaphore, #tpu.memory_space<semaphore_mem>>)
      } else {
      }
      %mul3A_116 = arith.constant 2 : i32
      %mul3A_117 = arith.muli %mul3A_116, %while3A_82 : i32
      %add3A_118 = arith.constant 1 : i32
      %add3A_119 = arith.addi %mul3A_117, %add3A_118 : i32
      %add3A_120 = arith.constant 1 : i32
      %add3A_121 = arith.addi %add3A_119, %add3A_120 : i32
      %lt3A_122 = arith.cmpi slt, %add3A_121, %add3A_15 : i32
      %convert_element_type3A_123 = arith.extui %lt3A_122 : i1 to i32
      %cond3A_124 = arith.constant 0 : i32
      %cond3A_125 = arith.cmpi ne, %convert_element_type3A_123, %cond3A_124 : i32
      scf.if %cond3A_125 {
        %dma_wait3A_153 = arith.constant 0 : i32
        %dma_wait3A_154 = tpu.memref_slice %arg2[%dma_wait3A_153] : memref<640000xi32, #tpu.memory_space<hbm>> -> memref<80xi32, #tpu.memory_space<hbm>>
        %dma_wait3A_155 = arith.constant 0 : i32
        %dma_wait3A_156 = tpu.memref_slice %arg2[%dma_wait3A_155] : memref<640000xi32, #tpu.memory_space<hbm>> -> memref<80xi32, #tpu.memory_space<hbm>>
        tpu.wait_dma2 semaphore(%arg30 : memref<!tpu.dma_semaphore, #tpu.memory_space<semaphore_mem>>) src(%dma_wait3A_156 : memref<80xi32, #tpu.memory_space<hbm>>) dst(%arg13 : memref<80xi32, #tpu.memory_space<vmem>>)
        %dma_wait3A_157 = arith.constant 0 : i32
        %dma_wait3A_158 = tpu.memref_slice %arg3[%dma_wait3A_157] : memref<640000xi32, #tpu.memory_space<hbm>> -> memref<80xi32, #tpu.memory_space<hbm>>
        %dma_wait3A_159 = arith.constant 0 : i32
        %dma_wait3A_160 = tpu.memref_slice %arg3[%dma_wait3A_159] : memref<640000xi32, #tpu.memory_space<hbm>> -> memref<80xi32, #tpu.memory_space<hbm>>
        tpu.wait_dma2 semaphore(%arg30 : memref<!tpu.dma_semaphore, #tpu.memory_space<semaphore_mem>>) src(%dma_wait3A_160 : memref<80xi32, #tpu.memory_space<hbm>>) dst(%arg15 : memref<80xi32, #tpu.memory_space<vmem>>)
        %dma_wait3A_161 = arith.constant 0 : i32
        %dma_wait3A_162 = tpu.memref_slice %arg4[%dma_wait3A_161] : memref<640000xi32, #tpu.memory_space<hbm>> -> memref<80xi32, #tpu.memory_space<hbm>>
        %dma_wait3A_163 = arith.constant 0 : i32
        %dma_wait3A_164 = tpu.memref_slice %arg4[%dma_wait3A_163] : memref<640000xi32, #tpu.memory_space<hbm>> -> memref<80xi32, #tpu.memory_space<hbm>>
        tpu.wait_dma2 semaphore(%arg30 : memref<!tpu.dma_semaphore, #tpu.memory_space<semaphore_mem>>) src(%dma_wait3A_164 : memref<80xi32, #tpu.memory_space<hbm>>) dst(%arg17 : memref<80xi32, #tpu.memory_space<vmem>>)
        %ge3A = arith.constant 1 : i32
        %ge3A_165 = arith.cmpi sge, %add3A_119, %ge3A : i32
        %convert_element_type3A_166 = arith.extui %ge3A_165 : i1 to i32
        %cond3A_167 = arith.constant 0 : i32
        %cond3A_168 = arith.cmpi ne, %convert_element_type3A_166, %cond3A_167 : i32
        scf.if %cond3A_168 {
          %dma_wait3A_178 = arith.constant 0 : i32
          %dma_wait3A_179 = arith.constant 0 : i32
          %dma_wait3A_180 = tpu.memref_slice %arg28[%dma_wait3A_178, %dma_wait3A_179] : memref<10000x128xf32, #tpu.memory_space<vmem_shared>> -> memref<10000x128xf32, #tpu.memory_space<vmem_shared>>
          tpu.wait_indirect_dma semaphore(%arg36 : memref<!tpu.dma_semaphore, #tpu.memory_space<semaphore_mem>>) src(%arg25 : memref<80x128xf32, #tpu.memory_space<vmem>>) dst(%dma_wait3A_180 : memref<10000x128xf32, #tpu.memory_space<vmem_shared>>)
          %dma_wait3A_181 = arith.constant 0 : i32
          %dma_wait3A_182 = arith.constant 0 : i32
          %dma_wait3A_183 = tpu.memref_slice %arg29[%dma_wait3A_181, %dma_wait3A_182] : memref<10000x8xf32, #tpu.memory_space<vmem_shared>> -> memref<10000x8xf32, #tpu.memory_space<vmem_shared>>
          tpu.wait_indirect_dma semaphore(%arg36 : memref<!tpu.dma_semaphore, #tpu.memory_space<semaphore_mem>>) src(%arg23 : memref<80x8xf32, #tpu.memory_space<vmem>>) dst(%dma_wait3A_183 : memref<10000x8xf32, #tpu.memory_space<vmem_shared>>)
        } else {
        }
        %dma_start3A_169 = arith.constant 0 : i32
        %dma_start3A_170 = arith.constant 0 : i32
        %dma_start3A_171 = tpu.memref_slice %arg5[%dma_start3A_169, %dma_start3A_170] : memref<20000x8xf32, #tpu.memory_space<hbm>> -> memref<20000x8xf32, #tpu.memory_space<hbm>>
        tpu.enqueue_indirect_dma source(%dma_start3A_171 : memref<20000x8xf32, #tpu.memory_space<hbm>>) target(%arg19 : memref<80x8xf32, #tpu.memory_space<vmem>>) offsets(%arg13 : memref<80xi32, #tpu.memory_space<vmem>>) semaphore(%arg32 : memref<!tpu.dma_semaphore, #tpu.memory_space<semaphore_mem>>)
        %dma_start3A_172 = arith.constant 0 : i32
        %dma_start3A_173 = arith.constant 0 : i32
        %dma_start3A_174 = tpu.memref_slice %arg6[%dma_start3A_172, %dma_start3A_173] : memref<20000x8xf32, #tpu.memory_space<hbm>> -> memref<20000x8xf32, #tpu.memory_space<hbm>>
        tpu.enqueue_indirect_dma source(%dma_start3A_174 : memref<20000x8xf32, #tpu.memory_space<hbm>>) target(%arg21 : memref<80x8xf32, #tpu.memory_space<vmem>>) offsets(%arg15 : memref<80xi32, #tpu.memory_space<vmem>>) semaphore(%arg32 : memref<!tpu.dma_semaphore, #tpu.memory_space<semaphore_mem>>)
        %dma_start3A_175 = arith.constant 0 : i32
        %dma_start3A_176 = arith.constant 0 : i32
        %dma_start3A_177 = tpu.memref_slice %arg7[%dma_start3A_175, %dma_start3A_176] : memref<20000x128xf32, #tpu.memory_space<hbm>> -> memref<20000x128xf32, #tpu.memory_space<hbm>>
        tpu.enqueue_indirect_dma source(%dma_start3A_177 : memref<20000x128xf32, #tpu.memory_space<hbm>>) target(%arg25 : memref<80x128xf32, #tpu.memory_space<vmem>>) offsets(%arg13 : memref<80xi32, #tpu.memory_space<vmem>>) semaphore(%arg34 : memref<!tpu.dma_semaphore, #tpu.memory_space<semaphore_mem>>)
      } else {
      }
      %dma_wait3A_126 = arith.constant 0 : i32
      %dma_wait3A_127 = arith.constant 0 : i32
      %dma_wait3A_128 = tpu.memref_slice %arg5[%dma_wait3A_126, %dma_wait3A_127] : memref<20000x8xf32, #tpu.memory_space<hbm>> -> memref<20000x8xf32, #tpu.memory_space<hbm>>
      tpu.wait_indirect_dma semaphore(%arg33 : memref<!tpu.dma_semaphore, #tpu.memory_space<semaphore_mem>>) src(%dma_wait3A_128 : memref<20000x8xf32, #tpu.memory_space<hbm>>) dst(%arg20 : memref<80x8xf32, #tpu.memory_space<vmem>>)
      %dma_wait3A_129 = arith.constant 0 : i32
      %dma_wait3A_130 = arith.constant 0 : i32
      %dma_wait3A_131 = tpu.memref_slice %arg6[%dma_wait3A_129, %dma_wait3A_130] : memref<20000x8xf32, #tpu.memory_space<hbm>> -> memref<20000x8xf32, #tpu.memory_space<hbm>>
      tpu.wait_indirect_dma semaphore(%arg33 : memref<!tpu.dma_semaphore, #tpu.memory_space<semaphore_mem>>) src(%dma_wait3A_131 : memref<20000x8xf32, #tpu.memory_space<hbm>>) dst(%arg22 : memref<80x8xf32, #tpu.memory_space<vmem>>)
      %parallel_loop3A_132 = arith.constant 0 : i32
      %parallel_loop3A_133 = arith.constant 40 : i32
      %parallel_loop3A_134 = arith.constant 1 : i32
      scf.for %parallel_loop3A_153 = %parallel_loop3A_132 to %parallel_loop3A_133 step %parallel_loop3A_134  : i32 {
        %parallel_loop3A_154 = tpu.iota {dimensions = array<i32: 0>} : vector<16xi32>
        %parallel_loop3A_155 = arith.constant 8 : i32
        %parallel_loop3A_156 = vector.broadcast %parallel_loop3A_155 : i32 to vector<16xi32>
        %parallel_loop3A_157 = arith.divsi %parallel_loop3A_154, %parallel_loop3A_156 : vector<16xi32>
        %parallel_loop3A_158 = arith.constant 0 : i32
        %parallel_loop3A_159 = vector.broadcast %parallel_loop3A_158 : i32 to vector<16xi32>
        %parallel_loop3A_160 = arith.cmpi sgt, %parallel_loop3A_154, %parallel_loop3A_159 : vector<16xi32>
        %parallel_loop3A_161 = arith.extui %parallel_loop3A_160 : vector<16xi1> to vector<16xi32>
        %parallel_loop3A_162 = arith.constant 0 : i32
        %parallel_loop3A_163 = vector.broadcast %parallel_loop3A_162 : i32 to vector<16xi32>
        %parallel_loop3A_164 = arith.cmpi slt, %parallel_loop3A_154, %parallel_loop3A_163 : vector<16xi32>
        %parallel_loop3A_165 = arith.extui %parallel_loop3A_164 : vector<16xi1> to vector<16xi32>
        %parallel_loop3A_166 = arith.subi %parallel_loop3A_161, %parallel_loop3A_165 : vector<16xi32>
        %parallel_loop3A_167 = arith.constant 0 : i32
        %parallel_loop3A_168 = arith.cmpi sgt, %parallel_loop3A_155, %parallel_loop3A_167 : i32
        %parallel_loop3A_169 = arith.extui %parallel_loop3A_168 : i1 to i32
        %parallel_loop3A_170 = arith.constant 0 : i32
        %parallel_loop3A_171 = arith.cmpi slt, %parallel_loop3A_155, %parallel_loop3A_170 : i32
        %parallel_loop3A_172 = arith.extui %parallel_loop3A_171 : i1 to i32
        %parallel_loop3A_173 = arith.subi %parallel_loop3A_169, %parallel_loop3A_172 : i32
        %parallel_loop3A_174 = vector.broadcast %parallel_loop3A_173 : i32 to vector<16xi32>
        %parallel_loop3A_175 = arith.cmpi ne, %parallel_loop3A_166, %parallel_loop3A_174 : vector<16xi32>
        %parallel_loop3A_176 = vector.broadcast %parallel_loop3A_155 : i32 to vector<16xi32>
        %parallel_loop3A_177 = arith.remsi %parallel_loop3A_154, %parallel_loop3A_176 : vector<16xi32>
        %parallel_loop3A_178 = arith.constant 0 : i32
        %parallel_loop3A_179 = vector.broadcast %parallel_loop3A_178 : i32 to vector<16xi32>
        %parallel_loop3A_180 = arith.cmpi ne, %parallel_loop3A_177, %parallel_loop3A_179 : vector<16xi32>
        %parallel_loop3A_181 = arith.andi %parallel_loop3A_175, %parallel_loop3A_180 : vector<16xi1>
        %parallel_loop3A_182 = arith.constant 1 : i32
        %parallel_loop3A_183 = vector.broadcast %parallel_loop3A_182 : i32 to vector<16xi32>
        %parallel_loop3A_184 = arith.subi %parallel_loop3A_157, %parallel_loop3A_183 : vector<16xi32>
        %parallel_loop3A_185 = arith.select %parallel_loop3A_181, %parallel_loop3A_184, %parallel_loop3A_157 : vector<16xi1>, vector<16xi32>
        %parallel_loop3A_186 = arith.constant 8 : i32
        %parallel_loop3A_187 = vector.broadcast %parallel_loop3A_186 : i32 to vector<16xi32>
        %parallel_loop3A_188 = arith.muli %parallel_loop3A_187, %parallel_loop3A_185 : vector<16xi32>
        %parallel_loop3A_189 = arith.subi %parallel_loop3A_154, %parallel_loop3A_188 : vector<16xi32>
        %parallel_loop3A_190 = arith.constant 0 : index
        %parallel_loop3A_191 = tpu.vector_load %arg27[%parallel_loop3A_190] {strides = array<i32>} : memref<16xf32, #tpu.memory_space<vmem>>, vector<16xf32>,
        %parallel_loop3A_192 = arith.constant 2 : i32
        %parallel_loop3A_193 = arith.muli %parallel_loop3A_192, %parallel_loop3A_153 : i32
        %parallel_loop3A_194 = vector.broadcast %parallel_loop3A_193 : i32 to vector<16xi32>
        %parallel_loop3A_195 = arith.addi %parallel_loop3A_194, %parallel_loop3A_185 : vector<16xi32>
        %parallel_loop3A_196 = tpu.vector_load_idx %arg20[%parallel_loop3A_195, %parallel_loop3A_189] : memref<80x8xf32, #tpu.memory_space<vmem>>[vector<16xi32>, vector<16xi32>], vector<16xf32>,
        %parallel_loop3A_197 = tpu.vector_load_idx %arg22[%parallel_loop3A_195, %parallel_loop3A_189] : memref<80x8xf32, #tpu.memory_space<vmem>>[vector<16xi32>, vector<16xi32>], vector<16xf32>,
        %parallel_loop3A_198 = arith.addf %parallel_loop3A_196, %parallel_loop3A_197 : vector<16xf32>
        %parallel_loop3A_199 = arith.constant 2.000000e-01 : f32
        %parallel_loop3A_200 = vector.broadcast %parallel_loop3A_199 : f32 to vector<16xf32>
        %parallel_loop3A_201 = arith.mulf %parallel_loop3A_200, %parallel_loop3A_198 : vector<16xf32>
        %parallel_loop3A_202 = arith.maximumf %parallel_loop3A_198, %parallel_loop3A_201 : vector<16xf32>
        %parallel_loop3A_203 = arith.subf %parallel_loop3A_202, %parallel_loop3A_191 : vector<16xf32>
        %parallel_loop3A_204 = math.exp %parallel_loop3A_203 : vector<16xf32>
        tpu.vector_store_idx %arg24[%parallel_loop3A_195, %parallel_loop3A_189], %parallel_loop3A_204 : memref<80x8xf32, #tpu.memory_space<vmem>>[vector<16xi32>, vector<16xi32>], vector<16xf32>,
      } {sc.loop_unroll_factor = 8 : i64, sc.parallel_access}
      %dma_wait3A_135 = arith.constant 0 : i32
      %dma_wait3A_136 = arith.constant 0 : i32
      %dma_wait3A_137 = tpu.memref_slice %arg7[%dma_wait3A_135, %dma_wait3A_136] : memref<20000x128xf32, #tpu.memory_space<hbm>> -> memref<20000x128xf32, #tpu.memory_space<hbm>>
      tpu.wait_indirect_dma semaphore(%arg35 : memref<!tpu.dma_semaphore, #tpu.memory_space<semaphore_mem>>) src(%dma_wait3A_137 : memref<20000x128xf32, #tpu.memory_space<hbm>>) dst(%arg26 : memref<80x128xf32, #tpu.memory_space<vmem>>)
      %parallel_loop3A_138 = arith.constant 0 : i32
      %parallel_loop3A_139 = arith.constant 40 : i32
      %parallel_loop3A_140 = arith.constant 1 : i32
      scf.for %parallel_loop3A_153 = %parallel_loop3A_138 to %parallel_loop3A_139 step %parallel_loop3A_140  : i32 {
        %parallel_loop3A_154 = tpu.iota {dimensions = array<i32: 0>} : vector<16xi32>
        %parallel_loop3A_155 = arith.constant 8 : i32
        %parallel_loop3A_156 = vector.broadcast %parallel_loop3A_155 : i32 to vector<16xi32>
        %parallel_loop3A_157 = arith.divsi %parallel_loop3A_154, %parallel_loop3A_156 : vector<16xi32>
        %parallel_loop3A_158 = arith.constant 0 : i32
        %parallel_loop3A_159 = vector.broadcast %parallel_loop3A_158 : i32 to vector<16xi32>
        %parallel_loop3A_160 = arith.cmpi sgt, %parallel_loop3A_154, %parallel_loop3A_159 : vector<16xi32>
        %parallel_loop3A_161 = arith.extui %parallel_loop3A_160 : vector<16xi1> to vector<16xi32>
        %parallel_loop3A_162 = arith.constant 0 : i32
        %parallel_loop3A_163 = vector.broadcast %parallel_loop3A_162 : i32 to vector<16xi32>
        %parallel_loop3A_164 = arith.cmpi slt, %parallel_loop3A_154, %parallel_loop3A_163 : vector<16xi32>
        %parallel_loop3A_165 = arith.extui %parallel_loop3A_164 : vector<16xi1> to vector<16xi32>
        %parallel_loop3A_166 = arith.subi %parallel_loop3A_161, %parallel_loop3A_165 : vector<16xi32>
        %parallel_loop3A_167 = arith.constant 0 : i32
        %parallel_loop3A_168 = arith.cmpi sgt, %parallel_loop3A_155, %parallel_loop3A_167 : i32
        %parallel_loop3A_169 = arith.extui %parallel_loop3A_168 : i1 to i32
        %parallel_loop3A_170 = arith.constant 0 : i32
        %parallel_loop3A_171 = arith.cmpi slt, %parallel_loop3A_155, %parallel_loop3A_170 : i32
        %parallel_loop3A_172 = arith.extui %parallel_loop3A_171 : i1 to i32
        %parallel_loop3A_173 = arith.subi %parallel_loop3A_169, %parallel_loop3A_172 : i32
        %parallel_loop3A_174 = vector.broadcast %parallel_loop3A_173 : i32 to vector<16xi32>
        %parallel_loop3A_175 = arith.cmpi ne, %parallel_loop3A_166, %parallel_loop3A_174 : vector<16xi32>
        %parallel_loop3A_176 = vector.broadcast %parallel_loop3A_155 : i32 to vector<16xi32>
        %parallel_loop3A_177 = arith.remsi %parallel_loop3A_154, %parallel_loop3A_176 : vector<16xi32>
        %parallel_loop3A_178 = arith.constant 0 : i32
        %parallel_loop3A_179 = vector.broadcast %parallel_loop3A_178 : i32 to vector<16xi32>
        %parallel_loop3A_180 = arith.cmpi ne, %parallel_loop3A_177, %parallel_loop3A_179 : vector<16xi32>
        %parallel_loop3A_181 = arith.andi %parallel_loop3A_175, %parallel_loop3A_180 : vector<16xi1>
        %parallel_loop3A_182 = arith.constant 1 : i32
        %parallel_loop3A_183 = vector.broadcast %parallel_loop3A_182 : i32 to vector<16xi32>
        %parallel_loop3A_184 = arith.subi %parallel_loop3A_157, %parallel_loop3A_183 : vector<16xi32>
        %parallel_loop3A_185 = arith.select %parallel_loop3A_181, %parallel_loop3A_184, %parallel_loop3A_157 : vector<16xi1>, vector<16xi32>
        %parallel_loop3A_186 = arith.constant 8 : i32
        %parallel_loop3A_187 = vector.broadcast %parallel_loop3A_186 : i32 to vector<16xi32>
        %parallel_loop3A_188 = arith.muli %parallel_loop3A_187, %parallel_loop3A_185 : vector<16xi32>
        %parallel_loop3A_189 = arith.subi %parallel_loop3A_154, %parallel_loop3A_188 : vector<16xi32>
        %parallel_loop3A_190 = arith.constant 2 : i32
        %parallel_loop3A_191 = arith.muli %parallel_loop3A_190, %parallel_loop3A_153 : i32
        %parallel_loop3A_192 = vector.broadcast %parallel_loop3A_191 : i32 to vector<16xi32>
        %parallel_loop3A_193 = arith.addi %parallel_loop3A_192, %parallel_loop3A_185 : vector<16xi32>
        %parallel_loop3A_194 = tpu.vector_load_idx %arg24[%parallel_loop3A_193, %parallel_loop3A_189] : memref<80x8xf32, #tpu.memory_space<vmem>>[vector<16xi32>, vector<16xi32>], vector<16xf32>,
        %parallel_loop3A_195 = arith.constant 2 : i32
        %parallel_loop3A_196 = arith.muli %parallel_loop3A_195, %parallel_loop3A_153 : i32
        %parallel_loop3A_197 = arith.constant 0 : i32
        %parallel_loop3A_198 = arith.addi %parallel_loop3A_196, %parallel_loop3A_197 : i32
        %parallel_loop3A_199 = arith.constant 0 : i32
        %parallel_loop3A_200 = vector.broadcast %parallel_loop3A_199 : i32 to vector<16xi32>
        %parallel_loop3A_201 = arith.constant 0 : i32
        %parallel_loop3A_202 = vector.broadcast %parallel_loop3A_201 : i32 to vector<16xi32>
        %parallel_loop3A_203 = arith.cmpi slt, %parallel_loop3A_200, %parallel_loop3A_202 : vector<16xi32>
        %parallel_loop3A_204 = arith.constant 16 : i32
        %parallel_loop3A_205 = vector.broadcast %parallel_loop3A_204 : i32 to vector<16xi32>
        %parallel_loop3A_206 = arith.addi %parallel_loop3A_200, %parallel_loop3A_205 : vector<16xi32>
        %parallel_loop3A_207 = arith.select %parallel_loop3A_203, %parallel_loop3A_206, %parallel_loop3A_200 : vector<16xi1>, vector<16xi32>
        %parallel_loop3A_208 = vector.shape_cast %parallel_loop3A_207 : vector<16xi32> to vector<16x1xi32>
        %parallel_loop3A_209 = vector.shape_cast %parallel_loop3A_208 : vector<16x1xi32> to vector<16xi32>
        %parallel_loop3A_210 = tpu.dynamic_gather %parallel_loop3A_194[%parallel_loop3A_209] in [0] : vector<16xf32>, vector<16xi32> -> vector<16xf32>
        %parallel_loop3A_211 = arith.index_cast %parallel_loop3A_198 : i32 to index
        %parallel_loop3A_212 = arith.constant 0 : index
        %parallel_loop3A_213 = tpu.vector_load %arg26[%parallel_loop3A_211, %parallel_loop3A_212] {strides = array<i32>} : memref<80x128xf32, #tpu.memory_space<vmem>>, vector<16xf32>,
        %parallel_loop3A_214 = arith.mulf %parallel_loop3A_213, %parallel_loop3A_210 : vector<16xf32>
        %parallel_loop3A_215 = arith.index_cast %parallel_loop3A_198 : i32 to index
        %parallel_loop3A_216 = arith.constant 0 : index
        %parallel_loop3A_217 = tpu.vector_load %arg26[%parallel_loop3A_215, %parallel_loop3A_216] {strides = array<i32>} : memref<80x128xf32, #tpu.memory_space<vmem>>, vector<16xf32>,
        tpu.vector_store %arg26[%parallel_loop3A_215, %parallel_loop3A_216], %parallel_loop3A_214 {strides = array<i32>} : memref<80x128xf32, #tpu.memory_space<vmem>>, vector<16xf32>,
        %parallel_loop3A_218 = arith.constant 1 : i32
        %parallel_loop3A_219 = vector.broadcast %parallel_loop3A_218 : i32 to vector<16xi32>
        %parallel_loop3A_220 = arith.constant 0 : i32
        %parallel_loop3A_221 = vector.broadcast %parallel_loop3A_220 : i32 to vector<16xi32>
        %parallel_loop3A_222 = arith.cmpi slt, %parallel_loop3A_219, %parallel_loop3A_221 : vector<16xi32>
        %parallel_loop3A_223 = arith.constant 16 : i32
        %parallel_loop3A_224 = vector.broadcast %parallel_loop3A_223 : i32 to vector<16xi32>
        %parallel_loop3A_225 = arith.addi %parallel_loop3A_219, %parallel_loop3A_224 : vector<16xi32>
        %parallel_loop3A_226 = arith.select %parallel_loop3A_222, %parallel_loop3A_225, %parallel_loop3A_219 : vector<16xi1>, vector<16xi32>
        %parallel_loop3A_227 = vector.shape_cast %parallel_loop3A_226 : vector<16xi32> to vector<16x1xi32>
        %parallel_loop3A_228 = vector.shape_cast %parallel_loop3A_227 : vector<16x1xi32> to vector<16xi32>
        %parallel_loop3A_229 = tpu.dynamic_gather %parallel_loop3A_194[%parallel_loop3A_228] in [0] : vector<16xf32>, vector<16xi32> -> vector<16xf32>
        %parallel_loop3A_230 = arith.index_cast %parallel_loop3A_198 : i32 to index
        %parallel_loop3A_231 = arith.constant 16 : index
        %parallel_loop3A_232 = tpu.vector_load %arg26[%parallel_loop3A_230, %parallel_loop3A_231] {strides = array<i32>} : memref<80x128xf32, #tpu.memory_space<vmem>>, vector<16xf32>,
        %parallel_loop3A_233 = arith.mulf %parallel_loop3A_232, %parallel_loop3A_229 : vector<16xf32>
        %parallel_loop3A_234 = arith.index_cast %parallel_loop3A_198 : i32 to index
        %parallel_loop3A_235 = arith.constant 16 : index
        %parallel_loop3A_236 = tpu.vector_load %arg26[%parallel_loop3A_234, %parallel_loop3A_235] {strides = array<i32>} : memref<80x128xf32, #tpu.memory_space<vmem>>, vector<16xf32>,
        tpu.vector_store %arg26[%parallel_loop3A_234, %parallel_loop3A_235], %parallel_loop3A_233 {strides = array<i32>} : memref<80x128xf32, #tpu.memory_space<vmem>>, vector<16xf32>,
        %parallel_loop3A_237 = arith.constant 2 : i32
        %parallel_loop3A_238 = vector.broadcast %parallel_loop3A_237 : i32 to vector<16xi32>
        %parallel_loop3A_239 = arith.constant 0 : i32
        %parallel_loop3A_240 = vector.broadcast %parallel_loop3A_239 : i32 to vector<16xi32>
        %parallel_loop3A_241 = arith.cmpi slt, %parallel_loop3A_238, %parallel_loop3A_240 : vector<16xi32>
        %parallel_loop3A_242 = arith.constant 16 : i32
        %parallel_loop3A_243 = vector.broadcast %parallel_loop3A_242 : i32 to vector<16xi32>
        %parallel_loop3A_244 = arith.addi %parallel_loop3A_238, %parallel_loop3A_243 : vector<16xi32>
        %parallel_loop3A_245 = arith.select %parallel_loop3A_241, %parallel_loop3A_244, %parallel_loop3A_238 : vector<16xi1>, vector<16xi32>
        %parallel_loop3A_246 = vector.shape_cast %parallel_loop3A_245 : vector<16xi32> to vector<16x1xi32>
        %parallel_loop3A_247 = vector.shape_cast %parallel_loop3A_246 : vector<16x1xi32> to vector<16xi32>
        %parallel_loop3A_248 = tpu.dynamic_gather %parallel_loop3A_194[%parallel_loop3A_247] in [0] : vector<16xf32>, vector<16xi32> -> vector<16xf32>
        %parallel_loop3A_249 = arith.index_cast %parallel_loop3A_198 : i32 to index
        %parallel_loop3A_250 = arith.constant 32 : index
        %parallel_loop3A_251 = tpu.vector_load %arg26[%parallel_loop3A_249, %parallel_loop3A_250] {strides = array<i32>} : memref<80x128xf32, #tpu.memory_space<vmem>>, vector<16xf32>,
        %parallel_loop3A_252 = arith.mulf %parallel_loop3A_251, %parallel_loop3A_248 : vector<16xf32>
        %parallel_loop3A_253 = arith.index_cast %parallel_loop3A_198 : i32 to index
        %parallel_loop3A_254 = arith.constant 32 : index
        %parallel_loop3A_255 = tpu.vector_load %arg26[%parallel_loop3A_253, %parallel_loop3A_254] {strides = array<i32>} : memref<80x128xf32, #tpu.memory_space<vmem>>, vector<16xf32>,
        tpu.vector_store %arg26[%parallel_loop3A_253, %parallel_loop3A_254], %parallel_loop3A_252 {strides = array<i32>} : memref<80x128xf32, #tpu.memory_space<vmem>>, vector<16xf32>,
        %parallel_loop3A_256 = arith.constant 3 : i32
        %parallel_loop3A_257 = vector.broadcast %parallel_loop3A_256 : i32 to vector<16xi32>
        %parallel_loop3A_258 = arith.constant 0 : i32
        %parallel_loop3A_259 = vector.broadcast %parallel_loop3A_258 : i32 to vector<16xi32>
        %parallel_loop3A_260 = arith.cmpi slt, %parallel_loop3A_257, %parallel_loop3A_259 : vector<16xi32>
        %parallel_loop3A_261 = arith.constant 16 : i32
        %parallel_loop3A_262 = vector.broadcast %parallel_loop3A_261 : i32 to vector<16xi32>
        %parallel_loop3A_263 = arith.addi %parallel_loop3A_257, %parallel_loop3A_262 : vector<16xi32>
        %parallel_loop3A_264 = arith.select %parallel_loop3A_260, %parallel_loop3A_263, %parallel_loop3A_257 : vector<16xi1>, vector<16xi32>
        %parallel_loop3A_265 = vector.shape_cast %parallel_loop3A_264 : vector<16xi32> to vector<16x1xi32>
        %parallel_loop3A_266 = vector.shape_cast %parallel_loop3A_265 : vector<16x1xi32> to vector<16xi32>
        %parallel_loop3A_267 = tpu.dynamic_gather %parallel_loop3A_194[%parallel_loop3A_266] in [0] : vector<16xf32>, vector<16xi32> -> vector<16xf32>
        %parallel_loop3A_268 = arith.index_cast %parallel_loop3A_198 : i32 to index
        %parallel_loop3A_269 = arith.constant 48 : index
        %parallel_loop3A_270 = tpu.vector_load %arg26[%parallel_loop3A_268, %parallel_loop3A_269] {strides = array<i32>} : memref<80x128xf32, #tpu.memory_space<vmem>>, vector<16xf32>,
        %parallel_loop3A_271 = arith.mulf %parallel_loop3A_270, %parallel_loop3A_267 : vector<16xf32>
        %parallel_loop3A_272 = arith.index_cast %parallel_loop3A_198 : i32 to index
        %parallel_loop3A_273 = arith.constant 48 : index
        %parallel_loop3A_274 = tpu.vector_load %arg26[%parallel_loop3A_272, %parallel_loop3A_273] {strides = array<i32>} : memref<80x128xf32, #tpu.memory_space<vmem>>, vector<16xf32>,
        tpu.vector_store %arg26[%parallel_loop3A_272, %parallel_loop3A_273], %parallel_loop3A_271 {strides = array<i32>} : memref<80x128xf32, #tpu.memory_space<vmem>>, vector<16xf32>,
        %parallel_loop3A_275 = arith.constant 4 : i32
        %parallel_loop3A_276 = vector.broadcast %parallel_loop3A_275 : i32 to vector<16xi32>
        %parallel_loop3A_277 = arith.constant 0 : i32
        %parallel_loop3A_278 = vector.broadcast %parallel_loop3A_277 : i32 to vector<16xi32>
        %parallel_loop3A_279 = arith.cmpi slt, %parallel_loop3A_276, %parallel_loop3A_278 : vector<16xi32>
        %parallel_loop3A_280 = arith.constant 16 : i32
        %parallel_loop3A_281 = vector.broadcast %parallel_loop3A_280 : i32 to vector<16xi32>
        %parallel_loop3A_282 = arith.addi %parallel_loop3A_276, %parallel_loop3A_281 : vector<16xi32>
        %parallel_loop3A_283 = arith.select %parallel_loop3A_279, %parallel_loop3A_282, %parallel_loop3A_276 : vector<16xi1>, vector<16xi32>
        %parallel_loop3A_284 = vector.shape_cast %parallel_loop3A_283 : vector<16xi32> to vector<16x1xi32>
        %parallel_loop3A_285 = vector.shape_cast %parallel_loop3A_284 : vector<16x1xi32> to vector<16xi32>
        %parallel_loop3A_286 = tpu.dynamic_gather %parallel_loop3A_194[%parallel_loop3A_285] in [0] : vector<16xf32>, vector<16xi32> -> vector<16xf32>
        %parallel_loop3A_287 = arith.index_cast %parallel_loop3A_198 : i32 to index
        %parallel_loop3A_288 = arith.constant 64 : index
        %parallel_loop3A_289 = tpu.vector_load %arg26[%parallel_loop3A_287, %parallel_loop3A_288] {strides = array<i32>} : memref<80x128xf32, #tpu.memory_space<vmem>>, vector<16xf32>,
        %parallel_loop3A_290 = arith.mulf %parallel_loop3A_289, %parallel_loop3A_286 : vector<16xf32>
        %parallel_loop3A_291 = arith.index_cast %parallel_loop3A_198 : i32 to index
        %parallel_loop3A_292 = arith.constant 64 : index
        %parallel_loop3A_293 = tpu.vector_load %arg26[%parallel_loop3A_291, %parallel_loop3A_292] {strides = array<i32>} : memref<80x128xf32, #tpu.memory_space<vmem>>, vector<16xf32>,
        tpu.vector_store %arg26[%parallel_loop3A_291, %parallel_loop3A_292], %parallel_loop3A_290 {strides = array<i32>} : memref<80x128xf32, #tpu.memory_space<vmem>>, vector<16xf32>,
        %parallel_loop3A_294 = arith.constant 5 : i32
        %parallel_loop3A_295 = vector.broadcast %parallel_loop3A_294 : i32 to vector<16xi32>
        %parallel_loop3A_296 = arith.constant 0 : i32
        %parallel_loop3A_297 = vector.broadcast %parallel_loop3A_296 : i32 to vector<16xi32>
        %parallel_loop3A_298 = arith.cmpi slt, %parallel_loop3A_295, %parallel_loop3A_297 : vector<16xi32>
        %parallel_loop3A_299 = arith.constant 16 : i32
        %parallel_loop3A_300 = vector.broadcast %parallel_loop3A_299 : i32 to vector<16xi32>
        %parallel_loop3A_301 = arith.addi %parallel_loop3A_295, %parallel_loop3A_300 : vector<16xi32>
        %parallel_loop3A_302 = arith.select %parallel_loop3A_298, %parallel_loop3A_301, %parallel_loop3A_295 : vector<16xi1>, vector<16xi32>
        %parallel_loop3A_303 = vector.shape_cast %parallel_loop3A_302 : vector<16xi32> to vector<16x1xi32>
        %parallel_loop3A_304 = vector.shape_cast %parallel_loop3A_303 : vector<16x1xi32> to vector<16xi32>
        %parallel_loop3A_305 = tpu.dynamic_gather %parallel_loop3A_194[%parallel_loop3A_304] in [0] : vector<16xf32>, vector<16xi32> -> vector<16xf32>
        %parallel_loop3A_306 = arith.index_cast %parallel_loop3A_198 : i32 to index
        %parallel_loop3A_307 = arith.constant 80 : index
        %parallel_loop3A_308 = tpu.vector_load %arg26[%parallel_loop3A_306, %parallel_loop3A_307] {strides = array<i32>} : memref<80x128xf32, #tpu.memory_space<vmem>>, vector<16xf32>,
        %parallel_loop3A_309 = arith.mulf %parallel_loop3A_308, %parallel_loop3A_305 : vector<16xf32>
        %parallel_loop3A_310 = arith.index_cast %parallel_loop3A_198 : i32 to index
        %parallel_loop3A_311 = arith.constant 80 : index
        %parallel_loop3A_312 = tpu.vector_load %arg26[%parallel_loop3A_310, %parallel_loop3A_311] {strides = array<i32>} : memref<80x128xf32, #tpu.memory_space<vmem>>, vector<16xf32>,
        tpu.vector_store %arg26[%parallel_loop3A_310, %parallel_loop3A_311], %parallel_loop3A_309 {strides = array<i32>} : memref<80x128xf32, #tpu.memory_space<vmem>>, vector<16xf32>,
        %parallel_loop3A_313 = arith.constant 6 : i32
        %parallel_loop3A_314 = vector.broadcast %parallel_loop3A_313 : i32 to vector<16xi32>
        %parallel_loop3A_315 = arith.constant 0 : i32
        %parallel_loop3A_316 = vector.broadcast %parallel_loop3A_315 : i32 to vector<16xi32>
        %parallel_loop3A_317 = arith.cmpi slt, %parallel_loop3A_314, %parallel_loop3A_316 : vector<16xi32>
        %parallel_loop3A_318 = arith.constant 16 : i32
        %parallel_loop3A_319 = vector.broadcast %parallel_loop3A_318 : i32 to vector<16xi32>
        %parallel_loop3A_320 = arith.addi %parallel_loop3A_314, %parallel_loop3A_319 : vector<16xi32>
        %parallel_loop3A_321 = arith.select %parallel_loop3A_317, %parallel_loop3A_320, %parallel_loop3A_314 : vector<16xi1>, vector<16xi32>
        %parallel_loop3A_322 = vector.shape_cast %parallel_loop3A_321 : vector<16xi32> to vector<16x1xi32>
        %parallel_loop3A_323 = vector.shape_cast %parallel_loop3A_322 : vector<16x1xi32> to vector<16xi32>
        %parallel_loop3A_324 = tpu.dynamic_gather %parallel_loop3A_194[%parallel_loop3A_323] in [0] : vector<16xf32>, vector<16xi32> -> vector<16xf32>
        %parallel_loop3A_325 = arith.index_cast %parallel_loop3A_198 : i32 to index
        %parallel_loop3A_326 = arith.constant 96 : index
        %parallel_loop3A_327 = tpu.vector_load %arg26[%parallel_loop3A_325, %parallel_loop3A_326] {strides = array<i32>} : memref<80x128xf32, #tpu.memory_space<vmem>>, vector<16xf32>,
        %parallel_loop3A_328 = arith.mulf %parallel_loop3A_327, %parallel_loop3A_324 : vector<16xf32>
        %parallel_loop3A_329 = arith.index_cast %parallel_loop3A_198 : i32 to index
        %parallel_loop3A_330 = arith.constant 96 : index
        %parallel_loop3A_331 = tpu.vector_load %arg26[%parallel_loop3A_329, %parallel_loop3A_330] {strides = array<i32>} : memref<80x128xf32, #tpu.memory_space<vmem>>, vector<16xf32>,
        tpu.vector_store %arg26[%parallel_loop3A_329, %parallel_loop3A_330], %parallel_loop3A_328 {strides = array<i32>} : memref<80x128xf32, #tpu.memory_space<vmem>>, vector<16xf32>,
        %parallel_loop3A_332 = arith.constant 7 : i32
        %parallel_loop3A_333 = vector.broadcast %parallel_loop3A_332 : i32 to vector<16xi32>
        %parallel_loop3A_334 = arith.constant 0 : i32
        %parallel_loop3A_335 = vector.broadcast %parallel_loop3A_334 : i32 to vector<16xi32>
        %parallel_loop3A_336 = arith.cmpi slt, %parallel_loop3A_333, %parallel_loop3A_335 : vector<16xi32>
        %parallel_loop3A_337 = arith.constant 16 : i32
        %parallel_loop3A_338 = vector.broadcast %parallel_loop3A_337 : i32 to vector<16xi32>
        %parallel_loop3A_339 = arith.addi %parallel_loop3A_333, %parallel_loop3A_338 : vector<16xi32>
        %parallel_loop3A_340 = arith.select %parallel_loop3A_336, %parallel_loop3A_339, %parallel_loop3A_333 : vector<16xi1>, vector<16xi32>
        %parallel_loop3A_341 = vector.shape_cast %parallel_loop3A_340 : vector<16xi32> to vector<16x1xi32>
        %parallel_loop3A_342 = vector.shape_cast %parallel_loop3A_341 : vector<16x1xi32> to vector<16xi32>
        %parallel_loop3A_343 = tpu.dynamic_gather %parallel_loop3A_194[%parallel_loop3A_342] in [0] : vector<16xf32>, vector<16xi32> -> vector<16xf32>
        %parallel_loop3A_344 = arith.index_cast %parallel_loop3A_198 : i32 to index
        %parallel_loop3A_345 = arith.constant 112 : index
        %parallel_loop3A_346 = tpu.vector_load %arg26[%parallel_loop3A_344, %parallel_loop3A_345] {strides = array<i32>} : memref<80x128xf32, #tpu.memory_space<vmem>>, vector<16xf32>,
        %parallel_loop3A_347 = arith.mulf %parallel_loop3A_346, %parallel_loop3A_343 : vector<16xf32>
        %parallel_loop3A_348 = arith.index_cast %parallel_loop3A_198 : i32 to index
        %parallel_loop3A_349 = arith.constant 112 : index
        %parallel_loop3A_350 = tpu.vector_load %arg26[%parallel_loop3A_348, %parallel_loop3A_349] {strides = array<i32>} : memref<80x128xf32, #tpu.memory_space<vmem>>, vector<16xf32>,
        tpu.vector_store %arg26[%parallel_loop3A_348, %parallel_loop3A_349], %parallel_loop3A_347 {strides = array<i32>} : memref<80x128xf32, #tpu.memory_space<vmem>>, vector<16xf32>,
        %parallel_loop3A_351 = arith.constant 2 : i32
        %parallel_loop3A_352 = arith.muli %parallel_loop3A_351, %parallel_loop3A_153 : i32
        %parallel_loop3A_353 = arith.constant 1 : i32
        %parallel_loop3A_354 = arith.addi %parallel_loop3A_352, %parallel_loop3A_353 : i32
        %parallel_loop3A_355 = arith.constant 8 : i32
        %parallel_loop3A_356 = vector.broadcast %parallel_loop3A_355 : i32 to vector<16xi32>
        %parallel_loop3A_357 = arith.constant 0 : i32
        %parallel_loop3A_358 = vector.broadcast %parallel_loop3A_357 : i32 to vector<16xi32>
        %parallel_loop3A_359 = arith.cmpi slt, %parallel_loop3A_356, %parallel_loop3A_358 : vector<16xi32>
        %parallel_loop3A_360 = arith.constant 16 : i32
        %parallel_loop3A_361 = vector.broadcast %parallel_loop3A_360 : i32 to vector<16xi32>
        %parallel_loop3A_362 = arith.addi %parallel_loop3A_356, %parallel_loop3A_361 : vector<16xi32>
        %parallel_loop3A_363 = arith.select %parallel_loop3A_359, %parallel_loop3A_362, %parallel_loop3A_356 : vector<16xi1>, vector<16xi32>
        %parallel_loop3A_364 = vector.shape_cast %parallel_loop3A_363 : vector<16xi32> to vector<16x1xi32>
        %parallel_loop3A_365 = vector.shape_cast %parallel_loop3A_364 : vector<16x1xi32> to vector<16xi32>
        %parallel_loop3A_366 = tpu.dynamic_gather %parallel_loop3A_194[%parallel_loop3A_365] in [0] : vector<16xf32>, vector<16xi32> -> vector<16xf32>
        %parallel_loop3A_367 = arith.index_cast %parallel_loop3A_354 : i32 to index
        %parallel_loop3A_368 = arith.constant 0 : index
        %parallel_loop3A_369 = tpu.vector_load %arg26[%parallel_loop3A_367, %parallel_loop3A_368] {strides = array<i32>} : memref<80x128xf32, #tpu.memory_space<vmem>>, vector<16xf32>,
        %parallel_loop3A_370 = arith.mulf %parallel_loop3A_369, %parallel_loop3A_366 : vector<16xf32>
        %parallel_loop3A_371 = arith.index_cast %parallel_loop3A_354 : i32 to index
        %parallel_loop3A_372 = arith.constant 0 : index
        %parallel_loop3A_373 = tpu.vector_load %arg26[%parallel_loop3A_371, %parallel_loop3A_372] {strides = array<i32>} : memref<80x128xf32, #tpu.memory_space<vmem>>, vector<16xf32>,
        tpu.vector_store %arg26[%parallel_loop3A_371, %parallel_loop3A_372], %parallel_loop3A_370 {strides = array<i32>} : memref<80x128xf32, #tpu.memory_space<vmem>>, vector<16xf32>,
        %parallel_loop3A_374 = arith.constant 9 : i32
        %parallel_loop3A_375 = vector.broadcast %parallel_loop3A_374 : i32 to vector<16xi32>
        %parallel_loop3A_376 = arith.constant 0 : i32
        %parallel_loop3A_377 = vector.broadcast %parallel_loop3A_376 : i32 to vector<16xi32>
        %parallel_loop3A_378 = arith.cmpi slt, %parallel_loop3A_375, %parallel_loop3A_377 : vector<16xi32>
        %parallel_loop3A_379 = arith.constant 16 : i32
        %parallel_loop3A_380 = vector.broadcast %parallel_loop3A_379 : i32 to vector<16xi32>
        %parallel_loop3A_381 = arith.addi %parallel_loop3A_375, %parallel_loop3A_380 : vector<16xi32>
        %parallel_loop3A_382 = arith.select %parallel_loop3A_378, %parallel_loop3A_381, %parallel_loop3A_375 : vector<16xi1>, vector<16xi32>
        %parallel_loop3A_383 = vector.shape_cast %parallel_loop3A_382 : vector<16xi32> to vector<16x1xi32>
        %parallel_loop3A_384 = vector.shape_cast %parallel_loop3A_383 : vector<16x1xi32> to vector<16xi32>
        %parallel_loop3A_385 = tpu.dynamic_gather %parallel_loop3A_194[%parallel_loop3A_384] in [0] : vector<16xf32>, vector<16xi32> -> vector<16xf32>
        %parallel_loop3A_386 = arith.index_cast %parallel_loop3A_354 : i32 to index
        %parallel_loop3A_387 = arith.constant 16 : index
        %parallel_loop3A_388 = tpu.vector_load %arg26[%parallel_loop3A_386, %parallel_loop3A_387] {strides = array<i32>} : memref<80x128xf32, #tpu.memory_space<vmem>>, vector<16xf32>,
        %parallel_loop3A_389 = arith.mulf %parallel_loop3A_388, %parallel_loop3A_385 : vector<16xf32>
        %parallel_loop3A_390 = arith.index_cast %parallel_loop3A_354 : i32 to index
        %parallel_loop3A_391 = arith.constant 16 : index
        %parallel_loop3A_392 = tpu.vector_load %arg26[%parallel_loop3A_390, %parallel_loop3A_391] {strides = array<i32>} : memref<80x128xf32, #tpu.memory_space<vmem>>, vector<16xf32>,
        tpu.vector_store %arg26[%parallel_loop3A_390, %parallel_loop3A_391], %parallel_loop3A_389 {strides = array<i32>} : memref<80x128xf32, #tpu.memory_space<vmem>>, vector<16xf32>,
        %parallel_loop3A_393 = arith.constant 10 : i32
        %parallel_loop3A_394 = vector.broadcast %parallel_loop3A_393 : i32 to vector<16xi32>
        %parallel_loop3A_395 = arith.constant 0 : i32
        %parallel_loop3A_396 = vector.broadcast %parallel_loop3A_395 : i32 to vector<16xi32>
        %parallel_loop3A_397 = arith.cmpi slt, %parallel_loop3A_394, %parallel_loop3A_396 : vector<16xi32>
        %parallel_loop3A_398 = arith.constant 16 : i32
        %parallel_loop3A_399 = vector.broadcast %parallel_loop3A_398 : i32 to vector<16xi32>
        %parallel_loop3A_400 = arith.addi %parallel_loop3A_394, %parallel_loop3A_399 : vector<16xi32>
        %parallel_loop3A_401 = arith.select %parallel_loop3A_397, %parallel_loop3A_400, %parallel_loop3A_394 : vector<16xi1>, vector<16xi32>
        %parallel_loop3A_402 = vector.shape_cast %parallel_loop3A_401 : vector<16xi32> to vector<16x1xi32>
        %parallel_loop3A_403 = vector.shape_cast %parallel_loop3A_402 : vector<16x1xi32> to vector<16xi32>
        %parallel_loop3A_404 = tpu.dynamic_gather %parallel_loop3A_194[%parallel_loop3A_403] in [0] : vector<16xf32>, vector<16xi32> -> vector<16xf32>
        %parallel_loop3A_405 = arith.index_cast %parallel_loop3A_354 : i32 to index
        %parallel_loop3A_406 = arith.constant 32 : index
        %parallel_loop3A_407 = tpu.vector_load %arg26[%parallel_loop3A_405, %parallel_loop3A_406] {strides = array<i32>} : memref<80x128xf32, #tpu.memory_space<vmem>>, vector<16xf32>,
        %parallel_loop3A_408 = arith.mulf %parallel_loop3A_407, %parallel_loop3A_404 : vector<16xf32>
        %parallel_loop3A_409 = arith.index_cast %parallel_loop3A_354 : i32 to index
        %parallel_loop3A_410 = arith.constant 32 : index
        %parallel_loop3A_411 = tpu.vector_load %arg26[%parallel_loop3A_409, %parallel_loop3A_410] {strides = array<i32>} : memref<80x128xf32, #tpu.memory_space<vmem>>, vector<16xf32>,
        tpu.vector_store %arg26[%parallel_loop3A_409, %parallel_loop3A_410], %parallel_loop3A_408 {strides = array<i32>} : memref<80x128xf32, #tpu.memory_space<vmem>>, vector<16xf32>,
        %parallel_loop3A_412 = arith.constant 11 : i32
        %parallel_loop3A_413 = vector.broadcast %parallel_loop3A_412 : i32 to vector<16xi32>
        %parallel_loop3A_414 = arith.constant 0 : i32
        %parallel_loop3A_415 = vector.broadcast %parallel_loop3A_414 : i32 to vector<16xi32>
        %parallel_loop3A_416 = arith.cmpi slt, %parallel_loop3A_413, %parallel_loop3A_415 : vector<16xi32>
        %parallel_loop3A_417 = arith.constant 16 : i32
        %parallel_loop3A_418 = vector.broadcast %parallel_loop3A_417 : i32 to vector<16xi32>
        %parallel_loop3A_419 = arith.addi %parallel_loop3A_413, %parallel_loop3A_418 : vector<16xi32>
        %parallel_loop3A_420 = arith.select %parallel_loop3A_416, %parallel_loop3A_419, %parallel_loop3A_413 : vector<16xi1>, vector<16xi32>
        %parallel_loop3A_421 = vector.shape_cast %parallel_loop3A_420 : vector<16xi32> to vector<16x1xi32>
        %parallel_loop3A_422 = vector.shape_cast %parallel_loop3A_421 : vector<16x1xi32> to vector<16xi32>
        %parallel_loop3A_423 = tpu.dynamic_gather %parallel_loop3A_194[%parallel_loop3A_422] in [0] : vector<16xf32>, vector<16xi32> -> vector<16xf32>
        %parallel_loop3A_424 = arith.index_cast %parallel_loop3A_354 : i32 to index
        %parallel_loop3A_425 = arith.constant 48 : index
        %parallel_loop3A_426 = tpu.vector_load %arg26[%parallel_loop3A_424, %parallel_loop3A_425] {strides = array<i32>} : memref<80x128xf32, #tpu.memory_space<vmem>>, vector<16xf32>,
        %parallel_loop3A_427 = arith.mulf %parallel_loop3A_426, %parallel_loop3A_423 : vector<16xf32>
        %parallel_loop3A_428 = arith.index_cast %parallel_loop3A_354 : i32 to index
        %parallel_loop3A_429 = arith.constant 48 : index
        %parallel_loop3A_430 = tpu.vector_load %arg26[%parallel_loop3A_428, %parallel_loop3A_429] {strides = array<i32>} : memref<80x128xf32, #tpu.memory_space<vmem>>, vector<16xf32>,
        tpu.vector_store %arg26[%parallel_loop3A_428, %parallel_loop3A_429], %parallel_loop3A_427 {strides = array<i32>} : memref<80x128xf32, #tpu.memory_space<vmem>>, vector<16xf32>,
        %parallel_loop3A_431 = arith.constant 12 : i32
        %parallel_loop3A_432 = vector.broadcast %parallel_loop3A_431 : i32 to vector<16xi32>
        %parallel_loop3A_433 = arith.constant 0 : i32
        %parallel_loop3A_434 = vector.broadcast %parallel_loop3A_433 : i32 to vector<16xi32>
        %parallel_loop3A_435 = arith.cmpi slt, %parallel_loop3A_432, %parallel_loop3A_434 : vector<16xi32>
        %parallel_loop3A_436 = arith.constant 16 : i32
        %parallel_loop3A_437 = vector.broadcast %parallel_loop3A_436 : i32 to vector<16xi32>
        %parallel_loop3A_438 = arith.addi %parallel_loop3A_432, %parallel_loop3A_437 : vector<16xi32>
        %parallel_loop3A_439 = arith.select %parallel_loop3A_435, %parallel_loop3A_438, %parallel_loop3A_432 : vector<16xi1>, vector<16xi32>
        %parallel_loop3A_440 = vector.shape_cast %parallel_loop3A_439 : vector<16xi32> to vector<16x1xi32>
        %parallel_loop3A_441 = vector.shape_cast %parallel_loop3A_440 : vector<16x1xi32> to vector<16xi32>
        %parallel_loop3A_442 = tpu.dynamic_gather %parallel_loop3A_194[%parallel_loop3A_441] in [0] : vector<16xf32>, vector<16xi32> -> vector<16xf32>
        %parallel_loop3A_443 = arith.index_cast %parallel_loop3A_354 : i32 to index
        %parallel_loop3A_444 = arith.constant 64 : index
        %parallel_loop3A_445 = tpu.vector_load %arg26[%parallel_loop3A_443, %parallel_loop3A_444] {strides = array<i32>} : memref<80x128xf32, #tpu.memory_space<vmem>>, vector<16xf32>,
        %parallel_loop3A_446 = arith.mulf %parallel_loop3A_445, %parallel_loop3A_442 : vector<16xf32>
        %parallel_loop3A_447 = arith.index_cast %parallel_loop3A_354 : i32 to index
        %parallel_loop3A_448 = arith.constant 64 : index
        %parallel_loop3A_449 = tpu.vector_load %arg26[%parallel_loop3A_447, %parallel_loop3A_448] {strides = array<i32>} : memref<80x128xf32, #tpu.memory_space<vmem>>, vector<16xf32>,
        tpu.vector_store %arg26[%parallel_loop3A_447, %parallel_loop3A_448], %parallel_loop3A_446 {strides = array<i32>} : memref<80x128xf32, #tpu.memory_space<vmem>>, vector<16xf32>,
        %parallel_loop3A_450 = arith.constant 13 : i32
        %parallel_loop3A_451 = vector.broadcast %parallel_loop3A_450 : i32 to vector<16xi32>
        %parallel_loop3A_452 = arith.constant 0 : i32
        %parallel_loop3A_453 = vector.broadcast %parallel_loop3A_452 : i32 to vector<16xi32>
        %parallel_loop3A_454 = arith.cmpi slt, %parallel_loop3A_451, %parallel_loop3A_453 : vector<16xi32>
        %parallel_loop3A_455 = arith.constant 16 : i32
        %parallel_loop3A_456 = vector.broadcast %parallel_loop3A_455 : i32 to vector<16xi32>
        %parallel_loop3A_457 = arith.addi %parallel_loop3A_451, %parallel_loop3A_456 : vector<16xi32>
        %parallel_loop3A_458 = arith.select %parallel_loop3A_454, %parallel_loop3A_457, %parallel_loop3A_451 : vector<16xi1>, vector<16xi32>
        %parallel_loop3A_459 = vector.shape_cast %parallel_loop3A_458 : vector<16xi32> to vector<16x1xi32>
        %parallel_loop3A_460 = vector.shape_cast %parallel_loop3A_459 : vector<16x1xi32> to vector<16xi32>
        %parallel_loop3A_461 = tpu.dynamic_gather %parallel_loop3A_194[%parallel_loop3A_460] in [0] : vector<16xf32>, vector<16xi32> -> vector<16xf32>
        %parallel_loop3A_462 = arith.index_cast %parallel_loop3A_354 : i32 to index
        %parallel_loop3A_463 = arith.constant 80 : index
        %parallel_loop3A_464 = tpu.vector_load %arg26[%parallel_loop3A_462, %parallel_loop3A_463] {strides = array<i32>} : memref<80x128xf32, #tpu.memory_space<vmem>>, vector<16xf32>,
        %parallel_loop3A_465 = arith.mulf %parallel_loop3A_464, %parallel_loop3A_461 : vector<16xf32>
        %parallel_loop3A_466 = arith.index_cast %parallel_loop3A_354 : i32 to index
        %parallel_loop3A_467 = arith.constant 80 : index
        %parallel_loop3A_468 = tpu.vector_load %arg26[%parallel_loop3A_466, %parallel_loop3A_467] {strides = array<i32>} : memref<80x128xf32, #tpu.memory_space<vmem>>, vector<16xf32>,
        tpu.vector_store %arg26[%parallel_loop3A_466, %parallel_loop3A_467], %parallel_loop3A_465 {strides = array<i32>} : memref<80x128xf32, #tpu.memory_space<vmem>>, vector<16xf32>,
        %parallel_loop3A_469 = arith.constant 14 : i32
        %parallel_loop3A_470 = vector.broadcast %parallel_loop3A_469 : i32 to vector<16xi32>
        %parallel_loop3A_471 = arith.constant 0 : i32
        %parallel_loop3A_472 = vector.broadcast %parallel_loop3A_471 : i32 to vector<16xi32>
        %parallel_loop3A_473 = arith.cmpi slt, %parallel_loop3A_470, %parallel_loop3A_472 : vector<16xi32>
        %parallel_loop3A_474 = arith.constant 16 : i32
        %parallel_loop3A_475 = vector.broadcast %parallel_loop3A_474 : i32 to vector<16xi32>
        %parallel_loop3A_476 = arith.addi %parallel_loop3A_470, %parallel_loop3A_475 : vector<16xi32>
        %parallel_loop3A_477 = arith.select %parallel_loop3A_473, %parallel_loop3A_476, %parallel_loop3A_470 : vector<16xi1>, vector<16xi32>
        %parallel_loop3A_478 = vector.shape_cast %parallel_loop3A_477 : vector<16xi32> to vector<16x1xi32>
        %parallel_loop3A_479 = vector.shape_cast %parallel_loop3A_478 : vector<16x1xi32> to vector<16xi32>
        %parallel_loop3A_480 = tpu.dynamic_gather %parallel_loop3A_194[%parallel_loop3A_479] in [0] : vector<16xf32>, vector<16xi32> -> vector<16xf32>
        %parallel_loop3A_481 = arith.index_cast %parallel_loop3A_354 : i32 to index
        %parallel_loop3A_482 = arith.constant 96 : index
        %parallel_loop3A_483 = tpu.vector_load %arg26[%parallel_loop3A_481, %parallel_loop3A_482] {strides = array<i32>} : memref<80x128xf32, #tpu.memory_space<vmem>>, vector<16xf32>,
        %parallel_loop3A_484 = arith.mulf %parallel_loop3A_483, %parallel_loop3A_480 : vector<16xf32>
        %parallel_loop3A_485 = arith.index_cast %parallel_loop3A_354 : i32 to index
        %parallel_loop3A_486 = arith.constant 96 : index
        %parallel_loop3A_487 = tpu.vector_load %arg26[%parallel_loop3A_485, %parallel_loop3A_486] {strides = array<i32>} : memref<80x128xf32, #tpu.memory_space<vmem>>, vector<16xf32>,
        tpu.vector_store %arg26[%parallel_loop3A_485, %parallel_loop3A_486], %parallel_loop3A_484 {strides = array<i32>} : memref<80x128xf32, #tpu.memory_space<vmem>>, vector<16xf32>,
        %parallel_loop3A_488 = arith.constant 15 : i32
        %parallel_loop3A_489 = vector.broadcast %parallel_loop3A_488 : i32 to vector<16xi32>
        %parallel_loop3A_490 = arith.constant 0 : i32
        %parallel_loop3A_491 = vector.broadcast %parallel_loop3A_490 : i32 to vector<16xi32>
        %parallel_loop3A_492 = arith.cmpi slt, %parallel_loop3A_489, %parallel_loop3A_491 : vector<16xi32>
        %parallel_loop3A_493 = arith.constant 16 : i32
        %parallel_loop3A_494 = vector.broadcast %parallel_loop3A_493 : i32 to vector<16xi32>
        %parallel_loop3A_495 = arith.addi %parallel_loop3A_489, %parallel_loop3A_494 : vector<16xi32>
        %parallel_loop3A_496 = arith.select %parallel_loop3A_492, %parallel_loop3A_495, %parallel_loop3A_489 : vector<16xi1>, vector<16xi32>
        %parallel_loop3A_497 = vector.shape_cast %parallel_loop3A_496 : vector<16xi32> to vector<16x1xi32>
        %parallel_loop3A_498 = vector.shape_cast %parallel_loop3A_497 : vector<16x1xi32> to vector<16xi32>
        %parallel_loop3A_499 = tpu.dynamic_gather %parallel_loop3A_194[%parallel_loop3A_498] in [0] : vector<16xf32>, vector<16xi32> -> vector<16xf32>
        %parallel_loop3A_500 = arith.index_cast %parallel_loop3A_354 : i32 to index
        %parallel_loop3A_501 = arith.constant 112 : index
        %parallel_loop3A_502 = tpu.vector_load %arg26[%parallel_loop3A_500, %parallel_loop3A_501] {strides = array<i32>} : memref<80x128xf32, #tpu.memory_space<vmem>>, vector<16xf32>,
        %parallel_loop3A_503 = arith.mulf %parallel_loop3A_502, %parallel_loop3A_499 : vector<16xf32>
        %parallel_loop3A_504 = arith.index_cast %parallel_loop3A_354 : i32 to index
        %parallel_loop3A_505 = arith.constant 112 : index
        %parallel_loop3A_506 = tpu.vector_load %arg26[%parallel_loop3A_504, %parallel_loop3A_505] {strides = array<i32>} : memref<80x128xf32, #tpu.memory_space<vmem>>, vector<16xf32>,
        tpu.vector_store %arg26[%parallel_loop3A_504, %parallel_loop3A_505], %parallel_loop3A_503 {strides = array<i32>} : memref<80x128xf32, #tpu.memory_space<vmem>>, vector<16xf32>,
      } {sc.loop_unroll_factor = 4 : i64, sc.parallel_access}
      %dma_start3A_141 = arith.constant 0 : i32
      %dma_start3A_142 = arith.constant 0 : i32
      %dma_start3A_143 = tpu.memref_slice %arg28[%dma_start3A_141, %dma_start3A_142] : memref<10000x128xf32, #tpu.memory_space<vmem_shared>> -> memref<10000x128xf32, #tpu.memory_space<vmem_shared>>
      tpu.enqueue_indirect_dma source(%arg26 : memref<80x128xf32, #tpu.memory_space<vmem>>) target(%dma_start3A_143 : memref<10000x128xf32, #tpu.memory_space<vmem_shared>>) offsets(%arg18 : memref<80xi32, #tpu.memory_space<vmem>>) semaphore(%arg37 : memref<!tpu.dma_semaphore, #tpu.memory_space<semaphore_mem>>) {add = true}
      %dma_start3A_144 = arith.constant 0 : i32
      %dma_start3A_145 = arith.constant 0 : i32
      %dma_start3A_146 = tpu.memref_slice %arg29[%dma_start3A_144, %dma_start3A_145] : memref<10000x8xf32, #tpu.memory_space<vmem_shared>> -> memref<10000x8xf32, #tpu.memory_space<vmem_shared>>
      tpu.enqueue_indirect_dma source(%arg24 : memref<80x8xf32, #tpu.memory_space<vmem>>) target(%dma_start3A_146 : memref<10000x8xf32, #tpu.memory_space<vmem_shared>>) offsets(%arg18 : memref<80xi32, #tpu.memory_space<vmem>>) semaphore(%arg37 : memref<!tpu.dma_semaphore, #tpu.memory_space<semaphore_mem>>) {add = true}
      %add3A_147 = arith.constant 2 : i32
      %add3A_148 = arith.addi %add3A_119, %add3A_147 : i32
      %lt3A_149 = arith.cmpi slt, %add3A_148, %add3A_15 : i32
      %convert_element_type3A_150 = arith.extui %lt3A_149 : i1 to i32
      %cond3A_151 = arith.constant 0 : i32
      %cond3A_152 = arith.cmpi ne, %convert_element_type3A_150, %cond3A_151 : i32
      scf.if %cond3A_152 {
        %add3A_153 = arith.constant 2 : i32
        %add3A_154 = arith.addi %add3A_119, %add3A_153 : i32
        %mul3A_155 = arith.constant 80 : i32
        %mul3A_156 = arith.muli %add3A_154, %mul3A_155 : i32
        %add3A_157 = arith.addi %add3A, %mul3A_156 : i32
        %dma_start3A_158 = tpu.memref_slice %arg2[%add3A_157] : memref<640000xi32, #tpu.memory_space<hbm>> -> memref<80xi32, #tpu.memory_space<hbm>>
        %dma_start3A_159 = tpu.memref_slice %arg2[%add3A_157] : memref<640000xi32, #tpu.memory_space<hbm>> -> memref<80xi32, #tpu.memory_space<hbm>>
        tpu.enqueue_dma source(%dma_start3A_159 : memref<80xi32, #tpu.memory_space<hbm>>) target(%arg14 : memref<80xi32, #tpu.memory_space<vmem>>) target_semaphore(%arg31 : memref<!tpu.dma_semaphore, #tpu.memory_space<semaphore_mem>>)
        %dma_start3A_160 = tpu.memref_slice %arg3[%add3A_157] : memref<640000xi32, #tpu.memory_space<hbm>> -> memref<80xi32, #tpu.memory_space<hbm>>
        %dma_start3A_161 = tpu.memref_slice %arg3[%add3A_157] : memref<640000xi32, #tpu.memory_space<hbm>> -> memref<80xi32, #tpu.memory_space<hbm>>
        tpu.enqueue_dma source(%dma_start3A_161 : memref<80xi32, #tpu.memory_space<hbm>>) target(%arg16 : memref<80xi32, #tpu.memory_space<vmem>>) target_semaphore(%arg31 : memref<!tpu.dma_semaphore, #tpu.memory_space<semaphore_mem>>)
        %dma_start3A_162 = tpu.memref_slice %arg4[%add3A_157] : memref<640000xi32, #tpu.memory_space<hbm>> -> memref<80xi32, #tpu.memory_space<hbm>>
        %dma_start3A_163 = tpu.memref_slice %arg4[%add3A_157] : memref<640000xi32, #tpu.memory_space<hbm>> -> memref<80xi32, #tpu.memory_space<hbm>>
        tpu.enqueue_dma source(%dma_start3A_163 : memref<80xi32, #tpu.memory_space<hbm>>) target(%arg18 : memref<80xi32, #tpu.memory_space<vmem>>) target_semaphore(%arg31 : memref<!tpu.dma_semaphore, #tpu.memory_space<semaphore_mem>>)
      } else {
      }
    }
    %dma_wait3A = arith.constant 0 : i32
    %dma_wait3A_59 = arith.constant 0 : i32
    %dma_wait3A_60 = tpu.memref_slice %arg28[%dma_wait3A, %dma_wait3A_59] : memref<10000x128xf32, #tpu.memory_space<vmem_shared>> -> memref<10000x128xf32, #tpu.memory_space<vmem_shared>>
    tpu.wait_indirect_dma semaphore(%arg36 : memref<!tpu.dma_semaphore, #tpu.memory_space<semaphore_mem>>) src(%arg25 : memref<80x128xf32, #tpu.memory_space<vmem>>) dst(%dma_wait3A_60 : memref<10000x128xf32, #tpu.memory_space<vmem_shared>>)
    %dma_wait3A_61 = arith.constant 0 : i32
    %dma_wait3A_62 = arith.constant 0 : i32
    %dma_wait3A_63 = tpu.memref_slice %arg29[%dma_wait3A_61, %dma_wait3A_62] : memref<10000x8xf32, #tpu.memory_space<vmem_shared>> -> memref<10000x8xf32, #tpu.memory_space<vmem_shared>>
    tpu.wait_indirect_dma semaphore(%arg36 : memref<!tpu.dma_semaphore, #tpu.memory_space<semaphore_mem>>) src(%arg23 : memref<80x8xf32, #tpu.memory_space<vmem>>) dst(%dma_wait3A_63 : memref<10000x8xf32, #tpu.memory_space<vmem_shared>>)
    %dma_wait3A_64 = arith.constant 0 : i32
    %dma_wait3A_65 = arith.constant 0 : i32
    %dma_wait3A_66 = tpu.memref_slice %arg28[%dma_wait3A_64, %dma_wait3A_65] : memref<10000x128xf32, #tpu.memory_space<vmem_shared>> -> memref<10000x128xf32, #tpu.memory_space<vmem_shared>>
    tpu.wait_indirect_dma semaphore(%arg37 : memref<!tpu.dma_semaphore, #tpu.memory_space<semaphore_mem>>) src(%arg26 : memref<80x128xf32, #tpu.memory_space<vmem>>) dst(%dma_wait3A_66 : memref<10000x128xf32, #tpu.memory_space<vmem_shared>>)
    %dma_wait3A_67 = arith.constant 0 : i32
    %dma_wait3A_68 = arith.constant 0 : i32
    %dma_wait3A_69 = tpu.memref_slice %arg29[%dma_wait3A_67, %dma_wait3A_68] : memref<10000x8xf32, #tpu.memory_space<vmem_shared>> -> memref<10000x8xf32, #tpu.memory_space<vmem_shared>>
    tpu.wait_indirect_dma semaphore(%arg37 : memref<!tpu.dma_semaphore, #tpu.memory_space<semaphore_mem>>) src(%arg24 : memref<80x8xf32, #tpu.memory_space<vmem>>) dst(%dma_wait3A_69 : memref<10000x8xf32, #tpu.memory_space<vmem_shared>>)
    %barrier3A_70 = arith.constant 0 : index
    tpu.barrier barrier_id(%barrier3A_70)
    %mul3A_71 = arith.constant 10000 : i32
    %mul3A_72 = arith.muli %arg0, %mul3A_71 : i32
    %add3A_73 = arith.addi %mul3A_72, %mul3A_0 : i32
    "tpu.region"() ({
      %run_scoped3A = tpu.sem_alloc : memref<!tpu.dma_semaphore, #tpu.memory_space<semaphore_mem>>
      %dma_start3A_82 = arith.constant 0 : i32
      %dma_start3A_83 = tpu.memref_slice %arg11[%add3A_73, %dma_start3A_82] : memref<20000x128xf32, #tpu.memory_space<hbm>> -> memref<624x128xf32, #tpu.memory_space<hbm>>
      %dma_start3A_84 = arith.constant 0 : i32
      %dma_start3A_85 = tpu.memref_slice %arg28[%mul3A_0, %dma_start3A_84] : memref<10000x128xf32, #tpu.memory_space<vmem_shared>> -> memref<624x128xf32, #tpu.memory_space<vmem_shared>>
      tpu.enqueue_dma source(%dma_start3A_85 : memref<624x128xf32, #tpu.memory_space<vmem_shared>>) target(%dma_start3A_83 : memref<624x128xf32, #tpu.memory_space<hbm>>) target_semaphore(%run_scoped3A : memref<!tpu.dma_semaphore, #tpu.memory_space<semaphore_mem>>)
      %dma_wait3A_86 = arith.constant 0 : i32
      %dma_wait3A_87 = tpu.memref_slice %arg11[%add3A_73, %dma_wait3A_86] : memref<20000x128xf32, #tpu.memory_space<hbm>> -> memref<624x128xf32, #tpu.memory_space<hbm>>
      %dma_wait3A_88 = arith.constant 0 : i32
      %dma_wait3A_89 = tpu.memref_slice %arg28[%mul3A_0, %dma_wait3A_88] : memref<10000x128xf32, #tpu.memory_space<vmem_shared>> -> memref<624x128xf32, #tpu.memory_space<vmem_shared>>
      tpu.wait_dma2 semaphore(%run_scoped3A : memref<!tpu.dma_semaphore, #tpu.memory_space<semaphore_mem>>) src(%dma_wait3A_89 : memref<624x128xf32, #tpu.memory_space<vmem_shared>>) dst(%dma_wait3A_87 : memref<624x128xf32, #tpu.memory_space<hbm>>)
      tpu.yield
    }) : () -> ()
    %mul3A_74 = arith.constant 10000 : i32
    %mul3A_75 = arith.muli %arg0, %mul3A_74 : i32
    %add3A_76 = arith.addi %mul3A_75, %mul3A_0 : i32
    "tpu.region"() ({
      %run_scoped3A = tpu.sem_alloc : memref<!tpu.dma_semaphore, #tpu.memory_space<semaphore_mem>>
      %dma_start3A_82 = arith.constant 0 : i32
      %dma_start3A_83 = tpu.memref_slice %arg12[%add3A_76, %dma_start3A_82] : memref<20000x8xf32, #tpu.memory_space<hbm>> -> memref<624x8xf32, #tpu.memory_space<hbm>>
      %dma_start3A_84 = arith.constant 0 : i32
      %dma_start3A_85 = tpu.memref_slice %arg29[%mul3A_0, %dma_start3A_84] : memref<10000x8xf32, #tpu.memory_space<vmem_shared>> -> memref<624x8xf32, #tpu.memory_space<vmem_shared>>
      tpu.enqueue_dma source(%dma_start3A_85 : memref<624x8xf32, #tpu.memory_space<vmem_shared>>) target(%dma_start3A_83 : memref<624x8xf32, #tpu.memory_space<hbm>>) target_semaphore(%run_scoped3A : memref<!tpu.dma_semaphore, #tpu.memory_space<semaphore_mem>>)
      %dma_wait3A_86 = arith.constant 0 : i32
      %dma_wait3A_87 = tpu.memref_slice %arg12[%add3A_76, %dma_wait3A_86] : memref<20000x8xf32, #tpu.memory_space<hbm>> -> memref<624x8xf32, #tpu.memory_space<hbm>>
      %dma_wait3A_88 = arith.constant 0 : i32
      %dma_wait3A_89 = tpu.memref_slice %arg29[%mul3A_0, %dma_wait3A_88] : memref<10000x8xf32, #tpu.memory_space<vmem_shared>> -> memref<624x8xf32, #tpu.memory_space<vmem_shared>>
      tpu.wait_dma2 semaphore(%run_scoped3A : memref<!tpu.dma_semaphore, #tpu.memory_space<semaphore_mem>>) src(%dma_wait3A_89 : memref<624x8xf32, #tpu.memory_space<vmem_shared>>) dst(%dma_wait3A_87 : memref<624x8xf32, #tpu.memory_space<hbm>>)
      tpu.yield
    }) : () -> ()
    %eq3A_77 = arith.constant 15 : i32
    %eq3A_78 = arith.cmpi eq, %arg1, %eq3A_77 : i32
    %convert_element_type3A_79 = arith.extui %eq3A_78 : i1 to i32
    %cond3A_80 = arith.constant 0 : i32
    %cond3A_81 = arith.cmpi ne, %convert_element_type3A_79, %cond3A_80 : i32
    scf.if %cond3A_81 {
      %mul3A_82 = arith.constant 10000 : i32
      %mul3A_83 = arith.muli %arg0, %mul3A_82 : i32
      %add3A_84 = arith.constant 9984 : i32
      %add3A_85 = arith.addi %mul3A_83, %add3A_84 : i32
      "tpu.region"() ({
        %run_scoped3A = tpu.sem_alloc : memref<!tpu.dma_semaphore, #tpu.memory_space<semaphore_mem>>
        %dma_start3A_90 = arith.constant 0 : i32
        %dma_start3A_91 = tpu.memref_slice %arg11[%add3A_85, %dma_start3A_90] : memref<20000x128xf32, #tpu.memory_space<hbm>> -> memref<16x128xf32, #tpu.memory_space<hbm>>
        %dma_start3A_92 = arith.constant 9984 : i32
        %dma_start3A_93 = arith.constant 0 : i32
        %dma_start3A_94 = tpu.memref_slice %arg28[%dma_start3A_92, %dma_start3A_93] : memref<10000x128xf32, #tpu.memory_space<vmem_shared>> -> memref<16x128xf32, #tpu.memory_space<vmem_shared>>
        tpu.enqueue_dma source(%dma_start3A_94 : memref<16x128xf32, #tpu.memory_space<vmem_shared>>) target(%dma_start3A_91 : memref<16x128xf32, #tpu.memory_space<hbm>>) target_semaphore(%run_scoped3A : memref<!tpu.dma_semaphore, #tpu.memory_space<semaphore_mem>>)
        %dma_wait3A_95 = arith.constant 0 : i32
        %dma_wait3A_96 = tpu.memref_slice %arg11[%add3A_85, %dma_wait3A_95] : memref<20000x128xf32, #tpu.memory_space<hbm>> -> memref<16x128xf32, #tpu.memory_space<hbm>>
        %dma_wait3A_97 = arith.constant 9984 : i32
        %dma_wait3A_98 = arith.constant 0 : i32
        %dma_wait3A_99 = tpu.memref_slice %arg28[%dma_wait3A_97, %dma_wait3A_98] : memref<10000x128xf32, #tpu.memory_space<vmem_shared>> -> memref<16x128xf32, #tpu.memory_space<vmem_shared>>
        tpu.wait_dma2 semaphore(%run_scoped3A : memref<!tpu.dma_semaphore, #tpu.memory_space<semaphore_mem>>) src(%dma_wait3A_99 : memref<16x128xf32, #tpu.memory_space<vmem_shared>>) dst(%dma_wait3A_96 : memref<16x128xf32, #tpu.memory_space<hbm>>)
        tpu.yield
      }) : () -> ()
      %mul3A_86 = arith.constant 10000 : i32
      %mul3A_87 = arith.muli %arg0, %mul3A_86 : i32
      %add3A_88 = arith.constant 9984 : i32
      %add3A_89 = arith.addi %mul3A_87, %add3A_88 : i32
      "tpu.region"() ({
        %run_scoped3A = tpu.sem_alloc : memref<!tpu.dma_semaphore, #tpu.memory_space<semaphore_mem>>
        %dma_start3A_90 = arith.constant 0 : i32
        %dma_start3A_91 = tpu.memref_slice %arg12[%add3A_89, %dma_start3A_90] : memref<20000x8xf32, #tpu.memory_space<hbm>> -> memref<16x8xf32, #tpu.memory_space<hbm>>
        %dma_start3A_92 = arith.constant 9984 : i32
        %dma_start3A_93 = arith.constant 0 : i32
        %dma_start3A_94 = tpu.memref_slice %arg29[%dma_start3A_92, %dma_start3A_93] : memref<10000x8xf32, #tpu.memory_space<vmem_shared>> -> memref<16x8xf32, #tpu.memory_space<vmem_shared>>
        tpu.enqueue_dma source(%dma_start3A_94 : memref<16x8xf32, #tpu.memory_space<vmem_shared>>) target(%dma_start3A_91 : memref<16x8xf32, #tpu.memory_space<hbm>>) target_semaphore(%run_scoped3A : memref<!tpu.dma_semaphore, #tpu.memory_space<semaphore_mem>>)
        %dma_wait3A_95 = arith.constant 0 : i32
        %dma_wait3A_96 = tpu.memref_slice %arg12[%add3A_89, %dma_wait3A_95] : memref<20000x8xf32, #tpu.memory_space<hbm>> -> memref<16x8xf32, #tpu.memory_space<hbm>>
        %dma_wait3A_97 = arith.constant 9984 : i32
        %dma_wait3A_98 = arith.constant 0 : i32
        %dma_wait3A_99 = tpu.memref_slice %arg29[%dma_wait3A_97, %dma_wait3A_98] : memref<10000x8xf32, #tpu.memory_space<vmem_shared>> -> memref<16x8xf32, #tpu.memory_space<vmem_shared>>
        tpu.wait_dma2 semaphore(%run_scoped3A : memref<!tpu.dma_semaphore, #tpu.memory_space<semaphore_mem>>) src(%dma_wait3A_99 : memref<16x8xf32, #tpu.memory_space<vmem_shared>>) dst(%dma_wait3A_96 : memref<16x8xf32, #tpu.memory_space<hbm>>)
        tpu.yield
      }) : () -> ()
    } else {
    }
    return
  }
}

module attributes {stable_mosaic.version = 14 : i64} {
  func.func @_pre_body(%arg0: i32, %arg1: memref<10000x128xf32, #tpu.memory_space<vmem>>, %arg2: memref<1x128x128xf32, #tpu.memory_space<vmem>>, %arg3: memref<1x128x8xf32, #tpu.memory_space<vmem>>, %arg4: memref<1x128x8xf32, #tpu.memory_space<vmem>>, %arg5: memref<10000x128xf32, #tpu.memory_space<vmem>>, %arg6: memref<10000x8xf32, #tpu.memory_space<vmem>>, %arg7: memref<10000x8xf32, #tpu.memory_space<vmem>>, %arg8: memref<1x1x16xf32, #tpu.memory_space<vmem>>) attributes {dimension_semantics = [#tpu.dimension_semantics<arbitrary>], iteration_bounds = array<i64: 2>, scalar_prefetch = 0 : i64, scratch_operands = 0 : i64, tpu.core_type = #tpu.core_type<tc>, window_params = [{pipeline_mode = #tpu.pipeline_mode<synchronous>, transform_indices = @transform_0, window_bounds = array<i64: 10000, 128>}, {transform_indices = @transform_1, window_bounds = array<i64: 1, 128, 128>}, {transform_indices = @transform_2, window_bounds = array<i64: 1, 128, 8>}, {transform_indices = @transform_3, window_bounds = array<i64: 1, 128, 8>}, {transform_indices = @transform_4, window_bounds = array<i64: 10000, 128>}, {transform_indices = @transform_5, window_bounds = array<i64: 10000, 8>}, {transform_indices = @transform_6, window_bounds = array<i64: 10000, 8>}, {transform_indices = @transform_7, window_bounds = array<i64: 1, 1, 16>}]} {
    %get3A = arith.constant 0 : index
    %get3A_0 = arith.constant 0 : index
    %get3A_1 = vector.load %arg1[%get3A, %get3A_0] : memref<10000x128xf32, #tpu.memory_space<vmem>>, vector<10000x128xf32>
    %get3A_2 = arith.constant 0 : index
    %get3A_3 = arith.constant 0 : index
    %get3A_4 = arith.constant 0 : index
    %get3A_5 = vector.load %arg2[%get3A_2, %get3A_3, %get3A_4] : memref<1x128x128xf32, #tpu.memory_space<vmem>>, vector<1x128x128xf32>
    %get3A_6 = vector.shape_cast %get3A_5 : vector<1x128x128xf32> to vector<128x128xf32>
    %dot_general3A = arith.constant dense<0.000000e+00> : vector<10000x128xf32>
    %dot_general3A_7 = tpu.matmul %get3A_1, %get3A_6, %dot_general3A {dimension_numbers = #tpu.dot_dimension_numbers<[1], [1], [0], [0], [0, 0, 1, 0], [], []>, transpose_lhs_hint = false} : vector<10000x128xf32>, vector<128x128xf32>, vector<10000x128xf32> -> vector<10000x128xf32>
    %get3A_8 = arith.constant 0 : index
    %get3A_9 = arith.constant 0 : index
    %get3A_10 = arith.constant 0 : index
    %get3A_11 = vector.load %arg3[%get3A_8, %get3A_9, %get3A_10] : memref<1x128x8xf32, #tpu.memory_space<vmem>>, vector<1x128x8xf32>
    %get3A_12 = vector.shape_cast %get3A_11 : vector<1x128x8xf32> to vector<128x8xf32>
    %dot_general3A_13 = arith.constant dense<0.000000e+00> : vector<10000x8xf32>
    %dot_general3A_14 = tpu.matmul %dot_general3A_7, %get3A_12, %dot_general3A_13 {dimension_numbers = #tpu.dot_dimension_numbers<[1], [0], [0], [1], [0, 0, 1, 1], [], []>, transpose_lhs_hint = false} : vector<10000x128xf32>, vector<128x8xf32>, vector<10000x8xf32> -> vector<10000x8xf32>
    %get3A_15 = arith.constant 0 : index
    %get3A_16 = arith.constant 0 : index
    %get3A_17 = arith.constant 0 : index
    %get3A_18 = vector.load %arg4[%get3A_15, %get3A_16, %get3A_17] : memref<1x128x8xf32, #tpu.memory_space<vmem>>, vector<1x128x8xf32>
    %get3A_19 = vector.shape_cast %get3A_18 : vector<1x128x8xf32> to vector<128x8xf32>
    %dot_general3A_20 = arith.constant dense<0.000000e+00> : vector<10000x8xf32>
    %dot_general3A_21 = tpu.matmul %dot_general3A_7, %get3A_19, %dot_general3A_20 {dimension_numbers = #tpu.dot_dimension_numbers<[1], [0], [0], [1], [0, 0, 1, 1], [], []>, transpose_lhs_hint = false} : vector<10000x128xf32>, vector<128x8xf32>, vector<10000x8xf32> -> vector<10000x8xf32>
    %swap3A = arith.constant 0 : index
    %swap3A_22 = arith.constant 0 : index
    %swap3A_23 = vector.load %arg5[%swap3A, %swap3A_22] : memref<10000x128xf32, #tpu.memory_space<vmem>>, vector<10000x128xf32>
    tpu.vector_store %arg5[%swap3A, %swap3A_22], %dot_general3A_7 {strides = array<i32>} : memref<10000x128xf32, #tpu.memory_space<vmem>>, vector<10000x128xf32>,
    %swap3A_24 = arith.constant 0 : index
    %swap3A_25 = arith.constant 0 : index
    %swap3A_26 = vector.load %arg6[%swap3A_24, %swap3A_25] : memref<10000x8xf32, #tpu.memory_space<vmem>>, vector<10000x8xf32>
    tpu.vector_store %arg6[%swap3A_24, %swap3A_25], %dot_general3A_14 {strides = array<i32>} : memref<10000x8xf32, #tpu.memory_space<vmem>>, vector<10000x8xf32>,
    %swap3A_27 = arith.constant 0 : index
    %swap3A_28 = arith.constant 0 : index
    %swap3A_29 = vector.load %arg7[%swap3A_27, %swap3A_28] : memref<10000x8xf32, #tpu.memory_space<vmem>>, vector<10000x8xf32>
    tpu.vector_store %arg7[%swap3A_27, %swap3A_28], %dot_general3A_21 {strides = array<i32>} : memref<10000x8xf32, #tpu.memory_space<vmem>>, vector<10000x8xf32>,
    %reduce_max3A = arith.constant dense<0xFF800000> : vector<8xf32>
    %reduce_max3A_30 = vector.multi_reduction <maximumf>, %dot_general3A_14, %reduce_max3A [0] : vector<10000x8xf32> to vector<8xf32>
    %broadcast_in_dim3A = vector.shape_cast %reduce_max3A_30 : vector<8xf32> to vector<1x8xf32>
    %reduce_max3A_31 = arith.constant dense<0xFF800000> : vector<8xf32>
    %reduce_max3A_32 = vector.multi_reduction <maximumf>, %dot_general3A_21, %reduce_max3A_31 [0] : vector<10000x8xf32> to vector<8xf32>
    %broadcast_in_dim3A_33 = vector.shape_cast %reduce_max3A_32 : vector<8xf32> to vector<1x8xf32>
    %add3A = arith.addf %broadcast_in_dim3A, %broadcast_in_dim3A_33 : vector<1x8xf32>
    %mul3A = arith.constant 2.000000e-01 : f32
    %mul3A_34 = vector.broadcast %mul3A : f32 to vector<1x8xf32>
    %mul3A_35 = arith.mulf %mul3A_34, %add3A : vector<1x8xf32>
    %max3A = arith.maximumf %add3A, %mul3A_35 : vector<1x8xf32>
    %concatenate3A = tpu.concatenate %max3A, %max3A in 1 : vector<1x8xf32>, vector<1x8xf32> -> vector<1x16xf32>
    %swap3A_36 = arith.constant 0 : index
    %swap3A_37 = arith.constant 0 : index
    %swap3A_38 = arith.constant 0 : index
    %swap3A_39 = vector.load %arg8[%swap3A_36, %swap3A_37, %swap3A_38] : memref<1x1x16xf32, #tpu.memory_space<vmem>>, vector<1x1x16xf32>
    %swap3A_40 = vector.shape_cast %swap3A_39 : vector<1x1x16xf32> to vector<1x16xf32>
    %swap3A_41 = vector.shape_cast %concatenate3A : vector<1x16xf32> to vector<1x1x16xf32>
    tpu.vector_store %arg8[%swap3A_36, %swap3A_37, %swap3A_38], %swap3A_41 {strides = array<i32>} : memref<1x1x16xf32, #tpu.memory_space<vmem>>, vector<1x1x16xf32>,
    return
  }
  func.func @transform_0(%arg0: i32) -> (i32, i32) {
    %c0_i32 = arith.constant 0 : i32
    %c0_i32_0 = arith.constant 0 : i32
    %c0_i32_1 = arith.constant 0 : i32
    return %c0_i32, %c0_i32_0 : i32, i32
  }
  func.func @transform_1(%arg0: i32) -> (i32, i32, i32) {
    %c0_i32 = arith.constant 0 : i32
    %c0_i32_0 = arith.constant 0 : i32
    %c0_i32_1 = arith.constant 0 : i32
    return %arg0, %c0_i32, %c0_i32_0 : i32, i32, i32
  }
  func.func @transform_2(%arg0: i32) -> (i32, i32, i32) {
    %c0_i32 = arith.constant 0 : i32
    %c0_i32_0 = arith.constant 0 : i32
    %c0_i32_1 = arith.constant 0 : i32
    return %arg0, %c0_i32, %c0_i32_0 : i32, i32, i32
  }
  func.func @transform_3(%arg0: i32) -> (i32, i32, i32) {
    %c0_i32 = arith.constant 0 : i32
    %c0_i32_0 = arith.constant 0 : i32
    %c0_i32_1 = arith.constant 0 : i32
    return %arg0, %c0_i32, %c0_i32_0 : i32, i32, i32
  }
  func.func @transform_4(%arg0: i32) -> (i32, i32) {
    %c0_i32 = arith.constant 0 : i32
    %c0_i32_0 = arith.constant 0 : i32
    return %arg0, %c0_i32 : i32, i32
  }
  func.func @transform_5(%arg0: i32) -> (i32, i32) {
    %c0_i32 = arith.constant 0 : i32
    %c0_i32_0 = arith.constant 0 : i32
    return %arg0, %c0_i32 : i32, i32
  }
  func.func @transform_6(%arg0: i32) -> (i32, i32) {
    %c0_i32 = arith.constant 0 : i32
    %c0_i32_0 = arith.constant 0 : i32
    return %arg0, %c0_i32 : i32, i32
  }
  func.func @transform_7(%arg0: i32) -> (i32, i32, i32) {
    %c0_i32 = arith.constant 0 : i32
    %c0_i32_0 = arith.constant 0 : i32
    %c0_i32_1 = arith.constant 0 : i32
    return %arg0, %c0_i32, %c0_i32_0 : i32, i32, i32
  }
}

module attributes {stable_mosaic.version = 14 : i64} {
  func.func @_post_body(%arg0: i32, %arg1: memref<2000x128xf32, #tpu.memory_space<vmem>>, %arg2: memref<2000x128xf32, #tpu.memory_space<vmem>>, %arg3: memref<2000x8xf32, #tpu.memory_space<vmem>>, %arg4: memref<2000x8xf32, #tpu.memory_space<vmem>>, %arg5: memref<2000x128xf32, #tpu.memory_space<vmem>>, %arg6: memref<2000x128xf32, #tpu.memory_space<vmem>>, %arg7: memref<2000x8xf32, #tpu.memory_space<vmem>>, %arg8: memref<2000x8xf32, #tpu.memory_space<vmem>>, %arg9: memref<2000x8xf32, #tpu.memory_space<vmem>>, %arg10: memref<2000x8xf32, #tpu.memory_space<vmem>>, %arg11: memref<2x1x16xf32, #tpu.memory_space<vmem>>, %arg12: memref<2x128xf32, #tpu.memory_space<vmem>>, %arg13: memref<8x128xf32, #tpu.memory_space<vmem>>, %arg14: memref<2000x128xf32, #tpu.memory_space<vmem>>) attributes {dimension_semantics = [#tpu.dimension_semantics<arbitrary>], iteration_bounds = array<i64: 5>, scalar_prefetch = 0 : i64, scratch_operands = 0 : i64, tpu.core_type = #tpu.core_type<tc>, window_params = [{transform_indices = @transform_0, window_bounds = array<i64: 2000, 128>}, {transform_indices = @transform_1, window_bounds = array<i64: 2000, 128>}, {transform_indices = @transform_2, window_bounds = array<i64: 2000, 8>}, {transform_indices = @transform_3, window_bounds = array<i64: 2000, 8>}, {transform_indices = @transform_4, window_bounds = array<i64: 2000, 128>}, {transform_indices = @transform_5, window_bounds = array<i64: 2000, 128>}, {transform_indices = @transform_6, window_bounds = array<i64: 2000, 8>}, {transform_indices = @transform_7, window_bounds = array<i64: 2000, 8>}, {transform_indices = @transform_8, window_bounds = array<i64: 2000, 8>}, {transform_indices = @transform_9, window_bounds = array<i64: 2000, 8>}, {pipeline_mode = #tpu.pipeline_mode<synchronous>, transform_indices = @transform_10, window_bounds = array<i64: 2, 1, 16>}, {pipeline_mode = #tpu.pipeline_mode<synchronous>, transform_indices = @transform_11, window_bounds = array<i64: 2, 128>}, {pipeline_mode = #tpu.pipeline_mode<synchronous>, transform_indices = @transform_12, window_bounds = array<i64: 8, 128>}, {transform_indices = @transform_13, window_bounds = array<i64: 2000, 128>}]} {
    %get3A = arith.constant 0 : index
    %get3A_0 = arith.constant 0 : index
    %get3A_1 = vector.load %arg7[%get3A, %get3A_0] : memref<2000x8xf32, #tpu.memory_space<vmem>>, vector<2000x8xf32>
    %get3A_2 = arith.constant 0 : index
    %get3A_3 = arith.constant 0 : index
    %get3A_4 = vector.load %arg9[%get3A_2, %get3A_3] : memref<2000x8xf32, #tpu.memory_space<vmem>>, vector<2000x8xf32>
    %add3A = arith.addf %get3A_1, %get3A_4 : vector<2000x8xf32>
    %get3A_5 = arith.constant 0 : index
    %get3A_6 = arith.constant 0 : index
    %get3A_7 = arith.constant 0 : index
    %get3A_8 = vector.load %arg11[%get3A_5, %get3A_6, %get3A_7] : memref<2x1x16xf32, #tpu.memory_space<vmem>>, vector<1x1x8xf32>
    %get3A_9 = vector.shape_cast %get3A_8 : vector<1x1x8xf32> to vector<1x8xf32>
    %mul3A = arith.constant 2.000000e-01 : f32
    %mul3A_10 = vector.broadcast %mul3A : f32 to vector<2000x8xf32>
    %mul3A_11 = arith.mulf %mul3A_10, %add3A : vector<2000x8xf32>
    %max3A = arith.maximumf %add3A, %mul3A_11 : vector<2000x8xf32>
    %sub3A = vector.broadcast %get3A_9 : vector<1x8xf32> to vector<2000x8xf32>
    %sub3A_12 = arith.subf %max3A, %sub3A : vector<2000x8xf32>
    %exp3A = math.exp %sub3A_12 : vector<2000x8xf32>
    %get3A_13 = arith.constant 0 : index
    %get3A_14 = arith.constant 0 : index
    %get3A_15 = vector.load %arg13[%get3A_13, %get3A_14] : memref<8x128xf32, #tpu.memory_space<vmem>>, vector<8x128xf32>
    %dot_general3A = arith.constant dense<0.000000e+00> : vector<2000x128xf32>
    %dot_general3A_16 = tpu.matmul %exp3A, %get3A_15, %dot_general3A {dimension_numbers = #tpu.dot_dimension_numbers<[1], [0], [0], [1], [0, 0, 1, 1], [], []>, transpose_lhs_hint = false} : vector<2000x8xf32>, vector<8x128xf32>, vector<2000x128xf32> -> vector<2000x128xf32>
    %get3A_17 = arith.constant 0 : index
    %get3A_18 = arith.constant 0 : index
    %get3A_19 = vector.load %arg3[%get3A_17, %get3A_18] : memref<2000x8xf32, #tpu.memory_space<vmem>>, vector<2000x8xf32>
    %add3A_20 = arith.addf %get3A_19, %exp3A : vector<2000x8xf32>
    %get3A_21 = arith.constant 0 : index
    %get3A_22 = arith.constant 0 : index
    %get3A_23 = vector.load %arg13[%get3A_21, %get3A_22] : memref<8x128xf32, #tpu.memory_space<vmem>>, vector<8x128xf32>
    %dot_general3A_24 = arith.constant dense<0.000000e+00> : vector<2000x128xf32>
    %dot_general3A_25 = tpu.matmul %add3A_20, %get3A_23, %dot_general3A_24 {dimension_numbers = #tpu.dot_dimension_numbers<[1], [0], [0], [1], [0, 0, 1, 1], [], []>, transpose_lhs_hint = false} : vector<2000x8xf32>, vector<8x128xf32>, vector<2000x128xf32> -> vector<2000x128xf32>
    %get3A_26 = arith.constant 0 : index
    %get3A_27 = arith.constant 0 : index
    %get3A_28 = vector.load %arg1[%get3A_26, %get3A_27] : memref<2000x128xf32, #tpu.memory_space<vmem>>, vector<2000x128xf32>
    %get3A_29 = arith.constant 0 : index
    %get3A_30 = arith.constant 0 : index
    %get3A_31 = vector.load %arg5[%get3A_29, %get3A_30] : memref<2000x128xf32, #tpu.memory_space<vmem>>, vector<2000x128xf32>
    %mul3A_32 = arith.mulf %dot_general3A_16, %get3A_31 : vector<2000x128xf32>
    %add3A_33 = arith.addf %get3A_28, %mul3A_32 : vector<2000x128xf32>
    %add3A_34 = arith.constant 1.000000e-16 : f32
    %add3A_35 = vector.broadcast %add3A_34 : f32 to vector<2000x128xf32>
    %add3A_36 = arith.addf %dot_general3A_25, %add3A_35 : vector<2000x128xf32>
    %div3A = arith.divf %add3A_33, %add3A_36 : vector<2000x128xf32>
    %get3A_37 = arith.constant 0 : index
    %get3A_38 = arith.constant 0 : index
    %get3A_39 = vector.load %arg12[%get3A_37, %get3A_38] : memref<2x128xf32, #tpu.memory_space<vmem>>, vector<1x128xf32>
    %add3A_40 = vector.broadcast %get3A_39 : vector<1x128xf32> to vector<2000x128xf32>
    %add3A_41 = arith.addf %div3A, %add3A_40 : vector<2000x128xf32>
    %mul3A_42 = arith.constant 5.000000e-01 : f32
    %mul3A_43 = vector.broadcast %mul3A_42 : f32 to vector<2000x128xf32>
    %mul3A_44 = arith.mulf %mul3A_43, %add3A_41 : vector<2000x128xf32>
    %get3A_45 = arith.constant 0 : index
    %get3A_46 = arith.constant 0 : index
    %get3A_47 = vector.load %arg8[%get3A_45, %get3A_46] : memref<2000x8xf32, #tpu.memory_space<vmem>>, vector<2000x8xf32>
    %get3A_48 = arith.constant 0 : index
    %get3A_49 = arith.constant 0 : index
    %get3A_50 = vector.load %arg10[%get3A_48, %get3A_49] : memref<2000x8xf32, #tpu.memory_space<vmem>>, vector<2000x8xf32>
    %add3A_51 = arith.addf %get3A_47, %get3A_50 : vector<2000x8xf32>
    %get3A_52 = arith.constant 1 : index
    %get3A_53 = arith.constant 0 : index
    %get3A_54 = arith.constant 0 : index
    %get3A_55 = vector.load %arg11[%get3A_52, %get3A_53, %get3A_54] : memref<2x1x16xf32, #tpu.memory_space<vmem>>, vector<1x1x8xf32>
    %get3A_56 = vector.shape_cast %get3A_55 : vector<1x1x8xf32> to vector<1x8xf32>
    %mul3A_57 = arith.constant 2.000000e-01 : f32
    %mul3A_58 = vector.broadcast %mul3A_57 : f32 to vector<2000x8xf32>
    %mul3A_59 = arith.mulf %mul3A_58, %add3A_51 : vector<2000x8xf32>
    %max3A_60 = arith.maximumf %add3A_51, %mul3A_59 : vector<2000x8xf32>
    %sub3A_61 = vector.broadcast %get3A_56 : vector<1x8xf32> to vector<2000x8xf32>
    %sub3A_62 = arith.subf %max3A_60, %sub3A_61 : vector<2000x8xf32>
    %exp3A_63 = math.exp %sub3A_62 : vector<2000x8xf32>
    %get3A_64 = arith.constant 0 : index
    %get3A_65 = arith.constant 0 : index
    %get3A_66 = vector.load %arg13[%get3A_64, %get3A_65] : memref<8x128xf32, #tpu.memory_space<vmem>>, vector<8x128xf32>
    %dot_general3A_67 = arith.constant dense<0.000000e+00> : vector<2000x128xf32>
    %dot_general3A_68 = tpu.matmul %exp3A_63, %get3A_66, %dot_general3A_67 {dimension_numbers = #tpu.dot_dimension_numbers<[1], [0], [0], [1], [0, 0, 1, 1], [], []>, transpose_lhs_hint = false} : vector<2000x8xf32>, vector<8x128xf32>, vector<2000x128xf32> -> vector<2000x128xf32>
    %get3A_69 = arith.constant 0 : index
    %get3A_70 = arith.constant 0 : index
    %get3A_71 = vector.load %arg4[%get3A_69, %get3A_70] : memref<2000x8xf32, #tpu.memory_space<vmem>>, vector<2000x8xf32>
    %add3A_72 = arith.addf %get3A_71, %exp3A_63 : vector<2000x8xf32>
    %get3A_73 = arith.constant 0 : index
    %get3A_74 = arith.constant 0 : index
    %get3A_75 = vector.load %arg13[%get3A_73, %get3A_74] : memref<8x128xf32, #tpu.memory_space<vmem>>, vector<8x128xf32>
    %dot_general3A_76 = arith.constant dense<0.000000e+00> : vector<2000x128xf32>
    %dot_general3A_77 = tpu.matmul %add3A_72, %get3A_75, %dot_general3A_76 {dimension_numbers = #tpu.dot_dimension_numbers<[1], [0], [0], [1], [0, 0, 1, 1], [], []>, transpose_lhs_hint = false} : vector<2000x8xf32>, vector<8x128xf32>, vector<2000x128xf32> -> vector<2000x128xf32>
    %get3A_78 = arith.constant 0 : index
    %get3A_79 = arith.constant 0 : index
    %get3A_80 = vector.load %arg2[%get3A_78, %get3A_79] : memref<2000x128xf32, #tpu.memory_space<vmem>>, vector<2000x128xf32>
    %get3A_81 = arith.constant 0 : index
    %get3A_82 = arith.constant 0 : index
    %get3A_83 = vector.load %arg6[%get3A_81, %get3A_82] : memref<2000x128xf32, #tpu.memory_space<vmem>>, vector<2000x128xf32>
    %mul3A_84 = arith.mulf %dot_general3A_68, %get3A_83 : vector<2000x128xf32>
    %add3A_85 = arith.addf %get3A_80, %mul3A_84 : vector<2000x128xf32>
    %add3A_86 = arith.constant 1.000000e-16 : f32
    %add3A_87 = vector.broadcast %add3A_86 : f32 to vector<2000x128xf32>
    %add3A_88 = arith.addf %dot_general3A_77, %add3A_87 : vector<2000x128xf32>
    %div3A_89 = arith.divf %add3A_85, %add3A_88 : vector<2000x128xf32>
    %get3A_90 = arith.constant 1 : index
    %get3A_91 = arith.constant 0 : index
    %get3A_92 = vector.load %arg12[%get3A_90, %get3A_91] : memref<2x128xf32, #tpu.memory_space<vmem>>, vector<1x128xf32>
    %add3A_93 = vector.broadcast %get3A_92 : vector<1x128xf32> to vector<2000x128xf32>
    %add3A_94 = arith.addf %div3A_89, %add3A_93 : vector<2000x128xf32>
    %mul3A_95 = arith.constant 5.000000e-01 : f32
    %mul3A_96 = vector.broadcast %mul3A_95 : f32 to vector<2000x128xf32>
    %mul3A_97 = arith.mulf %mul3A_96, %add3A_94 : vector<2000x128xf32>
    %add3A_98 = arith.addf %mul3A_44, %mul3A_97 : vector<2000x128xf32>
    %swap3A = arith.constant 0 : index
    %swap3A_99 = arith.constant 0 : index
    %swap3A_100 = vector.load %arg14[%swap3A, %swap3A_99] : memref<2000x128xf32, #tpu.memory_space<vmem>>, vector<2000x128xf32>
    tpu.vector_store %arg14[%swap3A, %swap3A_99], %add3A_98 {strides = array<i32>} : memref<2000x128xf32, #tpu.memory_space<vmem>>, vector<2000x128xf32>,
    return
  }
  func.func @transform_0(%arg0: i32) -> (i32, i32) {
    %c0_i32 = arith.constant 0 : i32
    %c0_i32_0 = arith.constant 0 : i32
    return %arg0, %c0_i32 : i32, i32
  }
  func.func @transform_1(%arg0: i32) -> (i32, i32) {
    %add3A = arith.constant 5 : i32
    %add3A_0 = arith.addi %arg0, %add3A : i32
    %c0_i32 = arith.constant 0 : i32
    %c0_i32_1 = arith.constant 0 : i32
    return %add3A_0, %c0_i32 : i32, i32
  }
  func.func @transform_2(%arg0: i32) -> (i32, i32) {
    %c0_i32 = arith.constant 0 : i32
    %c0_i32_0 = arith.constant 0 : i32
    return %arg0, %c0_i32 : i32, i32
  }
  func.func @transform_3(%arg0: i32) -> (i32, i32) {
    %add3A = arith.constant 5 : i32
    %add3A_0 = arith.addi %arg0, %add3A : i32
    %c0_i32 = arith.constant 0 : i32
    %c0_i32_1 = arith.constant 0 : i32
    return %add3A_0, %c0_i32 : i32, i32
  }
  func.func @transform_4(%arg0: i32) -> (i32, i32) {
    %c0_i32 = arith.constant 0 : i32
    %c0_i32_0 = arith.constant 0 : i32
    return %arg0, %c0_i32 : i32, i32
  }
  func.func @transform_5(%arg0: i32) -> (i32, i32) {
    %add3A = arith.constant 5 : i32
    %add3A_0 = arith.addi %arg0, %add3A : i32
    %c0_i32 = arith.constant 0 : i32
    %c0_i32_1 = arith.constant 0 : i32
    return %add3A_0, %c0_i32 : i32, i32
  }
  func.func @transform_6(%arg0: i32) -> (i32, i32) {
    %c0_i32 = arith.constant 0 : i32
    %c0_i32_0 = arith.constant 0 : i32
    return %arg0, %c0_i32 : i32, i32
  }
  func.func @transform_7(%arg0: i32) -> (i32, i32) {
    %add3A = arith.constant 5 : i32
    %add3A_0 = arith.addi %arg0, %add3A : i32
    %c0_i32 = arith.constant 0 : i32
    %c0_i32_1 = arith.constant 0 : i32
    return %add3A_0, %c0_i32 : i32, i32
  }
  func.func @transform_8(%arg0: i32) -> (i32, i32) {
    %c0_i32 = arith.constant 0 : i32
    %c0_i32_0 = arith.constant 0 : i32
    return %arg0, %c0_i32 : i32, i32
  }
  func.func @transform_9(%arg0: i32) -> (i32, i32) {
    %add3A = arith.constant 5 : i32
    %add3A_0 = arith.addi %arg0, %add3A : i32
    %c0_i32 = arith.constant 0 : i32
    %c0_i32_1 = arith.constant 0 : i32
    return %add3A_0, %c0_i32 : i32, i32
  }
  func.func @transform_10(%arg0: i32) -> (i32, i32, i32) {
    %c0_i32 = arith.constant 0 : i32
    %c0_i32_0 = arith.constant 0 : i32
    %c0_i32_1 = arith.constant 0 : i32
    %c0_i32_2 = arith.constant 0 : i32
    return %c0_i32, %c0_i32_0, %c0_i32_1 : i32, i32, i32
  }
  func.func @transform_11(%arg0: i32) -> (i32, i32) {
    %c0_i32 = arith.constant 0 : i32
    %c0_i32_0 = arith.constant 0 : i32
    %c0_i32_1 = arith.constant 0 : i32
    return %c0_i32, %c0_i32_0 : i32, i32
  }
  func.func @transform_12(%arg0: i32) -> (i32, i32) {
    %c0_i32 = arith.constant 0 : i32
    %c0_i32_0 = arith.constant 0 : i32
    %c0_i32_1 = arith.constant 0 : i32
    return %c0_i32, %c0_i32_0 : i32, i32
  }
  func.func @transform_13(%arg0: i32) -> (i32, i32) {
    %c0_i32 = arith.constant 0 : i32
    %c0_i32_0 = arith.constant 0 : i32
    return %arg0, %c0_i32 : i32, i32
  }
}

</mosaic_0001>

<sc_bundles>
// kernel: kernel.5.cloned.1.call-start
scs
__scs_entry_jumppad:
0x0: {  	(pc) =	sbr.rel $0x88, $3  }
0x1: {  	(tag) =	ssettag $0x0;
	lr =	simm.s32 $0x1  }
0x2: {  	[smem:$0x3F97] =	sst lr;
	_ =	strace $0xD0000000  }
0x3: {  	_ = 	snop  }
0x4: {  	_ = 	snop  }
0x5: {  	_ = 	snop  }
0x6: {  	_ = 	snop  }
0x7: {  	_ = 	snop  }
__scs_overlays_trampoline_lowered:
0x8: {  	[smem:$0x3FA6] =	sst s0  }
0x9: {  	[smem:$0x3FA7] =	sst s1  }
0xa: {  	[smem:$0x3FA8] =	sst s2  }
0xb: {  	[smem:$0x3FA9] =	sst s3  }
0xc: {  	[smem:$0x3FAA] =	sst s4  }
0xd: {  	[smem:$0x3FAB] =	sst s5  }
0xe: {  	[smem:$0x3FAC] =	sst s6  }
0xf: {  	[smem:$0x3FAD] =	sst s7  }
0x10: {  	[smem:$0x3FAE] =	sst s8  }
0x11: {  	[smem:$0x3FAF] =	sst s9;
	s0 =	simm.s32 @!p0 $0x0  }
0x12: {  	s1 =	sld [smem:$0x3F95];
	s0 =	simm.s32 @p0 $0x1  }
0x13: {  	[smem:$0x3FB0] =	sst s0;
	s0 =	simm.s32 @!p1 $0x0  }
0x14: {  	s2 =	sld [smem:$0x3F94];
	s0 =	simm.s32 @p1 $0x1  }
0x15: {  	[smem:$0x3FB1] =	sst s0;
	s0 =	simm.s32 @!p2 $0x0  }
0x16: {  	s3 =	sld [smem:$0x3FDB];
	s0 =	simm.s32 @p2 $0x1  }
0x17: {  	s4 =	simm.s32 $0x1BF5;
	[smem:$0x3FB3] =	sst s0  }
0x18: {  	s0 =	sld [smem:$0x3F96];
	_ =	swait.ge [sflag:s4], $0x0  }
0x19: {  	s7 =	sld [smem:$0x3F97]  }
0x1a: {  	s8 =	sadd.s32 $0xFFFFE003, lr  }
0x1b: {  	s9 =	sadd.s32 $0xFFFFFEF7, lr;
	s5 =	simm.s32 $0xFFFFFFFF;
	p2 =	slt.u32 s8, $0xFFFFF086  }
0x1c: {  	p1 =	slt.u32 s9, $0xF7A;
	s5 =	simm.s32 @!p2 $0x0  }
0x1d: {  	s5 =	simm.s32 @p1 $0x1;
	p0 =	seq.s32 s7, s2  }
0x1e: {  	s7 =	smul.u32 @!p0 $0xF7A, s2;
	p2 =	seq.s32 @!p0 s5, $0x0  }
0x1f: {  	s9 =	smul.u32 $0xF7A, s1;
	s8 =	simm.s32 @!p0 $0x1BF5;
	p2 =	por !p2, p0  }
0x20: {  	[sflag:s8] =	ssyncset.s32 @!p0 $0xFFFFF086;
	s6 =	sadd.s32 @!p0 s3, s7;
	s7 =	simm.s32 @!p0 $0x108  }
0x21: {  	s3 =	sadd.s32 s3, s9;
	s6 =	sadd.s32 @!p0 $0x88, s6;
	s7 =	simm.s32 @p2 $0x1082  }
0x22: {  	[simem:s7], [sflag:s8] =	dma.local @!p0 [hbm:s6], $0xF7A  }
0x23: {  	s9 =	sor.u32 $0xD0000000, s2;
	s6 =	simm.s32 $0x108;
	_ =	swait.ge @!p0 [sflag:s8], $0x0  }
0x24: {  	s3 =	sadd.s32 $0x88, s3;
	s6 =	simm.s32 @!p1 $0x1082;
	[sflag:s4] =	ssyncset.s32 $0xFFFFF086  }
0x25: {  	[simem:s6], [sflag:s4] =	dma.local [hbm:s3], $0xF7A  }
0x26: {  	[smem:$0x3F97] =	sst s1;
	(tag) =	ssettag s2;
	_ =	strace s9  }
0x27: {  	s1 =	sld [smem:$0x3FA7]  }
0x28: {  	s2 =	sld [smem:$0x3FA8]  }
0x29: {  	s4 =	sld [smem:$0x3FAA]  }
0x2a: {  	p0 =	seq.s32 s5, $0x0;
	s5 =	sld [smem:$0x3FAB]  }
0x2b: {  	s6 =	sld [smem:$0x3FAC]  }
0x2c: {  	s7 =	sld [smem:$0x3FAD]  }
0x2d: {  	s3 =	simm.s32 $0x108;
	s8 =	sld [smem:$0x3FAE]  }
0x2e: {  	s3 =	simm.s32 @!p0 $0x1082;
	s9 =	sld [smem:$0x3FAF]  }
0x2f: {  	lr =	sadd.s32 s0, s3;
	s0 =	sld [smem:$0x3FA6]  }
0x30: {  	s3 =	sld [smem:$0x3FA9]  }
0x31: {  	[smem:$0x3FB2] =	sst s10  }
0x32: {  	s10 =	sld [smem:$0x3FB0];
	_ =	sdelay $0x3  }
0x33: {  	p0 =	seq.s32 s10, $0x1;
	s10 =	sld [smem:$0x3FB2];
	_ =	sdelay $0x3  }
0x34: {  	[smem:$0x3FB2] =	sst s10  }
0x35: {  	s10 =	sld [smem:$0x3FB1];
	_ =	sdelay $0x3  }
0x36: {  	p1 =	seq.s32 s10, $0x1;
	s10 =	sld [smem:$0x3FB2];
	_ =	sdelay $0x3  }
0x37: {  	[smem:$0x3FB2] =	sst s10  }
0x38: {  	s10 =	sld [smem:$0x3FB3]  }
0x39: {  	_ = 	snop;
	(pc) =	sbr.ind lr, $3  }
0x3a: {  	_ = 	snop  }
0x3b: {  	_ = 	snop  }
0x3c: {  	p2 =	seq.s32 s10, $0x1;
	s10 =	sld [smem:$0x3FB2]  }
0x3d: {  	_ =	shalt  }
0x3e: {  	_ =	shalt  }
0x3f: {  	_ =	shalt  }
0x40: {  	_ =	shalt  }
0x41: {  	_ =	shalt  }
0x42: {  	_ =	shalt  }
0x43: {  	_ =	shalt  }
0x44: {  	_ =	shalt  }
0x45: {  	_ =	shalt  }
0x46: {  	_ =	shalt  }
0x47: {  	_ =	shalt  }
0x48: {  	_ =	shalt  }
0x49: {  	_ =	shalt  }
0x4a: {  	_ =	shalt  }
0x4b: {  	_ =	shalt  }
0x4c: {  	_ =	shalt  }
0x4d: {  	_ =	shalt  }
0x4e: {  	_ =	shalt  }
0x4f: {  	_ =	shalt  }
0x50: {  	_ =	shalt  }
0x51: {  	_ =	shalt  }
0x52: {  	_ =	shalt  }
0x53: {  	_ =	shalt  }
0x54: {  	_ =	shalt  }
0x55: {  	_ =	shalt  }
0x56: {  	_ =	shalt  }
0x57: {  	_ =	shalt  }
0x58: {  	_ =	shalt  }
0x59: {  	_ =	shalt  }
0x5a: {  	_ =	shalt  }
0x5b: {  	_ =	shalt  }
0x5c: {  	_ =	shalt  }
0x5d: {  	_ =	shalt  }
0x5e: {  	_ =	shalt  }
0x5f: {  	_ =	shalt  }
0x60: {  	_ =	shalt  }
0x61: {  	_ =	shalt  }
0x62: {  	_ =	shalt  }
0x63: {  	_ =	shalt  }
0x64: {  	_ =	shalt  }
0x65: {  	_ =	shalt  }
0x66: {  	_ =	shalt  }
0x67: {  	_ =	shalt  }
0x68: {  	_ =	shalt  }
0x69: {  	_ =	shalt  }
0x6a: {  	_ =	shalt  }
0x6b: {  	_ =	shalt  }
0x6c: {  	_ =	shalt  }
0x6d: {  	_ =	shalt  }
0x6e: {  	_ =	shalt  }
0x6f: {  	_ =	shalt  }
0x70: {  	_ =	shalt  }
0x71: {  	_ =	shalt  }
0x72: {  	_ =	shalt  }
0x73: {  	_ =	shalt  }
0x74: {  	_ =	shalt  }
0x75: {  	_ =	shalt  }
0x76: {  	_ =	shalt  }
0x77: {  	_ =	shalt  }
0x78: {  	_ =	shalt  }
0x79: {  	_ =	shalt  }
0x7a: {  	_ =	shalt  }
0x7b: {  	_ =	shalt  }
0x7c: {  	_ =	shalt  }
0x7d: {  	_ =	shalt  }
0x7e: {  	_ =	shalt  }
0x7f: {  	_ =	shalt  }
0x80: {  	_ =	shalt  }
0x81: {  	_ =	shalt  }
0x82: {  	_ =	shalt  }
0x83: {  	_ =	shalt  }
0x84: {  	_ =	shalt  }
0x85: {  	_ =	shalt  }
0x86: {  	_ =	shalt  }
0x87: {  	_ =	shalt  }
.Lfunc_end0:
.L_simem_size_0:
called_computation_lowered:
.L_overlay_start_0:
0x88: {  	s2 =	sld [smem:$0x3FD9]  }
0x89: {  	s3 =	sld [smem:$0x3FFE];
	_ =	sdelay $0x1  }
0x8a: {  	s1 =	srdreg.scid  }
0x8b: {  	s0 =	sand.u32 $0x1, s1  }
0x8c: {  	s17 =	sshll.u32 s0, $0xA;
	s2 =	sadd.s32 s3, s2  }
0x8d: {  	s2 =	sadd.s32 s2, s17  }
0x8e: {  	[smem:$0x3FBE] =	sst s2  }
0x8f: {  	_ = 	snop  }
0x90: {  	s2 =	sld [smem:$0x3FD0];
	(tm) =	ssettm $0x1  }
0x91: {  	s18 =	sld [smem:$0x3FFB];
	_ =	sdelay $0x3  }
0x92: {  	_ =	strace s18  }
0x93: {  	s3 =	sld [smem:$0x3FFC];
	_ =	sdelay $0x3  }
0x94: {  	_ =	strace s3  }
0x95: {  	s3 =	sld [smem:$0x3FFD];
	_ =	sdelay $0x3  }
0x96: {  	_ =	strace s3  }
0x97: {  	_ =	strace $0x8FFFFFFF  }
0x98: {  	s19 =	sld [smem:$0x3FDB];
	_ =	sdelay $0x1  }
0x99: {  	s4 =	simm.s32 $_scs_section_size  }
0x9a: {  	s5 =	simm.s32 $_size__tile_overlayer_lowered;
	s6 =	simm.s32 $_tile_overlayer_lowered  }
0x9b: {  	s22 =	simm.s32 $0x1BFF;
	s21 =	sshll.u32 s6, $0x1;
	s3 =	sadd.s32 s4, s19  }
0x9c: {  	s7 =	simm.s32 $0x0;
	s20 =	sshll.u32 s5, $0x1;
	s5 =	sadd.s32 s21, s3  }
0x9d: {  	[timem:s7], [sflag:s22] =	dma.local [hbm:s5], s20  }
0x9e: {  	_ =	swait.ge [sflag:s22], s20  }
0x9f: {  	s4 =	ssub.s32 $0x0, s20;
	[sflag:s22] =	ssyncset.done $0x0  }
0xa0: {  	[sflag:s22] =	ssyncadd.s32 s4;
	_ =	sdelay $0x1  }
0xa1: {  	s23 =	simm.s32 $0x1B8B  }
0xa2: {  	_ =	swait.ge [sflag:s23], $0x1  }
0xa3: {  	[sflag:s23] =	ssyncset.done $0x0  }
0xa4: {  	s25 =	simm.s32 $0x1B8E;
	s24 =	sld [smem:$0x3FFE];
	[sflag:s23] =	ssyncadd.s32 $0xFFFFFFFF  }
0xa5: {  	s26 =	simm.s32 $execute0_lowered;
	[smem:$0x3FD2] =	sst s25  }
0xa6: {  	s5 =	sshll.u32 s26, $0x1;
	_ =	strace $0x80000046;
	[dreg:$0x1] =	wrdreg $0xFFFFFFFF  }
0xa7: {  	s28 =	simm.s32 $_size_execute0_lowered;
	s3 =	sadd.s32 s3, s5;
	[dreg:$0x0] =	wrdreg $0x0  }
0xa8: {  	s5 =	sshll.u32 s28, $0x1;
	[dreg:$0x2] =	wrdreg s3  }
0xa9: {  	[dreg:$0x3] =	wrdreg s5  }
0xaa: {  	[dreg:$0x4] =	wrdreg $0xC0  }
0xab: {  	_ =	task [dreg:s7], $0x5FFFF  }
0xac: {  	[dreg:$0x1] =	wrdreg $0xFFFFFFFF  }
0xad: {  	[dreg:$0x0] =	wrdreg $0x60  }
0xae: {  	[dreg:$0x2] =	wrdreg s24  }
0xaf: {  	[dreg:$0x3] =	wrdreg s2  }
0xb0: {  	[dreg:$0x4] =	wrdreg $0x60F00  }
0xb1: {  	[dreg:$0x5] =	wrdreg $0x199700  }
0xb2: {  	[dreg:$0x6] =	wrdreg $0x9  }
0xb3: {  	_ =	task.clear_ibuf [dreg:s7], $0x7FFFF;
	_ =	strace $0x90000046  }
0xb4: {  	s29 =	simm.s32 $0x9;
	_ =	strace $0x80000048  }
0xb5: {  	_ =	swait.ge [sflag:s29], $0x1  }
0xb6: {  	[sflag:s29] =	ssyncadd.s32 $0xFFFFFFFF  }
0xb7: {  	_ =	strace $0x90000048  }
0xb8: {  	_ =	sfence  }
0xb9: {  	s30 =	sld [smem:$0x0];
	_ =	sdelay $0x2  }
0xba: {  	s31 =	sshll.u32 s1, $0xD;
	s1 =	sshrl.u32 s1, $0x2  }
0xbb: {  	s3 =	sand.u32 $0x4000, s31;
	s1 =	sadd.s32 s1, s30  }
0xbc: {  	s0 =	sor.u32 s3, s0;
	s1 =	sshll.u32 s1, $0x11  }
0xbd: {  	s0 =	sor.u32 s1, s0  }
0xbe: {  	s0 =	sadd.s32 $0x8F2B, s0  }
0xbf: {  	[sflag:s0] =	ssyncadd.remote.s32 $0x1  }
0xc0: {  	_ =	sfence.sel $0xFFFF  }
0xc1: {  	[dreg:$0x0] =	wrdreg $0xFFFFFFFF;
	(pc) =	sbr.abs _section_cstart, $3  }
0xc2: {  	[dreg:$0x1] =	wrdreg $0xFFFFFFFF  }
0xc3: {  	_ =	task.clear_ibuf [dreg:s7], $0x2FFFF;
	_ =	strace $0x9FFFFFFF  }
0xc4: {  	(tm) =	ssettm $0x7FFFFFFF  }
0xc5: {  	_ =	shalt  }
tec
execute0_lowered:
.L_overlay_start_1:
0x0: {  	(tag) =	ssettag $0x1  }
0x1: {  	s0 =	rddreg [dreg:$0x0]  }
0x2: {  	s2 =	rddreg [dreg:$0x1]  }
0x3: {  	s3 =	rddreg [dreg:$0x2]  }
0x4: {  	s17 =	rddreg [dreg:$0x3];
	s4 =	simm.s32 $0x0;
	s1 =	srdreg.scid  }
0x5: {  	s18 =	stileid.u32;
	s30 =	simm.s32 $0x5;
	s31 =	simm.s32 $0x4  }
0x6: {  	[smem:$0x7FF] =	sst s4;
	s5 =	sadd.s32 $0xF5C00, s0;
	s6 =	sadd.s32 $0x109600, s0  }
0x7: {  	s1 =	sand.u32 $0x1, s1;
	s7 =	sadd.s32 $0xEBC00, s0;
	s25 =	smul.u32 $0x270, s18  }
0x8: {  	s9 =	sadd.s32 $0xF0C00, s0;
	s10 =	sadd.s32 $0x9D800, s0;
	s14 =	smul.u32 $0x4E000, s18  }
0x9: {  	s11 =	sadd.s32 $0x11D400, s0;
	s24 =	sadd.s32 $0x11D000, s0;
	s16 =	smul.u32 $0x4E00, s18  }
0xa: {  	s12 =	sadd.s32 $0x124C00, s0;
	s19 =	sshll.u32 s18, $0x6;
	s21 =	smul.u32 $0x4E20, s18  }
0xb: {  	p0 =	sne.s32 s18, $0xF;
	s28 =	smov.u32 s3;
	_ =	strace $0x80000047  }
0xc: {  	s8 =	sshll.u32 s1, $0x1;
	[dreg:$0x5] =	wrdreg s11;
	s26 =	smul.u32 $0x4E200, s1  }
0xd: {  	[dreg:$0x6] =	wrdreg s24;
	s13 =	ssub.s32 $0x2, s1;
	s1 =	smul.u32 $0x2710, s1  }
0xe: {  	s29 =	sor.u32 $0x1C09, s19;
	s11 =	simm.s32 $0x6;
	s8 =	sadd.s32 s8, s0  }
0xf: {  	s0 =	sadd.s32 $0x11FC00, s0;
	s15 =	sshrl.u32 s13, $0x1;
	s14 =	sshrl.u32 s14, $0x2  }
0x10: {  	s20 =	sshrl.u32 s16, $0x2;
	[dreg:$0x8] =	wrdreg s29;
	s13 =	ssub.s32 s13, s15  }
0x11: {  	s14 =	sadd.s32 s14, s3;
	s8 =	sadd.s32 $0xEBA00, s8;
	s22 =	sadd.s32 s25, s1  }
0x12: {  	s23 =	sadd.s32 s21, s26;
	s1 =	sadd.s32 $0x2700, s1;
	[dreg:$0x7] =	wrdreg s14  }
0x13: {  	s14 =	sadd.s32 s20, s17;
	[dreg:$0xa] =	wrdreg s8;
	s24 =	sshll.u32 s22, $0x4  }
0x14: {  	s15 =	sshrl.u32 s23, $0x3;
	s8 =	sadd.s32 s0, s22;
	[dreg:$0x9] =	wrdreg s14  }
0x15: {  	s25 =	sshll.u32 s1, $0x4;
	s0 =	sadd.s32 s0, s1;
	[dreg:$0xe] =	wrdreg s8  }
0x16: {  	s22 =	sadd.s32 $0xA0, s23;
	s23 =	sadd.s32 $0xF0, s23;
	[dreg:$0xf] =	wrdreg s0  }
0x17: {  	s14 =	sadd.s32 s12, s24;
	s12 =	sadd.s32 s12, s25;
	[dreg:$0x15] =	wrdreg s22  }
0x18: {  	s26 =	sadd.s32 s5, s15;
	s16 =	sadd.s32 $0xA, s15;
	[dreg:$0x16] =	wrdreg s23  }
0x19: {  	s19 =	sadd.s32 s2, s15;
	s24 =	smax.u32 s13, $0x1;
	[dreg:$0xb] =	wrdreg s14  }
0x1a: {  	s25 =	sadd.s32 $0x138000, s3;
	s8 =	simm.s32 $0x9;
	[dreg:$0xc] =	wrdreg s12  }
0x1b: {  	s13 =	simm.s32 $0x140;
	s22 =	simm.s32 $0x460;
	[dreg:$0xd] =	wrdreg s26  }
0x1c: {  	s23 =	simm.s32 $0x960;
	s3 =	simm.s32 $0x0;
	[dreg:$0x11] =	wrdreg s19  }
0x1d: {  	s14 =	sadd.s32 s6, s15;
	s20 =	sadd.s32 s5, s16;
	[dreg:$0x17] =	wrdreg s24  }
0x1e: {  	v1 =	vlaneseq.u32;
	v2 =	vimm.s32 $0x8;
	s21 =	sadd.s32 s6, s16;
	s0 =	sadd.s32 s2, s16;
	[dreg:$0x18] =	wrdreg s25  }
0x1f: {  	v3 =	vimm.s32 $0x3;
	v4 =	vimm.s32 $0x0;
	v5 =	vimm.s32 $0x1;
	s19 =	smov.u32 s17;
	s26 =	sadd.s32 $0x13800, s17;
	[dreg:$0x10] =	wrdreg s14  }
.Ltmp0:
0x20: {  	v6 =	vimm.s32 $0x2;
	v7 =	vimm.s32 $0x4;
	v8 =	vimm.s32 $0x5;
	s15 =	simm.s32 $0x50;
	[dreg:$0x12] =	wrdreg s20;
	(pc) =	sbr.rel .LBB2_1-.Ltmp0, $4  }
0x21: {  	v9 =	vimm.s32 $0x6;
	v10 =	vimm.s32 $0x7;
	v11 =	vimm.s32 $0x9;
	s16 =	simm.s32 $0x1E0;
	s17 =	simm.s32 $0x6E0;
	[dreg:$0x13] =	wrdreg s21  }
0x22: {  	v12 =	vimm.s32 $0xA;
	v13 =	vimm.s32 $0xB;
	v14 =	vimm.s32 $0xC;
	s24 =	simm.s32 $0x38E0;
	s25 =	simm.s32 $0x3;
	[dreg:$0x14] =	wrdreg s0  }
0x23: {  	v15 =	vimm.s32 $0xD;
	v16 =	vimm.s32 $0xE;
	v0 =	vshrl.u32 v1, $0x3;
	[dreg:$0x19] =	wrdreg s26;
	s14 =	simm.s32 $0xF0;
	s20 =	simm.s32 $0x190  }
0x24: {  	v17 =	vimm.s32 $0xF;
	v1 =	vand.u32 $0x7, v1;
	v0 =	vmul.u32 $0x8, v0;
	s21 =	simm.s32 $0x2;
	s26 =	simm.s32 $0xBE0;
	s0 =	simm.s32 $0xE60  }
.LBB2_12:
0x25: {  	s1 =	simm.s32 $0x7  }
0x26: {  	_ =	swait.ge [sflag:s1], $0x2800  }
0x27: {  	[sflag:s1] =	ssyncset.done $0x0  }
0x28: {  	[sflag:s1] =	ssyncadd.s32 $0xFFFFD800  }
0x29: {  	_ =	swait.ge [sflag:s1], $0x280  }
0x2a: {  	[sflag:s1] =	ssyncset.done $0x0  }
0x2b: {  	s14 =	simm.s32 $0x8;
	[sflag:s1] =	ssyncadd.s32 $0xFFFFFD80  }
0x2c: {  	_ =	swait.ge [sflag:s14], $0x2800  }
0x2d: {  	[sflag:s14] =	ssyncset.done $0x0  }
0x2e: {  	[sflag:s14] =	ssyncadd.s32 $0xFFFFD800  }
0x2f: {  	_ =	swait.ge [sflag:s14], $0x280  }
0x30: {  	[sflag:s14] =	ssyncset.done $0x0  }
0x31: {  	[sflag:s14] =	ssyncadd.s32 $0xFFFFFD80  }
0x32: {  	[bflag:$0x0] =	sbarrier.arrive $0xFFFF  }
0x33: {  	s29 =	rddreg [dreg:$0x8]  }
0x34: {  	s18 =	rddreg [dreg:$0xb]  }
0x35: {  	s8 =	simm.s32 $0x9;
	s2 =	rddreg [dreg:$0x1b]  }
0x36: {  	[hbm:s18], [sflag:s29] =	dma.local [spmem:s2], $0x2700  }
0x37: {  	_ =	swait.ge [sflag:s8], $0x2700  }
0x38: {  	[sflag:s8] =	ssyncset.done $0x0;
	s3 =	rddreg [dreg:$0xe]  }
0x39: {  	s12 =	rddreg [dreg:$0x1c];
	[sflag:s8] =	ssyncadd.s32 $0xFFFFD900  }
0x3a: {  	[hbm:s3], [sflag:s29] =	dma.local [spmem:s12], $0x270  }
0x3b: {  	_ =	swait.ge [sflag:s8], $0x270  }
0x3c: {  	[sflag:s8] =	ssyncset.done $0x0;
	s1 =	rddreg [dreg:$0xc]  }
0x3d: {  	s2 =	rddreg [dreg:$0x1d];
	[sflag:s8] =	ssyncadd.s32 $0xFFFFFD90  }
0x3e: {  	[hbm:s1], [sflag:s29] =	dma.local @!p0 [spmem:s2], $0x100  }
0x3f: {  	s1 =	simm.s32 @!p0 $0x9  }
0x40: {  	_ =	swait.ge @!p0 [sflag:s1], $0x100  }
0x41: {  	[sflag:s1] =	ssyncset.done @!p0 $0x0;
	s2 =	rddreg [dreg:$0xf]  }
0x42: {  	s3 =	rddreg [dreg:$0x1e];
	[sflag:s1] =	ssyncadd.s32 @!p0 $0xFFFFFF00  }
0x43: {  	[hbm:s2], [sflag:s29] =	dma.local @!p0 [spmem:s3], $0x10  }
0x44: {  	_ =	swait.ge @!p0 [sflag:s1], $0x10  }
0x45: {  	s14 =	rddreg [dreg:$0x1a]  }
0x46: {  	s18 =	rddreg [dreg:$0x17];
	s3 =	sadd.s32 $0x1, s14  }
0x47: {  	p1 =	sne.s32 s3, s18  }
.Ltmp1:
0x48: {  	_ = 	snop;
	(pc) =	sbr.rel @!p1 .LBB2_13-.Ltmp1, $3  }
0x49: {  	_ =	sdelay $0x1  }
0x4a: {  	[sflag:s1] =	ssyncset.done @!p0 $0x0  }
0x4b: {  	[sflag:s1] =	ssyncadd.s32 @!p0 $0xFFFFFFF0;
	s14 =	simm.s32 $0xF0  }
.LBB2_1:
0x4c: {  	[dreg:$0x1a] =	wrdreg s3  }
0x4d: {  	s1 =	rddreg [dreg:$0x7]  }
0x4e: {  	s2 =	sshrl.u32 s1, $0x3;
	s1 =	rddreg [dreg:$0x5]  }
0x4f: {  	[dreg:$0x1b] =	wrdreg s2  }
0x50: {  	[spmem:s2], [sflag:s29] =	dma.local [hbm:s1], $0x2700  }
0x51: {  	_ =	swait.ge [sflag:s8], $0x2700  }
0x52: {  	s12 =	rddreg [dreg:$0x9]  }
0x53: {  	[sflag:s8] =	ssyncset.done $0x0;
	s2 =	rddreg [dreg:$0x6];
	s18 =	sshrl.u32 s12, $0x3  }
0x54: {  	[sflag:s8] =	ssyncadd.s32 $0xFFFFD900;
	[dreg:$0x1c] =	wrdreg s18  }
0x55: {  	[spmem:s18], [sflag:s29] =	dma.local [hbm:s2], $0x270  }
0x56: {  	_ =	swait.ge [sflag:s8], $0x270  }
0x57: {  	s3 =	rddreg [dreg:$0x18]  }
0x58: {  	[sflag:s8] =	ssyncset.done $0x0;
	s3 =	sshrl.u32 @!p0 s3, $0x3  }
0x59: {  	[sflag:s8] =	ssyncadd.s32 $0xFFFFFD90;
	[dreg:$0x1d] =	wrdreg s3  }
0x5a: {  	[spmem:s3], [sflag:s29] =	dma.local @!p0 [hbm:s1], $0x100  }
0x5b: {  	s1 =	simm.s32 @!p0 $0x9  }
0x5c: {  	_ =	swait.ge @!p0 [sflag:s1], $0x100  }
0x5d: {  	s3 =	rddreg [dreg:$0x19]  }
0x5e: {  	[sflag:s1] =	ssyncset.done @!p0 $0x0;
	s3 =	sshrl.u32 @!p0 s3, $0x3  }
0x5f: {  	[sflag:s1] =	ssyncadd.s32 @!p0 $0xFFFFFF00;
	[dreg:$0x1e] =	wrdreg s3  }
0x60: {  	[spmem:s3], [sflag:s29] =	dma.local @!p0 [hbm:s2], $0x10  }
0x61: {  	_ =	swait.ge @!p0 [sflag:s1], $0x10  }
0x62: {  	[sflag:s1] =	ssyncset.done @!p0 $0x0  }
0x63: {  	s3 =	simm.s32 $0x60E0;
	s2 =	rddreg [dreg:$0xa];
	[sflag:s1] =	ssyncadd.s32 @!p0 $0xFFFFFFF0  }
0x64: {  	[tilespmem:s3], [sflag:$0x9] =	stream.linear.gather [hbm4b:s2+s4], $0x10, $0x38;
	[tilespmem:$0x1ACF8] =	vst v63  }
0x65: {  	_ =	swait.ge [sflag:s8], $0x10  }
0x66: {  	[sflag:s8] =	ssyncset.done $0x0  }
0x67: {  	[sflag:s8] =	ssyncadd.s32 $0xFFFFFFF0  }
0x68: {  	[bflag:$0x0] =	sbarrier.arrive $0xFFFF  }
0x69: {  	s12 =	rddreg [dreg:$0xd]  }
0x6a: {  	[tilespmem:s4], [sflag:$0x9] =	stream.linear.gather [hbm4b:s12+s4], $0x50, $0x38;
	[tilespmem:$0x1ACF8] =	vst v63  }
0x6b: {  	_ =	swait.ge [sflag:s8], $0x50  }
0x6c: {  	[sflag:s8] =	ssyncset.done $0x0  }
0x6d: {  	s29 =	simm.s32 $0xA0;
	s18 =	rddreg [dreg:$0x10];
	[sflag:s8] =	ssyncadd.s32 $0xFFFFFFB0  }
0x6e: {  	[tilespmem:s29], [sflag:$0x9] =	stream.linear.gather [hbm4b:s18+s4], $0x50, $0x38;
	[tilespmem:$0x1ACF8] =	vst v63  }
0x6f: {  	_ =	swait.ge [sflag:s8], $0x50  }
0x70: {  	[sflag:s8] =	ssyncset.done $0x0  }
0x71: {  	s3 =	rddreg [dreg:$0x11];
	[sflag:s8] =	ssyncadd.s32 $0xFFFFFFB0  }
0x72: {  	[tilespmem:s13], [sflag:$0x9] =	stream.linear.gather [hbm4b:s3+s4], $0x50, $0x38;
	[tilespmem:$0x1ACF8] =	vst v63  }
0x73: {  	_ =	swait.ge [sflag:s8], $0x50  }
0x74: {  	[sflag:s8] =	ssyncset.done $0x0  }
0x75: {  	[sflag:s8] =	ssyncadd.s32 $0xFFFFFFB0  }
0x76: {  	[tilespmem:s16], [sflag:$0x3] =	stream.indirect.gather [hbm4b:s7+s15], $0x8, s4, s15, $0xb8;
	[tilespmem:$0x1ACF8] =	vst v63  }
0x77: {  	_ = 	snop  }
0x78: {  	[tilespmem:s17], [sflag:$0x3] =	stream.indirect.gather [hbm4b:s9+s15], $0x8, s29, s15, $0xb8;
	[tilespmem:$0x1ACF8] =	vst v63  }
0x79: {  	s8 =	simm.s32 $0x10E0  }
0x7a: {  	[tilespmem:s8], [sflag:$0x5] =	stream.indirect.gather [hbm4b:s10+s15], $0x80, s4, s15, $0xb8;
	[tilespmem:$0x1ACF8] =	vst v63  }
0x7b: {  	s12 =	rddreg [dreg:$0x12]  }
0x7c: {  	[tilespmem:s15], [sflag:$0x2] =	stream.linear.gather [hbm4b:s12+s4], $0x50, $0x38;
	[tilespmem:$0x1ACF8] =	vst v63  }
0x7d: {  	s18 =	rddreg [dreg:$0x13]  }
0x7e: {  	[tilespmem:s14], [sflag:$0x2] =	stream.linear.gather [hbm4b:s18+s4], $0x50, $0x38;
	[tilespmem:$0x1ACF8] =	vst v63  }
0x7f: {  	s29 =	rddreg [dreg:$0x14];
	s12 =	simm.s32 $0x0  }
0x80: {  	[tilespmem:s20], [sflag:$0x2] =	stream.linear.gather [hbm4b:s29+s4], $0x50, $0x38;
	[tilespmem:$0x1ACF8] =	vst v63  }
.LBB2_2:
0x81: {  	_ =	swait.ge [sflag:s21], $0x50  }
0x82: {  	[sflag:s21] =	ssyncset.done $0x0  }
0x83: {  	[sflag:s21] =	ssyncadd.s32 $0xFFFFFFB0  }
0x84: {  	_ =	swait.ge [sflag:s21], $0x50  }
0x85: {  	[sflag:s21] =	ssyncset.done $0x0  }
0x86: {  	[sflag:s21] =	ssyncadd.s32 $0xFFFFFFB0  }
0x87: {  	_ =	swait.ge [sflag:s21], $0x50  }
0x88: {  	p1 =	seq.s32 s12, $0x0;
	[sflag:s21] =	ssyncset.done $0x0  }
0x89: {  	s1 =	simm.s32 @!p1 $0x8;
	[sflag:s21] =	ssyncadd.s32 $0xFFFFFFB0  }
0x8a: {  	_ =	swait.ge @!p1 [sflag:s1], $0x2800  }
0x8b: {  	[sflag:s1] =	ssyncset.done @!p1 $0x0  }
0x8c: {  	[sflag:s1] =	ssyncadd.s32 @!p1 $0xFFFFD800  }
0x8d: {  	_ =	swait.ge @!p1 [sflag:s1], $0x280  }
0x8e: {  	[sflag:s1] =	ssyncset.done @!p1 $0x0  }
0x8f: {  	[sflag:s1] =	ssyncadd.s32 @!p1 $0xFFFFFD80  }
0x90: {  	[tilespmem:s22], [sflag:$0x4] =	stream.indirect.gather [hbm4b:s7+s15], $0x8, s15, s15, $0xb8;
	[tilespmem:$0x1ACF8] =	vst v63  }
0x91: {  	s8 =	simm.s32 $0x6  }
0x92: {  	[tilespmem:s23], [sflag:$0x4] =	stream.indirect.gather [hbm4b:s9+s15], $0x8, s14, s15, $0xb8;
	[tilespmem:$0x1ACF8] =	vst v63  }
0x93: {  	v18 =	vmov s8;
	s14 =	simm.s32 $0x2  }
0x94: {  	v18 =	vshll.u32 v18, $0x3;
	[tilespmem:s24], [sflag:$0x6] =	stream.indirect.gather [hbm4b:s10+s15], $0x80, s15, s15, $0xb8;
	[tilespmem:$0x1ACF8] =	vst v63  }
0x95: {  	s18 =	simm.s32 $0x8;
	v18 =	vor.u32 v0, v18;
	v19 =	vmov s14;
	_ =	swait.ge [sflag:s25], $0x280  }
0x96: {  	s3 =	simm.s32 $0xE;
	v20 =	vmov s18;
	s8 =	simm.s32 $0x0;
	v18 =	vor.u32 v1, v18;
	v19 =	vshll.u32 v19, $0x3;
	[sflag:s25] =	ssyncset.done $0x0  }
0x97: {  	v26 =	vmov s3;
	v23 =	vmov s8;
	v19 =	vor.u32 v0, v19;
	[sflag:s25] =	ssyncadd.s32 $0xFFFFFD80  }
0x98: {  	v21 =	vshll.u32 v20, $0x3;
	v23 =	vshll.u32 v23, $0x3;
	v20 =	vor.u32 v1, v19;
	_ =	swait.ge [sflag:s25], $0x280  }
0x99: {  	v26 =	vshll.u32 v26, $0x3;
	v23 =	vor.u32 v0, v23;
	[sflag:s25] =	ssyncset.done $0x0  }
0x9a: {  	v26 =	vor.u32 v0, v26;
	v23 =	vor.u32 v1, v23;
	[sflag:s25] =	ssyncadd.s32 $0xFFFFFD80  }
0x9b: {  	v26 =	vor.u32 v1, v26;
	v24 =	vld.idx.msk [tilespmem:v18+s16+$0x0], $0xffff  }
0x9c: {  	v25 =	vld.idx.msk [tilespmem:v18+s17+$0x0], $0xffff  }
0x9d: {  	v19 =	vor.u32 v0, v21;
	v27 =	vld.idx.msk [tilespmem:v20+s16+$0x0], $0xffff  }
0x9e: {  	v22 =	vor.u32 v1, v19;
	v28 =	vld.idx.msk [tilespmem:v20+s17+$0x0], $0xffff  }
0x9f: {  	s29 =	simm.s32 $0xA;
	v38 =	vld.idx.msk [tilespmem:v23+s17+$0x0], $0xffff  }
0xa0: {  	v21 =	vmov s29;
	v39 =	vld.idx.msk [tilespmem:v26+s16+$0x0], $0xffff  }
0xa1: {  	v19 =	vshll.u32 v21, $0x3;
	v56 =	vld.idx.msk [tilespmem:v26+s17+$0x0], $0xffff  }
0xa2: {  	s2 =	simm.s32 $0xC;
	v19 =	vor.u32 v0, v19;
	v43 =	vld.idx.msk [tilespmem:v23+s16+$0x0], $0xffff  }
0xa3: {  	s8 =	simm.s32 $0x4;
	v21 =	vmov s2;
	v19 =	vor.u32 v1, v19;
	v29 =	vld.idx.msk [tilespmem:v22+s17+$0x0], $0xffff  }
0xa4: {  	s3 =	simm.s32 $0x1C;
	v31 =	vmov s8;
	v21 =	vshll.u32 v21, $0x3;
	v30 =	vld.idx.msk [tilespmem:v22+s16+$0x0], $0xffff  }
0xa5: {  	v33 =	vmov s3;
	v31 =	vshll.u32 v31, $0x3;
	v21 =	vor.u32 v0, v21  }
0xa6: {  	v31 =	vor.u32 v0, v31;
	s14 =	simm.s32 $0x10;
	v21 =	vor.u32 v1, v21;
	v34 =	vadd.f32 v25, v24  }
0xa7: {  	s29 =	simm.s32 $0x16;
	v24 =	vor.u32 v1, v31;
	v35 =	vadd.f32 v28, v27;
	v27 =	vmov s14  }
0xa8: {  	s18 =	simm.s32 $0x12;
	s2 =	simm.s32 $0x18;
	v32 =	vld.idx.msk [tilespmem:v19+s17+$0x0], $0xffff;
	v28 =	vmov s29;
	v39 =	vadd.f32 v56, v39;
	v63 =	vadd.f32 v38, v43  }
0xa9: {  	v25 =	vld.idx.msk [tilespmem:v19+s16+$0x0], $0xffff;
	s14 =	simm.s32 $0x1A;
	v37 =	vadd.f32 v29, v30;
	v29 =	vmov s18;
	v30 =	vmov s2  }
0xaa: {  	v28 =	vshll.u32 v28, $0x3;
	v40 =	vmov s14;
	v27 =	vshll.u32 v27, $0x3  }
0xab: {  	v31 =	vmul.f32 $2.000000030e-01, v34;
	v28 =	vor.u32 v0, v28;
	v41 =	vshll.u32 v30, $0x3  }
0xac: {  	v36 =	vld.idx.msk [tilespmem:v21+s17+$0x0], $0xffff;
	s18 =	simm.s32 $0x14;
	v30 =	vmul.f32 $2.000000030e-01, v35;
	v27 =	vor.u32 v0, v27;
	v29 =	vshll.u32 v29, $0x3  }
0xad: {  	v42 =	vld.idx.msk [tilespmem:v21+s16+$0x0], $0xffff;
	v44 =	vmov s18;
	v40 =	vshll.u32 v40, $0x3;
	v60 =	vmul.f32 $2.000000030e-01, v39  }
0xae: {  	v28 =	vor.u32 v1, v28;
	v46 =	vadd.f32 v32, v25;
	v25 =	vshll.u32 v33, $0x3;
	v33 =	vld [tilespmem:$0x60E0]  }
0xaf: {  	v55 =	vmul.f32 $2.000000030e-01, v63;
	v27 =	vor.u32 v1, v27;
	v29 =	vor.u32 v0, v29  }
0xb0: {  	v44 =	vshll.u32 v44, $0x3;
	v49 =	vmul.f32 $2.000000030e-01, v37;
	v59 =	vor.u32 v0, v41;
	v45 =	vld.idx.msk [tilespmem:v24+s17+$0x0], $0xffff  }
0xb1: {  	v40 =	vor.u32 v0, v40;
	v29 =	vor.u32 v1, v29;
	v57 =	vor.u32 v0, v44;
	v47 =	vld.idx.msk [tilespmem:v24+s16+$0x0], $0xffff  }
0xb2: {  	s29 =	simm.s32 $0x1E;
	v35 =	vmax.f32 v35, v30;
	v31 =	vmax.f32 v34, v31;
	v39 =	vmax.f32 v39, v60  }
0xb3: {  	v54 =	vadd.f32 v36, v42;
	v60 =	vmov s29;
	v58 =	vld.idx.msk [tilespmem:v28+s16+$0x0], $0xffff;
	v61 =	vsub.f32 v31, v33  }
0xb4: {  	v30 =	vor.u32 v1, v57;
	v32 =	vor.u32 v1, v59;
	v25 =	vor.u32 v0, v25;
	v48 =	vld.idx.msk [tilespmem:v28+s17+$0x0], $0xffff  }
0xb5: {  	v49 =	vmax.f32 v37, v49;
	v25 =	vor.u32 v1, v25;
	v52 =	vmul.f32 $1.442695020e+00, v61  }
0xb6: {  	v50 =	vsub.f32 v35, v33;
	v62 =	vadd.f32 v45, v47;
	v31 =	vor.u32 v1, v40  }
0xb7: {  	v57 =	vld.idx.msk [tilespmem:v29+s16+$0x0], $0xffff;
	v56 =	vsub.f32 v39, v33;
	v40 =	vmax.f32 v63, v55;
	(erf) = vpow2.f32 v52  }
0xb8: {  	v59 =	vld.idx.msk [tilespmem:v29+s17+$0x0], $0xffff;
	v63 =	vmul.f32 $2.000000030e-01, v46;
	v49 =	vsub.f32 v49, v33;
	v53 =	vmul.f32 $2.000000030e-01, v62  }
0xb9: {  	v42 =	vld.idx.msk [tilespmem:v32+s17+$0x0], $0xffff;
	v51 =	vmul.f32 $1.442695020e+00, v56;
	v61 =	vshll.u32 v60, $0x3;
	v35 =	vadd.f32 v48, v58  }
0xba: {  	v45 =	vld.idx.msk [tilespmem:v32+s16+$0x0], $0xffff;
	v58 =	vmul.f32 $2.000000030e-01, v54;
	v37 =	vmax.f32 v62, v53;
	v62 =	vmul.f32 $1.442695020e+00, v50  }
0xbb: {  	v36 =	vld.idx.msk [tilespmem:v27+s17+$0x0], $0xffff;
	v46 =	vmax.f32 v46, v63;
	v52 =	vsub.f32 v40, v33;
	v43 =	vsub.f32 v37, v33  }
0xbc: {  	v37 =	vor.u32 v0, v61;
	v44 =	vmax.f32 v54, v58;
	v41 =	vld.idx.msk [tilespmem:v31+s17+$0x0], $0xffff;
	(erf) = vpow2.f32 v62  }
0xbd: {  	v37 =	vor.u32 v1, v37;
	v47 =	vsub.f32 v44, v33;
	v44 =	vld.idx.msk [tilespmem:v31+s16+$0x0], $0xffff;
	(erf) = vpow2.f32 v51  }
0xbe: {  	s8 =	simm.s32 $0x2E;
	s1 =	simm.s32 $0x8;
	v34 =	vld.idx.msk [tilespmem:v25+s17+$0x0], $0xffff;
	v40 =	vadd.f32 v59, v57;
	v38 =	vmul.f32 $2.000000030e-01, v35;
	v48 =	vmul.f32 $1.442695020e+00, v52  }
.LBB2_3:
0xbf: {  	s14 =	sadd.s32 $0xFFFFFFF2, s8;
	s18 =	sadd.s32 $0xFFFFFFF4, s8;
	s29 =	sadd.s32 $0xFFFFFFF6, s8;
	v42 =	vadd.f32 v42, v45;
	v43 =	vmul.f32 $1.442695020e+00, v43;
	v45 =	vmul.f32 $1.442695020e+00, v49  }
0xc0: {  	s2 =	sadd.s32 $0xFFFFFFFC, s8;
	v47 =	vmul.f32 $1.442695020e+00, v47;
	v49 =	vmov s14;
	v50 =	vmov s18;
	s14 =	sadd.s32 $0xFFFFFFF8, s8;
	s18 =	sadd.s32 $0xFFFFFFFA, s8;
	v39 =	vpop (erf)  }
0xc1: {  	s1 =	sadd.s32 $0x8, s1;
	v51 =	vmov s14;
	v52 =	vmov s18;
	s14 =	sadd.s32 $0xFFFFFFFE, s8;
	[tilespmem:v18+s26+$0x0] =	vst.idx.msk $0xffff, v39;
	(erf) = vpow2.f32 v48;
	v18 =	vmovc v28  }
0xc2: {  	p1 =	slt.u32 s1, $0x20;
	v39 =	vadd.f32 v41, v44;
	v28 =	vshll.u32 v51, $0x3;
	v48 =	vmov s14;
	v41 =	vld.idx.msk [tilespmem:v37+s16+$0x0], $0xffff  }
0xc3: {  	v46 =	vsub.f32 v46, v33;
	v44 =	vmov s2;
	v53 =	vshll.u32 v48, $0x3;
	v51 =	vld.idx.msk [tilespmem:v37+s17+$0x0], $0xffff  }
0xc4: {  	v52 =	vshll.u32 v52, $0x3;
	v28 =	vor.u32 v0, v28;
	(erf) = vpow2.f32 v45  }
0xc5: {  	v28 =	vor.u32 v1, v28;
	v45 =	vor.u32 v0, v53;
	v33 =	vld [tilespmem:$0x60E0];
	v48 =	vpop (erf);
	(erf) = vpow2.f32 v43  }
0xc6: {  	v43 =	vshll.u32 v49, $0x3;
	v45 =	vor.u32 v1, v45;
	v49 =	vmul.f32 $2.000000030e-01, v40;
	v53 =	vld.idx.msk [tilespmem:v25+s16+$0x0], $0xffff;
	[tilespmem:v20+s26+$0x0] =	vst.idx.msk $0xffff, v48;
	v20 =	vpop (erf)  }
0xc7: {  	v43 =	vor.u32 v0, v43;
	v48 =	vshll.u32 v50, $0x3;
	v50 =	vmov s29;
	v54 =	vld.idx.msk [tilespmem:v27+s16+$0x0], $0xffff;
	[tilespmem:v26+s26+$0x0] =	vst.idx.msk $0xffff, v20;
	v20 =	vmovc v29  }
0xc8: {  	v43 =	vor.u32 v1, v43;
	v29 =	vor.u32 v0, v48;
	v26 =	vmovc v37;
	v48 =	vld.idx.msk [tilespmem:v30+s17+$0x0], $0xffff;
	(erf) = vpow2.f32 v47  }
0xc9: {  	v37 =	vshll.u32 v50, $0x3;
	v29 =	vor.u32 v1, v29;
	v41 =	vadd.f32 v51, v41;
	v47 =	vld.idx.msk [tilespmem:v30+s16+$0x0], $0xffff  }
0xca: {  	v44 =	vshll.u32 v44, $0x3;
	v40 =	vmax.f32 v40, v49;
	v37 =	vor.u32 v0, v37;
	v50 =	vld.idx.msk [tilespmem:v28+s16+$0x0], $0xffff;
	v49 =	vpop (erf)  }
0xcb: {  	v55 =	vmul.f32 $2.000000030e-01, v42;
	v46 =	vmul.f32 $1.442695020e+00, v46;
	v37 =	vor.u32 v1, v37;
	v51 =	vld.idx.msk [tilespmem:v28+s17+$0x0], $0xffff;
	[tilespmem:v23+s26+$0x0] =	vst.idx.msk $0xffff, v49  }
0xcc: {  	v35 =	vmax.f32 v35, v38;
	v38 =	vmul.f32 $2.000000030e-01, v41;
	v49 =	vor.u32 v0, v52;
	v23 =	vmovc v27;
	v27 =	vmovc v43  }
0xcd: {  	v44 =	vor.u32 v0, v44;
	v35 =	vsub.f32 v35, v33;
	v52 =	vld.idx.msk [tilespmem:v45+s17+$0x0], $0xffff;
	v56 =	vpop (erf);
	(erf) = vpow2.f32 v46  }
0xce: {  	v55 =	vmax.f32 v42, v55;
	v40 =	vsub.f32 v40, v33;
	v49 =	vor.u32 v1, v49;
	v46 =	vld.idx.msk [tilespmem:v43+s17+$0x0], $0xffff;
	v42 =	vpop (erf)  }
0xcf: {  	v38 =	vmax.f32 v41, v38;
	v43 =	vadd.f32 v48, v47;
	[tilespmem:v24+s26+$0x0] =	vst.idx.msk $0xffff, v42;
	v24 =	vmov v30  }
0xd0: {  	v57 =	vor.u32 v1, v44;
	v44 =	vadd.f32 v36, v54;
	v36 =	vmul.f32 $1.442695020e+00, v35;
	v30 =	vmovc v37;
	v48 =	vld.idx.msk [tilespmem:v29+s16+$0x0], $0xffff  }
0xd1: {  	v47 =	vadd.f32 v34, v53;
	v35 =	vadd.f32 v51, v50;
	v37 =	vmul.f32 $2.000000030e-01, v43;
	[tilespmem:v22+s26+$0x0] =	vst.idx.msk $0xffff, v56;
	v22 =	vpop (erf)  }
0xd2: {  	v41 =	vsub.f32 v38, v33;
	v51 =	vmul.f32 $2.000000030e-01, v44;
	v50 =	vld.idx.msk [tilespmem:v29+s17+$0x0], $0xffff;
	(erf) = vpow2.f32 v36;
	[tilespmem:v21+s26+$0x0] =	vst.idx.msk $0xffff, v22  }
0xd3: {  	v38 =	vmul.f32 $2.000000030e-01, v35;
	v56 =	vmax.f32 v43, v37;
	v37 =	vmul.f32 $2.000000030e-01, v47;
	v21 =	vmovc v25;
	v25 =	vmovc v45;
	v42 =	vld.idx.msk [tilespmem:v49+s17+$0x0], $0xffff  }
0xd4: {  	v58 =	vmov s8;
	v54 =	vmul.f32 $1.442695020e+00, v41;
	v34 =	vmovc v52;
	v43 =	vsub.f32 v56, v33;
	v36 =	vmovc v46;
	v45 =	vld.idx.msk [tilespmem:v49+s16+$0x0], $0xffff  }
.Ltmp2:
0xd5: {  	v40 =	vmul.f32 $1.442695020e+00, v40;
	v51 =	vmax.f32 v44, v51;
	v22 =	vmovc v32;
	v32 =	vmovc v49;
	v46 =	vshll.u32 v58, $0x3;
	v41 =	vld.idx.msk [tilespmem:v57+s17+$0x0], $0xffff;
	(pc) =	sbr.rel @p1 .LBB2_3-.Ltmp2, $4  }
0xd6: {  	v52 =	vmul.f32 $2.000000030e-01, v39;
	v46 =	vor.u32 v0, v46;
	v47 =	vmax.f32 v47, v37;
	v53 =	vpop (erf)  }
0xd7: {  	v37 =	vor.u32 v1, v46;
	v46 =	vsub.f32 v51, v33;
	v44 =	vld.idx.msk [tilespmem:v57+s16+$0x0], $0xffff;
	(erf) = vpow2.f32 v40  }
0xd8: {  	v49 =	vsub.f32 v55, v33;
	v47 =	vsub.f32 v47, v33;
	(erf) = vpow2.f32 v54;
	[tilespmem:v19+s26+$0x0] =	vst.idx.msk $0xffff, v53  }
0xd9: {  	s8 =	sadd.s32 $0x10, s8;
	v40 =	vadd.f32 v50, v48;
	v48 =	vmul.f32 $1.442695020e+00, v46;
	v46 =	vmax.f32 v39, v52;
	v19 =	vmovc v31;
	v31 =	vmovc v57  }
0xda: {  	_ =	sdelay $0x3  }
0xdb: {  	v39 =	vld.idx.msk [tilespmem:v37+s16+$0x0], $0xffff  }
0xdc: {  	v50 =	vld.idx.msk [tilespmem:v37+s17+$0x0], $0xffff  }
0xdd: {  	v51 =	vld [tilespmem:$0x60E0]  }
0xde: {  	v49 =	vmul.f32 $1.442695020e+00, v49;
	v52 =	vld.idx.msk [tilespmem:v27+s16+$0x0], $0xffff  }
0xdf: {  	v43 =	vmul.f32 $1.442695020e+00, v43;
	v61 =	vld.idx.msk [tilespmem:v30+s17+$0x0], $0xffff;
	v33 =	vsub.f32 v46, v33;
	(erf) = vpow2.f32 v48  }
0xe0: {  	v42 =	vadd.f32 v42, v45;
	v62 =	vmul.f32 $1.442695020e+00, v47;
	v63 =	vld.idx.msk [tilespmem:v30+s16+$0x0], $0xffff;
	(erf) = vpow2.f32 v49  }
0xe1: {  	v35 =	vmax.f32 v35, v38;
	v49 =	vmul.f32 $2.000000030e-01, v40;
	v33 =	vmul.f32 $1.442695020e+00, v33  }
0xe2: {  	v41 =	vadd.f32 v41, v44;
	v53 =	vmul.f32 $2.000000030e-01, v42;
	(erf) = vpow2.f32 v43  }
0xe3: {  	(erf) = vpow2.f32 v62;
	v40 =	vmax.f32 v40, v49;
	v39 =	vadd.f32 v50, v39;
	v50 =	vld.idx.msk [tilespmem:v25+s16+$0x0], $0xffff  }
0xe4: {  	v38 =	vmax.f32 v42, v53;
	v59 =	vmul.f32 $2.000000030e-01, v41;
	v35 =	vsub.f32 v35, v51  }
0xe5: {  	(erf) = vpow2.f32 v33;
	v55 =	vadd.f32 v61, v63;
	v36 =	vadd.f32 v36, v52  }
0xe6: {  	v40 =	vsub.f32 v40, v51;
	v38 =	vsub.f32 v38, v51;
	v54 =	vmul.f32 $2.000000030e-01, v39  }
0xe7: {  	v63 =	vmax.f32 v41, v59;
	v35 =	vmul.f32 $1.442695020e+00, v35;
	v57 =	vmul.f32 $2.000000030e-01, v36  }
0xe8: {  	v56 =	vmul.f32 $2.000000030e-01, v55;
	v39 =	vmax.f32 v39, v54;
	v34 =	vadd.f32 v34, v50  }
0xe9: {  	v40 =	vmul.f32 $1.442695020e+00, v40;
	v36 =	vmax.f32 v36, v57;
	v39 =	vsub.f32 v39, v51  }
0xea: {  	v33 =	vmax.f32 v55, v56;
	v36 =	vsub.f32 v36, v51;
	v58 =	vmul.f32 $2.000000030e-01, v34  }
0xeb: {  	v60 =	vpop (erf);
	(erf) = vpow2.f32 v35;
	v33 =	vsub.f32 v33, v51;
	v39 =	vmul.f32 $1.442695020e+00, v39  }
0xec: {  	v62 =	vpop (erf);
	(erf) = vpow2.f32 v40;
	v61 =	vmul.f32 $1.442695020e+00, v36;
	v34 =	vmax.f32 v34, v58  }
0xed: {  	[tilespmem:v18+s26+$0x0] =	vst.idx.msk $0xffff, v60;
	v38 =	vmul.f32 $1.442695020e+00, v38;
	v18 =	vpop (erf);
	(erf) = vpow2.f32 v39;
	v34 =	vsub.f32 v34, v51  }
0xee: {  	[tilespmem:v20+s26+$0x0] =	vst.idx.msk $0xffff, v62;
	v42 =	vsub.f32 v63, v51;
	v20 =	vpop (erf);
	v33 =	vmul.f32 $1.442695020e+00, v33;
	(erf) = vpow2.f32 v61  }
0xef: {  	[tilespmem:v26+s26+$0x0] =	vst.idx.msk $0xffff, v18;
	v18 =	vpop (erf);
	(erf) = vpow2.f32 v38;
	v26 =	vmul.f32 $1.442695020e+00, v34  }
0xf0: {  	[tilespmem:v23+s26+$0x0] =	vst.idx.msk $0xffff, v20;
	v20 =	vmul.f32 $1.442695020e+00, v42;
	v43 =	vpop (erf);
	(erf) = vpow2.f32 v33  }
0xf1: {  	[tilespmem:v22+s26+$0x0] =	vst.idx.msk $0xffff, v18;
	v23 =	vpop (erf);
	(erf) = vpow2.f32 v26  }
0xf2: {  	[tilespmem:v24+s26+$0x0] =	vst.idx.msk $0xffff, v43;
	(erf) = vpow2.f32 v20  }
0xf3: {  	v18 =	vpop (erf);
	[tilespmem:v21+s26+$0x0] =	vst.idx.msk $0xffff, v23  }
0xf4: {  	[tilespmem:v19+s26+$0x0] =	vst.idx.msk $0xffff, v18;
	v20 =	vpop (erf)  }
0xf5: {  	v21 =	vpop (erf);
	[tilespmem:v28+s26+$0x0] =	vst.idx.msk $0xffff, v20  }
0xf6: {  	[tilespmem:v29+s26+$0x0] =	vst.idx.msk $0xffff, v21;
	v18 =	vpop (erf)  }
0xf7: {  	v19 =	vpop (erf);
	[tilespmem:v37+s26+$0x0] =	vst.idx.msk $0xffff, v18  }
0xf8: {  	v18 =	vpop (erf);
	[tilespmem:v27+s26+$0x0] =	vst.idx.msk $0xffff, v19  }
0xf9: {  	v19 =	vpop (erf);
	[tilespmem:v32+s26+$0x0] =	vst.idx.msk $0xffff, v18  }
0xfa: {  	[tilespmem:v30+s26+$0x0] =	vst.idx.msk $0xffff, v19;
	v18 =	vpop (erf)  }
0xfb: {  	s1 =	simm.s32 $0x2;
	[tilespmem:v25+s26+$0x0] =	vst.idx.msk $0xffff, v18;
	v18 =	vpop (erf)  }
0xfc: {  	v19 =	vmov s1;
	[tilespmem:v31+s26+$0x0] =	vst.idx.msk $0xffff, v18  }
0xfd: {  	s14 =	simm.s32 $0x6;
	v19 =	vshll.u32 v19, $0x3;
	_ =	swait.ge [sflag:s30], $0x2800  }
0xfe: {  	v18 =	vor.u32 v0, v19;
	v19 =	vmov s14;
	[sflag:s30] =	ssyncset.done $0x0  }
0xff: {  	s14 =	simm.s32 $0x12E0;
	v19 =	vshll.u32 v19, $0x3;
	[sflag:s30] =	ssyncadd.s32 $0xFFFFD800  }
0x100: {  	v18 =	vor.u32 v1, v18;
	v20 =	vor.u32 v0, v19;
	v19 =	vld [tilespmem:s14+$0x90]  }
0x101: {  	v26 =	vld [tilespmem:s14+$0x150]  }
0x102: {  	v22 =	vld [tilespmem:s14+$0xFFFFFF70]  }
0x103: {  	v20 =	vor.u32 v1, v20;
	v23 =	vld [tilespmem:s14+$0xFFFFFF90]  }
0x104: {  	v29 =	vld [tilespmem:s14+$0x1C0]  }
0x105: {  	v18 =	vld.idx.msk [tilespmem:v18+s26+$0x0], $0xffff  }
0x106: {  	v30 =	vld [tilespmem:s14+$0x100]  }
0x107: {  	v24 =	vld [tilespmem:s14+$0xFFFFFF80]  }
0x108: {  	v27 =	vld.idx.msk [tilespmem:v20+s26+$0x0], $0xffff  }
0x109: {  	v25 =	vld [tilespmem:s14+$0x1A0]  }
0x10a: {  	s18 =	simm.s32 $0x4;
	v50 =	vld [tilespmem:s14+$0xFFFFFFB0];
	v28 =	vperm.xlane v18, v10;
	v44 =	vperm.xlane v18, v2  }
0x10b: {  	v21 =	vmov s18;
	v31 =	vld [tilespmem:s14+$0x120];
	v51 =	vperm.xlane v18, v12;
	v53 =	vperm.xlane v18, v13  }
0x10c: {  	v21 =	vshll.u32 v21, $0x3;
	v45 =	vld [tilespmem:s14+$0x130];
	v58 =	vperm.xlane v18, v7;
	v39 =	vperm.xlane v18, v3  }
0x10d: {  	v21 =	vor.u32 v0, v21;
	v57 =	vld [tilespmem:s14+$0xFFFFFF40];
	v22 =	vmul.f32 v22, v28;
	v28 =	vperm.xlane v27, v12  }
0x10e: {  	v46 =	vor.u32 v1, v21;
	v21 =	vld [tilespmem:s14+$0x1F0];
	v47 =	vperm.xlane v27, v6;
	v24 =	vmul.f32 v24, v44  }
0x10f: {  	v32 =	vld [tilespmem:s14+$0x160];
	v34 =	vmul.f32 v50, v53;
	v60 =	vperm.xlane v27, v8  }
0x110: {  	v52 =	vld [tilespmem:s14+$0x1E0];
	v61 =	vperm.xlane v27, v10;
	v62 =	vperm.xlane v27, v9  }
0x111: {  	v48 =	vld [tilespmem:s14+$0x140];
	v63 =	vperm.xlane v27, v16;
	v50 =	vperm.xlane v27, v2  }
0x112: {  	v49 =	vld [tilespmem:s14+$0x190];
	v37 =	vmul.f32 v57, v58;
	[tilespmem:s14+$0xFFFFFF70] =	vst v22;
	v22 =	vperm.xlane v27, v3  }
0x113: {  	v59 =	vld [tilespmem:s14+$0xFFFFFF60];
	v25 =	vmul.f32 v25, v28;
	[tilespmem:s14+$0xFFFFFF80] =	vst v24;
	v24 =	vmul.f32 v31, v47  }
0x114: {  	v55 =	vld [tilespmem:s14+$0x180];
	[tilespmem:s14+$0xFFFFFFB0] =	vst v34;
	v34 =	vperm.xlane v18, v9;
	v32 =	vmul.f32 v32, v62  }
0x115: {  	v56 =	vld [tilespmem:s14+$0x1B0];
	v35 =	vmul.f32 v52, v63;
	v52 =	vperm.xlane v27, v13;
	[tilespmem:s14+$0xFFFFFF40] =	vst v37  }
0x116: {  	v54 =	vld [tilespmem:s14+$0xFFFFFFC0];
	v26 =	vmul.f32 v26, v60;
	[tilespmem:s14+$0x1A0] =	vst v25;
	v25 =	vperm.xlane v27, v7  }
0x117: {  	v28 =	vld [tilespmem:s14+$0xFFFFFFA0];
	v33 =	vmul.f32 v45, v22;
	[tilespmem:s14+$0x120] =	vst v24;
	v24 =	vperm.xlane v18, v11  }
0x118: {  	v31 =	vld [tilespmem:s14+$0x170];
	[tilespmem:s14+$0x160] =	vst v32;
	v59 =	vmul.f32 v59, v34;
	v25 =	vmul.f32 v48, v25  }
0x119: {  	v40 =	vld [tilespmem:s14+$0x1D0];
	[tilespmem:s14+$0x1E0] =	vst v35;
	v23 =	vmul.f32 v23, v24;
	v24 =	vperm.xlane v27, v11  }
0x11a: {  	v43 =	vld [tilespmem:s14+$0xE0];
	[tilespmem:s14+$0x130] =	vst v33;
	v33 =	vmul.f32 v55, v50;
	v55 =	vmul.f32 v56, v52  }
0x11b: {  	v22 =	vld.idx.msk [tilespmem:v46+s26+$0x0], $0xffff;
	[tilespmem:s14+$0x150] =	vst v26;
	v56 =	vperm.xlane v27, v14;
	v50 =	vperm.xlane v18, v17  }
0x11c: {  	v20 =	vld [tilespmem:s14+$0x110];
	[tilespmem:s14+$0xFFFFFF60] =	vst v59;
	v52 =	vperm.xlane v18, v16;
	v28 =	vmul.f32 v28, v51  }
0x11d: {  	v45 =	vld [tilespmem:s14+$0xFFFFFFE0];
	v31 =	vmul.f32 v31, v61;
	[tilespmem:s14+$0xFFFFFF90] =	vst v23;
	v23 =	vmul.f32 v49, v24  }
0x11e: {  	v53 =	vld [tilespmem:s14+$0x0];
	[tilespmem:s14+$0x140] =	vst v25;
	v25 =	vperm.xlane v18, v4;
	v24 =	vperm.xlane v18, v6  }
0x11f: {  	v57 =	vld [tilespmem:s14+$0x20];
	v29 =	vmul.f32 v29, v56;
	[tilespmem:s14+$0xFFFFFFA0] =	vst v28;
	v28 =	vperm.xlane v18, v14  }
0x120: {  	v58 =	vld [tilespmem:s14+$0x30];
	[tilespmem:s14+$0x170] =	vst v31;
	v31 =	vperm.xlane v27, v15;
	v60 =	vperm.xlane v22, v6  }
0x121: {  	v47 =	vld [tilespmem:s14+$0x70];
	[tilespmem:s14+$0x180] =	vst v33;
	v62 =	vperm.xlane v22, v4;
	v63 =	vperm.xlane v22, v5  }
0x122: {  	v46 =	vld [tilespmem:s14+$0xFFFFFFF0];
	[tilespmem:s14+$0x1B0] =	vst v55;
	v55 =	vmul.f32 v45, v52;
	v59 =	vperm.xlane v22, v8  }
0x123: {  	v35 =	vld [tilespmem:s14+$0xFFFFFF10];
	v52 =	vperm.xlane v22, v12;
	[tilespmem:s14+$0x190] =	vst v23;
	v23 =	vperm.xlane v27, v5  }
0x124: {  	v48 =	vld [tilespmem:s14+$0xF0];
	[tilespmem:s14+$0x1C0] =	vst v29;
	v38 =	vmul.f32 v54, v28;
	v28 =	vperm.xlane v27, v17  }
0x125: {  	v51 =	vld [tilespmem:s14+$0xFFFFFFD0];
	v27 =	vperm.xlane v27, v4;
	v31 =	vmul.f32 v40, v31;
	[tilespmem:s14+$0xFFFFFFE0] =	vst v55  }
0x126: {  	v61 =	vld [tilespmem:s14+$0x40];
	v34 =	vmul.f32 v57, v60;
	v32 =	vmul.f32 v53, v62;
	[tilespmem:s14+$0xFFFFFFC0] =	vst v38  }
0x127: {  	v54 =	vld [tilespmem:s14+$0x10];
	v53 =	vmul.f32 v46, v50;
	v57 =	vperm.xlane v18, v8;
	[tilespmem:s14+$0x1D0] =	vst v31  }
0x128: {  	v27 =	vmul.f32 v30, v27;
	v30 =	vperm.xlane v18, v15;
	v31 =	vld [tilespmem:s14+$0x50];
	[tilespmem:s14+$0x20] =	vst v34  }
0x129: {  	v62 =	vperm.xlane v22, v10;
	v20 =	vmul.f32 v20, v23;
	v34 =	vld [tilespmem:s14+$0xB0];
	[tilespmem:s14+$0x0] =	vst v32  }
0x12a: {  	s29 =	simm.s32 $0x0;
	v49 =	vld [tilespmem:s14+$0x60];
	v50 =	vperm.xlane v22, v11;
	[tilespmem:s14+$0xFFFFFFF0] =	vst v53;
	v30 =	vmul.f32 v51, v30  }
0x12b: {  	v56 =	vld [tilespmem:s14+$0xA0];
	v60 =	vmov s29;
	v53 =	vperm.xlane v22, v13;
	[tilespmem:s14+$0x110] =	vst v20;
	v51 =	vperm.xlane v22, v7  }
0x12c: {  	v55 =	vld [tilespmem:s14+$0xFFFFFF20];
	v29 =	vshll.u32 v60, $0x3;
	v19 =	vmul.f32 v19, v50;
	[tilespmem:s14+$0xFFFFFFD0] =	vst v30;
	v30 =	vmul.f32 v54, v63  }
0x12d: {  	v29 =	vor.u32 v0, v29;
	[tilespmem:s14+$0x100] =	vst v27;
	v54 =	vperm.xlane v22, v3;
	v33 =	vmul.f32 v61, v51;
	v61 =	vld [tilespmem:s14+$0xFFFFFF50]  }
0x12e: {  	v29 =	vor.u32 v1, v29;
	v51 =	vld [tilespmem:s14+$0xFFFFFF00];
	v26 =	vmul.f32 v31, v59;
	v34 =	vmul.f32 v34, v53;
	[tilespmem:s14+$0x10] =	vst v30  }
0x12f: {  	v31 =	vld [tilespmem:s14+$0xFFFFFF30];
	v30 =	vperm.xlane v18, v5;
	[tilespmem:s14+$0x40] =	vst v33;
	v18 =	vperm.xlane v22, v9  }
0x130: {  	v32 =	vmul.f32 v58, v54;
	v58 =	vld [tilespmem:s14+$0xC0];
	v54 =	vperm.xlane v22, v14;
	[tilespmem:s14+$0x50] =	vst v26  }
0x131: {  	v60 =	vld [tilespmem:s14+$0xFFFFFE10];
	[tilespmem:s14+$0xB0] =	vst v34;
	v30 =	vmul.f32 v35, v30;
	v18 =	vmul.f32 v49, v18  }
0x132: {  	v63 =	vld [tilespmem:s14+$0xD0];
	[tilespmem:s14+$0x30] =	vst v32;
	v49 =	vperm.xlane v22, v2;
	v32 =	vmul.f32 v47, v62  }
0x133: {  	v27 =	vld.idx.msk [tilespmem:v29+s26+$0x0], $0xffff;
	v33 =	vmul.f32 v61, v57;
	v57 =	vperm.xlane v22, v15;
	[tilespmem:s14+$0x60] =	vst v18  }
0x134: {  	v20 =	vld [tilespmem:s14+$0xFFFFFE90];
	v25 =	vmul.f32 v51, v25;
	[tilespmem:s14+$0xFFFFFF10] =	vst v30;
	v30 =	vmul.f32 v56, v52  }
0x135: {  	v29 =	vld [tilespmem:s14+$0xFFFFFE40];
	[tilespmem:s14+$0x70] =	vst v32;
	v39 =	vmul.f32 v31, v39;
	v36 =	vmul.f32 v58, v54  }
0x136: {  	v26 =	vld [tilespmem:s14+$0xFFFFFEA0];
	[tilespmem:s14+$0xFFFFFF50] =	vst v33;
	v58 =	vperm.xlane v22, v16;
	v22 =	vperm.xlane v22, v17  }
0x137: {  	v62 =	vld [tilespmem:s14+$0xFFFFFE00];
	v59 =	vmul.f32 v63, v57;
	[tilespmem:s14+$0xFFFFFF00] =	vst v25;
	v25 =	vmul.f32 v21, v28  }
0x138: {  	v56 =	vld [tilespmem:s14+$0x80];
	v28 =	vperm.xlane v27, v4;
	v23 =	vperm.xlane v27, v17;
	[tilespmem:s14+$0xFFFFFF30] =	vst v39  }
0x139: {  	v32 =	vld [tilespmem:s14+$0xFFFFFE30];
	v63 =	vperm.xlane v27, v5;
	v33 =	vperm.xlane v27, v16;
	[tilespmem:s14+$0xC0] =	vst v36  }
0x13a: {  	v34 =	vld [tilespmem:s14+$0xFFFFFEE0];
	v31 =	vmul.f32 v48, v22;
	v22 =	vmul.f32 v55, v24;
	[tilespmem:s14+$0xD0] =	vst v59  }
0x13b: {  	v18 =	vld [tilespmem:s14+$0xFFFFFED0];
	v35 =	vperm.xlane v27, v3;
	v61 =	vmul.f32 v43, v58;
	[tilespmem:s14+$0x1F0] =	vst v25  }
0x13c: {  	v21 =	vld [tilespmem:s14+$0xFFFFFE70];
	v25 =	vperm.xlane v27, v15;
	v28 =	vmul.f32 v62, v28;
	[tilespmem:s14+$0xFFFFFF20] =	vst v22  }
0x13d: {  	s8 =	simm.s32 $0x0;
	s18 =	simm.s32 $0x8;
	s1 =	simm.s32 $0x16E0;
	v36 =	vmul.f32 v60, v63;
	v24 =	vmul.f32 v56, v49;
	v22 =	vld [tilespmem:s14+$0xFFFFFE20];
	[tilespmem:s14+$0xE0] =	vst v61  }
.LBB2_5:
0x13e: {  	v37 =	vld [tilespmem:s1+$0xFFFFFED0];
	s2 =	sadd.s32 $0x2, s18;
	s29 =	sadd.s32 $0x4, s18;
	s3 =	sadd.s32 $0x6, s18;
	v32 =	vmul.f32 v32, v35;
	v35 =	vperm.xlane v27, v13;
	[tilespmem:s14+$0xA0] =	vst v30  }
0x13f: {  	s8 =	sadd.s32 $0x4, s8;
	v40 =	vperm.xlane v27, v14;
	v30 =	vmov s2;
	v38 =	vmov s29;
	v39 =	vld [tilespmem:s14+$0xFFFFFEB0];
	[tilespmem:s14+$0xF0] =	vst v31  }
0x140: {  	p1 =	slt.u32 s8, $0x24;
	v30 =	vshll.u32 v30, $0x3;
	v31 =	vshll.u32 v38, $0x3;
	v38 =	vld [tilespmem:s14+$0xFFFFFEC0];
	v33 =	vmul.f32 v34, v33;
	[tilespmem:s14+$0x80] =	vst v24  }
0x141: {  	v24 =	vor.u32 v0, v30;
	v30 =	vor.u32 v0, v31;
	[tilespmem:s14+$0xFFFFFE10] =	vst v36;
	v34 =	vld [tilespmem:s14+$0xFFFFFE80];
	v36 =	vperm.xlane v27, v11  }
0x142: {  	v43 =	vperm.xlane v27, v10;
	v24 =	vor.u32 v1, v24;
	v41 =	vor.u32 v1, v30;
	v42 =	vld [tilespmem:s14+$0xFFFFFE50];
	[tilespmem:s14+$0xFFFFFEE0] =	vst v33  }
0x143: {  	v25 =	vmul.f32 v18, v25;
	v30 =	vmov s3;
	[tilespmem:s14+$0xFFFFFE00] =	vst v28;
	v28 =	vperm.xlane v27, v2;
	v33 =	vld [tilespmem:s14+$0xFFFFFEF0];
	v18 =	vmovc v37  }
0x144: {  	v30 =	vshll.u32 v30, $0x3;
	v37 =	vperm.xlane v27, v9;
	v44 =	vld [tilespmem:s14+$0xFFFFFE60];
	v35 =	vmul.f32 v39, v35;
	[tilespmem:s14+$0x90] =	vst v19  }
0x145: {  	v30 =	vor.u32 v0, v30;
	v39 =	vperm.xlane v27, v8;
	v19 =	vld [tilespmem:s1+$0x90];
	v38 =	vmul.f32 v38, v40;
	[tilespmem:s14+$0xFFFFFED0] =	vst v25  }
0x146: {  	v25 =	vor.u32 v1, v30;
	v31 =	vld [tilespmem:s1+$0x150];
	[tilespmem:s14+$0xFFFFFE30] =	vst v32;
	v28 =	vmul.f32 v34, v28;
	v32 =	vmul.f32 v20, v36  }
0x147: {  	v30 =	vld.idx.msk [tilespmem:v24+s26+$0x0], $0xffff;
	v24 =	vperm.xlane v27, v6;
	v34 =	vmul.f32 v42, v39;
	[tilespmem:s14+$0xFFFFFEC0] =	vst v38  }
0x148: {  	v20 =	vld.idx.msk [tilespmem:v41+s26+$0x0], $0xffff;
	[tilespmem:s14+$0xFFFFFE90] =	vst v32;
	v32 =	vperm.xlane v27, v12;
	v23 =	vmul.f32 v33, v23  }
0x149: {  	v27 =	vperm.xlane v27, v7;
	v33 =	vld [tilespmem:s1+$0xFFFFFF70];
	v36 =	vmul.f32 v44, v37;
	[tilespmem:s14+$0xFFFFFE80] =	vst v28  }
0x14a: {  	v21 =	vmul.f32 v21, v43;
	v28 =	vmul.f32 v22, v24;
	v37 =	vld [tilespmem:s1+$0xFFFFFF90];
	[tilespmem:s14+$0xFFFFFE50] =	vst v34  }
0x14b: {  	v22 =	vmul.f32 v29, v27;
	v34 =	vld.idx.msk [tilespmem:v25+s26+$0x0], $0xffff;
	v25 =	vmul.f32 v26, v32;
	[tilespmem:s14+$0xFFFFFEF0] =	vst v23  }
0x14c: {  	v26 =	vld [tilespmem:s1+$0x1C0];
	[tilespmem:s14+$0xFFFFFE60] =	vst v36  }
0x14d: {  	v23 =	vperm.xlane v30, v4;
	v27 =	vperm.xlane v30, v11;
	v29 =	vld [tilespmem:s1+$0x100];
	[tilespmem:s14+$0xFFFFFE70] =	vst v21  }
0x14e: {  	v24 =	vperm.xlane v30, v6;
	v32 =	vperm.xlane v30, v10;
	v36 =	vld [tilespmem:s1+$0xFFFFFF80];
	[tilespmem:s14+$0xFFFFFEB0] =	vst v35  }
0x14f: {  	v35 =	vperm.xlane v30, v7;
	v21 =	vld [tilespmem:s1+$0x110];
	[tilespmem:s14+$0xFFFFFE40] =	vst v22  }
0x150: {  	v38 =	vperm.xlane v30, v9;
	v22 =	vld [tilespmem:s1+$0x1F0];
	[tilespmem:s14+$0xFFFFFEA0] =	vst v25  }
0x151: {  	v39 =	vperm.xlane v30, v2;
	v25 =	vperm.xlane v34, v5;
	v40 =	vld [tilespmem:s1+$0x1A0];
	[tilespmem:s14+$0xFFFFFE20] =	vst v28;
	s14 =	smov.u32 s1  }
0x152: {  	v28 =	vmul.f32 v33, v32;
	v32 =	vperm.xlane v34, v6;
	v33 =	vld [tilespmem:s1+$0x120]  }
0x153: {  	v41 =	vperm.xlane v34, v8;
	v36 =	vmul.f32 v36, v39;
	v39 =	vld [tilespmem:s1+$0x130]  }
0x154: {  	v43 =	vperm.xlane v34, v12;
	[tilespmem:s1+$0xFFFFFF70] =	vst v28;
	v42 =	vld [tilespmem:s1+$0x140];
	v28 =	vperm.xlane v34, v17  }
0x155: {  	v45 =	vperm.xlane v34, v4;
	[tilespmem:s1+$0xFFFFFF80] =	vst v36;
	v36 =	vperm.xlane v30, v12;
	v44 =	vld [tilespmem:s1+$0xFFFFFFA0]  }
0x156: {  	v46 =	vperm.xlane v34, v3;
	v47 =	vld [tilespmem:s1+$0x190];
	v40 =	vmul.f32 v40, v43  }
0x157: {  	v27 =	vmul.f32 v37, v27;
	v37 =	vld [tilespmem:s1+$0xFFFFFFB0];
	v32 =	vmul.f32 v33, v32  }
0x158: {  	v33 =	vmul.f32 v39, v46;
	v39 =	vperm.xlane v34, v7;
	v43 =	vld [tilespmem:s1+$0x170];
	[tilespmem:s1+$0x1A0] =	vst v40  }
0x159: {  	v40 =	vperm.xlane v30, v13;
	v46 =	vld [tilespmem:s1+$0xFFFFFFC0];
	[tilespmem:s1+$0x120] =	vst v32;
	v32 =	vperm.xlane v34, v11  }
0x15a: {  	v36 =	vmul.f32 v44, v36;
	[tilespmem:s1+$0x130] =	vst v33;
	v33 =	vmul.f32 v42, v39;
	v39 =	vld [tilespmem:s1+$0x160]  }
0x15b: {  	[tilespmem:s1+$0xFFFFFF90] =	vst v27;
	v27 =	vperm.xlane v34, v10;
	v32 =	vmul.f32 v47, v32;
	v42 =	vld [tilespmem:s1+$0x1E0]  }
0x15c: {  	v37 =	vmul.f32 v37, v40;
	v40 =	vperm.xlane v30, v14;
	[tilespmem:s1+$0x140] =	vst v33;
	v33 =	vld [tilespmem:s1+$0x180]  }
0x15d: {  	[tilespmem:s1+$0xFFFFFFA0] =	vst v36;
	v36 =	vperm.xlane v34, v9;
	v27 =	vmul.f32 v43, v27;
	v43 =	vld [tilespmem:s1+$0x1B0]  }
0x15e: {  	v40 =	vmul.f32 v46, v40;
	[tilespmem:s1+$0x190] =	vst v32;
	v44 =	vld [tilespmem:s1+$0x1D0];
	v32 =	vperm.xlane v34, v16  }
0x15f: {  	v46 =	vld [tilespmem:s1+$0xFFFFFF40];
	[tilespmem:s1+$0xFFFFFFB0] =	vst v37;
	v36 =	vmul.f32 v39, v36;
	v37 =	vperm.xlane v34, v2  }
0x160: {  	v39 =	vld [tilespmem:s1+$0xFFFFFF60];
	[tilespmem:s1+$0x170] =	vst v27;
	v27 =	vperm.xlane v34, v13;
	v42 =	vmul.f32 v42, v32  }
0x161: {  	v32 =	vld [tilespmem:s1+$0xE0];
	[tilespmem:s1+$0x160] =	vst v36;
	v33 =	vmul.f32 v33, v37;
	v36 =	vperm.xlane v34, v15  }
0x162: {  	v34 =	vperm.xlane v34, v14;
	v37 =	vld [tilespmem:s1+$0xF0];
	v27 =	vmul.f32 v43, v27;
	[tilespmem:s1+$0x1E0] =	vst v42  }
0x163: {  	v31 =	vmul.f32 v31, v41;
	v42 =	vld [tilespmem:s1+$0xFFFFFFE0];
	[tilespmem:s1+$0x180] =	vst v33;
	v33 =	vmul.f32 v44, v36  }
0x164: {  	v26 =	vmul.f32 v26, v34;
	v35 =	vmul.f32 v46, v35;
	[tilespmem:s1+$0xFFFFFFC0] =	vst v40;
	v36 =	vld [tilespmem:s1+$0xFFFFFFD0]  }
0x165: {  	v29 =	vmul.f32 v29, v45;
	v34 =	vmul.f32 v39, v38;
	v38 =	vld [tilespmem:s1+$0xFFFFFFF0];
	[tilespmem:s1+$0x1D0] =	vst v33  }
0x166: {  	v33 =	vperm.xlane v30, v5;
	v39 =	vperm.xlane v30, v3;
	v40 =	vld [tilespmem:s1+$0x0];
	[tilespmem:s1+$0x1B0] =	vst v27  }
0x167: {  	v41 =	vperm.xlane v30, v15;
	v27 =	vperm.xlane v30, v8;
	v43 =	vld [tilespmem:s1+$0x10];
	[tilespmem:s1+$0x1C0] =	vst v26  }
0x168: {  	v26 =	vperm.xlane v30, v16;
	v30 =	vperm.xlane v30, v17;
	v44 =	vld [tilespmem:s1+$0x20];
	[tilespmem:s1+$0x150] =	vst v31  }
0x169: {  	[tilespmem:s1+$0xFFFFFF40] =	vst v35;
	v31 =	vmul.f32 v36, v41;
	v35 =	vperm.xlane v20, v4;
	v36 =	vld [tilespmem:s1+$0x30]  }
0x16a: {  	v26 =	vmul.f32 v42, v26;
	v41 =	vld [tilespmem:s1+$0xFFFFFF10];
	v30 =	vmul.f32 v38, v30;
	[tilespmem:s1+$0x100] =	vst v29  }
0x16b: {  	v29 =	vperm.xlane v20, v5;
	[tilespmem:s1+$0xFFFFFF60] =	vst v34;
	v34 =	vperm.xlane v20, v6;
	v38 =	vld [tilespmem:s1+$0x40]  }
0x16c: {  	[tilespmem:s1+$0xFFFFFFD0] =	vst v31;
	v31 =	vmul.f32 v40, v35;
	v35 =	vperm.xlane v20, v3;
	v40 =	vld [tilespmem:s1+$0x50]  }
0x16d: {  	v29 =	vmul.f32 v43, v29;
	[tilespmem:s1+$0xFFFFFFF0] =	vst v30;
	v30 =	vmul.f32 v44, v34;
	v34 =	vld [tilespmem:s1+$0x60]  }
0x16e: {  	[tilespmem:s1+$0xFFFFFFE0] =	vst v26;
	v26 =	vmul.f32 v36, v35;
	v35 =	vperm.xlane v20, v7;
	v36 =	vld [tilespmem:s1+$0x70]  }
0x16f: {  	v33 =	vmul.f32 v41, v33;
	[tilespmem:s1+$0x20] =	vst v30;
	v30 =	vperm.xlane v20, v8;
	v41 =	vld [tilespmem:s1+$0xB0]  }
0x170: {  	v42 =	vmov s18;
	v43 =	vld [tilespmem:s1+$0xFFFFFF50];
	[tilespmem:s1+$0x0] =	vst v31;
	v31 =	vmul.f32 v38, v35;
	v35 =	vperm.xlane v20, v9  }
0x171: {  	v38 =	vshll.u32 v42, $0x3;
	[tilespmem:s1+$0x10] =	vst v29;
	v29 =	vmul.f32 v40, v30;
	v30 =	vperm.xlane v20, v10;
	v40 =	vld [tilespmem:s1+$0xA0]  }
0x172: {  	v38 =	vor.u32 v0, v38;
	[tilespmem:s1+$0x40] =	vst v31;
	v31 =	vmul.f32 v34, v35;
	v34 =	vperm.xlane v20, v2;
	v35 =	vld [tilespmem:s1+$0xC0]  }
0x173: {  	v38 =	vor.u32 v1, v38;
	[tilespmem:s1+$0x30] =	vst v26;
	v26 =	vmul.f32 v36, v30;
	v36 =	vperm.xlane v20, v11;
	v42 =	vld [tilespmem:s1+$0xD0]  }
0x174: {  	v30 =	vperm.xlane v20, v12;
	v44 =	vld [tilespmem:s1+$0xFFFFFF30];
	[tilespmem:s1+$0x60] =	vst v31;
	v31 =	vperm.xlane v20, v13  }
0x175: {  	v45 =	vld [tilespmem:s1+$0xFFFFFF00];
	[tilespmem:s1+$0xFFFFFF10] =	vst v33;
	v33 =	vmul.f32 v43, v27;
	v27 =	vperm.xlane v20, v14  }
0x176: {  	v43 =	vld [tilespmem:s1+$0xFFFFFF20];
	[tilespmem:s1+$0x50] =	vst v29;
	v30 =	vmul.f32 v40, v30;
	v29 =	vmul.f32 v41, v31  }
0x177: {  	[tilespmem:s1+$0x70] =	vst v26;
	v40 =	vld [tilespmem:s1+$0x80];
	v31 =	vmul.f32 v35, v27;
	v35 =	vperm.xlane v20, v15  }
0x178: {  	v27 =	vld.idx.msk [tilespmem:v38+s26+$0x0], $0xffff;
	[tilespmem:s1+$0xFFFFFF50] =	vst v33;
	v33 =	vperm.xlane v20, v16;
	v20 =	vperm.xlane v20, v17  }
0x179: {  	v26 =	vld [tilespmem:s1+$0xFFFFFEA0];
	v38 =	vmul.f32 v44, v39;
	[tilespmem:s1+$0xB0] =	vst v29;
	v35 =	vmul.f32 v42, v35  }
0x17a: {  	v29 =	vld [tilespmem:s1+$0xFFFFFE40];
	v23 =	vmul.f32 v45, v23;
	[tilespmem:s1+$0xC0] =	vst v31;
	v31 =	vmul.f32 v37, v20  }
0x17b: {  	v39 =	vmul.f32 v32, v33;
	v20 =	vld [tilespmem:s1+$0xFFFFFE10];
	v37 =	vmul.f32 v43, v24;
	[tilespmem:s1+$0xD0] =	vst v35  }
0x17c: {  	v19 =	vmul.f32 v19, v36;
	v41 =	vld [tilespmem:s1+$0xFFFFFE00];
	[tilespmem:s1+$0xFFFFFF00] =	vst v23;
	v24 =	vmul.f32 v40, v34  }
.Ltmp3:
0x17d: {  	v22 =	vmul.f32 v22, v28;
	v36 =	vmul.f32 v21, v25;
	v32 =	vld [tilespmem:s1+$0xFFFFFE30];
	[tilespmem:s1+$0xFFFFFF30] =	vst v38;
	(pc) =	sbr.rel @p1 .LBB2_5-.Ltmp3, $4  }
0x17e: {  	v28 =	vperm.xlane v27, v4;
	v23 =	vperm.xlane v27, v17;
	v21 =	vld [tilespmem:s1+$0xFFFFFE70];
	[tilespmem:s1+$0xFFFFFF20] =	vst v37  }
0x17f: {  	v33 =	vperm.xlane v27, v16;
	v37 =	vperm.xlane v27, v5;
	v34 =	vld [tilespmem:s1+$0xFFFFFEE0];
	[tilespmem:s1+$0x1F0] =	vst v22  }
0x180: {  	v35 =	vperm.xlane v27, v3;
	v25 =	vperm.xlane v27, v15;
	v22 =	vld [tilespmem:s1+$0xFFFFFE20];
	[tilespmem:s1+$0x110] =	vst v36  }
0x181: {  	s18 =	sadd.s32 $0x8, s18;
	v36 =	vmul.f32 v20, v37;
	s1 =	sadd.s32 $0x400, s1;
	v28 =	vmul.f32 v41, v28;
	v20 =	vld [tilespmem:s14+$0xFFFFFE90];
	[tilespmem:s14+$0xE0] =	vst v39  }
0x182: {  	[tilespmem:s14+$0xA0] =	vst v30  }
0x183: {  	[tilespmem:s14+$0xF0] =	vst v31  }
0x184: {  	v38 =	vld [tilespmem:s14+$0xFFFFFEC0];
	[tilespmem:s14+$0x80] =	vst v24  }
0x185: {  	v60 =	vld [tilespmem:s14+$0xFFFFFE80];
	[tilespmem:s14+$0x90] =	vst v19  }
0x186: {  	v31 =	vld [tilespmem:s14+$0xFFFFFE50];
	v18 =	vmul.f32 v18, v25;
	[tilespmem:s14+$0xFFFFFE10] =	vst v36  }
0x187: {  	v24 =	vld [tilespmem:s14+$0xFFFFFEF0];
	v25 =	vmul.f32 v32, v35;
	[tilespmem:s14+$0xFFFFFE00] =	vst v28;
	v28 =	vperm.xlane v27, v14  }
0x188: {  	v19 =	vperm.xlane v27, v2;
	v30 =	vmul.f32 v34, v33;
	[tilespmem:s14+$0xFFFFFED0] =	vst v18  }
0x189: {  	v61 =	vld [tilespmem:s14+$0xFFFFFE60];
	v18 =	vperm.xlane v27, v8;
	[tilespmem:s14+$0xFFFFFE30] =	vst v25;
	v28 =	vmul.f32 v38, v28  }
0x18a: {  	v37 =	vld [tilespmem:s14+$0xFFFFFEB0];
	[tilespmem:s14+$0xFFFFFEE0] =	vst v30;
	v19 =	vmul.f32 v60, v19  }
0x18b: {  	v30 =	vperm.xlane v27, v11;
	v18 =	vmul.f32 v31, v18;
	[tilespmem:s14+$0xFFFFFEC0] =	vst v28  }
0x18c: {  	v25 =	vperm.xlane v27, v9;
	v23 =	vmul.f32 v24, v23;
	[tilespmem:s14+$0xFFFFFE80] =	vst v19  }
0x18d: {  	v20 =	vmul.f32 v20, v30;
	v19 =	vperm.xlane v27, v13;
	[tilespmem:s14+$0xFFFFFE50] =	vst v18  }
0x18e: {  	v24 =	vmul.f32 v61, v25;
	v18 =	vperm.xlane v27, v7;
	[tilespmem:s14+$0xFFFFFEF0] =	vst v23  }
0x18f: {  	[tilespmem:s14+$0xFFFFFE90] =	vst v20;
	v20 =	vperm.xlane v27, v10;
	v19 =	vmul.f32 v37, v19  }
0x190: {  	[tilespmem:s14+$0xFFFFFE60] =	vst v24;
	v23 =	vperm.xlane v27, v6;
	v18 =	vmul.f32 v29, v18  }
0x191: {  	v20 =	vmul.f32 v21, v20;
	v21 =	vperm.xlane v27, v12;
	[tilespmem:s14+$0xFFFFFEB0] =	vst v19  }
0x192: {  	v19 =	vmul.f32 v22, v23;
	[tilespmem:s14+$0xFFFFFE40] =	vst v18  }
0x193: {  	[tilespmem:s14+$0xFFFFFE70] =	vst v20;
	v20 =	vmul.f32 v26, v21  }
0x194: {  	[tilespmem:s14+$0xFFFFFE20] =	vst v19  }
0x195: {  	s1 =	simm.s32 $0x10E0;
	p1 =	seq.s32 s12, $0x7C;
	[tilespmem:s14+$0xFFFFFEA0] =	vst v20  }
0x196: {  	[spmem:s28] =	stream.indirect.scatter.add.f32 [tilespmem:s1], [sflag:$0x7], $0x80, s13, s15, $0xb8;
	[tilespmem:$0x1ACF8] =	vst v63  }
0x197: {  	s1 =	smul.u32 @!p1 $0xA0, s12;
	s2 =	rddreg [dreg:$0x15]  }
0x198: {  	[spmem:s19] =	stream.indirect.scatter.add.f32 [tilespmem:s26], [sflag:$0x7], $0x8, s13, s15, $0xb8;
	[tilespmem:$0x1ACF8] =	vst v63  }
0x199: {  	s1 =	sadd.s32 @!p1 s1, s2  }
0x19a: {  	s1 =	sshrl.u32 @!p1 s1, $0x3  }
0x19b: {  	s3 =	simm.s32 @!p1 $0x0;
	s2 =	sadd.s32 @!p1 s5, s1  }
0x19c: {  	[tilespmem:s3], [sflag:$0x1] =	stream.linear.gather @!p1 [hbm4b:s2+s3], $0x50, $0x38;
	[tilespmem:$0x1ACF8] =	vst v63  }
0x19d: {  	s8 =	simm.s32 @!p1 $0xA0;
	s2 =	sadd.s32 @!p1 s6, s1  }
0x19e: {  	[tilespmem:s8], [sflag:$0x1] =	stream.linear.gather @!p1 [hbm4b:s2+s3], $0x50, $0x38;
	[tilespmem:$0x1ACF8] =	vst v63  }
0x19f: {  	s2 =	rddreg [dreg:$0x1]  }
0x1a0: {  	s1 =	sadd.s32 @!p1 s2, s1;
	s2 =	simm.s32 @!p1 $0x140  }
0x1a1: {  	[tilespmem:s2], [sflag:$0x1] =	stream.linear.gather @!p1 [hbm4b:s1+s3], $0x50, $0x38;
	[tilespmem:$0x1ACF8] =	vst v63  }
0x1a2: {  	s1 =	simm.s32 @!p1 $0x1  }
0x1a3: {  	_ =	swait.ge @!p1 [sflag:s1], $0x50  }
0x1a4: {  	[sflag:s1] =	ssyncset.done @!p1 $0x0  }
0x1a5: {  	[sflag:s1] =	ssyncadd.s32 @!p1 $0xFFFFFFB0  }
0x1a6: {  	_ =	swait.ge @!p1 [sflag:s1], $0x50  }
0x1a7: {  	[sflag:s1] =	ssyncset.done @!p1 $0x0  }
0x1a8: {  	[sflag:s1] =	ssyncadd.s32 @!p1 $0xFFFFFFB0  }
0x1a9: {  	_ =	swait.ge @!p1 [sflag:s1], $0x50  }
0x1aa: {  	[sflag:s1] =	ssyncset.done @!p1 $0x0  }
0x1ab: {  	[sflag:s1] =	ssyncadd.s32 @!p1 $0xFFFFFFB0;
	s1 =	simm.s32 @!p1 $0x7  }
0x1ac: {  	_ =	swait.ge @!p1 [sflag:s1], $0x2800  }
0x1ad: {  	[sflag:s1] =	ssyncset.done @!p1 $0x0  }
0x1ae: {  	[sflag:s1] =	ssyncadd.s32 @!p1 $0xFFFFD800  }
0x1af: {  	_ =	swait.ge @!p1 [sflag:s1], $0x280  }
0x1b0: {  	[sflag:s1] =	ssyncset.done @!p1 $0x0  }
0x1b1: {  	s2 =	simm.s32 @!p1 $0x1E0;
	[sflag:s1] =	ssyncadd.s32 @!p1 $0xFFFFFD80;
	s1 =	simm.s32 @!p1 $0x50  }
0x1b2: {  	[tilespmem:s2], [sflag:$0x3] =	stream.indirect.gather @!p1 [hbm4b:s7+s1], $0x8, s3, s1, $0xb8;
	[tilespmem:$0x1ACF8] =	vst v63  }
0x1b3: {  	s2 =	simm.s32 @!p1 $0x6E0  }
0x1b4: {  	[tilespmem:s2], [sflag:$0x3] =	stream.indirect.gather @!p1 [hbm4b:s9+s1], $0x8, s8, s1, $0xb8;
	[tilespmem:$0x1ACF8] =	vst v63  }
0x1b5: {  	s29 =	simm.s32 $0x6;
	s2 =	simm.s32 @!p1 $0x10E0  }
0x1b6: {  	v18 =	vmov s29;
	[tilespmem:s2], [sflag:$0x5] =	stream.indirect.gather @!p1 [hbm4b:s10+s1], $0x80, s3, s1, $0xb8;
	[tilespmem:$0x1ACF8] =	vst v63  }
0x1b7: {  	v18 =	vshll.u32 v18, $0x3;
	s3 =	simm.s32 $0x2  }
0x1b8: {  	v18 =	vor.u32 v0, v18;
	_ =	swait.ge [sflag:s31], $0x280;
	v19 =	vmov s3  }
0x1b9: {  	v18 =	vor.u32 v1, v18;
	s8 =	simm.s32 $0x8;
	[sflag:s31] =	ssyncset.done $0x0;
	v19 =	vshll.u32 v19, $0x3  }
0x1ba: {  	v20 =	vmov s8;
	[sflag:s31] =	ssyncadd.s32 $0xFFFFFD80;
	v19 =	vor.u32 v0, v19  }
0x1bb: {  	v21 =	vshll.u32 v20, $0x3;
	s3 =	simm.s32 $0xE;
	_ =	swait.ge [sflag:s31], $0x280;
	v20 =	vor.u32 v1, v19  }
0x1bc: {  	v26 =	vmov s3;
	v19 =	vor.u32 v0, v21;
	[sflag:s31] =	ssyncset.done $0x0  }
0x1bd: {  	s29 =	simm.s32 $0x0;
	v26 =	vshll.u32 v26, $0x3;
	v22 =	vor.u32 v1, v19;
	[sflag:s31] =	ssyncadd.s32 $0xFFFFFD80  }
0x1be: {  	v23 =	vmov s29;
	v26 =	vor.u32 v0, v26;
	v24 =	vld.idx.msk [tilespmem:v18+s22+$0x0], $0xffff  }
0x1bf: {  	v23 =	vshll.u32 v23, $0x3;
	s14 =	simm.s32 $0xA;
	v26 =	vor.u32 v1, v26;
	v25 =	vld.idx.msk [tilespmem:v18+s23+$0x0], $0xffff  }
0x1c0: {  	v23 =	vor.u32 v0, v23;
	v21 =	vmov s14;
	v27 =	vld.idx.msk [tilespmem:v20+s22+$0x0], $0xffff  }
0x1c1: {  	v23 =	vor.u32 v1, v23;
	v19 =	vshll.u32 v21, $0x3;
	v28 =	vld.idx.msk [tilespmem:v20+s23+$0x0], $0xffff  }
0x1c2: {  	s18 =	simm.s32 $0xC;
	v19 =	vor.u32 v0, v19;
	v29 =	vld.idx.msk [tilespmem:v22+s23+$0x0], $0xffff  }
0x1c3: {  	s8 =	simm.s32 $0x4;
	v21 =	vmov s18;
	v19 =	vor.u32 v1, v19;
	v30 =	vld.idx.msk [tilespmem:v22+s22+$0x0], $0xffff  }
0x1c4: {  	v31 =	vmov s8;
	v21 =	vshll.u32 v21, $0x3;
	v39 =	vld.idx.msk [tilespmem:v26+s22+$0x0], $0xffff  }
0x1c5: {  	s8 =	simm.s32 $0x1C;
	v31 =	vshll.u32 v31, $0x3;
	v21 =	vor.u32 v0, v21;
	v56 =	vld.idx.msk [tilespmem:v26+s23+$0x0], $0xffff;
	v63 =	vadd.f32 v25, v24  }
0x1c6: {  	v55 =	vmov s8;
	v31 =	vor.u32 v0, v31;
	v54 =	vld.idx.msk [tilespmem:v23+s23+$0x0], $0xffff;
	v21 =	vor.u32 v1, v21  }
0x1c7: {  	s29 =	simm.s32 $0x16;
	s14 =	simm.s32 $0x10;
	v43 =	vld.idx.msk [tilespmem:v23+s22+$0x0], $0xffff;
	v24 =	vor.u32 v1, v31;
	v31 =	vmul.f32 $2.000000030e-01, v63;
	v52 =	vadd.f32 v28, v27  }
0x1c8: {  	s2 =	simm.s32 $0x18;
	s18 =	simm.s32 $0x12;
	v62 =	vld.idx.msk [tilespmem:v19+s23+$0x0], $0xffff;
	v27 =	vmov s14;
	v28 =	vmov s29;
	v53 =	vadd.f32 v29, v30  }
0x1c9: {  	v25 =	vld.idx.msk [tilespmem:v19+s22+$0x0], $0xffff;
	s14 =	simm.s32 $0x1A;
	v29 =	vmov s18;
	v30 =	vmov s2;
	v28 =	vshll.u32 v28, $0x3  }
0x1ca: {  	v40 =	vmov s14;
	v27 =	vshll.u32 v27, $0x3;
	v39 =	vadd.f32 v56, v39  }
0x1cb: {  	s18 =	simm.s32 $0x14;
	v28 =	vor.u32 v0, v28;
	v41 =	vshll.u32 v30, $0x3;
	v30 =	vmul.f32 $2.000000030e-01, v52  }
0x1cc: {  	v33 =	vld [tilespmem:$0x60E0];
	v27 =	vor.u32 v0, v27;
	v29 =	vshll.u32 v29, $0x3;
	v44 =	vmov s18  }
0x1cd: {  	v36 =	vld.idx.msk [tilespmem:v21+s23+$0x0], $0xffff;
	v40 =	vshll.u32 v40, $0x3;
	v31 =	vmax.f32 v63, v31;
	v63 =	vadd.f32 v54, v43  }
0x1ce: {  	v42 =	vld.idx.msk [tilespmem:v21+s22+$0x0], $0xffff;
	v46 =	vadd.f32 v62, v25;
	v25 =	vshll.u32 v55, $0x3;
	v28 =	vor.u32 v1, v28  }
0x1cf: {  	v27 =	vor.u32 v1, v27;
	v29 =	vor.u32 v0, v29;
	v45 =	vld.idx.msk [tilespmem:v24+s23+$0x0], $0xffff;
	v44 =	vshll.u32 v44, $0x3  }
0x1d0: {  	v47 =	vld.idx.msk [tilespmem:v24+s22+$0x0], $0xffff;
	v49 =	vmul.f32 $2.000000030e-01, v53;
	v59 =	vor.u32 v0, v41;
	v60 =	vmul.f32 $2.000000030e-01, v39  }
0x1d1: {  	v40 =	vor.u32 v0, v40;
	v61 =	vsub.f32 v31, v33;
	v25 =	vor.u32 v0, v25  }
0x1d2: {  	v29 =	vor.u32 v1, v29;
	v57 =	vor.u32 v0, v44;
	v35 =	vmax.f32 v52, v30  }
0x1d3: {  	v32 =	vor.u32 v1, v59;
	v31 =	vor.u32 v1, v40;
	v54 =	vadd.f32 v36, v42  }
0x1d4: {  	v55 =	vmul.f32 $2.000000030e-01, v63;
	v25 =	vor.u32 v1, v25;
	v30 =	vor.u32 v1, v57;
	v58 =	vld.idx.msk [tilespmem:v28+s22+$0x0], $0xffff  }
0x1d5: {  	s29 =	simm.s32 $0x1E;
	v50 =	vsub.f32 v35, v33;
	v52 =	vmul.f32 $1.442695020e+00, v61;
	v48 =	vld.idx.msk [tilespmem:v28+s23+$0x0], $0xffff;
	v62 =	vadd.f32 v45, v47  }
0x1d6: {  	v49 =	vmax.f32 v53, v49;
	v39 =	vmax.f32 v39, v60;
	v60 =	vmov s29  }
0x1d7: {  	v56 =	vsub.f32 v39, v33;
	(erf) = vpow2.f32 v52;
	v57 =	vld.idx.msk [tilespmem:v29+s22+$0x0], $0xffff;
	v53 =	vmul.f32 $2.000000030e-01, v62  }
0x1d8: {  	v61 =	vshll.u32 v60, $0x3;
	v40 =	vmax.f32 v63, v55;
	v63 =	vmul.f32 $2.000000030e-01, v46;
	v59 =	vld.idx.msk [tilespmem:v29+s23+$0x0], $0xffff  }
0x1d9: {  	v49 =	vsub.f32 v49, v33;
	v52 =	vsub.f32 v40, v33;
	v42 =	vld.idx.msk [tilespmem:v32+s23+$0x0], $0xffff;
	v37 =	vmax.f32 v62, v53  }
0x1da: {  	v45 =	vld.idx.msk [tilespmem:v32+s22+$0x0], $0xffff;
	v62 =	vmul.f32 $1.442695020e+00, v50;
	v35 =	vadd.f32 v48, v58;
	v58 =	vmul.f32 $2.000000030e-01, v54  }
0x1db: {  	v51 =	vmul.f32 $1.442695020e+00, v56;
	v36 =	vld.idx.msk [tilespmem:v27+s23+$0x0], $0xffff;
	v46 =	vmax.f32 v46, v63;
	v43 =	vsub.f32 v37, v33  }
0x1dc: {  	v41 =	vld.idx.msk [tilespmem:v31+s23+$0x0], $0xffff;
	v37 =	vor.u32 v0, v61;
	(erf) = vpow2.f32 v62;
	v44 =	vmax.f32 v54, v58  }
0x1dd: {  	v37 =	vor.u32 v1, v37;
	(erf) = vpow2.f32 v51;
	v47 =	vsub.f32 v44, v33;
	v44 =	vld.idx.msk [tilespmem:v31+s22+$0x0], $0xffff  }
0x1de: {  	s1 =	simm.s32 $0x8;
	s8 =	simm.s32 $0x2E;
	v34 =	vld.idx.msk [tilespmem:v25+s23+$0x0], $0xffff;
	v48 =	vmul.f32 $1.442695020e+00, v52;
	v40 =	vadd.f32 v59, v57;
	v38 =	vmul.f32 $2.000000030e-01, v35  }
.LBB2_7:
0x1df: {  	s2 =	sadd.s32 $0xFFFFFFF2, s8;
	s3 =	sadd.s32 $0xFFFFFFF4, s8;
	s14 =	sadd.s32 $0xFFFFFFF6, s8;
	v42 =	vadd.f32 v42, v45;
	v43 =	vmul.f32 $1.442695020e+00, v43;
	v45 =	vmul.f32 $1.442695020e+00, v49  }
0x1e0: {  	s18 =	sadd.s32 $0xFFFFFFFC, s8;
	v47 =	vmul.f32 $1.442695020e+00, v47;
	v49 =	vmov s2;
	v50 =	vmov s3;
	s2 =	sadd.s32 $0xFFFFFFF8, s8;
	s3 =	sadd.s32 $0xFFFFFFFA, s8;
	v39 =	vpop (erf)  }
0x1e1: {  	s1 =	sadd.s32 $0x8, s1;
	v51 =	vmov s2;
	v52 =	vmov s3;
	s2 =	sadd.s32 $0xFFFFFFFE, s8;
	[tilespmem:v18+s0+$0x0] =	vst.idx.msk $0xffff, v39;
	(erf) = vpow2.f32 v48;
	v18 =	vmovc v28  }
0x1e2: {  	p2 =	slt.u32 s1, $0x20;
	v39 =	vadd.f32 v41, v44;
	v28 =	vshll.u32 v51, $0x3;
	v48 =	vmov s2;
	v41 =	vld.idx.msk [tilespmem:v37+s22+$0x0], $0xffff  }
0x1e3: {  	v46 =	vsub.f32 v46, v33;
	v44 =	vmov s18;
	v53 =	vshll.u32 v48, $0x3;
	v51 =	vld.idx.msk [tilespmem:v37+s23+$0x0], $0xffff  }
0x1e4: {  	v52 =	vshll.u32 v52, $0x3;
	v28 =	vor.u32 v0, v28;
	(erf) = vpow2.f32 v45  }
0x1e5: {  	v28 =	vor.u32 v1, v28;
	v45 =	vor.u32 v0, v53;
	v33 =	vld [tilespmem:$0x60E0];
	v48 =	vpop (erf);
	(erf) = vpow2.f32 v43  }
0x1e6: {  	v43 =	vshll.u32 v49, $0x3;
	v45 =	vor.u32 v1, v45;
	v49 =	vmul.f32 $2.000000030e-01, v40;
	v53 =	vld.idx.msk [tilespmem:v25+s22+$0x0], $0xffff;
	[tilespmem:v20+s0+$0x0] =	vst.idx.msk $0xffff, v48;
	v20 =	vpop (erf)  }
0x1e7: {  	v43 =	vor.u32 v0, v43;
	v48 =	vshll.u32 v50, $0x3;
	v50 =	vmov s14;
	v54 =	vld.idx.msk [tilespmem:v27+s22+$0x0], $0xffff;
	[tilespmem:v26+s0+$0x0] =	vst.idx.msk $0xffff, v20;
	v20 =	vmovc v29  }
0x1e8: {  	v43 =	vor.u32 v1, v43;
	v29 =	vor.u32 v0, v48;
	v26 =	vmovc v37;
	v48 =	vld.idx.msk [tilespmem:v30+s23+$0x0], $0xffff;
	(erf) = vpow2.f32 v47  }
0x1e9: {  	v37 =	vshll.u32 v50, $0x3;
	v29 =	vor.u32 v1, v29;
	v41 =	vadd.f32 v51, v41;
	v47 =	vld.idx.msk [tilespmem:v30+s22+$0x0], $0xffff  }
0x1ea: {  	v44 =	vshll.u32 v44, $0x3;
	v40 =	vmax.f32 v40, v49;
	v37 =	vor.u32 v0, v37;
	v50 =	vld.idx.msk [tilespmem:v28+s22+$0x0], $0xffff;
	v49 =	vpop (erf)  }
0x1eb: {  	v55 =	vmul.f32 $2.000000030e-01, v42;
	v46 =	vmul.f32 $1.442695020e+00, v46;
	v37 =	vor.u32 v1, v37;
	v51 =	vld.idx.msk [tilespmem:v28+s23+$0x0], $0xffff;
	[tilespmem:v23+s0+$0x0] =	vst.idx.msk $0xffff, v49  }
0x1ec: {  	v35 =	vmax.f32 v35, v38;
	v38 =	vmul.f32 $2.000000030e-01, v41;
	v49 =	vor.u32 v0, v52;
	v23 =	vmovc v27;
	v27 =	vmovc v43  }
0x1ed: {  	v44 =	vor.u32 v0, v44;
	v35 =	vsub.f32 v35, v33;
	v52 =	vld.idx.msk [tilespmem:v45+s23+$0x0], $0xffff;
	v56 =	vpop (erf);
	(erf) = vpow2.f32 v46  }
0x1ee: {  	v55 =	vmax.f32 v42, v55;
	v40 =	vsub.f32 v40, v33;
	v49 =	vor.u32 v1, v49;
	v46 =	vld.idx.msk [tilespmem:v43+s23+$0x0], $0xffff;
	v42 =	vpop (erf)  }
0x1ef: {  	v38 =	vmax.f32 v41, v38;
	v43 =	vadd.f32 v48, v47;
	[tilespmem:v24+s0+$0x0] =	vst.idx.msk $0xffff, v42;
	v24 =	vmov v30  }
0x1f0: {  	v57 =	vor.u32 v1, v44;
	v44 =	vadd.f32 v36, v54;
	v36 =	vmul.f32 $1.442695020e+00, v35;
	v30 =	vmovc v37;
	v48 =	vld.idx.msk [tilespmem:v29+s22+$0x0], $0xffff  }
0x1f1: {  	v47 =	vadd.f32 v34, v53;
	v35 =	vadd.f32 v51, v50;
	v37 =	vmul.f32 $2.000000030e-01, v43;
	[tilespmem:v22+s0+$0x0] =	vst.idx.msk $0xffff, v56;
	v22 =	vpop (erf)  }
0x1f2: {  	v41 =	vsub.f32 v38, v33;
	v51 =	vmul.f32 $2.000000030e-01, v44;
	v50 =	vld.idx.msk [tilespmem:v29+s23+$0x0], $0xffff;
	(erf) = vpow2.f32 v36;
	[tilespmem:v21+s0+$0x0] =	vst.idx.msk $0xffff, v22  }
0x1f3: {  	v38 =	vmul.f32 $2.000000030e-01, v35;
	v56 =	vmax.f32 v43, v37;
	v37 =	vmul.f32 $2.000000030e-01, v47;
	v21 =	vmovc v25;
	v25 =	vmovc v45;
	v42 =	vld.idx.msk [tilespmem:v49+s23+$0x0], $0xffff  }
0x1f4: {  	v58 =	vmov s8;
	v54 =	vmul.f32 $1.442695020e+00, v41;
	v34 =	vmovc v52;
	v43 =	vsub.f32 v56, v33;
	v36 =	vmovc v46;
	v45 =	vld.idx.msk [tilespmem:v49+s22+$0x0], $0xffff  }
.Ltmp4:
0x1f5: {  	v40 =	vmul.f32 $1.442695020e+00, v40;
	v51 =	vmax.f32 v44, v51;
	v22 =	vmovc v32;
	v32 =	vmovc v49;
	v46 =	vshll.u32 v58, $0x3;
	v41 =	vld.idx.msk [tilespmem:v57+s23+$0x0], $0xffff;
	(pc) =	sbr.rel @p2 .LBB2_7-.Ltmp4, $4  }
0x1f6: {  	v52 =	vmul.f32 $2.000000030e-01, v39;
	v46 =	vor.u32 v0, v46;
	v47 =	vmax.f32 v47, v37;
	v53 =	vpop (erf)  }
0x1f7: {  	v37 =	vor.u32 v1, v46;
	v46 =	vsub.f32 v51, v33;
	v44 =	vld.idx.msk [tilespmem:v57+s22+$0x0], $0xffff;
	(erf) = vpow2.f32 v40  }
0x1f8: {  	v49 =	vsub.f32 v55, v33;
	v47 =	vsub.f32 v47, v33;
	(erf) = vpow2.f32 v54;
	[tilespmem:v19+s0+$0x0] =	vst.idx.msk $0xffff, v53  }
0x1f9: {  	s8 =	sadd.s32 $0x10, s8;
	v40 =	vadd.f32 v50, v48;
	v48 =	vmul.f32 $1.442695020e+00, v46;
	v46 =	vmax.f32 v39, v52;
	v19 =	vmovc v31;
	v31 =	vmovc v57  }
0x1fa: {  	_ =	sdelay $0x3  }
0x1fb: {  	v39 =	vld.idx.msk [tilespmem:v37+s22+$0x0], $0xffff  }
0x1fc: {  	v50 =	vld.idx.msk [tilespmem:v37+s23+$0x0], $0xffff  }
0x1fd: {  	v51 =	vld [tilespmem:$0x60E0]  }
0x1fe: {  	v49 =	vmul.f32 $1.442695020e+00, v49;
	v52 =	vld.idx.msk [tilespmem:v27+s22+$0x0], $0xffff  }
0x1ff: {  	v43 =	vmul.f32 $1.442695020e+00, v43;
	v61 =	vld.idx.msk [tilespmem:v30+s23+$0x0], $0xffff;
	v33 =	vsub.f32 v46, v33;
	(erf) = vpow2.f32 v48  }
0x200: {  	v42 =	vadd.f32 v42, v45;
	v62 =	vmul.f32 $1.442695020e+00, v47;
	v63 =	vld.idx.msk [tilespmem:v30+s22+$0x0], $0xffff;
	(erf) = vpow2.f32 v49  }
0x201: {  	v35 =	vmax.f32 v35, v38;
	v49 =	vmul.f32 $2.000000030e-01, v40;
	v33 =	vmul.f32 $1.442695020e+00, v33  }
0x202: {  	v41 =	vadd.f32 v41, v44;
	v53 =	vmul.f32 $2.000000030e-01, v42;
	(erf) = vpow2.f32 v43  }
0x203: {  	(erf) = vpow2.f32 v62;
	v40 =	vmax.f32 v40, v49;
	v39 =	vadd.f32 v50, v39;
	v50 =	vld.idx.msk [tilespmem:v25+s22+$0x0], $0xffff  }
0x204: {  	v38 =	vmax.f32 v42, v53;
	v59 =	vmul.f32 $2.000000030e-01, v41;
	v35 =	vsub.f32 v35, v51  }
0x205: {  	(erf) = vpow2.f32 v33;
	v55 =	vadd.f32 v61, v63;
	v36 =	vadd.f32 v36, v52  }
0x206: {  	v40 =	vsub.f32 v40, v51;
	v38 =	vsub.f32 v38, v51;
	v54 =	vmul.f32 $2.000000030e-01, v39  }
0x207: {  	v63 =	vmax.f32 v41, v59;
	v35 =	vmul.f32 $1.442695020e+00, v35;
	v57 =	vmul.f32 $2.000000030e-01, v36  }
0x208: {  	v56 =	vmul.f32 $2.000000030e-01, v55;
	v39 =	vmax.f32 v39, v54;
	v34 =	vadd.f32 v34, v50  }
0x209: {  	v40 =	vmul.f32 $1.442695020e+00, v40;
	v36 =	vmax.f32 v36, v57;
	v39 =	vsub.f32 v39, v51  }
0x20a: {  	v33 =	vmax.f32 v55, v56;
	v36 =	vsub.f32 v36, v51;
	v58 =	vmul.f32 $2.000000030e-01, v34  }
0x20b: {  	v60 =	vpop (erf);
	(erf) = vpow2.f32 v35;
	v33 =	vsub.f32 v33, v51;
	v39 =	vmul.f32 $1.442695020e+00, v39  }
0x20c: {  	v62 =	vpop (erf);
	(erf) = vpow2.f32 v40;
	v61 =	vmul.f32 $1.442695020e+00, v36;
	v34 =	vmax.f32 v34, v58  }
0x20d: {  	[tilespmem:v18+s0+$0x0] =	vst.idx.msk $0xffff, v60;
	v38 =	vmul.f32 $1.442695020e+00, v38;
	v18 =	vpop (erf);
	(erf) = vpow2.f32 v39;
	v34 =	vsub.f32 v34, v51  }
0x20e: {  	[tilespmem:v20+s0+$0x0] =	vst.idx.msk $0xffff, v62;
	v42 =	vsub.f32 v63, v51;
	v20 =	vpop (erf);
	v33 =	vmul.f32 $1.442695020e+00, v33;
	(erf) = vpow2.f32 v61  }
0x20f: {  	[tilespmem:v26+s0+$0x0] =	vst.idx.msk $0xffff, v18;
	v18 =	vpop (erf);
	(erf) = vpow2.f32 v38;
	v26 =	vmul.f32 $1.442695020e+00, v34  }
0x210: {  	[tilespmem:v23+s0+$0x0] =	vst.idx.msk $0xffff, v20;
	v20 =	vmul.f32 $1.442695020e+00, v42;
	v43 =	vpop (erf);
	(erf) = vpow2.f32 v33  }
0x211: {  	[tilespmem:v22+s0+$0x0] =	vst.idx.msk $0xffff, v18;
	v23 =	vpop (erf);
	(erf) = vpow2.f32 v26  }
0x212: {  	[tilespmem:v24+s0+$0x0] =	vst.idx.msk $0xffff, v43;
	(erf) = vpow2.f32 v20  }
0x213: {  	v18 =	vpop (erf);
	[tilespmem:v21+s0+$0x0] =	vst.idx.msk $0xffff, v23  }
0x214: {  	[tilespmem:v19+s0+$0x0] =	vst.idx.msk $0xffff, v18;
	v20 =	vpop (erf)  }
0x215: {  	v21 =	vpop (erf);
	[tilespmem:v28+s0+$0x0] =	vst.idx.msk $0xffff, v20  }
0x216: {  	[tilespmem:v29+s0+$0x0] =	vst.idx.msk $0xffff, v21;
	v18 =	vpop (erf)  }
0x217: {  	v19 =	vpop (erf);
	[tilespmem:v37+s0+$0x0] =	vst.idx.msk $0xffff, v18  }
0x218: {  	v18 =	vpop (erf);
	[tilespmem:v27+s0+$0x0] =	vst.idx.msk $0xffff, v19  }
0x219: {  	v19 =	vpop (erf);
	[tilespmem:v32+s0+$0x0] =	vst.idx.msk $0xffff, v18  }
0x21a: {  	[tilespmem:v30+s0+$0x0] =	vst.idx.msk $0xffff, v19;
	v18 =	vpop (erf)  }
0x21b: {  	s1 =	simm.s32 $0x2;
	[tilespmem:v25+s0+$0x0] =	vst.idx.msk $0xffff, v18;
	v18 =	vpop (erf)  }
0x21c: {  	v19 =	vmov s1;
	[tilespmem:v31+s0+$0x0] =	vst.idx.msk $0xffff, v18  }
0x21d: {  	s14 =	simm.s32 $0x6;
	v19 =	vshll.u32 v19, $0x3;
	_ =	swait.ge [sflag:s11], $0x2800  }
0x21e: {  	v18 =	vor.u32 v0, v19;
	v19 =	vmov s14;
	[sflag:s11] =	ssyncset.done $0x0  }
0x21f: {  	s14 =	simm.s32 $0x3AE0;
	v19 =	vshll.u32 v19, $0x3;
	[sflag:s11] =	ssyncadd.s32 $0xFFFFD800  }
0x220: {  	v18 =	vor.u32 v1, v18;
	v20 =	vor.u32 v0, v19;
	v19 =	vld [tilespmem:s14+$0x90]  }
0x221: {  	v26 =	vld [tilespmem:s14+$0x150]  }
0x222: {  	v22 =	vld [tilespmem:s14+$0xFFFFFF70]  }
0x223: {  	v20 =	vor.u32 v1, v20;
	v23 =	vld [tilespmem:s14+$0xFFFFFF90]  }
0x224: {  	v29 =	vld [tilespmem:s14+$0x1C0]  }
0x225: {  	v18 =	vld.idx.msk [tilespmem:v18+s0+$0x0], $0xffff  }
0x226: {  	v30 =	vld [tilespmem:s14+$0x100]  }
0x227: {  	v24 =	vld [tilespmem:s14+$0xFFFFFF80]  }
0x228: {  	v27 =	vld.idx.msk [tilespmem:v20+s0+$0x0], $0xffff  }
0x229: {  	v25 =	vld [tilespmem:s14+$0x1A0]  }
0x22a: {  	s18 =	simm.s32 $0x4;
	v50 =	vld [tilespmem:s14+$0xFFFFFFB0];
	v28 =	vperm.xlane v18, v10;
	v44 =	vperm.xlane v18, v2  }
0x22b: {  	v21 =	vmov s18;
	v31 =	vld [tilespmem:s14+$0x120];
	v51 =	vperm.xlane v18, v12;
	v53 =	vperm.xlane v18, v13  }
0x22c: {  	v21 =	vshll.u32 v21, $0x3;
	v45 =	vld [tilespmem:s14+$0x130];
	v58 =	vperm.xlane v18, v7;
	v39 =	vperm.xlane v18, v3  }
0x22d: {  	v21 =	vor.u32 v0, v21;
	v57 =	vld [tilespmem:s14+$0xFFFFFF40];
	v22 =	vmul.f32 v22, v28;
	v28 =	vperm.xlane v27, v12  }
0x22e: {  	v46 =	vor.u32 v1, v21;
	v21 =	vld [tilespmem:s14+$0x1F0];
	v47 =	vperm.xlane v27, v6;
	v24 =	vmul.f32 v24, v44  }
0x22f: {  	v32 =	vld [tilespmem:s14+$0x160];
	v34 =	vmul.f32 v50, v53;
	v60 =	vperm.xlane v27, v8  }
0x230: {  	v52 =	vld [tilespmem:s14+$0x1E0];
	v61 =	vperm.xlane v27, v10;
	v62 =	vperm.xlane v27, v9  }
0x231: {  	v48 =	vld [tilespmem:s14+$0x140];
	v63 =	vperm.xlane v27, v16;
	v50 =	vperm.xlane v27, v2  }
0x232: {  	v49 =	vld [tilespmem:s14+$0x190];
	v37 =	vmul.f32 v57, v58;
	[tilespmem:s14+$0xFFFFFF70] =	vst v22;
	v22 =	vperm.xlane v27, v3  }
0x233: {  	v59 =	vld [tilespmem:s14+$0xFFFFFF60];
	v25 =	vmul.f32 v25, v28;
	[tilespmem:s14+$0xFFFFFF80] =	vst v24;
	v24 =	vmul.f32 v31, v47  }
0x234: {  	v55 =	vld [tilespmem:s14+$0x180];
	[tilespmem:s14+$0xFFFFFFB0] =	vst v34;
	v34 =	vperm.xlane v18, v9;
	v32 =	vmul.f32 v32, v62  }
0x235: {  	v56 =	vld [tilespmem:s14+$0x1B0];
	v35 =	vmul.f32 v52, v63;
	v52 =	vperm.xlane v27, v13;
	[tilespmem:s14+$0xFFFFFF40] =	vst v37  }
0x236: {  	v54 =	vld [tilespmem:s14+$0xFFFFFFC0];
	v26 =	vmul.f32 v26, v60;
	[tilespmem:s14+$0x1A0] =	vst v25;
	v25 =	vperm.xlane v27, v7  }
0x237: {  	v28 =	vld [tilespmem:s14+$0xFFFFFFA0];
	v33 =	vmul.f32 v45, v22;
	[tilespmem:s14+$0x120] =	vst v24;
	v24 =	vperm.xlane v18, v11  }
0x238: {  	v31 =	vld [tilespmem:s14+$0x170];
	[tilespmem:s14+$0x160] =	vst v32;
	v59 =	vmul.f32 v59, v34;
	v25 =	vmul.f32 v48, v25  }
0x239: {  	v40 =	vld [tilespmem:s14+$0x1D0];
	[tilespmem:s14+$0x1E0] =	vst v35;
	v23 =	vmul.f32 v23, v24;
	v24 =	vperm.xlane v27, v11  }
0x23a: {  	v43 =	vld [tilespmem:s14+$0xE0];
	[tilespmem:s14+$0x130] =	vst v33;
	v33 =	vmul.f32 v55, v50;
	v55 =	vmul.f32 v56, v52  }
0x23b: {  	v22 =	vld.idx.msk [tilespmem:v46+s0+$0x0], $0xffff;
	[tilespmem:s14+$0x150] =	vst v26;
	v56 =	vperm.xlane v27, v14;
	v50 =	vperm.xlane v18, v17  }
0x23c: {  	v20 =	vld [tilespmem:s14+$0x110];
	[tilespmem:s14+$0xFFFFFF60] =	vst v59;
	v52 =	vperm.xlane v18, v16;
	v28 =	vmul.f32 v28, v51  }
0x23d: {  	v45 =	vld [tilespmem:s14+$0xFFFFFFE0];
	v31 =	vmul.f32 v31, v61;
	[tilespmem:s14+$0xFFFFFF90] =	vst v23;
	v23 =	vmul.f32 v49, v24  }
0x23e: {  	v53 =	vld [tilespmem:s14+$0x0];
	[tilespmem:s14+$0x140] =	vst v25;
	v25 =	vperm.xlane v18, v4;
	v24 =	vperm.xlane v18, v6  }
0x23f: {  	v57 =	vld [tilespmem:s14+$0x20];
	v29 =	vmul.f32 v29, v56;
	[tilespmem:s14+$0xFFFFFFA0] =	vst v28;
	v28 =	vperm.xlane v18, v14  }
0x240: {  	v58 =	vld [tilespmem:s14+$0x30];
	[tilespmem:s14+$0x170] =	vst v31;
	v31 =	vperm.xlane v27, v15;
	v60 =	vperm.xlane v22, v6  }
0x241: {  	v47 =	vld [tilespmem:s14+$0x70];
	[tilespmem:s14+$0x180] =	vst v33;
	v62 =	vperm.xlane v22, v4;
	v63 =	vperm.xlane v22, v5  }
0x242: {  	v46 =	vld [tilespmem:s14+$0xFFFFFFF0];
	[tilespmem:s14+$0x1B0] =	vst v55;
	v55 =	vmul.f32 v45, v52;
	v59 =	vperm.xlane v22, v8  }
0x243: {  	v35 =	vld [tilespmem:s14+$0xFFFFFF10];
	v52 =	vperm.xlane v22, v12;
	[tilespmem:s14+$0x190] =	vst v23;
	v23 =	vperm.xlane v27, v5  }
0x244: {  	v48 =	vld [tilespmem:s14+$0xF0];
	[tilespmem:s14+$0x1C0] =	vst v29;
	v38 =	vmul.f32 v54, v28;
	v28 =	vperm.xlane v27, v17  }
0x245: {  	v51 =	vld [tilespmem:s14+$0xFFFFFFD0];
	v27 =	vperm.xlane v27, v4;
	v31 =	vmul.f32 v40, v31;
	[tilespmem:s14+$0xFFFFFFE0] =	vst v55  }
0x246: {  	v61 =	vld [tilespmem:s14+$0x40];
	v34 =	vmul.f32 v57, v60;
	v32 =	vmul.f32 v53, v62;
	[tilespmem:s14+$0xFFFFFFC0] =	vst v38  }
0x247: {  	v54 =	vld [tilespmem:s14+$0x10];
	v53 =	vmul.f32 v46, v50;
	v57 =	vperm.xlane v18, v8;
	[tilespmem:s14+$0x1D0] =	vst v31  }
0x248: {  	v27 =	vmul.f32 v30, v27;
	v30 =	vperm.xlane v18, v15;
	v31 =	vld [tilespmem:s14+$0x50];
	[tilespmem:s14+$0x20] =	vst v34  }
0x249: {  	v62 =	vperm.xlane v22, v10;
	v20 =	vmul.f32 v20, v23;
	v34 =	vld [tilespmem:s14+$0xB0];
	[tilespmem:s14+$0x0] =	vst v32  }
0x24a: {  	s29 =	simm.s32 $0x0;
	v49 =	vld [tilespmem:s14+$0x60];
	v50 =	vperm.xlane v22, v11;
	[tilespmem:s14+$0xFFFFFFF0] =	vst v53;
	v30 =	vmul.f32 v51, v30  }
0x24b: {  	v56 =	vld [tilespmem:s14+$0xA0];
	v60 =	vmov s29;
	v53 =	vperm.xlane v22, v13;
	[tilespmem:s14+$0x110] =	vst v20;
	v51 =	vperm.xlane v22, v7  }
0x24c: {  	v55 =	vld [tilespmem:s14+$0xFFFFFF20];
	v29 =	vshll.u32 v60, $0x3;
	v19 =	vmul.f32 v19, v50;
	[tilespmem:s14+$0xFFFFFFD0] =	vst v30;
	v30 =	vmul.f32 v54, v63  }
0x24d: {  	v29 =	vor.u32 v0, v29;
	[tilespmem:s14+$0x100] =	vst v27;
	v54 =	vperm.xlane v22, v3;
	v33 =	vmul.f32 v61, v51;
	v61 =	vld [tilespmem:s14+$0xFFFFFF50]  }
0x24e: {  	v29 =	vor.u32 v1, v29;
	v51 =	vld [tilespmem:s14+$0xFFFFFF00];
	v26 =	vmul.f32 v31, v59;
	v34 =	vmul.f32 v34, v53;
	[tilespmem:s14+$0x10] =	vst v30  }
0x24f: {  	v31 =	vld [tilespmem:s14+$0xFFFFFF30];
	v30 =	vperm.xlane v18, v5;
	[tilespmem:s14+$0x40] =	vst v33;
	v18 =	vperm.xlane v22, v9  }
0x250: {  	v32 =	vmul.f32 v58, v54;
	v58 =	vld [tilespmem:s14+$0xC0];
	v54 =	vperm.xlane v22, v14;
	[tilespmem:s14+$0x50] =	vst v26  }
0x251: {  	v60 =	vld [tilespmem:s14+$0xFFFFFE10];
	[tilespmem:s14+$0xB0] =	vst v34;
	v30 =	vmul.f32 v35, v30;
	v18 =	vmul.f32 v49, v18  }
0x252: {  	v63 =	vld [tilespmem:s14+$0xD0];
	[tilespmem:s14+$0x30] =	vst v32;
	v49 =	vperm.xlane v22, v2;
	v32 =	vmul.f32 v47, v62  }
0x253: {  	v27 =	vld.idx.msk [tilespmem:v29+s0+$0x0], $0xffff;
	v33 =	vmul.f32 v61, v57;
	v57 =	vperm.xlane v22, v15;
	[tilespmem:s14+$0x60] =	vst v18  }
0x254: {  	v20 =	vld [tilespmem:s14+$0xFFFFFE90];
	v25 =	vmul.f32 v51, v25;
	[tilespmem:s14+$0xFFFFFF10] =	vst v30;
	v30 =	vmul.f32 v56, v52  }
0x255: {  	v29 =	vld [tilespmem:s14+$0xFFFFFE40];
	[tilespmem:s14+$0x70] =	vst v32;
	v39 =	vmul.f32 v31, v39;
	v36 =	vmul.f32 v58, v54  }
0x256: {  	v26 =	vld [tilespmem:s14+$0xFFFFFEA0];
	[tilespmem:s14+$0xFFFFFF50] =	vst v33;
	v58 =	vperm.xlane v22, v16;
	v22 =	vperm.xlane v22, v17  }
0x257: {  	v62 =	vld [tilespmem:s14+$0xFFFFFE00];
	v59 =	vmul.f32 v63, v57;
	[tilespmem:s14+$0xFFFFFF00] =	vst v25;
	v25 =	vmul.f32 v21, v28  }
0x258: {  	v56 =	vld [tilespmem:s14+$0x80];
	v28 =	vperm.xlane v27, v4;
	v23 =	vperm.xlane v27, v17;
	[tilespmem:s14+$0xFFFFFF30] =	vst v39  }
0x259: {  	v32 =	vld [tilespmem:s14+$0xFFFFFE30];
	v63 =	vperm.xlane v27, v5;
	v33 =	vperm.xlane v27, v16;
	[tilespmem:s14+$0xC0] =	vst v36  }
0x25a: {  	v34 =	vld [tilespmem:s14+$0xFFFFFEE0];
	v31 =	vmul.f32 v48, v22;
	v22 =	vmul.f32 v55, v24;
	[tilespmem:s14+$0xD0] =	vst v59  }
0x25b: {  	v18 =	vld [tilespmem:s14+$0xFFFFFED0];
	v35 =	vperm.xlane v27, v3;
	v61 =	vmul.f32 v43, v58;
	[tilespmem:s14+$0x1F0] =	vst v25  }
0x25c: {  	v21 =	vld [tilespmem:s14+$0xFFFFFE70];
	v25 =	vperm.xlane v27, v15;
	v28 =	vmul.f32 v62, v28;
	[tilespmem:s14+$0xFFFFFF20] =	vst v22  }
0x25d: {  	s8 =	simm.s32 $0x0;
	s18 =	simm.s32 $0x8;
	s1 =	simm.s32 $0x3EE0;
	v36 =	vmul.f32 v60, v63;
	v24 =	vmul.f32 v56, v49;
	v22 =	vld [tilespmem:s14+$0xFFFFFE20];
	[tilespmem:s14+$0xE0] =	vst v61  }
.LBB2_9:
0x25e: {  	v37 =	vld [tilespmem:s1+$0xFFFFFED0];
	s2 =	sadd.s32 $0x2, s18;
	s3 =	sadd.s32 $0x4, s18;
	s29 =	sadd.s32 $0x6, s18;
	v32 =	vmul.f32 v32, v35;
	v35 =	vperm.xlane v27, v13;
	[tilespmem:s14+$0xA0] =	vst v30  }
0x25f: {  	s8 =	sadd.s32 $0x4, s8;
	v40 =	vperm.xlane v27, v14;
	v30 =	vmov s2;
	v38 =	vmov s3;
	v39 =	vld [tilespmem:s14+$0xFFFFFEB0];
	[tilespmem:s14+$0xF0] =	vst v31  }
0x260: {  	p2 =	slt.u32 s8, $0x24;
	v30 =	vshll.u32 v30, $0x3;
	v31 =	vshll.u32 v38, $0x3;
	v38 =	vld [tilespmem:s14+$0xFFFFFEC0];
	v33 =	vmul.f32 v34, v33;
	[tilespmem:s14+$0x80] =	vst v24  }
0x261: {  	v24 =	vor.u32 v0, v30;
	v30 =	vor.u32 v0, v31;
	[tilespmem:s14+$0xFFFFFE10] =	vst v36;
	v34 =	vld [tilespmem:s14+$0xFFFFFE80];
	v36 =	vperm.xlane v27, v11  }
0x262: {  	v43 =	vperm.xlane v27, v10;
	v24 =	vor.u32 v1, v24;
	v41 =	vor.u32 v1, v30;
	v42 =	vld [tilespmem:s14+$0xFFFFFE50];
	[tilespmem:s14+$0xFFFFFEE0] =	vst v33  }
0x263: {  	v25 =	vmul.f32 v18, v25;
	v30 =	vmov s29;
	[tilespmem:s14+$0xFFFFFE00] =	vst v28;
	v28 =	vperm.xlane v27, v2;
	v33 =	vld [tilespmem:s14+$0xFFFFFEF0];
	v18 =	vmovc v37  }
0x264: {  	v30 =	vshll.u32 v30, $0x3;
	v37 =	vperm.xlane v27, v9;
	v44 =	vld [tilespmem:s14+$0xFFFFFE60];
	v35 =	vmul.f32 v39, v35;
	[tilespmem:s14+$0x90] =	vst v19  }
0x265: {  	v30 =	vor.u32 v0, v30;
	v39 =	vperm.xlane v27, v8;
	v19 =	vld [tilespmem:s1+$0x90];
	v38 =	vmul.f32 v38, v40;
	[tilespmem:s14+$0xFFFFFED0] =	vst v25  }
0x266: {  	v25 =	vor.u32 v1, v30;
	v31 =	vld [tilespmem:s1+$0x150];
	[tilespmem:s14+$0xFFFFFE30] =	vst v32;
	v28 =	vmul.f32 v34, v28;
	v32 =	vmul.f32 v20, v36  }
0x267: {  	v30 =	vld.idx.msk [tilespmem:v24+s0+$0x0], $0xffff;
	v24 =	vperm.xlane v27, v6;
	v34 =	vmul.f32 v42, v39;
	[tilespmem:s14+$0xFFFFFEC0] =	vst v38  }
0x268: {  	v20 =	vld.idx.msk [tilespmem:v41+s0+$0x0], $0xffff;
	[tilespmem:s14+$0xFFFFFE90] =	vst v32;
	v32 =	vperm.xlane v27, v12;
	v23 =	vmul.f32 v33, v23  }
0x269: {  	v27 =	vperm.xlane v27, v7;
	v33 =	vld [tilespmem:s1+$0xFFFFFF70];
	v36 =	vmul.f32 v44, v37;
	[tilespmem:s14+$0xFFFFFE80] =	vst v28  }
0x26a: {  	v21 =	vmul.f32 v21, v43;
	v28 =	vmul.f32 v22, v24;
	v37 =	vld [tilespmem:s1+$0xFFFFFF90];
	[tilespmem:s14+$0xFFFFFE50] =	vst v34  }
0x26b: {  	v22 =	vmul.f32 v29, v27;
	v34 =	vld.idx.msk [tilespmem:v25+s0+$0x0], $0xffff;
	v25 =	vmul.f32 v26, v32;
	[tilespmem:s14+$0xFFFFFEF0] =	vst v23  }
0x26c: {  	v26 =	vld [tilespmem:s1+$0x1C0];
	[tilespmem:s14+$0xFFFFFE60] =	vst v36  }
0x26d: {  	v23 =	vperm.xlane v30, v4;
	v27 =	vperm.xlane v30, v11;
	v29 =	vld [tilespmem:s1+$0x100];
	[tilespmem:s14+$0xFFFFFE70] =	vst v21  }
0x26e: {  	v24 =	vperm.xlane v30, v6;
	v32 =	vperm.xlane v30, v10;
	v36 =	vld [tilespmem:s1+$0xFFFFFF80];
	[tilespmem:s14+$0xFFFFFEB0] =	vst v35  }
0x26f: {  	v35 =	vperm.xlane v30, v7;
	v21 =	vld [tilespmem:s1+$0x110];
	[tilespmem:s14+$0xFFFFFE40] =	vst v22  }
0x270: {  	v38 =	vperm.xlane v30, v9;
	v22 =	vld [tilespmem:s1+$0x1F0];
	[tilespmem:s14+$0xFFFFFEA0] =	vst v25  }
0x271: {  	v39 =	vperm.xlane v30, v2;
	v25 =	vperm.xlane v34, v5;
	v40 =	vld [tilespmem:s1+$0x1A0];
	[tilespmem:s14+$0xFFFFFE20] =	vst v28;
	s14 =	smov.u32 s1  }
0x272: {  	v28 =	vmul.f32 v33, v32;
	v32 =	vperm.xlane v34, v6;
	v33 =	vld [tilespmem:s1+$0x120]  }
0x273: {  	v41 =	vperm.xlane v34, v8;
	v36 =	vmul.f32 v36, v39;
	v39 =	vld [tilespmem:s1+$0x130]  }
0x274: {  	v43 =	vperm.xlane v34, v12;
	[tilespmem:s1+$0xFFFFFF70] =	vst v28;
	v42 =	vld [tilespmem:s1+$0x140];
	v28 =	vperm.xlane v34, v17  }
0x275: {  	v45 =	vperm.xlane v34, v4;
	[tilespmem:s1+$0xFFFFFF80] =	vst v36;
	v36 =	vperm.xlane v30, v12;
	v44 =	vld [tilespmem:s1+$0xFFFFFFA0]  }
0x276: {  	v46 =	vperm.xlane v34, v3;
	v47 =	vld [tilespmem:s1+$0x190];
	v40 =	vmul.f32 v40, v43  }
0x277: {  	v27 =	vmul.f32 v37, v27;
	v37 =	vld [tilespmem:s1+$0xFFFFFFB0];
	v32 =	vmul.f32 v33, v32  }
0x278: {  	v33 =	vmul.f32 v39, v46;
	v39 =	vperm.xlane v34, v7;
	v43 =	vld [tilespmem:s1+$0x170];
	[tilespmem:s1+$0x1A0] =	vst v40  }
0x279: {  	v40 =	vperm.xlane v30, v13;
	v46 =	vld [tilespmem:s1+$0xFFFFFFC0];
	[tilespmem:s1+$0x120] =	vst v32;
	v32 =	vperm.xlane v34, v11  }
0x27a: {  	v36 =	vmul.f32 v44, v36;
	[tilespmem:s1+$0x130] =	vst v33;
	v33 =	vmul.f32 v42, v39;
	v39 =	vld [tilespmem:s1+$0x160]  }
0x27b: {  	[tilespmem:s1+$0xFFFFFF90] =	vst v27;
	v27 =	vperm.xlane v34, v10;
	v32 =	vmul.f32 v47, v32;
	v42 =	vld [tilespmem:s1+$0x1E0]  }
0x27c: {  	v37 =	vmul.f32 v37, v40;
	v40 =	vperm.xlane v30, v14;
	[tilespmem:s1+$0x140] =	vst v33;
	v33 =	vld [tilespmem:s1+$0x180]  }
0x27d: {  	[tilespmem:s1+$0xFFFFFFA0] =	vst v36;
	v36 =	vperm.xlane v34, v9;
	v27 =	vmul.f32 v43, v27;
	v43 =	vld [tilespmem:s1+$0x1B0]  }
0x27e: {  	v40 =	vmul.f32 v46, v40;
	[tilespmem:s1+$0x190] =	vst v32;
	v44 =	vld [tilespmem:s1+$0x1D0];
	v32 =	vperm.xlane v34, v16  }
0x27f: {  	v46 =	vld [tilespmem:s1+$0xFFFFFF40];
	[tilespmem:s1+$0xFFFFFFB0] =	vst v37;
	v36 =	vmul.f32 v39, v36;
	v37 =	vperm.xlane v34, v2  }
0x280: {  	v39 =	vld [tilespmem:s1+$0xFFFFFF60];
	[tilespmem:s1+$0x170] =	vst v27;
	v27 =	vperm.xlane v34, v13;
	v42 =	vmul.f32 v42, v32  }
0x281: {  	v32 =	vld [tilespmem:s1+$0xE0];
	[tilespmem:s1+$0x160] =	vst v36;
	v33 =	vmul.f32 v33, v37;
	v36 =	vperm.xlane v34, v15  }
0x282: {  	v34 =	vperm.xlane v34, v14;
	v37 =	vld [tilespmem:s1+$0xF0];
	v27 =	vmul.f32 v43, v27;
	[tilespmem:s1+$0x1E0] =	vst v42  }
0x283: {  	v31 =	vmul.f32 v31, v41;
	v42 =	vld [tilespmem:s1+$0xFFFFFFE0];
	[tilespmem:s1+$0x180] =	vst v33;
	v33 =	vmul.f32 v44, v36  }
0x284: {  	v26 =	vmul.f32 v26, v34;
	v35 =	vmul.f32 v46, v35;
	[tilespmem:s1+$0xFFFFFFC0] =	vst v40;
	v36 =	vld [tilespmem:s1+$0xFFFFFFD0]  }
0x285: {  	v29 =	vmul.f32 v29, v45;
	v34 =	vmul.f32 v39, v38;
	v38 =	vld [tilespmem:s1+$0xFFFFFFF0];
	[tilespmem:s1+$0x1D0] =	vst v33  }
0x286: {  	v33 =	vperm.xlane v30, v5;
	v39 =	vperm.xlane v30, v3;
	v40 =	vld [tilespmem:s1+$0x0];
	[tilespmem:s1+$0x1B0] =	vst v27  }
0x287: {  	v41 =	vperm.xlane v30, v15;
	v27 =	vperm.xlane v30, v8;
	v43 =	vld [tilespmem:s1+$0x10];
	[tilespmem:s1+$0x1C0] =	vst v26  }
0x288: {  	v26 =	vperm.xlane v30, v16;
	v30 =	vperm.xlane v30, v17;
	v44 =	vld [tilespmem:s1+$0x20];
	[tilespmem:s1+$0x150] =	vst v31  }
0x289: {  	[tilespmem:s1+$0xFFFFFF40] =	vst v35;
	v31 =	vmul.f32 v36, v41;
	v35 =	vperm.xlane v20, v4;
	v36 =	vld [tilespmem:s1+$0x30]  }
0x28a: {  	v26 =	vmul.f32 v42, v26;
	v41 =	vld [tilespmem:s1+$0xFFFFFF10];
	v30 =	vmul.f32 v38, v30;
	[tilespmem:s1+$0x100] =	vst v29  }
0x28b: {  	v29 =	vperm.xlane v20, v5;
	[tilespmem:s1+$0xFFFFFF60] =	vst v34;
	v34 =	vperm.xlane v20, v6;
	v38 =	vld [tilespmem:s1+$0x40]  }
0x28c: {  	[tilespmem:s1+$0xFFFFFFD0] =	vst v31;
	v31 =	vmul.f32 v40, v35;
	v35 =	vperm.xlane v20, v3;
	v40 =	vld [tilespmem:s1+$0x50]  }
0x28d: {  	v29 =	vmul.f32 v43, v29;
	[tilespmem:s1+$0xFFFFFFF0] =	vst v30;
	v30 =	vmul.f32 v44, v34;
	v34 =	vld [tilespmem:s1+$0x60]  }
0x28e: {  	[tilespmem:s1+$0xFFFFFFE0] =	vst v26;
	v26 =	vmul.f32 v36, v35;
	v35 =	vperm.xlane v20, v7;
	v36 =	vld [tilespmem:s1+$0x70]  }
0x28f: {  	v33 =	vmul.f32 v41, v33;
	[tilespmem:s1+$0x20] =	vst v30;
	v30 =	vperm.xlane v20, v8;
	v41 =	vld [tilespmem:s1+$0xB0]  }
0x290: {  	v42 =	vmov s18;
	v43 =	vld [tilespmem:s1+$0xFFFFFF50];
	[tilespmem:s1+$0x0] =	vst v31;
	v31 =	vmul.f32 v38, v35;
	v35 =	vperm.xlane v20, v9  }
0x291: {  	v38 =	vshll.u32 v42, $0x3;
	[tilespmem:s1+$0x10] =	vst v29;
	v29 =	vmul.f32 v40, v30;
	v30 =	vperm.xlane v20, v10;
	v40 =	vld [tilespmem:s1+$0xA0]  }
0x292: {  	v38 =	vor.u32 v0, v38;
	[tilespmem:s1+$0x40] =	vst v31;
	v31 =	vmul.f32 v34, v35;
	v34 =	vperm.xlane v20, v2;
	v35 =	vld [tilespmem:s1+$0xC0]  }
0x293: {  	v38 =	vor.u32 v1, v38;
	[tilespmem:s1+$0x30] =	vst v26;
	v26 =	vmul.f32 v36, v30;
	v36 =	vperm.xlane v20, v11;
	v42 =	vld [tilespmem:s1+$0xD0]  }
0x294: {  	v30 =	vperm.xlane v20, v12;
	v44 =	vld [tilespmem:s1+$0xFFFFFF30];
	[tilespmem:s1+$0x60] =	vst v31;
	v31 =	vperm.xlane v20, v13  }
0x295: {  	v45 =	vld [tilespmem:s1+$0xFFFFFF00];
	[tilespmem:s1+$0xFFFFFF10] =	vst v33;
	v33 =	vmul.f32 v43, v27;
	v27 =	vperm.xlane v20, v14  }
0x296: {  	v43 =	vld [tilespmem:s1+$0xFFFFFF20];
	[tilespmem:s1+$0x50] =	vst v29;
	v30 =	vmul.f32 v40, v30;
	v29 =	vmul.f32 v41, v31  }
0x297: {  	[tilespmem:s1+$0x70] =	vst v26;
	v40 =	vld [tilespmem:s1+$0x80];
	v31 =	vmul.f32 v35, v27;
	v35 =	vperm.xlane v20, v15  }
0x298: {  	v27 =	vld.idx.msk [tilespmem:v38+s0+$0x0], $0xffff;
	[tilespmem:s1+$0xFFFFFF50] =	vst v33;
	v33 =	vperm.xlane v20, v16;
	v20 =	vperm.xlane v20, v17  }
0x299: {  	v26 =	vld [tilespmem:s1+$0xFFFFFEA0];
	v38 =	vmul.f32 v44, v39;
	[tilespmem:s1+$0xB0] =	vst v29;
	v35 =	vmul.f32 v42, v35  }
0x29a: {  	v29 =	vld [tilespmem:s1+$0xFFFFFE40];
	v23 =	vmul.f32 v45, v23;
	[tilespmem:s1+$0xC0] =	vst v31;
	v31 =	vmul.f32 v37, v20  }
0x29b: {  	v39 =	vmul.f32 v32, v33;
	v20 =	vld [tilespmem:s1+$0xFFFFFE10];
	v37 =	vmul.f32 v43, v24;
	[tilespmem:s1+$0xD0] =	vst v35  }
0x29c: {  	v19 =	vmul.f32 v19, v36;
	v41 =	vld [tilespmem:s1+$0xFFFFFE00];
	[tilespmem:s1+$0xFFFFFF00] =	vst v23;
	v24 =	vmul.f32 v40, v34  }
.Ltmp5:
0x29d: {  	v22 =	vmul.f32 v22, v28;
	v36 =	vmul.f32 v21, v25;
	v32 =	vld [tilespmem:s1+$0xFFFFFE30];
	[tilespmem:s1+$0xFFFFFF30] =	vst v38;
	(pc) =	sbr.rel @p2 .LBB2_9-.Ltmp5, $4  }
0x29e: {  	v28 =	vperm.xlane v27, v4;
	v23 =	vperm.xlane v27, v17;
	v21 =	vld [tilespmem:s1+$0xFFFFFE70];
	[tilespmem:s1+$0xFFFFFF20] =	vst v37  }
0x29f: {  	v33 =	vperm.xlane v27, v16;
	v37 =	vperm.xlane v27, v5;
	v34 =	vld [tilespmem:s1+$0xFFFFFEE0];
	[tilespmem:s1+$0x1F0] =	vst v22  }
0x2a0: {  	v35 =	vperm.xlane v27, v3;
	v25 =	vperm.xlane v27, v15;
	v22 =	vld [tilespmem:s1+$0xFFFFFE20];
	[tilespmem:s1+$0x110] =	vst v36  }
0x2a1: {  	s18 =	sadd.s32 $0x8, s18;
	v36 =	vmul.f32 v20, v37;
	s1 =	sadd.s32 $0x400, s1;
	v28 =	vmul.f32 v41, v28;
	v20 =	vld [tilespmem:s14+$0xFFFFFE90];
	[tilespmem:s14+$0xE0] =	vst v39  }
0x2a2: {  	[tilespmem:s14+$0xA0] =	vst v30  }
0x2a3: {  	[tilespmem:s14+$0xF0] =	vst v31  }
0x2a4: {  	[tilespmem:s14+$0x80] =	vst v24  }
0x2a5: {  	[tilespmem:s14+$0x90] =	vst v19  }
0x2a6: {  	v38 =	vld [tilespmem:s14+$0xFFFFFEC0];
	v18 =	vmul.f32 v18, v25;
	[tilespmem:s14+$0xFFFFFE10] =	vst v36  }
0x2a7: {  	v51 =	vld [tilespmem:s14+$0xFFFFFE80];
	v55 =	vmul.f32 v32, v35;
	v61 =	vperm.xlane v27, v12;
	[tilespmem:s14+$0xFFFFFE00] =	vst v28  }
0x2a8: {  	v52 =	vld [tilespmem:s14+$0xFFFFFE50];
	v56 =	vperm.xlane v27, v11;
	v50 =	vmul.f32 v34, v33;
	[tilespmem:s14+$0xFFFFFED0] =	vst v18  }
0x2a9: {  	v53 =	vperm.xlane v27, v14;
	v54 =	vld [tilespmem:s14+$0xFFFFFEF0];
	[tilespmem:s14+$0xFFFFFE30] =	vst v55;
	v63 =	vmul.f32 v26, v61  }
0x2aa: {  	v57 =	vld [tilespmem:s14+$0xFFFFFE60];
	v19 =	vperm.xlane v27, v2;
	[tilespmem:s14+$0xFFFFFEE0] =	vst v50;
	v20 =	vmul.f32 v20, v56  }
0x2ab: {  	v18 =	vperm.xlane v27, v8;
	[tilespmem:s14+$0xFFFFFEA0] =	vst v63;
	v28 =	vmul.f32 v38, v53  }
0x2ac: {  	v37 =	vld [tilespmem:s14+$0xFFFFFEB0];
	v19 =	vmul.f32 v51, v19;
	[tilespmem:s14+$0xFFFFFE90] =	vst v20  }
0x2ad: {  	v58 =	vperm.xlane v27, v9;
	v18 =	vmul.f32 v52, v18;
	[tilespmem:s14+$0xFFFFFEC0] =	vst v28  }
0x2ae: {  	v59 =	vperm.xlane v27, v10;
	v23 =	vmul.f32 v54, v23;
	[tilespmem:s14+$0xFFFFFE80] =	vst v19  }
0x2af: {  	v60 =	vmul.f32 v57, v58;
	v19 =	vperm.xlane v27, v13;
	[tilespmem:s14+$0xFFFFFE50] =	vst v18  }
0x2b0: {  	v20 =	vmul.f32 v21, v59;
	v18 =	vperm.xlane v27, v7;
	[tilespmem:s14+$0xFFFFFEF0] =	vst v23  }
0x2b1: {  	v62 =	vperm.xlane v27, v6;
	[tilespmem:s14+$0xFFFFFE60] =	vst v60;
	v19 =	vmul.f32 v37, v19  }
0x2b2: {  	[tilespmem:s14+$0xFFFFFE70] =	vst v20;
	v18 =	vmul.f32 v29, v18  }
0x2b3: {  	[tilespmem:s14+$0xFFFFFEB0] =	vst v19;
	v19 =	vmul.f32 v22, v62  }
.Ltmp6:
0x2b4: {  	[tilespmem:s14+$0xFFFFFE40] =	vst v18;
	(pc) =	sbr.rel @p1 .LBB2_12-.Ltmp6, $4  }
0x2b5: {  	[tilespmem:s14+$0xFFFFFE20] =	vst v19  }
0x2b6: {  	[spmem:s28] =	stream.indirect.scatter.add.f32 [tilespmem:s24], [sflag:$0x8], $0x80, s20, s15, $0xb8;
	[tilespmem:$0x1ACF8] =	vst v63  }
0x2b7: {  	_ = 	snop  }
0x2b8: {  	[spmem:s19] =	stream.indirect.scatter.add.f32 [tilespmem:s0], [sflag:$0x8], $0x8, s20, s15, $0xb8;
	[tilespmem:$0x1ACF8] =	vst v63  }
0x2b9: {  	s1 =	smul.u32 $0xA0, s12  }
0x2ba: {  	s2 =	rddreg [dreg:$0x16]  }
0x2bb: {  	s1 =	sadd.s32 s1, s2  }
0x2bc: {  	s1 =	sshrl.u32 s1, $0x3  }
0x2bd: {  	s14 =	sadd.s32 s5, s1  }
0x2be: {  	[tilespmem:s15], [sflag:$0x2] =	stream.linear.gather [hbm4b:s14+s4], $0x50, $0x38;
	[tilespmem:$0x1ACF8] =	vst v63  }
.Ltmp7:
0x2bf: {  	_ = 	snop;
	(pc) =	sbr.rel .LBB2_2-.Ltmp7, $4  }
0x2c0: {  	s29 =	rddreg [dreg:$0x1];
	s18 =	sadd.s32 s6, s1;
	s14 =	simm.s32 $0xF0  }
0x2c1: {  	[tilespmem:s14], [sflag:$0x2] =	stream.linear.gather [hbm4b:s18+s4], $0x50, $0x38;
	[tilespmem:$0x1ACF8] =	vst v63  }
0x2c2: {  	s12 =	sadd.s32 $0x1, s12;
	s1 =	sadd.s32 s29, s1  }
0x2c3: {  	[tilespmem:s20], [sflag:$0x2] =	stream.linear.gather [hbm4b:s1+s4], $0x50, $0x38;
	[tilespmem:$0x1ACF8] =	vst v63  }
.LBB2_13:
0x2c4: {  	_ =	sfence.sel $0x180000  }
0x2c5: {  	[bflag:$0x0] =	sbarrier.arrive $0xFFFF  }
0x2c6: {  	_ =	strace $0x90000047  }
0x2c7: {  	s0 =	stileid.u32;
	[bflag:$0x2] =	sbarrier.arrive $0xFFFF  }
0x2c8: {  	p0 =	sne.s32 s0, $0x0;
	s0 =	rddreg [dreg:$0x4]  }
0x2c9: {  	s0 =	sadd.s32 @!p0 $0x100000, s0  }
0x2ca: {  	[sflag:s0] =	ssyncadd.tile.s32 @!p0 $0x1;
	_ =	shalt  }
.Lfunc_end2:
_tile_overlayer_lowered:
.L_overlay_start_2:
0x2cb: {  	(tag) =	ssettag $0x2  }
0x2cc: {  	s0 =	rddreg [dreg:$0x0];
	s2 =	stileid.u32  }
0x2cd: {  	s1 =	rddreg [dreg:$0x1];
	p0 =	sne.s32 s2, $0x0  }
0x2ce: {  	s3 =	rddreg [dreg:$0x2];
	[bflag:$0x3] =	sbarrier.arrive $0xFFFF;
	s2 =	simm.s32 @!p0 $0x1C09  }
0x2cf: {  	[timem:s3], [sflag:s2] =	dma.local @!p0 [hbm:s0], s1  }
0x2d0: {  	s0 =	simm.s32 @!p0 $0x9  }
0x2d1: {  	_ =	swait.ge @!p0 [sflag:s0], s1  }
0x2d2: {  	s1 =	ssub.s32 @!p0 $0x0, s1;
	[sflag:s0] =	ssyncset.done @!p0 $0x0  }
0x2d3: {  	[sflag:s0] =	ssyncadd.s32 @!p0 s1  }
0x2d4: {  	[bflag:$0x3] =	sbarrier.arrive $0xFFFF  }
0x2d5: {  	_ =	shalt  }

</sc_bundles>
